<compile_context>
chip_gen: v7x
topology: tpu7x:2x2x1
jax: 0.10.2.dev20260603
libtpu: 0.0.44.dev20260713+nightly
codegen_flags: <defaults>
</compile_context>

<pallas_src>
import functools

import jax
import jax.numpy as jnp
from jax import lax
from jax.experimental import pallas as pl
from jax.experimental.pallas import tpu as pltpu
from jax.experimental.pallas import tpu_sc as plsc

N = 10000
E = 160000
NTILES = 16
NPT = 640
NPAD = NTILES * NPT
CHUNK = 128
GROUP = 8
NGROUP = 10
EPT_PAD = GROUP * NGROUP * CHUNK
E_PAD = EPT_PAD * NTILES


def _sc_aggregate(xa, xb, idxs, zrow):
    mesh = plsc.VectorSubcoreMesh(core_axis_name="c", subcore_axis_name="s")

    @functools.partial(
        pl.kernel,
        out_type=(
            jax.ShapeDtypeStruct((NPAD, 128), jnp.float32),
            jax.ShapeDtypeStruct((NPAD, 128), jnp.float32),
        ),
        mesh=mesh,
        scratch_types=[
            pltpu.VMEM_SHARED((NPAD, 128), jnp.float32),
            pltpu.VMEM((2 * GROUP, CHUNK), jnp.int32),
            pltpu.VMEM((CHUNK, 128), jnp.float32),
            pltpu.VMEM((CHUNK, 128), jnp.float32),
            pltpu.SemaphoreType.DMA,
            pltpu.SemaphoreType.DMA,
            pltpu.SemaphoreType.DMA,
            pltpu.SemaphoreType.DMA,
        ],
    )
    def k(xa_h, xb_h, idxs_h, zrow_h, agga_h, aggb_h,
          agg_s, idx_v, rowbuf0, rowbuf1, gsem0, gsem1, ssem0,
          ssem1):
        c = lax.axis_index("c")
        s = lax.axis_index("s")
        base = s * NPT
        sl = pl.ds(base, NPT)
        pltpu.sync_copy(zrow_h, agg_s.at[sl])
        plsc.subcore_barrier()

        bufs = (rowbuf0, rowbuf1)
        gsems = (gsem0, gsem1)
        ssems = (ssem0, ssem1)

        def run(x_h):
            def group(g, carry):
                pltpu.sync_copy(idxs_h.at[s * NGROUP + g], idx_v)
                gh = [None] * GROUP
                sh = [None] * GROUP
                gh[0] = pltpu.async_copy(x_h.at[idx_v.at[0]], bufs[0],
                                         gsems[0])
                for j in range(GROUP):
                    b = j % 2
                    gh[j].wait()
                    if j + 1 < GROUP:
                        if j >= 1:
                            sh[j - 1].wait()
                        gh[j + 1] = pltpu.async_copy(
                            x_h.at[idx_v.at[j + 1]], bufs[1 - b],
                            gsems[1 - b])
                    sh[j] = pltpu.async_copy(bufs[b],
                                             agg_s.at[idx_v.at[GROUP + j]],
                                             ssems[b], add=True)
                sh[GROUP - 2].wait()
                sh[GROUP - 1].wait()
                return carry
            lax.fori_loop(0, NGROUP, group, 0)

        @pl.when(c == 0)
        def _():
            run(xa_h)

        @pl.when(c == 1)
        def _():
            run(xb_h)

        plsc.subcore_barrier()

        @pl.when(c == 0)
        def _():
            pltpu.sync_copy(agg_s.at[sl], agga_h.at[sl])

        @pl.when(c == 1)
        def _():
            pltpu.sync_copy(agg_s.at[sl], aggb_h.at[sl])

    return k(xa, xb, idxs, zrow)


def _sc_count(idxs, zrow, ones):
    mesh = plsc.VectorSubcoreMesh(core_axis_name="c", subcore_axis_name="s")
    gpw = NTILES * NGROUP // 32

    @functools.partial(
        pl.kernel,
        out_type=(
            jax.ShapeDtypeStruct((NPAD, 128), jnp.float32),
            jax.ShapeDtypeStruct((NPAD, 128), jnp.float32),
        ),
        mesh=mesh,
        scratch_types=[
            pltpu.VMEM_SHARED((NPAD, 128), jnp.float32),
            pltpu.VMEM((2 * GROUP, CHUNK), jnp.int32),
            pltpu.VMEM((CHUNK, 128), jnp.float32),
            pltpu.SemaphoreType.DMA,
        ],
    )
    def k(idxs_h, zrow_h, ones_h, cntl_h, cntr_h, cnt_s, idx_v, ones_v,
          sem):
        c = lax.axis_index("c")
        s = lax.axis_index("s")
        base = s * NPT
        sl = pl.ds(base, NPT)
        gbase = (c * NTILES + s) * gpw
        pltpu.sync_copy(zrow_h, cnt_s.at[sl])
        pltpu.sync_copy(ones_h, ones_v)
        plsc.subcore_barrier()

        def group(g, carry):
            pltpu.sync_copy(idxs_h.at[gbase + g], idx_v)
            hs = [pltpu.async_copy(ones_v, cnt_s.at[idx_v.at[GROUP + j]],
                                   sem, add=True)
                  for j in range(GROUP)]
            for h in hs:
                h.wait()
            return carry
        lax.fori_loop(0, gpw, group, 0)

        plsc.subcore_barrier()

        @pl.when(c == 0)
        def _():
            pltpu.sync_copy(cnt_s.at[sl], cntl_h.at[sl])

        @pl.when(c == 1)
        def _():
            pltpu.sync_copy(cnt_s.at[sl], cntr_h.at[sl])

    return k(idxs, zrow, ones)


def _mlp_factors(a0, a1, a2, a3, cntl, cntr, x, wlt, bl2, wrt, wat, ba2,
                 w1t, b12, w2t, b22, w3t, b32):
    rb = 1024

    def body(r0, r1, r2, r3, cl, cr, xr, wl_r, bl_r, wr_r, wa_r, ba_r,
             w1_r, b1_r, w2_r, b2_r, w3_r, b3_r, p_ref, qt_ref):
        cntc = jnp.maximum(cl[:, :1] + cr[:, :1], 1.0)
        agg = jnp.concatenate([r0[...], r1[...], r2[...], r3[...]],
                              axis=1) / cntc
        h = (jnp.dot(agg, wl_r[...], preferred_element_type=jnp.float32)
             + bl_r[...]
             + jnp.dot(xr[...], wr_r[...],
                       preferred_element_type=jnp.float32))
        h = jnp.maximum(h, 0.0)
        h = jnp.maximum(
            jnp.dot(h, wa_r[...], preferred_element_type=jnp.float32)
            + ba_r[...], 0.0)
        h = jnp.maximum(
            jnp.dot(h, w1_r[...], preferred_element_type=jnp.float32)
            + b1_r[...], 0.0)
        h = jnp.maximum(
            jnp.dot(h, w2_r[...], preferred_element_type=jnp.float32)
            + b2_r[...], 0.0)
        z = (jnp.dot(h, w3_r[...], preferred_element_type=jnp.float32)
             + b3_r[...])
        sq = jnp.sum(z * z, axis=1, keepdims=True)
        col = lax.broadcasted_iota(jnp.int32, z.shape, 1)
        p = jnp.where(col < 3, z, jnp.where(col == 3, sq, 0.0))
        p_ref[...] = p
        qt_ref[...] = p.T

    full = lambda shape: pl.BlockSpec(shape, lambda i: (0, 0))
    return pl.pallas_call(
        body,
        grid=(pl.cdiv(N, rb),),
        in_specs=[
            pl.BlockSpec((rb, 128), lambda i: (i, 0)),
            pl.BlockSpec((rb, 128), lambda i: (i, 0)),
            pl.BlockSpec((rb, 128), lambda i: (i, 0)),
            pl.BlockSpec((rb, 128), lambda i: (i, 0)),
            pl.BlockSpec((rb, 128), lambda i: (i, 0)),
            pl.BlockSpec((rb, 128), lambda i: (i, 0)),
            pl.BlockSpec((rb, 512), lambda i: (i, 0)),
            full((512, 256)), full((1, 256)), full((512, 256)),
            full((256, 128)), full((1, 128)),
            full((128, 64)), full((1, 64)), full((64, 32)), full((1, 32)),
            full((32, 8)), full((1, 8)),
        ],
        out_specs=[
            pl.BlockSpec((rb, 8), lambda i: (i, 0)),
            pl.BlockSpec((8, rb), lambda i: (0, i)),
        ],
        out_shape=[
            jax.ShapeDtypeStruct((N, 8), jnp.float32),
            jax.ShapeDtypeStruct((8, N), jnp.float32),
        ],
    )(a0, a1, a2, a3, cntl, cntr, x, wlt, bl2, wrt, wat, ba2, w1t, b12,
      w2t, b22, w3t, b32)


def _cdist(p, qt):
    rb, cb = 512, 2048

    def body(p_ref, qt_ref, o_ref):
        pm = p_ref[...]
        qm = qt_ref[...]
        colp = lax.broadcasted_iota(jnp.int32, pm.shape, 1)
        colq = lax.broadcasted_iota(jnp.int32, qm.shape, 0)
        zi = jnp.where(colp < 3, pm, 0.0)
        zj = jnp.where(colq < 3, -2.0 * qm, 0.0)
        zz = jnp.dot(zi, zj, preferred_element_type=jnp.float32)
        d2 = jnp.maximum((pm[:, 3:4] + qm[3:4, :]) + zz, 1e-24)
        o_ref[...] = d2 * lax.rsqrt(d2)

    return pl.pallas_call(
        body,
        grid=(pl.cdiv(N, rb), pl.cdiv(N, cb)),
        in_specs=[
            pl.BlockSpec((rb, 8), lambda i, j: (i, 0)),
            pl.BlockSpec((8, cb), lambda i, j: (0, j)),
        ],
        out_specs=pl.BlockSpec((rb, cb), lambda i, j: (i, j)),
        out_shape=jax.ShapeDtypeStruct((N, N), jnp.float32),
    )(p, qt)


def kernel(x, edge_index, Wl, bl, Wr, Wa, ba, W1, b1, W2, b2, W3, b3):
    f32 = jnp.float32
    src = edge_index[0].astype(jnp.int32)
    dst = edge_index[1].astype(jnp.int32)
    npad_e = E_PAD - E
    pad_iota = jnp.arange(npad_e, dtype=jnp.int32)
    src_full = jnp.concatenate([src, pad_iota % N])
    dst_full = jnp.concatenate([dst, N + pad_iota % (NPAD - N)])
    srcs = src_full.reshape(NTILES * NGROUP, GROUP, CHUNK)
    dsts = dst_full.reshape(NTILES * NGROUP, GROUP, CHUNK)
    idxs = jnp.concatenate([srcs, dsts], axis=1)
    zrow = jnp.zeros((NPT, 128), f32)
    ones = jnp.ones((CHUNK, 128), f32)
    xq = [x[:, 128 * q:128 * (q + 1)] for q in range(4)]
    bl2 = bl.reshape(1, 256)
    ba2 = ba.reshape(1, 128)
    b12 = b1.reshape(1, 64)
    b22 = b2.reshape(1, 32)
    w3t = jnp.pad(W3.T, ((0, 0), (0, 5)))
    b32 = jnp.pad(b3, (0, 5)).reshape(1, 8)

    a0, a1 = _sc_aggregate(xq[0], xq[1], idxs, zrow)
    a2, a3 = _sc_aggregate(xq[2], xq[3], idxs, zrow)
    cntl, cntr = _sc_count(idxs, zrow, ones)
    pmat, qtmat = _mlp_factors(a0, a1, a2, a3, cntl, cntr, x, Wl.T, bl2,
                               Wr.T, Wa.T, ba2, W1.T, b12, W2.T, b22,
                               w3t, b32)
    return _cdist(pmat, qtmat)

# --- scband reference (transcript-rebuilt; emitter-appended) ---
"""Pipeline reference for scband-smaller-net-26620207301224 (READ-ONLY COPY).

The authoritative reference and input builder live on the scoring server;
editing this copy changes nothing except your own understanding.
"""

import jax, jax.numpy as jnp
import numpy as np

N_NODES = 10000
N_EDGES = 160000


def setup_inputs(seed: int = 0) -> dict:
    key = jax.random.key(seed)
    ks = jax.random.split(key, 16)
    x = jax.random.normal(ks[0], (N_NODES, 512), dtype=jnp.float32)
    edge_index = jax.random.randint(ks[1], (2, N_EDGES), 0, N_NODES, dtype=jnp.int64)
    # SAGEConv(512, 256): lin_l (applied to aggregated neighbors, bias=True), lin_r (root, bias=False)
    Wl = jax.random.normal(ks[2], (256, 512), dtype=jnp.float32) * (1.0 / np.sqrt(512))
    bl = jnp.zeros((256,), dtype=jnp.float32)
    Wr = jax.random.normal(ks[3], (256, 512), dtype=jnp.float32) * (1.0 / np.sqrt(512))
    Wa = jax.random.normal(ks[4], (128, 256), dtype=jnp.float32) * (1.0 / np.sqrt(256))
    ba = jnp.zeros((128,), dtype=jnp.float32)
    W1 = jax.random.normal(ks[5], (64, 128), dtype=jnp.float32) * (1.0 / np.sqrt(128))
    b1 = jnp.zeros((64,), dtype=jnp.float32)
    W2 = jax.random.normal(ks[6], (32, 64), dtype=jnp.float32) * (1.0 / np.sqrt(64))
    b2 = jnp.zeros((32,), dtype=jnp.float32)
    W3 = jax.random.normal(ks[7], (3, 32), dtype=jnp.float32) * (1.0 / np.sqrt(32))
    b3 = jnp.zeros((3,), dtype=jnp.float32)
    return {"x": x, "edge_index": edge_index, "Wl": Wl, "bl": bl, "Wr": Wr,
            "Wa": Wa, "ba": ba, "W1": W1, "b1": b1, "W2": W2, "b2": b2,
            "W3": W3, "b3": b3}


def _sage_conv(x, edge_index, Wl, bl, Wr):
    src = edge_index[0]
    dst = edge_index[1]
    msgs = x[src]                                   # gather: [E, 512]
    agg_sum = jax.ops.segment_sum(msgs, dst, num_segments=N_NODES)
    cnt = jax.ops.segment_sum(jnp.ones((msgs.shape[0],), dtype=x.dtype), dst, num_segments=N_NODES)
    agg = agg_sum / jnp.clip(cnt, 1.0)[:, None]     # mean aggregation
    return agg @ Wl.T + bl + x @ Wr.T


def _cdist_self(z):
    sq = jnp.sum(z * z, axis=1)
    d2 = sq[:, None] + sq[None, :] - 2.0 * (z @ z.T)
    d2 = jnp.clip(d2, 1e-24)
    return jnp.sqrt(d2)


def reference(x, edge_index, Wl, bl, Wr, Wa, ba, W1, b1, W2, b2, W3, b3):
    h = _sage_conv(x, edge_index, Wl, bl, Wr)
    h = jax.nn.relu(h)
    h = jax.nn.relu(h @ Wa.T + ba)
    h = jax.nn.relu(h @ W1.T + b1)
    h = jax.nn.relu(h @ W2.T + b2)
    h = h @ W3.T + b3                                # [N, 3]
    return _cdist_self(h)                            # [N, N]

if __name__ == "__main__":
    import jax
    _d = setup_inputs()
    print(jax.jit(kernel)(*tuple(_d.values())))

</pallas_src>

<mosaic_0001>
#map = affine_map<(d0, d1) -> (0, 0, 0)>
#map1 = affine_map<(d0, d1) -> (0, 0)>
module attributes {stable_mosaic.version = 14 : i64} {
  func.func @k(%arg0: i32, %arg1: i32, %arg2: memref<160x16x128xi32, #tpu.memory_space<hbm>>, %arg3: memref<640x128xf32, #tpu.memory_space<hbm>>, %arg4: memref<128x128xf32, #tpu.memory_space<hbm>>, %arg5: memref<10240x128xf32, #tpu.memory_space<hbm>>, %arg6: memref<10240x128xf32, #tpu.memory_space<hbm>>, %arg7: memref<10240x128xf32, #tpu.memory_space<vmem_shared>>, %arg8: memref<16x128xi32, #tpu.memory_space<vmem>>, %arg9: memref<128x128xf32, #tpu.memory_space<vmem>>, %arg10: memref<!tpu.dma_semaphore, #tpu.memory_space<semaphore_mem>>) attributes {dimension_semantics = [#tpu.dimension_semantics<core_parallel>, #tpu.dimension_semantics<subcore_parallel>], iteration_bounds = array<i64: 2, 16>, scalar_prefetch = 0 : i64, scratch_operands = 4 : i64, tpu.core_type = #tpu.core_type<sc_vector_subcore>, window_params = [{transform_indices = #map}, {transform_indices = #map1}, {transform_indices = #map1}, {transform_indices = #map1}, {transform_indices = #map1}]} {
    %mul3A = arith.constant 640 : i32
    %mul3A_0 = arith.muli %arg1, %mul3A : i32
    %mul3A_1 = arith.constant 16 : i32
    %mul3A_2 = arith.muli %arg0, %mul3A_1 : i32
    %add3A = arith.addi %mul3A_2, %arg1 : i32
    %mul3A_3 = arith.constant 5 : i32
    %mul3A_4 = arith.muli %add3A, %mul3A_3 : i32
    "tpu.region"() ({
      %run_scoped3A = tpu.sem_alloc : memref<!tpu.dma_semaphore, #tpu.memory_space<semaphore_mem>>
      %dma_start3A = arith.constant 0 : i32
      %dma_start3A_18 = tpu.memref_slice %arg7[%mul3A_0, %dma_start3A] : memref<10240x128xf32, #tpu.memory_space<vmem_shared>> -> memref<640x128xf32, #tpu.memory_space<vmem_shared>>
      tpu.enqueue_dma source(%arg3 : memref<640x128xf32, #tpu.memory_space<hbm>>) target(%dma_start3A_18 : memref<640x128xf32, #tpu.memory_space<vmem_shared>>) target_semaphore(%run_scoped3A : memref<!tpu.dma_semaphore, #tpu.memory_space<semaphore_mem>>)
      %dma_wait3A = arith.constant 0 : i32
      %dma_wait3A_19 = tpu.memref_slice %arg7[%mul3A_0, %dma_wait3A] : memref<10240x128xf32, #tpu.memory_space<vmem_shared>> -> memref<640x128xf32, #tpu.memory_space<vmem_shared>>
      tpu.wait_dma2 semaphore(%run_scoped3A : memref<!tpu.dma_semaphore, #tpu.memory_space<semaphore_mem>>) src(%arg3 : memref<640x128xf32, #tpu.memory_space<hbm>>) dst(%dma_wait3A_19 : memref<640x128xf32, #tpu.memory_space<vmem_shared>>)
      tpu.yield
    }) : () -> ()
    "tpu.region"() ({
      %run_scoped3A = tpu.sem_alloc : memref<!tpu.dma_semaphore, #tpu.memory_space<semaphore_mem>>
      tpu.enqueue_dma source(%arg4 : memref<128x128xf32, #tpu.memory_space<hbm>>) target(%arg9 : memref<128x128xf32, #tpu.memory_space<vmem>>) target_semaphore(%run_scoped3A : memref<!tpu.dma_semaphore, #tpu.memory_space<semaphore_mem>>)
      tpu.wait_dma2 semaphore(%run_scoped3A : memref<!tpu.dma_semaphore, #tpu.memory_space<semaphore_mem>>) src(%arg4 : memref<128x128xf32, #tpu.memory_space<hbm>>) dst(%arg9 : memref<128x128xf32, #tpu.memory_space<vmem>>)
      tpu.yield
    }) : () -> ()
    %barrier3A = arith.constant 0 : index
    tpu.barrier barrier_id(%barrier3A)
    %scan3A = arith.constant 0 : i32
    %scan3A_5 = arith.constant 0 : i32
    %scan3A_6 = arith.constant 5 : i32
    %scan3A_7 = arith.addi %scan3A_5, %scan3A_6 : i32
    %scan3A_8 = arith.constant 1 : i32
    scf.for %scan3A_18 = %scan3A_5 to %scan3A_7 step %scan3A_8  : i32 {
      %add3A_19 = arith.addi %mul3A_4, %scan3A_18 : i32
      "tpu.region"() ({
        %run_scoped3A = tpu.sem_alloc : memref<!tpu.dma_semaphore, #tpu.memory_space<semaphore_mem>>
        %dma_start3A_130 = arith.constant 0 : i32
        %dma_start3A_131 = arith.constant 0 : i32
        %dma_start3A_132 = tpu.memref_slice %arg2[%add3A_19, %dma_start3A_130, %dma_start3A_131] : memref<160x16x128xi32, #tpu.memory_space<hbm>> -> memref<1x16x128xi32, #tpu.memory_space<hbm>>
        %dma_start3A_133 = tpu.memref_squeeze %dma_start3A_132 : memref<1x16x128xi32, #tpu.memory_space<hbm>> -> memref<16x128xi32, #tpu.memory_space<hbm>>
        %dma_start3A_134 = arith.constant 0 : i32
        %dma_start3A_135 = arith.constant 0 : i32
        %dma_start3A_136 = tpu.memref_slice %arg2[%add3A_19, %dma_start3A_134, %dma_start3A_135] : memref<160x16x128xi32, #tpu.memory_space<hbm>> -> memref<1x16x128xi32, #tpu.memory_space<hbm>>
        %dma_start3A_137 = tpu.memref_squeeze %dma_start3A_136 : memref<1x16x128xi32, #tpu.memory_space<hbm>> -> memref<16x128xi32, #tpu.memory_space<hbm>>
        tpu.enqueue_dma source(%dma_start3A_137 : memref<16x128xi32, #tpu.memory_space<hbm>>) target(%arg8 : memref<16x128xi32, #tpu.memory_space<vmem>>) target_semaphore(%run_scoped3A : memref<!tpu.dma_semaphore, #tpu.memory_space<semaphore_mem>>)
        %dma_wait3A_138 = arith.constant 0 : i32
        %dma_wait3A_139 = arith.constant 0 : i32
        %dma_wait3A_140 = tpu.memref_slice %arg2[%add3A_19, %dma_wait3A_138, %dma_wait3A_139] : memref<160x16x128xi32, #tpu.memory_space<hbm>> -> memref<1x16x128xi32, #tpu.memory_space<hbm>>
        %dma_wait3A_141 = tpu.memref_squeeze %dma_wait3A_140 : memref<1x16x128xi32, #tpu.memory_space<hbm>> -> memref<16x128xi32, #tpu.memory_space<hbm>>
        %dma_wait3A_142 = arith.constant 0 : i32
        %dma_wait3A_143 = arith.constant 0 : i32
        %dma_wait3A_144 = tpu.memref_slice %arg2[%add3A_19, %dma_wait3A_142, %dma_wait3A_143] : memref<160x16x128xi32, #tpu.memory_space<hbm>> -> memref<1x16x128xi32, #tpu.memory_space<hbm>>
        %dma_wait3A_145 = tpu.memref_squeeze %dma_wait3A_144 : memref<1x16x128xi32, #tpu.memory_space<hbm>> -> memref<16x128xi32, #tpu.memory_space<hbm>>
        tpu.wait_dma2 semaphore(%run_scoped3A : memref<!tpu.dma_semaphore, #tpu.memory_space<semaphore_mem>>) src(%dma_wait3A_145 : memref<16x128xi32, #tpu.memory_space<hbm>>) dst(%arg8 : memref<16x128xi32, #tpu.memory_space<vmem>>)
        tpu.yield
      }) : () -> ()
      %dma_start3A = arith.constant 8 : i32
      %dma_start3A_20 = arith.constant 0 : i32
      %dma_start3A_21 = tpu.memref_slice %arg8[%dma_start3A, %dma_start3A_20] : memref<16x128xi32, #tpu.memory_space<vmem>> -> memref<1x128xi32, #tpu.memory_space<vmem>>
      %dma_start3A_22 = tpu.memref_squeeze %dma_start3A_21 : memref<1x128xi32, #tpu.memory_space<vmem>> -> memref<128xi32, #tpu.memory_space<vmem>>
      %dma_start3A_23 = arith.constant 0 : i32
      %dma_start3A_24 = arith.constant 0 : i32
      %dma_start3A_25 = tpu.memref_slice %arg7[%dma_start3A_23, %dma_start3A_24] : memref<10240x128xf32, #tpu.memory_space<vmem_shared>> -> memref<10240x128xf32, #tpu.memory_space<vmem_shared>>
      tpu.enqueue_indirect_dma source(%arg9 : memref<128x128xf32, #tpu.memory_space<vmem>>) target(%dma_start3A_25 : memref<10240x128xf32, #tpu.memory_space<vmem_shared>>) offsets(%dma_start3A_22 : memref<128xi32, #tpu.memory_space<vmem>>) semaphore(%arg10 : memref<!tpu.dma_semaphore, #tpu.memory_space<semaphore_mem>>) {add = true}
      %dma_start3A_26 = arith.constant 9 : i32
      %dma_start3A_27 = arith.constant 0 : i32
      %dma_start3A_28 = tpu.memref_slice %arg8[%dma_start3A_26, %dma_start3A_27] : memref<16x128xi32, #tpu.memory_space<vmem>> -> memref<1x128xi32, #tpu.memory_space<vmem>>
      %dma_start3A_29 = tpu.memref_squeeze %dma_start3A_28 : memref<1x128xi32, #tpu.memory_space<vmem>> -> memref<128xi32, #tpu.memory_space<vmem>>
      %dma_start3A_30 = arith.constant 0 : i32
      %dma_start3A_31 = arith.constant 0 : i32
      %dma_start3A_32 = tpu.memref_slice %arg7[%dma_start3A_30, %dma_start3A_31] : memref<10240x128xf32, #tpu.memory_space<vmem_shared>> -> memref<10240x128xf32, #tpu.memory_space<vmem_shared>>
      tpu.enqueue_indirect_dma source(%arg9 : memref<128x128xf32, #tpu.memory_space<vmem>>) target(%dma_start3A_32 : memref<10240x128xf32, #tpu.memory_space<vmem_shared>>) offsets(%dma_start3A_29 : memref<128xi32, #tpu.memory_space<vmem>>) semaphore(%arg10 : memref<!tpu.dma_semaphore, #tpu.memory_space<semaphore_mem>>) {add = true}
      %dma_start3A_33 = arith.constant 10 : i32
      %dma_start3A_34 = arith.constant 0 : i32
      %dma_start3A_35 = tpu.memref_slice %arg8[%dma_start3A_33, %dma_start3A_34] : memref<16x128xi32, #tpu.memory_space<vmem>> -> memref<1x128xi32, #tpu.memory_space<vmem>>
      %dma_start3A_36 = tpu.memref_squeeze %dma_start3A_35 : memref<1x128xi32, #tpu.memory_space<vmem>> -> memref<128xi32, #tpu.memory_space<vmem>>
      %dma_start3A_37 = arith.constant 0 : i32
      %dma_start3A_38 = arith.constant 0 : i32
      %dma_start3A_39 = tpu.memref_slice %arg7[%dma_start3A_37, %dma_start3A_38] : memref<10240x128xf32, #tpu.memory_space<vmem_shared>> -> memref<10240x128xf32, #tpu.memory_space<vmem_shared>>
      tpu.enqueue_indirect_dma source(%arg9 : memref<128x128xf32, #tpu.memory_space<vmem>>) target(%dma_start3A_39 : memref<10240x128xf32, #tpu.memory_space<vmem_shared>>) offsets(%dma_start3A_36 : memref<128xi32, #tpu.memory_space<vmem>>) semaphore(%arg10 : memref<!tpu.dma_semaphore, #tpu.memory_space<semaphore_mem>>) {add = true}
      %dma_start3A_40 = arith.constant 11 : i32
      %dma_start3A_41 = arith.constant 0 : i32
      %dma_start3A_42 = tpu.memref_slice %arg8[%dma_start3A_40, %dma_start3A_41] : memref<16x128xi32, #tpu.memory_space<vmem>> -> memref<1x128xi32, #tpu.memory_space<vmem>>
      %dma_start3A_43 = tpu.memref_squeeze %dma_start3A_42 : memref<1x128xi32, #tpu.memory_space<vmem>> -> memref<128xi32, #tpu.memory_space<vmem>>
      %dma_start3A_44 = arith.constant 0 : i32
      %dma_start3A_45 = arith.constant 0 : i32
      %dma_start3A_46 = tpu.memref_slice %arg7[%dma_start3A_44, %dma_start3A_45] : memref<10240x128xf32, #tpu.memory_space<vmem_shared>> -> memref<10240x128xf32, #tpu.memory_space<vmem_shared>>
      tpu.enqueue_indirect_dma source(%arg9 : memref<128x128xf32, #tpu.memory_space<vmem>>) target(%dma_start3A_46 : memref<10240x128xf32, #tpu.memory_space<vmem_shared>>) offsets(%dma_start3A_43 : memref<128xi32, #tpu.memory_space<vmem>>) semaphore(%arg10 : memref<!tpu.dma_semaphore, #tpu.memory_space<semaphore_mem>>) {add = true}
      %dma_start3A_47 = arith.constant 12 : i32
      %dma_start3A_48 = arith.constant 0 : i32
      %dma_start3A_49 = tpu.memref_slice %arg8[%dma_start3A_47, %dma_start3A_48] : memref<16x128xi32, #tpu.memory_space<vmem>> -> memref<1x128xi32, #tpu.memory_space<vmem>>
      %dma_start3A_50 = tpu.memref_squeeze %dma_start3A_49 : memref<1x128xi32, #tpu.memory_space<vmem>> -> memref<128xi32, #tpu.memory_space<vmem>>
      %dma_start3A_51 = arith.constant 0 : i32
      %dma_start3A_52 = arith.constant 0 : i32
      %dma_start3A_53 = tpu.memref_slice %arg7[%dma_start3A_51, %dma_start3A_52] : memref<10240x128xf32, #tpu.memory_space<vmem_shared>> -> memref<10240x128xf32, #tpu.memory_space<vmem_shared>>
      tpu.enqueue_indirect_dma source(%arg9 : memref<128x128xf32, #tpu.memory_space<vmem>>) target(%dma_start3A_53 : memref<10240x128xf32, #tpu.memory_space<vmem_shared>>) offsets(%dma_start3A_50 : memref<128xi32, #tpu.memory_space<vmem>>) semaphore(%arg10 : memref<!tpu.dma_semaphore, #tpu.memory_space<semaphore_mem>>) {add = true}
      %dma_start3A_54 = arith.constant 13 : i32
      %dma_start3A_55 = arith.constant 0 : i32
      %dma_start3A_56 = tpu.memref_slice %arg8[%dma_start3A_54, %dma_start3A_55] : memref<16x128xi32, #tpu.memory_space<vmem>> -> memref<1x128xi32, #tpu.memory_space<vmem>>
      %dma_start3A_57 = tpu.memref_squeeze %dma_start3A_56 : memref<1x128xi32, #tpu.memory_space<vmem>> -> memref<128xi32, #tpu.memory_space<vmem>>
      %dma_start3A_58 = arith.constant 0 : i32
      %dma_start3A_59 = arith.constant 0 : i32
      %dma_start3A_60 = tpu.memref_slice %arg7[%dma_start3A_58, %dma_start3A_59] : memref<10240x128xf32, #tpu.memory_space<vmem_shared>> -> memref<10240x128xf32, #tpu.memory_space<vmem_shared>>
      tpu.enqueue_indirect_dma source(%arg9 : memref<128x128xf32, #tpu.memory_space<vmem>>) target(%dma_start3A_60 : memref<10240x128xf32, #tpu.memory_space<vmem_shared>>) offsets(%dma_start3A_57 : memref<128xi32, #tpu.memory_space<vmem>>) semaphore(%arg10 : memref<!tpu.dma_semaphore, #tpu.memory_space<semaphore_mem>>) {add = true}
      %dma_start3A_61 = arith.constant 14 : i32
      %dma_start3A_62 = arith.constant 0 : i32
      %dma_start3A_63 = tpu.memref_slice %arg8[%dma_start3A_61, %dma_start3A_62] : memref<16x128xi32, #tpu.memory_space<vmem>> -> memref<1x128xi32, #tpu.memory_space<vmem>>
      %dma_start3A_64 = tpu.memref_squeeze %dma_start3A_63 : memref<1x128xi32, #tpu.memory_space<vmem>> -> memref<128xi32, #tpu.memory_space<vmem>>
      %dma_start3A_65 = arith.constant 0 : i32
      %dma_start3A_66 = arith.constant 0 : i32
      %dma_start3A_67 = tpu.memref_slice %arg7[%dma_start3A_65, %dma_start3A_66] : memref<10240x128xf32, #tpu.memory_space<vmem_shared>> -> memref<10240x128xf32, #tpu.memory_space<vmem_shared>>
      tpu.enqueue_indirect_dma source(%arg9 : memref<128x128xf32, #tpu.memory_space<vmem>>) target(%dma_start3A_67 : memref<10240x128xf32, #tpu.memory_space<vmem_shared>>) offsets(%dma_start3A_64 : memref<128xi32, #tpu.memory_space<vmem>>) semaphore(%arg10 : memref<!tpu.dma_semaphore, #tpu.memory_space<semaphore_mem>>) {add = true}
      %dma_start3A_68 = arith.constant 15 : i32
      %dma_start3A_69 = arith.constant 0 : i32
      %dma_start3A_70 = tpu.memref_slice %arg8[%dma_start3A_68, %dma_start3A_69] : memref<16x128xi32, #tpu.memory_space<vmem>> -> memref<1x128xi32, #tpu.memory_space<vmem>>
      %dma_start3A_71 = tpu.memref_squeeze %dma_start3A_70 : memref<1x128xi32, #tpu.memory_space<vmem>> -> memref<128xi32, #tpu.memory_space<vmem>>
      %dma_start3A_72 = arith.constant 0 : i32
      %dma_start3A_73 = arith.constant 0 : i32
      %dma_start3A_74 = tpu.memref_slice %arg7[%dma_start3A_72, %dma_start3A_73] : memref<10240x128xf32, #tpu.memory_space<vmem_shared>> -> memref<10240x128xf32, #tpu.memory_space<vmem_shared>>
      tpu.enqueue_indirect_dma source(%arg9 : memref<128x128xf32, #tpu.memory_space<vmem>>) target(%dma_start3A_74 : memref<10240x128xf32, #tpu.memory_space<vmem_shared>>) offsets(%dma_start3A_71 : memref<128xi32, #tpu.memory_space<vmem>>) semaphore(%arg10 : memref<!tpu.dma_semaphore, #tpu.memory_space<semaphore_mem>>) {add = true}
      %dma_wait3A = arith.constant 8 : i32
      %dma_wait3A_75 = arith.constant 0 : i32
      %dma_wait3A_76 = tpu.memref_slice %arg8[%dma_wait3A, %dma_wait3A_75] : memref<16x128xi32, #tpu.memory_space<vmem>> -> memref<1x128xi32, #tpu.memory_space<vmem>>
      %dma_wait3A_77 = tpu.memref_squeeze %dma_wait3A_76 : memref<1x128xi32, #tpu.memory_space<vmem>> -> memref<128xi32, #tpu.memory_space<vmem>>
      %dma_wait3A_78 = arith.constant 0 : i32
      %dma_wait3A_79 = arith.constant 0 : i32
      %dma_wait3A_80 = tpu.memref_slice %arg7[%dma_wait3A_78, %dma_wait3A_79] : memref<10240x128xf32, #tpu.memory_space<vmem_shared>> -> memref<10240x128xf32, #tpu.memory_space<vmem_shared>>
      tpu.wait_indirect_dma semaphore(%arg10 : memref<!tpu.dma_semaphore, #tpu.memory_space<semaphore_mem>>) src(%arg9 : memref<128x128xf32, #tpu.memory_space<vmem>>) dst(%dma_wait3A_80 : memref<10240x128xf32, #tpu.memory_space<vmem_shared>>)
      %dma_wait3A_81 = arith.constant 9 : i32
      %dma_wait3A_82 = arith.constant 0 : i32
      %dma_wait3A_83 = tpu.memref_slice %arg8[%dma_wait3A_81, %dma_wait3A_82] : memref<16x128xi32, #tpu.memory_space<vmem>> -> memref<1x128xi32, #tpu.memory_space<vmem>>
      %dma_wait3A_84 = tpu.memref_squeeze %dma_wait3A_83 : memref<1x128xi32, #tpu.memory_space<vmem>> -> memref<128xi32, #tpu.memory_space<vmem>>
      %dma_wait3A_85 = arith.constant 0 : i32
      %dma_wait3A_86 = arith.constant 0 : i32
      %dma_wait3A_87 = tpu.memref_slice %arg7[%dma_wait3A_85, %dma_wait3A_86] : memref<10240x128xf32, #tpu.memory_space<vmem_shared>> -> memref<10240x128xf32, #tpu.memory_space<vmem_shared>>
      tpu.wait_indirect_dma semaphore(%arg10 : memref<!tpu.dma_semaphore, #tpu.memory_space<semaphore_mem>>) src(%arg9 : memref<128x128xf32, #tpu.memory_space<vmem>>) dst(%dma_wait3A_87 : memref<10240x128xf32, #tpu.memory_space<vmem_shared>>)
      %dma_wait3A_88 = arith.constant 10 : i32
      %dma_wait3A_89 = arith.constant 0 : i32
      %dma_wait3A_90 = tpu.memref_slice %arg8[%dma_wait3A_88, %dma_wait3A_89] : memref<16x128xi32, #tpu.memory_space<vmem>> -> memref<1x128xi32, #tpu.memory_space<vmem>>
      %dma_wait3A_91 = tpu.memref_squeeze %dma_wait3A_90 : memref<1x128xi32, #tpu.memory_space<vmem>> -> memref<128xi32, #tpu.memory_space<vmem>>
      %dma_wait3A_92 = arith.constant 0 : i32
      %dma_wait3A_93 = arith.constant 0 : i32
      %dma_wait3A_94 = tpu.memref_slice %arg7[%dma_wait3A_92, %dma_wait3A_93] : memref<10240x128xf32, #tpu.memory_space<vmem_shared>> -> memref<10240x128xf32, #tpu.memory_space<vmem_shared>>
      tpu.wait_indirect_dma semaphore(%arg10 : memref<!tpu.dma_semaphore, #tpu.memory_space<semaphore_mem>>) src(%arg9 : memref<128x128xf32, #tpu.memory_space<vmem>>) dst(%dma_wait3A_94 : memref<10240x128xf32, #tpu.memory_space<vmem_shared>>)
      %dma_wait3A_95 = arith.constant 11 : i32
      %dma_wait3A_96 = arith.constant 0 : i32
      %dma_wait3A_97 = tpu.memref_slice %arg8[%dma_wait3A_95, %dma_wait3A_96] : memref<16x128xi32, #tpu.memory_space<vmem>> -> memref<1x128xi32, #tpu.memory_space<vmem>>
      %dma_wait3A_98 = tpu.memref_squeeze %dma_wait3A_97 : memref<1x128xi32, #tpu.memory_space<vmem>> -> memref<128xi32, #tpu.memory_space<vmem>>
      %dma_wait3A_99 = arith.constant 0 : i32
      %dma_wait3A_100 = arith.constant 0 : i32
      %dma_wait3A_101 = tpu.memref_slice %arg7[%dma_wait3A_99, %dma_wait3A_100] : memref<10240x128xf32, #tpu.memory_space<vmem_shared>> -> memref<10240x128xf32, #tpu.memory_space<vmem_shared>>
      tpu.wait_indirect_dma semaphore(%arg10 : memref<!tpu.dma_semaphore, #tpu.memory_space<semaphore_mem>>) src(%arg9 : memref<128x128xf32, #tpu.memory_space<vmem>>) dst(%dma_wait3A_101 : memref<10240x128xf32, #tpu.memory_space<vmem_shared>>)
      %dma_wait3A_102 = arith.constant 12 : i32
      %dma_wait3A_103 = arith.constant 0 : i32
      %dma_wait3A_104 = tpu.memref_slice %arg8[%dma_wait3A_102, %dma_wait3A_103] : memref<16x128xi32, #tpu.memory_space<vmem>> -> memref<1x128xi32, #tpu.memory_space<vmem>>
      %dma_wait3A_105 = tpu.memref_squeeze %dma_wait3A_104 : memref<1x128xi32, #tpu.memory_space<vmem>> -> memref<128xi32, #tpu.memory_space<vmem>>
      %dma_wait3A_106 = arith.constant 0 : i32
      %dma_wait3A_107 = arith.constant 0 : i32
      %dma_wait3A_108 = tpu.memref_slice %arg7[%dma_wait3A_106, %dma_wait3A_107] : memref<10240x128xf32, #tpu.memory_space<vmem_shared>> -> memref<10240x128xf32, #tpu.memory_space<vmem_shared>>
      tpu.wait_indirect_dma semaphore(%arg10 : memref<!tpu.dma_semaphore, #tpu.memory_space<semaphore_mem>>) src(%arg9 : memref<128x128xf32, #tpu.memory_space<vmem>>) dst(%dma_wait3A_108 : memref<10240x128xf32, #tpu.memory_space<vmem_shared>>)
      %dma_wait3A_109 = arith.constant 13 : i32
      %dma_wait3A_110 = arith.constant 0 : i32
      %dma_wait3A_111 = tpu.memref_slice %arg8[%dma_wait3A_109, %dma_wait3A_110] : memref<16x128xi32, #tpu.memory_space<vmem>> -> memref<1x128xi32, #tpu.memory_space<vmem>>
      %dma_wait3A_112 = tpu.memref_squeeze %dma_wait3A_111 : memref<1x128xi32, #tpu.memory_space<vmem>> -> memref<128xi32, #tpu.memory_space<vmem>>
      %dma_wait3A_113 = arith.constant 0 : i32
      %dma_wait3A_114 = arith.constant 0 : i32
      %dma_wait3A_115 = tpu.memref_slice %arg7[%dma_wait3A_113, %dma_wait3A_114] : memref<10240x128xf32, #tpu.memory_space<vmem_shared>> -> memref<10240x128xf32, #tpu.memory_space<vmem_shared>>
      tpu.wait_indirect_dma semaphore(%arg10 : memref<!tpu.dma_semaphore, #tpu.memory_space<semaphore_mem>>) src(%arg9 : memref<128x128xf32, #tpu.memory_space<vmem>>) dst(%dma_wait3A_115 : memref<10240x128xf32, #tpu.memory_space<vmem_shared>>)
      %dma_wait3A_116 = arith.constant 14 : i32
      %dma_wait3A_117 = arith.constant 0 : i32
      %dma_wait3A_118 = tpu.memref_slice %arg8[%dma_wait3A_116, %dma_wait3A_117] : memref<16x128xi32, #tpu.memory_space<vmem>> -> memref<1x128xi32, #tpu.memory_space<vmem>>
      %dma_wait3A_119 = tpu.memref_squeeze %dma_wait3A_118 : memref<1x128xi32, #tpu.memory_space<vmem>> -> memref<128xi32, #tpu.memory_space<vmem>>
      %dma_wait3A_120 = arith.constant 0 : i32
      %dma_wait3A_121 = arith.constant 0 : i32
      %dma_wait3A_122 = tpu.memref_slice %arg7[%dma_wait3A_120, %dma_wait3A_121] : memref<10240x128xf32, #tpu.memory_space<vmem_shared>> -> memref<10240x128xf32, #tpu.memory_space<vmem_shared>>
      tpu.wait_indirect_dma semaphore(%arg10 : memref<!tpu.dma_semaphore, #tpu.memory_space<semaphore_mem>>) src(%arg9 : memref<128x128xf32, #tpu.memory_space<vmem>>) dst(%dma_wait3A_122 : memref<10240x128xf32, #tpu.memory_space<vmem_shared>>)
      %dma_wait3A_123 = arith.constant 15 : i32
      %dma_wait3A_124 = arith.constant 0 : i32
      %dma_wait3A_125 = tpu.memref_slice %arg8[%dma_wait3A_123, %dma_wait3A_124] : memref<16x128xi32, #tpu.memory_space<vmem>> -> memref<1x128xi32, #tpu.memory_space<vmem>>
      %dma_wait3A_126 = tpu.memref_squeeze %dma_wait3A_125 : memref<1x128xi32, #tpu.memory_space<vmem>> -> memref<128xi32, #tpu.memory_space<vmem>>
      %dma_wait3A_127 = arith.constant 0 : i32
      %dma_wait3A_128 = arith.constant 0 : i32
      %dma_wait3A_129 = tpu.memref_slice %arg7[%dma_wait3A_127, %dma_wait3A_128] : memref<10240x128xf32, #tpu.memory_space<vmem_shared>> -> memref<10240x128xf32, #tpu.memory_space<vmem_shared>>
      tpu.wait_indirect_dma semaphore(%arg10 : memref<!tpu.dma_semaphore, #tpu.memory_space<semaphore_mem>>) src(%arg9 : memref<128x128xf32, #tpu.memory_space<vmem>>) dst(%dma_wait3A_129 : memref<10240x128xf32, #tpu.memory_space<vmem_shared>>)
    }
    %scan3A_9 = arith.constant 5 : i32
    %barrier3A_10 = arith.constant 0 : index
    tpu.barrier barrier_id(%barrier3A_10)
    %eq3A = arith.constant 0 : i32
    %eq3A_11 = arith.cmpi eq, %arg0, %eq3A : i32
    %convert_element_type3A = arith.extui %eq3A_11 : i1 to i32
    %cond3A = arith.constant 0 : i32
    %cond3A_12 = arith.cmpi ne, %convert_element_type3A, %cond3A : i32
    scf.if %cond3A_12 {
      "tpu.region"() ({
        %run_scoped3A = tpu.sem_alloc : memref<!tpu.dma_semaphore, #tpu.memory_space<semaphore_mem>>
        %dma_start3A = arith.constant 0 : i32
        %dma_start3A_18 = tpu.memref_slice %arg5[%mul3A_0, %dma_start3A] : memref<10240x128xf32, #tpu.memory_space<hbm>> -> memref<640x128xf32, #tpu.memory_space<hbm>>
        %dma_start3A_19 = arith.constant 0 : i32
        %dma_start3A_20 = tpu.memref_slice %arg7[%mul3A_0, %dma_start3A_19] : memref<10240x128xf32, #tpu.memory_space<vmem_shared>> -> memref<640x128xf32, #tpu.memory_space<vmem_shared>>
        tpu.enqueue_dma source(%dma_start3A_20 : memref<640x128xf32, #tpu.memory_space<vmem_shared>>) target(%dma_start3A_18 : memref<640x128xf32, #tpu.memory_space<hbm>>) target_semaphore(%run_scoped3A : memref<!tpu.dma_semaphore, #tpu.memory_space<semaphore_mem>>)
        %dma_wait3A = arith.constant 0 : i32
        %dma_wait3A_21 = tpu.memref_slice %arg5[%mul3A_0, %dma_wait3A] : memref<10240x128xf32, #tpu.memory_space<hbm>> -> memref<640x128xf32, #tpu.memory_space<hbm>>
        %dma_wait3A_22 = arith.constant 0 : i32
        %dma_wait3A_23 = tpu.memref_slice %arg7[%mul3A_0, %dma_wait3A_22] : memref<10240x128xf32, #tpu.memory_space<vmem_shared>> -> memref<640x128xf32, #tpu.memory_space<vmem_shared>>
        tpu.wait_dma2 semaphore(%run_scoped3A : memref<!tpu.dma_semaphore, #tpu.memory_space<semaphore_mem>>) src(%dma_wait3A_23 : memref<640x128xf32, #tpu.memory_space<vmem_shared>>) dst(%dma_wait3A_21 : memref<640x128xf32, #tpu.memory_space<hbm>>)
        tpu.yield
      }) : () -> ()
    } else {
    }
    %eq3A_13 = arith.constant 1 : i32
    %eq3A_14 = arith.cmpi eq, %arg0, %eq3A_13 : i32
    %convert_element_type3A_15 = arith.extui %eq3A_14 : i1 to i32
    %cond3A_16 = arith.constant 0 : i32
    %cond3A_17 = arith.cmpi ne, %convert_element_type3A_15, %cond3A_16 : i32
    scf.if %cond3A_17 {
      "tpu.region"() ({
        %run_scoped3A = tpu.sem_alloc : memref<!tpu.dma_semaphore, #tpu.memory_space<semaphore_mem>>
        %dma_start3A = arith.constant 0 : i32
        %dma_start3A_18 = tpu.memref_slice %arg6[%mul3A_0, %dma_start3A] : memref<10240x128xf32, #tpu.memory_space<hbm>> -> memref<640x128xf32, #tpu.memory_space<hbm>>
        %dma_start3A_19 = arith.constant 0 : i32
        %dma_start3A_20 = tpu.memref_slice %arg7[%mul3A_0, %dma_start3A_19] : memref<10240x128xf32, #tpu.memory_space<vmem_shared>> -> memref<640x128xf32, #tpu.memory_space<vmem_shared>>
        tpu.enqueue_dma source(%dma_start3A_20 : memref<640x128xf32, #tpu.memory_space<vmem_shared>>) target(%dma_start3A_18 : memref<640x128xf32, #tpu.memory_space<hbm>>) target_semaphore(%run_scoped3A : memref<!tpu.dma_semaphore, #tpu.memory_space<semaphore_mem>>)
        %dma_wait3A = arith.constant 0 : i32
        %dma_wait3A_21 = tpu.memref_slice %arg6[%mul3A_0, %dma_wait3A] : memref<10240x128xf32, #tpu.memory_space<hbm>> -> memref<640x128xf32, #tpu.memory_space<hbm>>
        %dma_wait3A_22 = arith.constant 0 : i32
        %dma_wait3A_23 = tpu.memref_slice %arg7[%mul3A_0, %dma_wait3A_22] : memref<10240x128xf32, #tpu.memory_space<vmem_shared>> -> memref<640x128xf32, #tpu.memory_space<vmem_shared>>
        tpu.wait_dma2 semaphore(%run_scoped3A : memref<!tpu.dma_semaphore, #tpu.memory_space<semaphore_mem>>) src(%dma_wait3A_23 : memref<640x128xf32, #tpu.memory_space<vmem_shared>>) dst(%dma_wait3A_21 : memref<640x128xf32, #tpu.memory_space<hbm>>)
        tpu.yield
      }) : () -> ()
    } else {
    }
    return
  }
}

#map = affine_map<(d0, d1) -> (0, 0)>
#map1 = affine_map<(d0, d1) -> (0, 0, 0)>
module attributes {stable_mosaic.version = 14 : i64} {
  func.func @k(%arg0: i32, %arg1: i32, %arg2: memref<10000x128xf32, #tpu.memory_space<hbm>>, %arg3: memref<10000x128xf32, #tpu.memory_space<hbm>>, %arg4: memref<160x16x128xi32, #tpu.memory_space<hbm>>, %arg5: memref<640x128xf32, #tpu.memory_space<hbm>>, %arg6: memref<10240x128xf32, #tpu.memory_space<hbm>>, %arg7: memref<10240x128xf32, #tpu.memory_space<hbm>>, %arg8: memref<10240x128xf32, #tpu.memory_space<vmem_shared>>, %arg9: memref<16x128xi32, #tpu.memory_space<vmem>>, %arg10: memref<128x128xf32, #tpu.memory_space<vmem>>, %arg11: memref<128x128xf32, #tpu.memory_space<vmem>>, %arg12: memref<!tpu.dma_semaphore, #tpu.memory_space<semaphore_mem>>, %arg13: memref<!tpu.dma_semaphore, #tpu.memory_space<semaphore_mem>>, %arg14: memref<!tpu.dma_semaphore, #tpu.memory_space<semaphore_mem>>, %arg15: memref<!tpu.dma_semaphore, #tpu.memory_space<semaphore_mem>>) attributes {dimension_semantics = [#tpu.dimension_semantics<core_parallel>, #tpu.dimension_semantics<subcore_parallel>], iteration_bounds = array<i64: 2, 16>, scalar_prefetch = 0 : i64, scratch_operands = 8 : i64, tpu.core_type = #tpu.core_type<sc_vector_subcore>, window_params = [{transform_indices = #map}, {transform_indices = #map}, {transform_indices = #map1}, {transform_indices = #map}, {transform_indices = #map}, {transform_indices = #map}]} {
    %mul3A = arith.constant 640 : i32
    %mul3A_0 = arith.muli %arg1, %mul3A : i32
    "tpu.region"() ({
      %run_scoped3A = tpu.sem_alloc : memref<!tpu.dma_semaphore, #tpu.memory_space<semaphore_mem>>
      %dma_start3A = arith.constant 0 : i32
      %dma_start3A_19 = tpu.memref_slice %arg8[%mul3A_0, %dma_start3A] : memref<10240x128xf32, #tpu.memory_space<vmem_shared>> -> memref<640x128xf32, #tpu.memory_space<vmem_shared>>
      tpu.enqueue_dma source(%arg5 : memref<640x128xf32, #tpu.memory_space<hbm>>) target(%dma_start3A_19 : memref<640x128xf32, #tpu.memory_space<vmem_shared>>) target_semaphore(%run_scoped3A : memref<!tpu.dma_semaphore, #tpu.memory_space<semaphore_mem>>)
      %dma_wait3A = arith.constant 0 : i32
      %dma_wait3A_20 = tpu.memref_slice %arg8[%mul3A_0, %dma_wait3A] : memref<10240x128xf32, #tpu.memory_space<vmem_shared>> -> memref<640x128xf32, #tpu.memory_space<vmem_shared>>
      tpu.wait_dma2 semaphore(%run_scoped3A : memref<!tpu.dma_semaphore, #tpu.memory_space<semaphore_mem>>) src(%arg5 : memref<640x128xf32, #tpu.memory_space<hbm>>) dst(%dma_wait3A_20 : memref<640x128xf32, #tpu.memory_space<vmem_shared>>)
      tpu.yield
    }) : () -> ()
    %barrier3A = arith.constant 0 : index
    tpu.barrier barrier_id(%barrier3A)
    %eq3A = arith.constant 0 : i32
    %eq3A_1 = arith.cmpi eq, %arg0, %eq3A : i32
    %convert_element_type3A = arith.extui %eq3A_1 : i1 to i32
    %cond3A = arith.constant 0 : i32
    %cond3A_2 = arith.cmpi ne, %convert_element_type3A, %cond3A : i32
    scf.if %cond3A_2 {
      %scan3A = arith.constant 0 : i32
      %scan3A_19 = arith.constant 0 : i32
      %scan3A_20 = arith.constant 10 : i32
      %scan3A_21 = arith.addi %scan3A_19, %scan3A_20 : i32
      %scan3A_22 = arith.constant 1 : i32
      scf.for %scan3A_24 = %scan3A_19 to %scan3A_21 step %scan3A_22  : i32 {
        %mul3A_25 = arith.constant 10 : i32
        %mul3A_26 = arith.muli %arg1, %mul3A_25 : i32
        %add3A = arith.addi %mul3A_26, %scan3A_24 : i32
        "tpu.region"() ({
          %run_scoped3A = tpu.sem_alloc : memref<!tpu.dma_semaphore, #tpu.memory_space<semaphore_mem>>
          %dma_start3A_249 = arith.constant 0 : i32
          %dma_start3A_250 = arith.constant 0 : i32
          %dma_start3A_251 = tpu.memref_slice %arg4[%add3A, %dma_start3A_249, %dma_start3A_250] : memref<160x16x128xi32, #tpu.memory_space<hbm>> -> memref<1x16x128xi32, #tpu.memory_space<hbm>>
          %dma_start3A_252 = tpu.memref_squeeze %dma_start3A_251 : memref<1x16x128xi32, #tpu.memory_space<hbm>> -> memref<16x128xi32, #tpu.memory_space<hbm>>
          %dma_start3A_253 = arith.constant 0 : i32
          %dma_start3A_254 = arith.constant 0 : i32
          %dma_start3A_255 = tpu.memref_slice %arg4[%add3A, %dma_start3A_253, %dma_start3A_254] : memref<160x16x128xi32, #tpu.memory_space<hbm>> -> memref<1x16x128xi32, #tpu.memory_space<hbm>>
          %dma_start3A_256 = tpu.memref_squeeze %dma_start3A_255 : memref<1x16x128xi32, #tpu.memory_space<hbm>> -> memref<16x128xi32, #tpu.memory_space<hbm>>
          tpu.enqueue_dma source(%dma_start3A_256 : memref<16x128xi32, #tpu.memory_space<hbm>>) target(%arg9 : memref<16x128xi32, #tpu.memory_space<vmem>>) target_semaphore(%run_scoped3A : memref<!tpu.dma_semaphore, #tpu.memory_space<semaphore_mem>>)
          %dma_wait3A_257 = arith.constant 0 : i32
          %dma_wait3A_258 = arith.constant 0 : i32
          %dma_wait3A_259 = tpu.memref_slice %arg4[%add3A, %dma_wait3A_257, %dma_wait3A_258] : memref<160x16x128xi32, #tpu.memory_space<hbm>> -> memref<1x16x128xi32, #tpu.memory_space<hbm>>
          %dma_wait3A_260 = tpu.memref_squeeze %dma_wait3A_259 : memref<1x16x128xi32, #tpu.memory_space<hbm>> -> memref<16x128xi32, #tpu.memory_space<hbm>>
          %dma_wait3A_261 = arith.constant 0 : i32
          %dma_wait3A_262 = arith.constant 0 : i32
          %dma_wait3A_263 = tpu.memref_slice %arg4[%add3A, %dma_wait3A_261, %dma_wait3A_262] : memref<160x16x128xi32, #tpu.memory_space<hbm>> -> memref<1x16x128xi32, #tpu.memory_space<hbm>>
          %dma_wait3A_264 = tpu.memref_squeeze %dma_wait3A_263 : memref<1x16x128xi32, #tpu.memory_space<hbm>> -> memref<16x128xi32, #tpu.memory_space<hbm>>
          tpu.wait_dma2 semaphore(%run_scoped3A : memref<!tpu.dma_semaphore, #tpu.memory_space<semaphore_mem>>) src(%dma_wait3A_264 : memref<16x128xi32, #tpu.memory_space<hbm>>) dst(%arg9 : memref<16x128xi32, #tpu.memory_space<vmem>>)
          tpu.yield
        }) : () -> ()
        %dma_start3A = arith.constant 0 : i32
        %dma_start3A_27 = arith.constant 0 : i32
        %dma_start3A_28 = tpu.memref_slice %arg9[%dma_start3A, %dma_start3A_27] : memref<16x128xi32, #tpu.memory_space<vmem>> -> memref<1x128xi32, #tpu.memory_space<vmem>>
        %dma_start3A_29 = tpu.memref_squeeze %dma_start3A_28 : memref<1x128xi32, #tpu.memory_space<vmem>> -> memref<128xi32, #tpu.memory_space<vmem>>
        %dma_start3A_30 = arith.constant 0 : i32
        %dma_start3A_31 = arith.constant 0 : i32
        %dma_start3A_32 = tpu.memref_slice %arg2[%dma_start3A_30, %dma_start3A_31] : memref<10000x128xf32, #tpu.memory_space<hbm>> -> memref<10000x128xf32, #tpu.memory_space<hbm>>
        tpu.enqueue_indirect_dma source(%dma_start3A_32 : memref<10000x128xf32, #tpu.memory_space<hbm>>) target(%arg10 : memref<128x128xf32, #tpu.memory_space<vmem>>) offsets(%dma_start3A_29 : memref<128xi32, #tpu.memory_space<vmem>>) semaphore(%arg12 : memref<!tpu.dma_semaphore, #tpu.memory_space<semaphore_mem>>)
        %dma_wait3A = arith.constant 0 : i32
        %dma_wait3A_33 = arith.constant 0 : i32
        %dma_wait3A_34 = tpu.memref_slice %arg9[%dma_wait3A, %dma_wait3A_33] : memref<16x128xi32, #tpu.memory_space<vmem>> -> memref<1x128xi32, #tpu.memory_space<vmem>>
        %dma_wait3A_35 = tpu.memref_squeeze %dma_wait3A_34 : memref<1x128xi32, #tpu.memory_space<vmem>> -> memref<128xi32, #tpu.memory_space<vmem>>
        %dma_wait3A_36 = arith.constant 0 : i32
        %dma_wait3A_37 = arith.constant 0 : i32
        %dma_wait3A_38 = tpu.memref_slice %arg2[%dma_wait3A_36, %dma_wait3A_37] : memref<10000x128xf32, #tpu.memory_space<hbm>> -> memref<10000x128xf32, #tpu.memory_space<hbm>>
        tpu.wait_indirect_dma semaphore(%arg12 : memref<!tpu.dma_semaphore, #tpu.memory_space<semaphore_mem>>) src(%dma_wait3A_38 : memref<10000x128xf32, #tpu.memory_space<hbm>>) dst(%arg10 : memref<128x128xf32, #tpu.memory_space<vmem>>)
        %dma_start3A_39 = arith.constant 1 : i32
        %dma_start3A_40 = arith.constant 0 : i32
        %dma_start3A_41 = tpu.memref_slice %arg9[%dma_start3A_39, %dma_start3A_40] : memref<16x128xi32, #tpu.memory_space<vmem>> -> memref<1x128xi32, #tpu.memory_space<vmem>>
        %dma_start3A_42 = tpu.memref_squeeze %dma_start3A_41 : memref<1x128xi32, #tpu.memory_space<vmem>> -> memref<128xi32, #tpu.memory_space<vmem>>
        %dma_start3A_43 = arith.constant 0 : i32
        %dma_start3A_44 = arith.constant 0 : i32
        %dma_start3A_45 = tpu.memref_slice %arg2[%dma_start3A_43, %dma_start3A_44] : memref<10000x128xf32, #tpu.memory_space<hbm>> -> memref<10000x128xf32, #tpu.memory_space<hbm>>
        tpu.enqueue_indirect_dma source(%dma_start3A_45 : memref<10000x128xf32, #tpu.memory_space<hbm>>) target(%arg11 : memref<128x128xf32, #tpu.memory_space<vmem>>) offsets(%dma_start3A_42 : memref<128xi32, #tpu.memory_space<vmem>>) semaphore(%arg13 : memref<!tpu.dma_semaphore, #tpu.memory_space<semaphore_mem>>)
        %dma_start3A_46 = arith.constant 8 : i32
        %dma_start3A_47 = arith.constant 0 : i32
        %dma_start3A_48 = tpu.memref_slice %arg9[%dma_start3A_46, %dma_start3A_47] : memref<16x128xi32, #tpu.memory_space<vmem>> -> memref<1x128xi32, #tpu.memory_space<vmem>>
        %dma_start3A_49 = tpu.memref_squeeze %dma_start3A_48 : memref<1x128xi32, #tpu.memory_space<vmem>> -> memref<128xi32, #tpu.memory_space<vmem>>
        %dma_start3A_50 = arith.constant 0 : i32
        %dma_start3A_51 = arith.constant 0 : i32
        %dma_start3A_52 = tpu.memref_slice %arg8[%dma_start3A_50, %dma_start3A_51] : memref<10240x128xf32, #tpu.memory_space<vmem_shared>> -> memref<10240x128xf32, #tpu.memory_space<vmem_shared>>
        tpu.enqueue_indirect_dma source(%arg10 : memref<128x128xf32, #tpu.memory_space<vmem>>) target(%dma_start3A_52 : memref<10240x128xf32, #tpu.memory_space<vmem_shared>>) offsets(%dma_start3A_49 : memref<128xi32, #tpu.memory_space<vmem>>) semaphore(%arg14 : memref<!tpu.dma_semaphore, #tpu.memory_space<semaphore_mem>>) {add = true}
        %dma_wait3A_53 = arith.constant 1 : i32
        %dma_wait3A_54 = arith.constant 0 : i32
        %dma_wait3A_55 = tpu.memref_slice %arg9[%dma_wait3A_53, %dma_wait3A_54] : memref<16x128xi32, #tpu.memory_space<vmem>> -> memref<1x128xi32, #tpu.memory_space<vmem>>
        %dma_wait3A_56 = tpu.memref_squeeze %dma_wait3A_55 : memref<1x128xi32, #tpu.memory_space<vmem>> -> memref<128xi32, #tpu.memory_space<vmem>>
        %dma_wait3A_57 = arith.constant 0 : i32
        %dma_wait3A_58 = arith.constant 0 : i32
        %dma_wait3A_59 = tpu.memref_slice %arg2[%dma_wait3A_57, %dma_wait3A_58] : memref<10000x128xf32, #tpu.memory_space<hbm>> -> memref<10000x128xf32, #tpu.memory_space<hbm>>
        tpu.wait_indirect_dma semaphore(%arg13 : memref<!tpu.dma_semaphore, #tpu.memory_space<semaphore_mem>>) src(%dma_wait3A_59 : memref<10000x128xf32, #tpu.memory_space<hbm>>) dst(%arg11 : memref<128x128xf32, #tpu.memory_space<vmem>>)
        %dma_wait3A_60 = arith.constant 8 : i32
        %dma_wait3A_61 = arith.constant 0 : i32
        %dma_wait3A_62 = tpu.memref_slice %arg9[%dma_wait3A_60, %dma_wait3A_61] : memref<16x128xi32, #tpu.memory_space<vmem>> -> memref<1x128xi32, #tpu.memory_space<vmem>>
        %dma_wait3A_63 = tpu.memref_squeeze %dma_wait3A_62 : memref<1x128xi32, #tpu.memory_space<vmem>> -> memref<128xi32, #tpu.memory_space<vmem>>
        %dma_wait3A_64 = arith.constant 0 : i32
        %dma_wait3A_65 = arith.constant 0 : i32
        %dma_wait3A_66 = tpu.memref_slice %arg8[%dma_wait3A_64, %dma_wait3A_65] : memref<10240x128xf32, #tpu.memory_space<vmem_shared>> -> memref<10240x128xf32, #tpu.memory_space<vmem_shared>>
        tpu.wait_indirect_dma semaphore(%arg14 : memref<!tpu.dma_semaphore, #tpu.memory_space<semaphore_mem>>) src(%arg10 : memref<128x128xf32, #tpu.memory_space<vmem>>) dst(%dma_wait3A_66 : memref<10240x128xf32, #tpu.memory_space<vmem_shared>>)
        %dma_start3A_67 = arith.constant 2 : i32
        %dma_start3A_68 = arith.constant 0 : i32
        %dma_start3A_69 = tpu.memref_slice %arg9[%dma_start3A_67, %dma_start3A_68] : memref<16x128xi32, #tpu.memory_space<vmem>> -> memref<1x128xi32, #tpu.memory_space<vmem>>
        %dma_start3A_70 = tpu.memref_squeeze %dma_start3A_69 : memref<1x128xi32, #tpu.memory_space<vmem>> -> memref<128xi32, #tpu.memory_space<vmem>>
        %dma_start3A_71 = arith.constant 0 : i32
        %dma_start3A_72 = arith.constant 0 : i32
        %dma_start3A_73 = tpu.memref_slice %arg2[%dma_start3A_71, %dma_start3A_72] : memref<10000x128xf32, #tpu.memory_space<hbm>> -> memref<10000x128xf32, #tpu.memory_space<hbm>>
        tpu.enqueue_indirect_dma source(%dma_start3A_73 : memref<10000x128xf32, #tpu.memory_space<hbm>>) target(%arg10 : memref<128x128xf32, #tpu.memory_space<vmem>>) offsets(%dma_start3A_70 : memref<128xi32, #tpu.memory_space<vmem>>) semaphore(%arg12 : memref<!tpu.dma_semaphore, #tpu.memory_space<semaphore_mem>>)
        %dma_start3A_74 = arith.constant 9 : i32
        %dma_start3A_75 = arith.constant 0 : i32
        %dma_start3A_76 = tpu.memref_slice %arg9[%dma_start3A_74, %dma_start3A_75] : memref<16x128xi32, #tpu.memory_space<vmem>> -> memref<1x128xi32, #tpu.memory_space<vmem>>
        %dma_start3A_77 = tpu.memref_squeeze %dma_start3A_76 : memref<1x128xi32, #tpu.memory_space<vmem>> -> memref<128xi32, #tpu.memory_space<vmem>>
        %dma_start3A_78 = arith.constant 0 : i32
        %dma_start3A_79 = arith.constant 0 : i32
        %dma_start3A_80 = tpu.memref_slice %arg8[%dma_start3A_78, %dma_start3A_79] : memref<10240x128xf32, #tpu.memory_space<vmem_shared>> -> memref<10240x128xf32, #tpu.memory_space<vmem_shared>>
        tpu.enqueue_indirect_dma source(%arg11 : memref<128x128xf32, #tpu.memory_space<vmem>>) target(%dma_start3A_80 : memref<10240x128xf32, #tpu.memory_space<vmem_shared>>) offsets(%dma_start3A_77 : memref<128xi32, #tpu.memory_space<vmem>>) semaphore(%arg15 : memref<!tpu.dma_semaphore, #tpu.memory_space<semaphore_mem>>) {add = true}
        %dma_wait3A_81 = arith.constant 2 : i32
        %dma_wait3A_82 = arith.constant 0 : i32
        %dma_wait3A_83 = tpu.memref_slice %arg9[%dma_wait3A_81, %dma_wait3A_82] : memref<16x128xi32, #tpu.memory_space<vmem>> -> memref<1x128xi32, #tpu.memory_space<vmem>>
        %dma_wait3A_84 = tpu.memref_squeeze %dma_wait3A_83 : memref<1x128xi32, #tpu.memory_space<vmem>> -> memref<128xi32, #tpu.memory_space<vmem>>
        %dma_wait3A_85 = arith.constant 0 : i32
        %dma_wait3A_86 = arith.constant 0 : i32
        %dma_wait3A_87 = tpu.memref_slice %arg2[%dma_wait3A_85, %dma_wait3A_86] : memref<10000x128xf32, #tpu.memory_space<hbm>> -> memref<10000x128xf32, #tpu.memory_space<hbm>>
        tpu.wait_indirect_dma semaphore(%arg12 : memref<!tpu.dma_semaphore, #tpu.memory_space<semaphore_mem>>) src(%dma_wait3A_87 : memref<10000x128xf32, #tpu.memory_space<hbm>>) dst(%arg10 : memref<128x128xf32, #tpu.memory_space<vmem>>)
        %dma_wait3A_88 = arith.constant 9 : i32
        %dma_wait3A_89 = arith.constant 0 : i32
        %dma_wait3A_90 = tpu.memref_slice %arg9[%dma_wait3A_88, %dma_wait3A_89] : memref<16x128xi32, #tpu.memory_space<vmem>> -> memref<1x128xi32, #tpu.memory_space<vmem>>
        %dma_wait3A_91 = tpu.memref_squeeze %dma_wait3A_90 : memref<1x128xi32, #tpu.memory_space<vmem>> -> memref<128xi32, #tpu.memory_space<vmem>>
        %dma_wait3A_92 = arith.constant 0 : i32
        %dma_wait3A_93 = arith.constant 0 : i32
        %dma_wait3A_94 = tpu.memref_slice %arg8[%dma_wait3A_92, %dma_wait3A_93] : memref<10240x128xf32, #tpu.memory_space<vmem_shared>> -> memref<10240x128xf32, #tpu.memory_space<vmem_shared>>
        tpu.wait_indirect_dma semaphore(%arg15 : memref<!tpu.dma_semaphore, #tpu.memory_space<semaphore_mem>>) src(%arg11 : memref<128x128xf32, #tpu.memory_space<vmem>>) dst(%dma_wait3A_94 : memref<10240x128xf32, #tpu.memory_space<vmem_shared>>)
        %dma_start3A_95 = arith.constant 3 : i32
        %dma_start3A_96 = arith.constant 0 : i32
        %dma_start3A_97 = tpu.memref_slice %arg9[%dma_start3A_95, %dma_start3A_96] : memref<16x128xi32, #tpu.memory_space<vmem>> -> memref<1x128xi32, #tpu.memory_space<vmem>>
        %dma_start3A_98 = tpu.memref_squeeze %dma_start3A_97 : memref<1x128xi32, #tpu.memory_space<vmem>> -> memref<128xi32, #tpu.memory_space<vmem>>
        %dma_start3A_99 = arith.constant 0 : i32
        %dma_start3A_100 = arith.constant 0 : i32
        %dma_start3A_101 = tpu.memref_slice %arg2[%dma_start3A_99, %dma_start3A_100] : memref<10000x128xf32, #tpu.memory_space<hbm>> -> memref<10000x128xf32, #tpu.memory_space<hbm>>
        tpu.enqueue_indirect_dma source(%dma_start3A_101 : memref<10000x128xf32, #tpu.memory_space<hbm>>) target(%arg11 : memref<128x128xf32, #tpu.memory_space<vmem>>) offsets(%dma_start3A_98 : memref<128xi32, #tpu.memory_space<vmem>>) semaphore(%arg13 : memref<!tpu.dma_semaphore, #tpu.memory_space<semaphore_mem>>)
        %dma_start3A_102 = arith.constant 10 : i32
        %dma_start3A_103 = arith.constant 0 : i32
        %dma_start3A_104 = tpu.memref_slice %arg9[%dma_start3A_102, %dma_start3A_103] : memref<16x128xi32, #tpu.memory_space<vmem>> -> memref<1x128xi32, #tpu.memory_space<vmem>>
        %dma_start3A_105 = tpu.memref_squeeze %dma_start3A_104 : memref<1x128xi32, #tpu.memory_space<vmem>> -> memref<128xi32, #tpu.memory_space<vmem>>
        %dma_start3A_106 = arith.constant 0 : i32
        %dma_start3A_107 = arith.constant 0 : i32
        %dma_start3A_108 = tpu.memref_slice %arg8[%dma_start3A_106, %dma_start3A_107] : memref<10240x128xf32, #tpu.memory_space<vmem_shared>> -> memref<10240x128xf32, #tpu.memory_space<vmem_shared>>
        tpu.enqueue_indirect_dma source(%arg10 : memref<128x128xf32, #tpu.memory_space<vmem>>) target(%dma_start3A_108 : memref<10240x128xf32, #tpu.memory_space<vmem_shared>>) offsets(%dma_start3A_105 : memref<128xi32, #tpu.memory_space<vmem>>) semaphore(%arg14 : memref<!tpu.dma_semaphore, #tpu.memory_space<semaphore_mem>>) {add = true}
        %dma_wait3A_109 = arith.constant 3 : i32
        %dma_wait3A_110 = arith.constant 0 : i32
        %dma_wait3A_111 = tpu.memref_slice %arg9[%dma_wait3A_109, %dma_wait3A_110] : memref<16x128xi32, #tpu.memory_space<vmem>> -> memref<1x128xi32, #tpu.memory_space<vmem>>
        %dma_wait3A_112 = tpu.memref_squeeze %dma_wait3A_111 : memref<1x128xi32, #tpu.memory_space<vmem>> -> memref<128xi32, #tpu.memory_space<vmem>>
        %dma_wait3A_113 = arith.constant 0 : i32
        %dma_wait3A_114 = arith.constant 0 : i32
        %dma_wait3A_115 = tpu.memref_slice %arg2[%dma_wait3A_113, %dma_wait3A_114] : memref<10000x128xf32, #tpu.memory_space<hbm>> -> memref<10000x128xf32, #tpu.memory_space<hbm>>
        tpu.wait_indirect_dma semaphore(%arg13 : memref<!tpu.dma_semaphore, #tpu.memory_space<semaphore_mem>>) src(%dma_wait3A_115 : memref<10000x128xf32, #tpu.memory_space<hbm>>) dst(%arg11 : memref<128x128xf32, #tpu.memory_space<vmem>>)
        %dma_wait3A_116 = arith.constant 10 : i32
        %dma_wait3A_117 = arith.constant 0 : i32
        %dma_wait3A_118 = tpu.memref_slice %arg9[%dma_wait3A_116, %dma_wait3A_117] : memref<16x128xi32, #tpu.memory_space<vmem>> -> memref<1x128xi32, #tpu.memory_space<vmem>>
        %dma_wait3A_119 = tpu.memref_squeeze %dma_wait3A_118 : memref<1x128xi32, #tpu.memory_space<vmem>> -> memref<128xi32, #tpu.memory_space<vmem>>
        %dma_wait3A_120 = arith.constant 0 : i32
        %dma_wait3A_121 = arith.constant 0 : i32
        %dma_wait3A_122 = tpu.memref_slice %arg8[%dma_wait3A_120, %dma_wait3A_121] : memref<10240x128xf32, #tpu.memory_space<vmem_shared>> -> memref<10240x128xf32, #tpu.memory_space<vmem_shared>>
        tpu.wait_indirect_dma semaphore(%arg14 : memref<!tpu.dma_semaphore, #tpu.memory_space<semaphore_mem>>) src(%arg10 : memref<128x128xf32, #tpu.memory_space<vmem>>) dst(%dma_wait3A_122 : memref<10240x128xf32, #tpu.memory_space<vmem_shared>>)
        %dma_start3A_123 = arith.constant 4 : i32
        %dma_start3A_124 = arith.constant 0 : i32
        %dma_start3A_125 = tpu.memref_slice %arg9[%dma_start3A_123, %dma_start3A_124] : memref<16x128xi32, #tpu.memory_space<vmem>> -> memref<1x128xi32, #tpu.memory_space<vmem>>
        %dma_start3A_126 = tpu.memref_squeeze %dma_start3A_125 : memref<1x128xi32, #tpu.memory_space<vmem>> -> memref<128xi32, #tpu.memory_space<vmem>>
        %dma_start3A_127 = arith.constant 0 : i32
        %dma_start3A_128 = arith.constant 0 : i32
        %dma_start3A_129 = tpu.memref_slice %arg2[%dma_start3A_127, %dma_start3A_128] : memref<10000x128xf32, #tpu.memory_space<hbm>> -> memref<10000x128xf32, #tpu.memory_space<hbm>>
        tpu.enqueue_indirect_dma source(%dma_start3A_129 : memref<10000x128xf32, #tpu.memory_space<hbm>>) target(%arg10 : memref<128x128xf32, #tpu.memory_space<vmem>>) offsets(%dma_start3A_126 : memref<128xi32, #tpu.memory_space<vmem>>) semaphore(%arg12 : memref<!tpu.dma_semaphore, #tpu.memory_space<semaphore_mem>>)
        %dma_start3A_130 = arith.constant 11 : i32
        %dma_start3A_131 = arith.constant 0 : i32
        %dma_start3A_132 = tpu.memref_slice %arg9[%dma_start3A_130, %dma_start3A_131] : memref<16x128xi32, #tpu.memory_space<vmem>> -> memref<1x128xi32, #tpu.memory_space<vmem>>
        %dma_start3A_133 = tpu.memref_squeeze %dma_start3A_132 : memref<1x128xi32, #tpu.memory_space<vmem>> -> memref<128xi32, #tpu.memory_space<vmem>>
        %dma_start3A_134 = arith.constant 0 : i32
        %dma_start3A_135 = arith.constant 0 : i32
        %dma_start3A_136 = tpu.memref_slice %arg8[%dma_start3A_134, %dma_start3A_135] : memref<10240x128xf32, #tpu.memory_space<vmem_shared>> -> memref<10240x128xf32, #tpu.memory_space<vmem_shared>>
        tpu.enqueue_indirect_dma source(%arg11 : memref<128x128xf32, #tpu.memory_space<vmem>>) target(%dma_start3A_136 : memref<10240x128xf32, #tpu.memory_space<vmem_shared>>) offsets(%dma_start3A_133 : memref<128xi32, #tpu.memory_space<vmem>>) semaphore(%arg15 : memref<!tpu.dma_semaphore, #tpu.memory_space<semaphore_mem>>) {add = true}
        %dma_wait3A_137 = arith.constant 4 : i32
        %dma_wait3A_138 = arith.constant 0 : i32
        %dma_wait3A_139 = tpu.memref_slice %arg9[%dma_wait3A_137, %dma_wait3A_138] : memref<16x128xi32, #tpu.memory_space<vmem>> -> memref<1x128xi32, #tpu.memory_space<vmem>>
        %dma_wait3A_140 = tpu.memref_squeeze %dma_wait3A_139 : memref<1x128xi32, #tpu.memory_space<vmem>> -> memref<128xi32, #tpu.memory_space<vmem>>
        %dma_wait3A_141 = arith.constant 0 : i32
        %dma_wait3A_142 = arith.constant 0 : i32
        %dma_wait3A_143 = tpu.memref_slice %arg2[%dma_wait3A_141, %dma_wait3A_142] : memref<10000x128xf32, #tpu.memory_space<hbm>> -> memref<10000x128xf32, #tpu.memory_space<hbm>>
        tpu.wait_indirect_dma semaphore(%arg12 : memref<!tpu.dma_semaphore, #tpu.memory_space<semaphore_mem>>) src(%dma_wait3A_143 : memref<10000x128xf32, #tpu.memory_space<hbm>>) dst(%arg10 : memref<128x128xf32, #tpu.memory_space<vmem>>)
        %dma_wait3A_144 = arith.constant 11 : i32
        %dma_wait3A_145 = arith.constant 0 : i32
        %dma_wait3A_146 = tpu.memref_slice %arg9[%dma_wait3A_144, %dma_wait3A_145] : memref<16x128xi32, #tpu.memory_space<vmem>> -> memref<1x128xi32, #tpu.memory_space<vmem>>
        %dma_wait3A_147 = tpu.memref_squeeze %dma_wait3A_146 : memref<1x128xi32, #tpu.memory_space<vmem>> -> memref<128xi32, #tpu.memory_space<vmem>>
        %dma_wait3A_148 = arith.constant 0 : i32
        %dma_wait3A_149 = arith.constant 0 : i32
        %dma_wait3A_150 = tpu.memref_slice %arg8[%dma_wait3A_148, %dma_wait3A_149] : memref<10240x128xf32, #tpu.memory_space<vmem_shared>> -> memref<10240x128xf32, #tpu.memory_space<vmem_shared>>
        tpu.wait_indirect_dma semaphore(%arg15 : memref<!tpu.dma_semaphore, #tpu.memory_space<semaphore_mem>>) src(%arg11 : memref<128x128xf32, #tpu.memory_space<vmem>>) dst(%dma_wait3A_150 : memref<10240x128xf32, #tpu.memory_space<vmem_shared>>)
        %dma_start3A_151 = arith.constant 5 : i32
        %dma_start3A_152 = arith.constant 0 : i32
        %dma_start3A_153 = tpu.memref_slice %arg9[%dma_start3A_151, %dma_start3A_152] : memref<16x128xi32, #tpu.memory_space<vmem>> -> memref<1x128xi32, #tpu.memory_space<vmem>>
        %dma_start3A_154 = tpu.memref_squeeze %dma_start3A_153 : memref<1x128xi32, #tpu.memory_space<vmem>> -> memref<128xi32, #tpu.memory_space<vmem>>
        %dma_start3A_155 = arith.constant 0 : i32
        %dma_start3A_156 = arith.constant 0 : i32
        %dma_start3A_157 = tpu.memref_slice %arg2[%dma_start3A_155, %dma_start3A_156] : memref<10000x128xf32, #tpu.memory_space<hbm>> -> memref<10000x128xf32, #tpu.memory_space<hbm>>
        tpu.enqueue_indirect_dma source(%dma_start3A_157 : memref<10000x128xf32, #tpu.memory_space<hbm>>) target(%arg11 : memref<128x128xf32, #tpu.memory_space<vmem>>) offsets(%dma_start3A_154 : memref<128xi32, #tpu.memory_space<vmem>>) semaphore(%arg13 : memref<!tpu.dma_semaphore, #tpu.memory_space<semaphore_mem>>)
        %dma_start3A_158 = arith.constant 12 : i32
        %dma_start3A_159 = arith.constant 0 : i32
        %dma_start3A_160 = tpu.memref_slice %arg9[%dma_start3A_158, %dma_start3A_159] : memref<16x128xi32, #tpu.memory_space<vmem>> -> memref<1x128xi32, #tpu.memory_space<vmem>>
        %dma_start3A_161 = tpu.memref_squeeze %dma_start3A_160 : memref<1x128xi32, #tpu.memory_space<vmem>> -> memref<128xi32, #tpu.memory_space<vmem>>
        %dma_start3A_162 = arith.constant 0 : i32
        %dma_start3A_163 = arith.constant 0 : i32
        %dma_start3A_164 = tpu.memref_slice %arg8[%dma_start3A_162, %dma_start3A_163] : memref<10240x128xf32, #tpu.memory_space<vmem_shared>> -> memref<10240x128xf32, #tpu.memory_space<vmem_shared>>
        tpu.enqueue_indirect_dma source(%arg10 : memref<128x128xf32, #tpu.memory_space<vmem>>) target(%dma_start3A_164 : memref<10240x128xf32, #tpu.memory_space<vmem_shared>>) offsets(%dma_start3A_161 : memref<128xi32, #tpu.memory_space<vmem>>) semaphore(%arg14 : memref<!tpu.dma_semaphore, #tpu.memory_space<semaphore_mem>>) {add = true}
        %dma_wait3A_165 = arith.constant 5 : i32
        %dma_wait3A_166 = arith.constant 0 : i32
        %dma_wait3A_167 = tpu.memref_slice %arg9[%dma_wait3A_165, %dma_wait3A_166] : memref<16x128xi32, #tpu.memory_space<vmem>> -> memref<1x128xi32, #tpu.memory_space<vmem>>
        %dma_wait3A_168 = tpu.memref_squeeze %dma_wait3A_167 : memref<1x128xi32, #tpu.memory_space<vmem>> -> memref<128xi32, #tpu.memory_space<vmem>>
        %dma_wait3A_169 = arith.constant 0 : i32
        %dma_wait3A_170 = arith.constant 0 : i32
        %dma_wait3A_171 = tpu.memref_slice %arg2[%dma_wait3A_169, %dma_wait3A_170] : memref<10000x128xf32, #tpu.memory_space<hbm>> -> memref<10000x128xf32, #tpu.memory_space<hbm>>
        tpu.wait_indirect_dma semaphore(%arg13 : memref<!tpu.dma_semaphore, #tpu.memory_space<semaphore_mem>>) src(%dma_wait3A_171 : memref<10000x128xf32, #tpu.memory_space<hbm>>) dst(%arg11 : memref<128x128xf32, #tpu.memory_space<vmem>>)
        %dma_wait3A_172 = arith.constant 12 : i32
        %dma_wait3A_173 = arith.constant 0 : i32
        %dma_wait3A_174 = tpu.memref_slice %arg9[%dma_wait3A_172, %dma_wait3A_173] : memref<16x128xi32, #tpu.memory_space<vmem>> -> memref<1x128xi32, #tpu.memory_space<vmem>>
        %dma_wait3A_175 = tpu.memref_squeeze %dma_wait3A_174 : memref<1x128xi32, #tpu.memory_space<vmem>> -> memref<128xi32, #tpu.memory_space<vmem>>
        %dma_wait3A_176 = arith.constant 0 : i32
        %dma_wait3A_177 = arith.constant 0 : i32
        %dma_wait3A_178 = tpu.memref_slice %arg8[%dma_wait3A_176, %dma_wait3A_177] : memref<10240x128xf32, #tpu.memory_space<vmem_shared>> -> memref<10240x128xf32, #tpu.memory_space<vmem_shared>>
        tpu.wait_indirect_dma semaphore(%arg14 : memref<!tpu.dma_semaphore, #tpu.memory_space<semaphore_mem>>) src(%arg10 : memref<128x128xf32, #tpu.memory_space<vmem>>) dst(%dma_wait3A_178 : memref<10240x128xf32, #tpu.memory_space<vmem_shared>>)
        %dma_start3A_179 = arith.constant 6 : i32
        %dma_start3A_180 = arith.constant 0 : i32
        %dma_start3A_181 = tpu.memref_slice %arg9[%dma_start3A_179, %dma_start3A_180] : memref<16x128xi32, #tpu.memory_space<vmem>> -> memref<1x128xi32, #tpu.memory_space<vmem>>
        %dma_start3A_182 = tpu.memref_squeeze %dma_start3A_181 : memref<1x128xi32, #tpu.memory_space<vmem>> -> memref<128xi32, #tpu.memory_space<vmem>>
        %dma_start3A_183 = arith.constant 0 : i32
        %dma_start3A_184 = arith.constant 0 : i32
        %dma_start3A_185 = tpu.memref_slice %arg2[%dma_start3A_183, %dma_start3A_184] : memref<10000x128xf32, #tpu.memory_space<hbm>> -> memref<10000x128xf32, #tpu.memory_space<hbm>>
        tpu.enqueue_indirect_dma source(%dma_start3A_185 : memref<10000x128xf32, #tpu.memory_space<hbm>>) target(%arg10 : memref<128x128xf32, #tpu.memory_space<vmem>>) offsets(%dma_start3A_182 : memref<128xi32, #tpu.memory_space<vmem>>) semaphore(%arg12 : memref<!tpu.dma_semaphore, #tpu.memory_space<semaphore_mem>>)
        %dma_start3A_186 = arith.constant 13 : i32
        %dma_start3A_187 = arith.constant 0 : i32
        %dma_start3A_188 = tpu.memref_slice %arg9[%dma_start3A_186, %dma_start3A_187] : memref<16x128xi32, #tpu.memory_space<vmem>> -> memref<1x128xi32, #tpu.memory_space<vmem>>
        %dma_start3A_189 = tpu.memref_squeeze %dma_start3A_188 : memref<1x128xi32, #tpu.memory_space<vmem>> -> memref<128xi32, #tpu.memory_space<vmem>>
        %dma_start3A_190 = arith.constant 0 : i32
        %dma_start3A_191 = arith.constant 0 : i32
        %dma_start3A_192 = tpu.memref_slice %arg8[%dma_start3A_190, %dma_start3A_191] : memref<10240x128xf32, #tpu.memory_space<vmem_shared>> -> memref<10240x128xf32, #tpu.memory_space<vmem_shared>>
        tpu.enqueue_indirect_dma source(%arg11 : memref<128x128xf32, #tpu.memory_space<vmem>>) target(%dma_start3A_192 : memref<10240x128xf32, #tpu.memory_space<vmem_shared>>) offsets(%dma_start3A_189 : memref<128xi32, #tpu.memory_space<vmem>>) semaphore(%arg15 : memref<!tpu.dma_semaphore, #tpu.memory_space<semaphore_mem>>) {add = true}
        %dma_wait3A_193 = arith.constant 6 : i32
        %dma_wait3A_194 = arith.constant 0 : i32
        %dma_wait3A_195 = tpu.memref_slice %arg9[%dma_wait3A_193, %dma_wait3A_194] : memref<16x128xi32, #tpu.memory_space<vmem>> -> memref<1x128xi32, #tpu.memory_space<vmem>>
        %dma_wait3A_196 = tpu.memref_squeeze %dma_wait3A_195 : memref<1x128xi32, #tpu.memory_space<vmem>> -> memref<128xi32, #tpu.memory_space<vmem>>
        %dma_wait3A_197 = arith.constant 0 : i32
        %dma_wait3A_198 = arith.constant 0 : i32
        %dma_wait3A_199 = tpu.memref_slice %arg2[%dma_wait3A_197, %dma_wait3A_198] : memref<10000x128xf32, #tpu.memory_space<hbm>> -> memref<10000x128xf32, #tpu.memory_space<hbm>>
        tpu.wait_indirect_dma semaphore(%arg12 : memref<!tpu.dma_semaphore, #tpu.memory_space<semaphore_mem>>) src(%dma_wait3A_199 : memref<10000x128xf32, #tpu.memory_space<hbm>>) dst(%arg10 : memref<128x128xf32, #tpu.memory_space<vmem>>)
        %dma_wait3A_200 = arith.constant 13 : i32
        %dma_wait3A_201 = arith.constant 0 : i32
        %dma_wait3A_202 = tpu.memref_slice %arg9[%dma_wait3A_200, %dma_wait3A_201] : memref<16x128xi32, #tpu.memory_space<vmem>> -> memref<1x128xi32, #tpu.memory_space<vmem>>
        %dma_wait3A_203 = tpu.memref_squeeze %dma_wait3A_202 : memref<1x128xi32, #tpu.memory_space<vmem>> -> memref<128xi32, #tpu.memory_space<vmem>>
        %dma_wait3A_204 = arith.constant 0 : i32
        %dma_wait3A_205 = arith.constant 0 : i32
        %dma_wait3A_206 = tpu.memref_slice %arg8[%dma_wait3A_204, %dma_wait3A_205] : memref<10240x128xf32, #tpu.memory_space<vmem_shared>> -> memref<10240x128xf32, #tpu.memory_space<vmem_shared>>
        tpu.wait_indirect_dma semaphore(%arg15 : memref<!tpu.dma_semaphore, #tpu.memory_space<semaphore_mem>>) src(%arg11 : memref<128x128xf32, #tpu.memory_space<vmem>>) dst(%dma_wait3A_206 : memref<10240x128xf32, #tpu.memory_space<vmem_shared>>)
        %dma_start3A_207 = arith.constant 7 : i32
        %dma_start3A_208 = arith.constant 0 : i32
        %dma_start3A_209 = tpu.memref_slice %arg9[%dma_start3A_207, %dma_start3A_208] : memref<16x128xi32, #tpu.memory_space<vmem>> -> memref<1x128xi32, #tpu.memory_space<vmem>>
        %dma_start3A_210 = tpu.memref_squeeze %dma_start3A_209 : memref<1x128xi32, #tpu.memory_space<vmem>> -> memref<128xi32, #tpu.memory_space<vmem>>
        %dma_start3A_211 = arith.constant 0 : i32
        %dma_start3A_212 = arith.constant 0 : i32
        %dma_start3A_213 = tpu.memref_slice %arg2[%dma_start3A_211, %dma_start3A_212] : memref<10000x128xf32, #tpu.memory_space<hbm>> -> memref<10000x128xf32, #tpu.memory_space<hbm>>
        tpu.enqueue_indirect_dma source(%dma_start3A_213 : memref<10000x128xf32, #tpu.memory_space<hbm>>) target(%arg11 : memref<128x128xf32, #tpu.memory_space<vmem>>) offsets(%dma_start3A_210 : memref<128xi32, #tpu.memory_space<vmem>>) semaphore(%arg13 : memref<!tpu.dma_semaphore, #tpu.memory_space<semaphore_mem>>)
        %dma_start3A_214 = arith.constant 14 : i32
        %dma_start3A_215 = arith.constant 0 : i32
        %dma_start3A_216 = tpu.memref_slice %arg9[%dma_start3A_214, %dma_start3A_215] : memref<16x128xi32, #tpu.memory_space<vmem>> -> memref<1x128xi32, #tpu.memory_space<vmem>>
        %dma_start3A_217 = tpu.memref_squeeze %dma_start3A_216 : memref<1x128xi32, #tpu.memory_space<vmem>> -> memref<128xi32, #tpu.memory_space<vmem>>
        %dma_start3A_218 = arith.constant 0 : i32
        %dma_start3A_219 = arith.constant 0 : i32
        %dma_start3A_220 = tpu.memref_slice %arg8[%dma_start3A_218, %dma_start3A_219] : memref<10240x128xf32, #tpu.memory_space<vmem_shared>> -> memref<10240x128xf32, #tpu.memory_space<vmem_shared>>
        tpu.enqueue_indirect_dma source(%arg10 : memref<128x128xf32, #tpu.memory_space<vmem>>) target(%dma_start3A_220 : memref<10240x128xf32, #tpu.memory_space<vmem_shared>>) offsets(%dma_start3A_217 : memref<128xi32, #tpu.memory_space<vmem>>) semaphore(%arg14 : memref<!tpu.dma_semaphore, #tpu.memory_space<semaphore_mem>>) {add = true}
        %dma_wait3A_221 = arith.constant 7 : i32
        %dma_wait3A_222 = arith.constant 0 : i32
        %dma_wait3A_223 = tpu.memref_slice %arg9[%dma_wait3A_221, %dma_wait3A_222] : memref<16x128xi32, #tpu.memory_space<vmem>> -> memref<1x128xi32, #tpu.memory_space<vmem>>
        %dma_wait3A_224 = tpu.memref_squeeze %dma_wait3A_223 : memref<1x128xi32, #tpu.memory_space<vmem>> -> memref<128xi32, #tpu.memory_space<vmem>>
        %dma_wait3A_225 = arith.constant 0 : i32
        %dma_wait3A_226 = arith.constant 0 : i32
        %dma_wait3A_227 = tpu.memref_slice %arg2[%dma_wait3A_225, %dma_wait3A_226] : memref<10000x128xf32, #tpu.memory_space<hbm>> -> memref<10000x128xf32, #tpu.memory_space<hbm>>
        tpu.wait_indirect_dma semaphore(%arg13 : memref<!tpu.dma_semaphore, #tpu.memory_space<semaphore_mem>>) src(%dma_wait3A_227 : memref<10000x128xf32, #tpu.memory_space<hbm>>) dst(%arg11 : memref<128x128xf32, #tpu.memory_space<vmem>>)
        %dma_start3A_228 = arith.constant 15 : i32
        %dma_start3A_229 = arith.constant 0 : i32
        %dma_start3A_230 = tpu.memref_slice %arg9[%dma_start3A_228, %dma_start3A_229] : memref<16x128xi32, #tpu.memory_space<vmem>> -> memref<1x128xi32, #tpu.memory_space<vmem>>
        %dma_start3A_231 = tpu.memref_squeeze %dma_start3A_230 : memref<1x128xi32, #tpu.memory_space<vmem>> -> memref<128xi32, #tpu.memory_space<vmem>>
        %dma_start3A_232 = arith.constant 0 : i32
        %dma_start3A_233 = arith.constant 0 : i32
        %dma_start3A_234 = tpu.memref_slice %arg8[%dma_start3A_232, %dma_start3A_233] : memref<10240x128xf32, #tpu.memory_space<vmem_shared>> -> memref<10240x128xf32, #tpu.memory_space<vmem_shared>>
        tpu.enqueue_indirect_dma source(%arg11 : memref<128x128xf32, #tpu.memory_space<vmem>>) target(%dma_start3A_234 : memref<10240x128xf32, #tpu.memory_space<vmem_shared>>) offsets(%dma_start3A_231 : memref<128xi32, #tpu.memory_space<vmem>>) semaphore(%arg15 : memref<!tpu.dma_semaphore, #tpu.memory_space<semaphore_mem>>) {add = true}
        %dma_wait3A_235 = arith.constant 14 : i32
        %dma_wait3A_236 = arith.constant 0 : i32
        %dma_wait3A_237 = tpu.memref_slice %arg9[%dma_wait3A_235, %dma_wait3A_236] : memref<16x128xi32, #tpu.memory_space<vmem>> -> memref<1x128xi32, #tpu.memory_space<vmem>>
        %dma_wait3A_238 = tpu.memref_squeeze %dma_wait3A_237 : memref<1x128xi32, #tpu.memory_space<vmem>> -> memref<128xi32, #tpu.memory_space<vmem>>
        %dma_wait3A_239 = arith.constant 0 : i32
        %dma_wait3A_240 = arith.constant 0 : i32
        %dma_wait3A_241 = tpu.memref_slice %arg8[%dma_wait3A_239, %dma_wait3A_240] : memref<10240x128xf32, #tpu.memory_space<vmem_shared>> -> memref<10240x128xf32, #tpu.memory_space<vmem_shared>>
        tpu.wait_indirect_dma semaphore(%arg14 : memref<!tpu.dma_semaphore, #tpu.memory_space<semaphore_mem>>) src(%arg10 : memref<128x128xf32, #tpu.memory_space<vmem>>) dst(%dma_wait3A_241 : memref<10240x128xf32, #tpu.memory_space<vmem_shared>>)
        %dma_wait3A_242 = arith.constant 15 : i32
        %dma_wait3A_243 = arith.constant 0 : i32
        %dma_wait3A_244 = tpu.memref_slice %arg9[%dma_wait3A_242, %dma_wait3A_243] : memref<16x128xi32, #tpu.memory_space<vmem>> -> memref<1x128xi32, #tpu.memory_space<vmem>>
        %dma_wait3A_245 = tpu.memref_squeeze %dma_wait3A_244 : memref<1x128xi32, #tpu.memory_space<vmem>> -> memref<128xi32, #tpu.memory_space<vmem>>
        %dma_wait3A_246 = arith.constant 0 : i32
        %dma_wait3A_247 = arith.constant 0 : i32
        %dma_wait3A_248 = tpu.memref_slice %arg8[%dma_wait3A_246, %dma_wait3A_247] : memref<10240x128xf32, #tpu.memory_space<vmem_shared>> -> memref<10240x128xf32, #tpu.memory_space<vmem_shared>>
        tpu.wait_indirect_dma semaphore(%arg15 : memref<!tpu.dma_semaphore, #tpu.memory_space<semaphore_mem>>) src(%arg11 : memref<128x128xf32, #tpu.memory_space<vmem>>) dst(%dma_wait3A_248 : memref<10240x128xf32, #tpu.memory_space<vmem_shared>>)
      }
      %scan3A_23 = arith.constant 10 : i32
    } else {
    }
    %eq3A_3 = arith.constant 1 : i32
    %eq3A_4 = arith.cmpi eq, %arg0, %eq3A_3 : i32
    %convert_element_type3A_5 = arith.extui %eq3A_4 : i1 to i32
    %cond3A_6 = arith.constant 0 : i32
    %cond3A_7 = arith.cmpi ne, %convert_element_type3A_5, %cond3A_6 : i32
    scf.if %cond3A_7 {
      %scan3A = arith.constant 0 : i32
      %scan3A_19 = arith.constant 0 : i32
      %scan3A_20 = arith.constant 10 : i32
      %scan3A_21 = arith.addi %scan3A_19, %scan3A_20 : i32
      %scan3A_22 = arith.constant 1 : i32
      scf.for %scan3A_24 = %scan3A_19 to %scan3A_21 step %scan3A_22  : i32 {
        %mul3A_25 = arith.constant 10 : i32
        %mul3A_26 = arith.muli %arg1, %mul3A_25 : i32
        %add3A = arith.addi %mul3A_26, %scan3A_24 : i32
        "tpu.region"() ({
          %run_scoped3A = tpu.sem_alloc : memref<!tpu.dma_semaphore, #tpu.memory_space<semaphore_mem>>
          %dma_start3A_249 = arith.constant 0 : i32
          %dma_start3A_250 = arith.constant 0 : i32
          %dma_start3A_251 = tpu.memref_slice %arg4[%add3A, %dma_start3A_249, %dma_start3A_250] : memref<160x16x128xi32, #tpu.memory_space<hbm>> -> memref<1x16x128xi32, #tpu.memory_space<hbm>>
          %dma_start3A_252 = tpu.memref_squeeze %dma_start3A_251 : memref<1x16x128xi32, #tpu.memory_space<hbm>> -> memref<16x128xi32, #tpu.memory_space<hbm>>
          %dma_start3A_253 = arith.constant 0 : i32
          %dma_start3A_254 = arith.constant 0 : i32
          %dma_start3A_255 = tpu.memref_slice %arg4[%add3A, %dma_start3A_253, %dma_start3A_254] : memref<160x16x128xi32, #tpu.memory_space<hbm>> -> memref<1x16x128xi32, #tpu.memory_space<hbm>>
          %dma_start3A_256 = tpu.memref_squeeze %dma_start3A_255 : memref<1x16x128xi32, #tpu.memory_space<hbm>> -> memref<16x128xi32, #tpu.memory_space<hbm>>
          tpu.enqueue_dma source(%dma_start3A_256 : memref<16x128xi32, #tpu.memory_space<hbm>>) target(%arg9 : memref<16x128xi32, #tpu.memory_space<vmem>>) target_semaphore(%run_scoped3A : memref<!tpu.dma_semaphore, #tpu.memory_space<semaphore_mem>>)
          %dma_wait3A_257 = arith.constant 0 : i32
          %dma_wait3A_258 = arith.constant 0 : i32
          %dma_wait3A_259 = tpu.memref_slice %arg4[%add3A, %dma_wait3A_257, %dma_wait3A_258] : memref<160x16x128xi32, #tpu.memory_space<hbm>> -> memref<1x16x128xi32, #tpu.memory_space<hbm>>
          %dma_wait3A_260 = tpu.memref_squeeze %dma_wait3A_259 : memref<1x16x128xi32, #tpu.memory_space<hbm>> -> memref<16x128xi32, #tpu.memory_space<hbm>>
          %dma_wait3A_261 = arith.constant 0 : i32
          %dma_wait3A_262 = arith.constant 0 : i32
          %dma_wait3A_263 = tpu.memref_slice %arg4[%add3A, %dma_wait3A_261, %dma_wait3A_262] : memref<160x16x128xi32, #tpu.memory_space<hbm>> -> memref<1x16x128xi32, #tpu.memory_space<hbm>>
          %dma_wait3A_264 = tpu.memref_squeeze %dma_wait3A_263 : memref<1x16x128xi32, #tpu.memory_space<hbm>> -> memref<16x128xi32, #tpu.memory_space<hbm>>
          tpu.wait_dma2 semaphore(%run_scoped3A : memref<!tpu.dma_semaphore, #tpu.memory_space<semaphore_mem>>) src(%dma_wait3A_264 : memref<16x128xi32, #tpu.memory_space<hbm>>) dst(%arg9 : memref<16x128xi32, #tpu.memory_space<vmem>>)
          tpu.yield
        }) : () -> ()
        %dma_start3A = arith.constant 0 : i32
        %dma_start3A_27 = arith.constant 0 : i32
        %dma_start3A_28 = tpu.memref_slice %arg9[%dma_start3A, %dma_start3A_27] : memref<16x128xi32, #tpu.memory_space<vmem>> -> memref<1x128xi32, #tpu.memory_space<vmem>>
        %dma_start3A_29 = tpu.memref_squeeze %dma_start3A_28 : memref<1x128xi32, #tpu.memory_space<vmem>> -> memref<128xi32, #tpu.memory_space<vmem>>
        %dma_start3A_30 = arith.constant 0 : i32
        %dma_start3A_31 = arith.constant 0 : i32
        %dma_start3A_32 = tpu.memref_slice %arg3[%dma_start3A_30, %dma_start3A_31] : memref<10000x128xf32, #tpu.memory_space<hbm>> -> memref<10000x128xf32, #tpu.memory_space<hbm>>
        tpu.enqueue_indirect_dma source(%dma_start3A_32 : memref<10000x128xf32, #tpu.memory_space<hbm>>) target(%arg10 : memref<128x128xf32, #tpu.memory_space<vmem>>) offsets(%dma_start3A_29 : memref<128xi32, #tpu.memory_space<vmem>>) semaphore(%arg12 : memref<!tpu.dma_semaphore, #tpu.memory_space<semaphore_mem>>)
        %dma_wait3A = arith.constant 0 : i32
        %dma_wait3A_33 = arith.constant 0 : i32
        %dma_wait3A_34 = tpu.memref_slice %arg9[%dma_wait3A, %dma_wait3A_33] : memref<16x128xi32, #tpu.memory_space<vmem>> -> memref<1x128xi32, #tpu.memory_space<vmem>>
        %dma_wait3A_35 = tpu.memref_squeeze %dma_wait3A_34 : memref<1x128xi32, #tpu.memory_space<vmem>> -> memref<128xi32, #tpu.memory_space<vmem>>
        %dma_wait3A_36 = arith.constant 0 : i32
        %dma_wait3A_37 = arith.constant 0 : i32
        %dma_wait3A_38 = tpu.memref_slice %arg3[%dma_wait3A_36, %dma_wait3A_37] : memref<10000x128xf32, #tpu.memory_space<hbm>> -> memref<10000x128xf32, #tpu.memory_space<hbm>>
        tpu.wait_indirect_dma semaphore(%arg12 : memref<!tpu.dma_semaphore, #tpu.memory_space<semaphore_mem>>) src(%dma_wait3A_38 : memref<10000x128xf32, #tpu.memory_space<hbm>>) dst(%arg10 : memref<128x128xf32, #tpu.memory_space<vmem>>)
        %dma_start3A_39 = arith.constant 1 : i32
        %dma_start3A_40 = arith.constant 0 : i32
        %dma_start3A_41 = tpu.memref_slice %arg9[%dma_start3A_39, %dma_start3A_40] : memref<16x128xi32, #tpu.memory_space<vmem>> -> memref<1x128xi32, #tpu.memory_space<vmem>>
        %dma_start3A_42 = tpu.memref_squeeze %dma_start3A_41 : memref<1x128xi32, #tpu.memory_space<vmem>> -> memref<128xi32, #tpu.memory_space<vmem>>
        %dma_start3A_43 = arith.constant 0 : i32
        %dma_start3A_44 = arith.constant 0 : i32
        %dma_start3A_45 = tpu.memref_slice %arg3[%dma_start3A_43, %dma_start3A_44] : memref<10000x128xf32, #tpu.memory_space<hbm>> -> memref<10000x128xf32, #tpu.memory_space<hbm>>
        tpu.enqueue_indirect_dma source(%dma_start3A_45 : memref<10000x128xf32, #tpu.memory_space<hbm>>) target(%arg11 : memref<128x128xf32, #tpu.memory_space<vmem>>) offsets(%dma_start3A_42 : memref<128xi32, #tpu.memory_space<vmem>>) semaphore(%arg13 : memref<!tpu.dma_semaphore, #tpu.memory_space<semaphore_mem>>)
        %dma_start3A_46 = arith.constant 8 : i32
        %dma_start3A_47 = arith.constant 0 : i32
        %dma_start3A_48 = tpu.memref_slice %arg9[%dma_start3A_46, %dma_start3A_47] : memref<16x128xi32, #tpu.memory_space<vmem>> -> memref<1x128xi32, #tpu.memory_space<vmem>>
        %dma_start3A_49 = tpu.memref_squeeze %dma_start3A_48 : memref<1x128xi32, #tpu.memory_space<vmem>> -> memref<128xi32, #tpu.memory_space<vmem>>
        %dma_start3A_50 = arith.constant 0 : i32
        %dma_start3A_51 = arith.constant 0 : i32
        %dma_start3A_52 = tpu.memref_slice %arg8[%dma_start3A_50, %dma_start3A_51] : memref<10240x128xf32, #tpu.memory_space<vmem_shared>> -> memref<10240x128xf32, #tpu.memory_space<vmem_shared>>
        tpu.enqueue_indirect_dma source(%arg10 : memref<128x128xf32, #tpu.memory_space<vmem>>) target(%dma_start3A_52 : memref<10240x128xf32, #tpu.memory_space<vmem_shared>>) offsets(%dma_start3A_49 : memref<128xi32, #tpu.memory_space<vmem>>) semaphore(%arg14 : memref<!tpu.dma_semaphore, #tpu.memory_space<semaphore_mem>>) {add = true}
        %dma_wait3A_53 = arith.constant 1 : i32
        %dma_wait3A_54 = arith.constant 0 : i32
        %dma_wait3A_55 = tpu.memref_slice %arg9[%dma_wait3A_53, %dma_wait3A_54] : memref<16x128xi32, #tpu.memory_space<vmem>> -> memref<1x128xi32, #tpu.memory_space<vmem>>
        %dma_wait3A_56 = tpu.memref_squeeze %dma_wait3A_55 : memref<1x128xi32, #tpu.memory_space<vmem>> -> memref<128xi32, #tpu.memory_space<vmem>>
        %dma_wait3A_57 = arith.constant 0 : i32
        %dma_wait3A_58 = arith.constant 0 : i32
        %dma_wait3A_59 = tpu.memref_slice %arg3[%dma_wait3A_57, %dma_wait3A_58] : memref<10000x128xf32, #tpu.memory_space<hbm>> -> memref<10000x128xf32, #tpu.memory_space<hbm>>
        tpu.wait_indirect_dma semaphore(%arg13 : memref<!tpu.dma_semaphore, #tpu.memory_space<semaphore_mem>>) src(%dma_wait3A_59 : memref<10000x128xf32, #tpu.memory_space<hbm>>) dst(%arg11 : memref<128x128xf32, #tpu.memory_space<vmem>>)
        %dma_wait3A_60 = arith.constant 8 : i32
        %dma_wait3A_61 = arith.constant 0 : i32
        %dma_wait3A_62 = tpu.memref_slice %arg9[%dma_wait3A_60, %dma_wait3A_61] : memref<16x128xi32, #tpu.memory_space<vmem>> -> memref<1x128xi32, #tpu.memory_space<vmem>>
        %dma_wait3A_63 = tpu.memref_squeeze %dma_wait3A_62 : memref<1x128xi32, #tpu.memory_space<vmem>> -> memref<128xi32, #tpu.memory_space<vmem>>
        %dma_wait3A_64 = arith.constant 0 : i32
        %dma_wait3A_65 = arith.constant 0 : i32
        %dma_wait3A_66 = tpu.memref_slice %arg8[%dma_wait3A_64, %dma_wait3A_65] : memref<10240x128xf32, #tpu.memory_space<vmem_shared>> -> memref<10240x128xf32, #tpu.memory_space<vmem_shared>>
        tpu.wait_indirect_dma semaphore(%arg14 : memref<!tpu.dma_semaphore, #tpu.memory_space<semaphore_mem>>) src(%arg10 : memref<128x128xf32, #tpu.memory_space<vmem>>) dst(%dma_wait3A_66 : memref<10240x128xf32, #tpu.memory_space<vmem_shared>>)
        %dma_start3A_67 = arith.constant 2 : i32
        %dma_start3A_68 = arith.constant 0 : i32
        %dma_start3A_69 = tpu.memref_slice %arg9[%dma_start3A_67, %dma_start3A_68] : memref<16x128xi32, #tpu.memory_space<vmem>> -> memref<1x128xi32, #tpu.memory_space<vmem>>
        %dma_start3A_70 = tpu.memref_squeeze %dma_start3A_69 : memref<1x128xi32, #tpu.memory_space<vmem>> -> memref<128xi32, #tpu.memory_space<vmem>>
        %dma_start3A_71 = arith.constant 0 : i32
        %dma_start3A_72 = arith.constant 0 : i32
        %dma_start3A_73 = tpu.memref_slice %arg3[%dma_start3A_71, %dma_start3A_72] : memref<10000x128xf32, #tpu.memory_space<hbm>> -> memref<10000x128xf32, #tpu.memory_space<hbm>>
        tpu.enqueue_indirect_dma source(%dma_start3A_73 : memref<10000x128xf32, #tpu.memory_space<hbm>>) target(%arg10 : memref<128x128xf32, #tpu.memory_space<vmem>>) offsets(%dma_start3A_70 : memref<128xi32, #tpu.memory_space<vmem>>) semaphore(%arg12 : memref<!tpu.dma_semaphore, #tpu.memory_space<semaphore_mem>>)
        %dma_start3A_74 = arith.constant 9 : i32
        %dma_start3A_75 = arith.constant 0 : i32
        %dma_start3A_76 = tpu.memref_slice %arg9[%dma_start3A_74, %dma_start3A_75] : memref<16x128xi32, #tpu.memory_space<vmem>> -> memref<1x128xi32, #tpu.memory_space<vmem>>
        %dma_start3A_77 = tpu.memref_squeeze %dma_start3A_76 : memref<1x128xi32, #tpu.memory_space<vmem>> -> memref<128xi32, #tpu.memory_space<vmem>>
        %dma_start3A_78 = arith.constant 0 : i32
        %dma_start3A_79 = arith.constant 0 : i32
        %dma_start3A_80 = tpu.memref_slice %arg8[%dma_start3A_78, %dma_start3A_79] : memref<10240x128xf32, #tpu.memory_space<vmem_shared>> -> memref<10240x128xf32, #tpu.memory_space<vmem_shared>>
        tpu.enqueue_indirect_dma source(%arg11 : memref<128x128xf32, #tpu.memory_space<vmem>>) target(%dma_start3A_80 : memref<10240x128xf32, #tpu.memory_space<vmem_shared>>) offsets(%dma_start3A_77 : memref<128xi32, #tpu.memory_space<vmem>>) semaphore(%arg15 : memref<!tpu.dma_semaphore, #tpu.memory_space<semaphore_mem>>) {add = true}
        %dma_wait3A_81 = arith.constant 2 : i32
        %dma_wait3A_82 = arith.constant 0 : i32
        %dma_wait3A_83 = tpu.memref_slice %arg9[%dma_wait3A_81, %dma_wait3A_82] : memref<16x128xi32, #tpu.memory_space<vmem>> -> memref<1x128xi32, #tpu.memory_space<vmem>>
        %dma_wait3A_84 = tpu.memref_squeeze %dma_wait3A_83 : memref<1x128xi32, #tpu.memory_space<vmem>> -> memref<128xi32, #tpu.memory_space<vmem>>
        %dma_wait3A_85 = arith.constant 0 : i32
        %dma_wait3A_86 = arith.constant 0 : i32
        %dma_wait3A_87 = tpu.memref_slice %arg3[%dma_wait3A_85, %dma_wait3A_86] : memref<10000x128xf32, #tpu.memory_space<hbm>> -> memref<10000x128xf32, #tpu.memory_space<hbm>>
        tpu.wait_indirect_dma semaphore(%arg12 : memref<!tpu.dma_semaphore, #tpu.memory_space<semaphore_mem>>) src(%dma_wait3A_87 : memref<10000x128xf32, #tpu.memory_space<hbm>>) dst(%arg10 : memref<128x128xf32, #tpu.memory_space<vmem>>)
        %dma_wait3A_88 = arith.constant 9 : i32
        %dma_wait3A_89 = arith.constant 0 : i32
        %dma_wait3A_90 = tpu.memref_slice %arg9[%dma_wait3A_88, %dma_wait3A_89] : memref<16x128xi32, #tpu.memory_space<vmem>> -> memref<1x128xi32, #tpu.memory_space<vmem>>
        %dma_wait3A_91 = tpu.memref_squeeze %dma_wait3A_90 : memref<1x128xi32, #tpu.memory_space<vmem>> -> memref<128xi32, #tpu.memory_space<vmem>>
        %dma_wait3A_92 = arith.constant 0 : i32
        %dma_wait3A_93 = arith.constant 0 : i32
        %dma_wait3A_94 = tpu.memref_slice %arg8[%dma_wait3A_92, %dma_wait3A_93] : memref<10240x128xf32, #tpu.memory_space<vmem_shared>> -> memref<10240x128xf32, #tpu.memory_space<vmem_shared>>
        tpu.wait_indirect_dma semaphore(%arg15 : memref<!tpu.dma_semaphore, #tpu.memory_space<semaphore_mem>>) src(%arg11 : memref<128x128xf32, #tpu.memory_space<vmem>>) dst(%dma_wait3A_94 : memref<10240x128xf32, #tpu.memory_space<vmem_shared>>)
        %dma_start3A_95 = arith.constant 3 : i32
        %dma_start3A_96 = arith.constant 0 : i32
        %dma_start3A_97 = tpu.memref_slice %arg9[%dma_start3A_95, %dma_start3A_96] : memref<16x128xi32, #tpu.memory_space<vmem>> -> memref<1x128xi32, #tpu.memory_space<vmem>>
        %dma_start3A_98 = tpu.memref_squeeze %dma_start3A_97 : memref<1x128xi32, #tpu.memory_space<vmem>> -> memref<128xi32, #tpu.memory_space<vmem>>
        %dma_start3A_99 = arith.constant 0 : i32
        %dma_start3A_100 = arith.constant 0 : i32
        %dma_start3A_101 = tpu.memref_slice %arg3[%dma_start3A_99, %dma_start3A_100] : memref<10000x128xf32, #tpu.memory_space<hbm>> -> memref<10000x128xf32, #tpu.memory_space<hbm>>
        tpu.enqueue_indirect_dma source(%dma_start3A_101 : memref<10000x128xf32, #tpu.memory_space<hbm>>) target(%arg11 : memref<128x128xf32, #tpu.memory_space<vmem>>) offsets(%dma_start3A_98 : memref<128xi32, #tpu.memory_space<vmem>>) semaphore(%arg13 : memref<!tpu.dma_semaphore, #tpu.memory_space<semaphore_mem>>)
        %dma_start3A_102 = arith.constant 10 : i32
        %dma_start3A_103 = arith.constant 0 : i32
        %dma_start3A_104 = tpu.memref_slice %arg9[%dma_start3A_102, %dma_start3A_103] : memref<16x128xi32, #tpu.memory_space<vmem>> -> memref<1x128xi32, #tpu.memory_space<vmem>>
        %dma_start3A_105 = tpu.memref_squeeze %dma_start3A_104 : memref<1x128xi32, #tpu.memory_space<vmem>> -> memref<128xi32, #tpu.memory_space<vmem>>
        %dma_start3A_106 = arith.constant 0 : i32
        %dma_start3A_107 = arith.constant 0 : i32
        %dma_start3A_108 = tpu.memref_slice %arg8[%dma_start3A_106, %dma_start3A_107] : memref<10240x128xf32, #tpu.memory_space<vmem_shared>> -> memref<10240x128xf32, #tpu.memory_space<vmem_shared>>
        tpu.enqueue_indirect_dma source(%arg10 : memref<128x128xf32, #tpu.memory_space<vmem>>) target(%dma_start3A_108 : memref<10240x128xf32, #tpu.memory_space<vmem_shared>>) offsets(%dma_start3A_105 : memref<128xi32, #tpu.memory_space<vmem>>) semaphore(%arg14 : memref<!tpu.dma_semaphore, #tpu.memory_space<semaphore_mem>>) {add = true}
        %dma_wait3A_109 = arith.constant 3 : i32
        %dma_wait3A_110 = arith.constant 0 : i32
        %dma_wait3A_111 = tpu.memref_slice %arg9[%dma_wait3A_109, %dma_wait3A_110] : memref<16x128xi32, #tpu.memory_space<vmem>> -> memref<1x128xi32, #tpu.memory_space<vmem>>
        %dma_wait3A_112 = tpu.memref_squeeze %dma_wait3A_111 : memref<1x128xi32, #tpu.memory_space<vmem>> -> memref<128xi32, #tpu.memory_space<vmem>>
        %dma_wait3A_113 = arith.constant 0 : i32
        %dma_wait3A_114 = arith.constant 0 : i32
        %dma_wait3A_115 = tpu.memref_slice %arg3[%dma_wait3A_113, %dma_wait3A_114] : memref<10000x128xf32, #tpu.memory_space<hbm>> -> memref<10000x128xf32, #tpu.memory_space<hbm>>
        tpu.wait_indirect_dma semaphore(%arg13 : memref<!tpu.dma_semaphore, #tpu.memory_space<semaphore_mem>>) src(%dma_wait3A_115 : memref<10000x128xf32, #tpu.memory_space<hbm>>) dst(%arg11 : memref<128x128xf32, #tpu.memory_space<vmem>>)
        %dma_wait3A_116 = arith.constant 10 : i32
        %dma_wait3A_117 = arith.constant 0 : i32
        %dma_wait3A_118 = tpu.memref_slice %arg9[%dma_wait3A_116, %dma_wait3A_117] : memref<16x128xi32, #tpu.memory_space<vmem>> -> memref<1x128xi32, #tpu.memory_space<vmem>>
        %dma_wait3A_119 = tpu.memref_squeeze %dma_wait3A_118 : memref<1x128xi32, #tpu.memory_space<vmem>> -> memref<128xi32, #tpu.memory_space<vmem>>
        %dma_wait3A_120 = arith.constant 0 : i32
        %dma_wait3A_121 = arith.constant 0 : i32
        %dma_wait3A_122 = tpu.memref_slice %arg8[%dma_wait3A_120, %dma_wait3A_121] : memref<10240x128xf32, #tpu.memory_space<vmem_shared>> -> memref<10240x128xf32, #tpu.memory_space<vmem_shared>>
        tpu.wait_indirect_dma semaphore(%arg14 : memref<!tpu.dma_semaphore, #tpu.memory_space<semaphore_mem>>) src(%arg10 : memref<128x128xf32, #tpu.memory_space<vmem>>) dst(%dma_wait3A_122 : memref<10240x128xf32, #tpu.memory_space<vmem_shared>>)
        %dma_start3A_123 = arith.constant 4 : i32
        %dma_start3A_124 = arith.constant 0 : i32
        %dma_start3A_125 = tpu.memref_slice %arg9[%dma_start3A_123, %dma_start3A_124] : memref<16x128xi32, #tpu.memory_space<vmem>> -> memref<1x128xi32, #tpu.memory_space<vmem>>
        %dma_start3A_126 = tpu.memref_squeeze %dma_start3A_125 : memref<1x128xi32, #tpu.memory_space<vmem>> -> memref<128xi32, #tpu.memory_space<vmem>>
        %dma_start3A_127 = arith.constant 0 : i32
        %dma_start3A_128 = arith.constant 0 : i32
        %dma_start3A_129 = tpu.memref_slice %arg3[%dma_start3A_127, %dma_start3A_128] : memref<10000x128xf32, #tpu.memory_space<hbm>> -> memref<10000x128xf32, #tpu.memory_space<hbm>>
        tpu.enqueue_indirect_dma source(%dma_start3A_129 : memref<10000x128xf32, #tpu.memory_space<hbm>>) target(%arg10 : memref<128x128xf32, #tpu.memory_space<vmem>>) offsets(%dma_start3A_126 : memref<128xi32, #tpu.memory_space<vmem>>) semaphore(%arg12 : memref<!tpu.dma_semaphore, #tpu.memory_space<semaphore_mem>>)
        %dma_start3A_130 = arith.constant 11 : i32
        %dma_start3A_131 = arith.constant 0 : i32
        %dma_start3A_132 = tpu.memref_slice %arg9[%dma_start3A_130, %dma_start3A_131] : memref<16x128xi32, #tpu.memory_space<vmem>> -> memref<1x128xi32, #tpu.memory_space<vmem>>
        %dma_start3A_133 = tpu.memref_squeeze %dma_start3A_132 : memref<1x128xi32, #tpu.memory_space<vmem>> -> memref<128xi32, #tpu.memory_space<vmem>>
        %dma_start3A_134 = arith.constant 0 : i32
        %dma_start3A_135 = arith.constant 0 : i32
        %dma_start3A_136 = tpu.memref_slice %arg8[%dma_start3A_134, %dma_start3A_135] : memref<10240x128xf32, #tpu.memory_space<vmem_shared>> -> memref<10240x128xf32, #tpu.memory_space<vmem_shared>>
        tpu.enqueue_indirect_dma source(%arg11 : memref<128x128xf32, #tpu.memory_space<vmem>>) target(%dma_start3A_136 : memref<10240x128xf32, #tpu.memory_space<vmem_shared>>) offsets(%dma_start3A_133 : memref<128xi32, #tpu.memory_space<vmem>>) semaphore(%arg15 : memref<!tpu.dma_semaphore, #tpu.memory_space<semaphore_mem>>) {add = true}
        %dma_wait3A_137 = arith.constant 4 : i32
        %dma_wait3A_138 = arith.constant 0 : i32
        %dma_wait3A_139 = tpu.memref_slice %arg9[%dma_wait3A_137, %dma_wait3A_138] : memref<16x128xi32, #tpu.memory_space<vmem>> -> memref<1x128xi32, #tpu.memory_space<vmem>>
        %dma_wait3A_140 = tpu.memref_squeeze %dma_wait3A_139 : memref<1x128xi32, #tpu.memory_space<vmem>> -> memref<128xi32, #tpu.memory_space<vmem>>
        %dma_wait3A_141 = arith.constant 0 : i32
        %dma_wait3A_142 = arith.constant 0 : i32
        %dma_wait3A_143 = tpu.memref_slice %arg3[%dma_wait3A_141, %dma_wait3A_142] : memref<10000x128xf32, #tpu.memory_space<hbm>> -> memref<10000x128xf32, #tpu.memory_space<hbm>>
        tpu.wait_indirect_dma semaphore(%arg12 : memref<!tpu.dma_semaphore, #tpu.memory_space<semaphore_mem>>) src(%dma_wait3A_143 : memref<10000x128xf32, #tpu.memory_space<hbm>>) dst(%arg10 : memref<128x128xf32, #tpu.memory_space<vmem>>)
        %dma_wait3A_144 = arith.constant 11 : i32
        %dma_wait3A_145 = arith.constant 0 : i32
        %dma_wait3A_146 = tpu.memref_slice %arg9[%dma_wait3A_144, %dma_wait3A_145] : memref<16x128xi32, #tpu.memory_space<vmem>> -> memref<1x128xi32, #tpu.memory_space<vmem>>
        %dma_wait3A_147 = tpu.memref_squeeze %dma_wait3A_146 : memref<1x128xi32, #tpu.memory_space<vmem>> -> memref<128xi32, #tpu.memory_space<vmem>>
        %dma_wait3A_148 = arith.constant 0 : i32
        %dma_wait3A_149 = arith.constant 0 : i32
        %dma_wait3A_150 = tpu.memref_slice %arg8[%dma_wait3A_148, %dma_wait3A_149] : memref<10240x128xf32, #tpu.memory_space<vmem_shared>> -> memref<10240x128xf32, #tpu.memory_space<vmem_shared>>
        tpu.wait_indirect_dma semaphore(%arg15 : memref<!tpu.dma_semaphore, #tpu.memory_space<semaphore_mem>>) src(%arg11 : memref<128x128xf32, #tpu.memory_space<vmem>>) dst(%dma_wait3A_150 : memref<10240x128xf32, #tpu.memory_space<vmem_shared>>)
        %dma_start3A_151 = arith.constant 5 : i32
        %dma_start3A_152 = arith.constant 0 : i32
        %dma_start3A_153 = tpu.memref_slice %arg9[%dma_start3A_151, %dma_start3A_152] : memref<16x128xi32, #tpu.memory_space<vmem>> -> memref<1x128xi32, #tpu.memory_space<vmem>>
        %dma_start3A_154 = tpu.memref_squeeze %dma_start3A_153 : memref<1x128xi32, #tpu.memory_space<vmem>> -> memref<128xi32, #tpu.memory_space<vmem>>
        %dma_start3A_155 = arith.constant 0 : i32
        %dma_start3A_156 = arith.constant 0 : i32
        %dma_start3A_157 = tpu.memref_slice %arg3[%dma_start3A_155, %dma_start3A_156] : memref<10000x128xf32, #tpu.memory_space<hbm>> -> memref<10000x128xf32, #tpu.memory_space<hbm>>
        tpu.enqueue_indirect_dma source(%dma_start3A_157 : memref<10000x128xf32, #tpu.memory_space<hbm>>) target(%arg11 : memref<128x128xf32, #tpu.memory_space<vmem>>) offsets(%dma_start3A_154 : memref<128xi32, #tpu.memory_space<vmem>>) semaphore(%arg13 : memref<!tpu.dma_semaphore, #tpu.memory_space<semaphore_mem>>)
        %dma_start3A_158 = arith.constant 12 : i32
        %dma_start3A_159 = arith.constant 0 : i32
        %dma_start3A_160 = tpu.memref_slice %arg9[%dma_start3A_158, %dma_start3A_159] : memref<16x128xi32, #tpu.memory_space<vmem>> -> memref<1x128xi32, #tpu.memory_space<vmem>>
        %dma_start3A_161 = tpu.memref_squeeze %dma_start3A_160 : memref<1x128xi32, #tpu.memory_space<vmem>> -> memref<128xi32, #tpu.memory_space<vmem>>
        %dma_start3A_162 = arith.constant 0 : i32
        %dma_start3A_163 = arith.constant 0 : i32
        %dma_start3A_164 = tpu.memref_slice %arg8[%dma_start3A_162, %dma_start3A_163] : memref<10240x128xf32, #tpu.memory_space<vmem_shared>> -> memref<10240x128xf32, #tpu.memory_space<vmem_shared>>
        tpu.enqueue_indirect_dma source(%arg10 : memref<128x128xf32, #tpu.memory_space<vmem>>) target(%dma_start3A_164 : memref<10240x128xf32, #tpu.memory_space<vmem_shared>>) offsets(%dma_start3A_161 : memref<128xi32, #tpu.memory_space<vmem>>) semaphore(%arg14 : memref<!tpu.dma_semaphore, #tpu.memory_space<semaphore_mem>>) {add = true}
        %dma_wait3A_165 = arith.constant 5 : i32
        %dma_wait3A_166 = arith.constant 0 : i32
        %dma_wait3A_167 = tpu.memref_slice %arg9[%dma_wait3A_165, %dma_wait3A_166] : memref<16x128xi32, #tpu.memory_space<vmem>> -> memref<1x128xi32, #tpu.memory_space<vmem>>
        %dma_wait3A_168 = tpu.memref_squeeze %dma_wait3A_167 : memref<1x128xi32, #tpu.memory_space<vmem>> -> memref<128xi32, #tpu.memory_space<vmem>>
        %dma_wait3A_169 = arith.constant 0 : i32
        %dma_wait3A_170 = arith.constant 0 : i32
        %dma_wait3A_171 = tpu.memref_slice %arg3[%dma_wait3A_169, %dma_wait3A_170] : memref<10000x128xf32, #tpu.memory_space<hbm>> -> memref<10000x128xf32, #tpu.memory_space<hbm>>
        tpu.wait_indirect_dma semaphore(%arg13 : memref<!tpu.dma_semaphore, #tpu.memory_space<semaphore_mem>>) src(%dma_wait3A_171 : memref<10000x128xf32, #tpu.memory_space<hbm>>) dst(%arg11 : memref<128x128xf32, #tpu.memory_space<vmem>>)
        %dma_wait3A_172 = arith.constant 12 : i32
        %dma_wait3A_173 = arith.constant 0 : i32
        %dma_wait3A_174 = tpu.memref_slice %arg9[%dma_wait3A_172, %dma_wait3A_173] : memref<16x128xi32, #tpu.memory_space<vmem>> -> memref<1x128xi32, #tpu.memory_space<vmem>>
        %dma_wait3A_175 = tpu.memref_squeeze %dma_wait3A_174 : memref<1x128xi32, #tpu.memory_space<vmem>> -> memref<128xi32, #tpu.memory_space<vmem>>
        %dma_wait3A_176 = arith.constant 0 : i32
        %dma_wait3A_177 = arith.constant 0 : i32
        %dma_wait3A_178 = tpu.memref_slice %arg8[%dma_wait3A_176, %dma_wait3A_177] : memref<10240x128xf32, #tpu.memory_space<vmem_shared>> -> memref<10240x128xf32, #tpu.memory_space<vmem_shared>>
        tpu.wait_indirect_dma semaphore(%arg14 : memref<!tpu.dma_semaphore, #tpu.memory_space<semaphore_mem>>) src(%arg10 : memref<128x128xf32, #tpu.memory_space<vmem>>) dst(%dma_wait3A_178 : memref<10240x128xf32, #tpu.memory_space<vmem_shared>>)
        %dma_start3A_179 = arith.constant 6 : i32
        %dma_start3A_180 = arith.constant 0 : i32
        %dma_start3A_181 = tpu.memref_slice %arg9[%dma_start3A_179, %dma_start3A_180] : memref<16x128xi32, #tpu.memory_space<vmem>> -> memref<1x128xi32, #tpu.memory_space<vmem>>
        %dma_start3A_182 = tpu.memref_squeeze %dma_start3A_181 : memref<1x128xi32, #tpu.memory_space<vmem>> -> memref<128xi32, #tpu.memory_space<vmem>>
        %dma_start3A_183 = arith.constant 0 : i32
        %dma_start3A_184 = arith.constant 0 : i32
        %dma_start3A_185 = tpu.memref_slice %arg3[%dma_start3A_183, %dma_start3A_184] : memref<10000x128xf32, #tpu.memory_space<hbm>> -> memref<10000x128xf32, #tpu.memory_space<hbm>>
        tpu.enqueue_indirect_dma source(%dma_start3A_185 : memref<10000x128xf32, #tpu.memory_space<hbm>>) target(%arg10 : memref<128x128xf32, #tpu.memory_space<vmem>>) offsets(%dma_start3A_182 : memref<128xi32, #tpu.memory_space<vmem>>) semaphore(%arg12 : memref<!tpu.dma_semaphore, #tpu.memory_space<semaphore_mem>>)
        %dma_start3A_186 = arith.constant 13 : i32
        %dma_start3A_187 = arith.constant 0 : i32
        %dma_start3A_188 = tpu.memref_slice %arg9[%dma_start3A_186, %dma_start3A_187] : memref<16x128xi32, #tpu.memory_space<vmem>> -> memref<1x128xi32, #tpu.memory_space<vmem>>
        %dma_start3A_189 = tpu.memref_squeeze %dma_start3A_188 : memref<1x128xi32, #tpu.memory_space<vmem>> -> memref<128xi32, #tpu.memory_space<vmem>>
        %dma_start3A_190 = arith.constant 0 : i32
        %dma_start3A_191 = arith.constant 0 : i32
        %dma_start3A_192 = tpu.memref_slice %arg8[%dma_start3A_190, %dma_start3A_191] : memref<10240x128xf32, #tpu.memory_space<vmem_shared>> -> memref<10240x128xf32, #tpu.memory_space<vmem_shared>>
        tpu.enqueue_indirect_dma source(%arg11 : memref<128x128xf32, #tpu.memory_space<vmem>>) target(%dma_start3A_192 : memref<10240x128xf32, #tpu.memory_space<vmem_shared>>) offsets(%dma_start3A_189 : memref<128xi32, #tpu.memory_space<vmem>>) semaphore(%arg15 : memref<!tpu.dma_semaphore, #tpu.memory_space<semaphore_mem>>) {add = true}
        %dma_wait3A_193 = arith.constant 6 : i32
        %dma_wait3A_194 = arith.constant 0 : i32
        %dma_wait3A_195 = tpu.memref_slice %arg9[%dma_wait3A_193, %dma_wait3A_194] : memref<16x128xi32, #tpu.memory_space<vmem>> -> memref<1x128xi32, #tpu.memory_space<vmem>>
        %dma_wait3A_196 = tpu.memref_squeeze %dma_wait3A_195 : memref<1x128xi32, #tpu.memory_space<vmem>> -> memref<128xi32, #tpu.memory_space<vmem>>
        %dma_wait3A_197 = arith.constant 0 : i32
        %dma_wait3A_198 = arith.constant 0 : i32
        %dma_wait3A_199 = tpu.memref_slice %arg3[%dma_wait3A_197, %dma_wait3A_198] : memref<10000x128xf32, #tpu.memory_space<hbm>> -> memref<10000x128xf32, #tpu.memory_space<hbm>>
        tpu.wait_indirect_dma semaphore(%arg12 : memref<!tpu.dma_semaphore, #tpu.memory_space<semaphore_mem>>) src(%dma_wait3A_199 : memref<10000x128xf32, #tpu.memory_space<hbm>>) dst(%arg10 : memref<128x128xf32, #tpu.memory_space<vmem>>)
        %dma_wait3A_200 = arith.constant 13 : i32
        %dma_wait3A_201 = arith.constant 0 : i32
        %dma_wait3A_202 = tpu.memref_slice %arg9[%dma_wait3A_200, %dma_wait3A_201] : memref<16x128xi32, #tpu.memory_space<vmem>> -> memref<1x128xi32, #tpu.memory_space<vmem>>
        %dma_wait3A_203 = tpu.memref_squeeze %dma_wait3A_202 : memref<1x128xi32, #tpu.memory_space<vmem>> -> memref<128xi32, #tpu.memory_space<vmem>>
        %dma_wait3A_204 = arith.constant 0 : i32
        %dma_wait3A_205 = arith.constant 0 : i32
        %dma_wait3A_206 = tpu.memref_slice %arg8[%dma_wait3A_204, %dma_wait3A_205] : memref<10240x128xf32, #tpu.memory_space<vmem_shared>> -> memref<10240x128xf32, #tpu.memory_space<vmem_shared>>
        tpu.wait_indirect_dma semaphore(%arg15 : memref<!tpu.dma_semaphore, #tpu.memory_space<semaphore_mem>>) src(%arg11 : memref<128x128xf32, #tpu.memory_space<vmem>>) dst(%dma_wait3A_206 : memref<10240x128xf32, #tpu.memory_space<vmem_shared>>)
        %dma_start3A_207 = arith.constant 7 : i32
        %dma_start3A_208 = arith.constant 0 : i32
        %dma_start3A_209 = tpu.memref_slice %arg9[%dma_start3A_207, %dma_start3A_208] : memref<16x128xi32, #tpu.memory_space<vmem>> -> memref<1x128xi32, #tpu.memory_space<vmem>>
        %dma_start3A_210 = tpu.memref_squeeze %dma_start3A_209 : memref<1x128xi32, #tpu.memory_space<vmem>> -> memref<128xi32, #tpu.memory_space<vmem>>
        %dma_start3A_211 = arith.constant 0 : i32
        %dma_start3A_212 = arith.constant 0 : i32
        %dma_start3A_213 = tpu.memref_slice %arg3[%dma_start3A_211, %dma_start3A_212] : memref<10000x128xf32, #tpu.memory_space<hbm>> -> memref<10000x128xf32, #tpu.memory_space<hbm>>
        tpu.enqueue_indirect_dma source(%dma_start3A_213 : memref<10000x128xf32, #tpu.memory_space<hbm>>) target(%arg11 : memref<128x128xf32, #tpu.memory_space<vmem>>) offsets(%dma_start3A_210 : memref<128xi32, #tpu.memory_space<vmem>>) semaphore(%arg13 : memref<!tpu.dma_semaphore, #tpu.memory_space<semaphore_mem>>)
        %dma_start3A_214 = arith.constant 14 : i32
        %dma_start3A_215 = arith.constant 0 : i32
        %dma_start3A_216 = tpu.memref_slice %arg9[%dma_start3A_214, %dma_start3A_215] : memref<16x128xi32, #tpu.memory_space<vmem>> -> memref<1x128xi32, #tpu.memory_space<vmem>>
        %dma_start3A_217 = tpu.memref_squeeze %dma_start3A_216 : memref<1x128xi32, #tpu.memory_space<vmem>> -> memref<128xi32, #tpu.memory_space<vmem>>
        %dma_start3A_218 = arith.constant 0 : i32
        %dma_start3A_219 = arith.constant 0 : i32
        %dma_start3A_220 = tpu.memref_slice %arg8[%dma_start3A_218, %dma_start3A_219] : memref<10240x128xf32, #tpu.memory_space<vmem_shared>> -> memref<10240x128xf32, #tpu.memory_space<vmem_shared>>
        tpu.enqueue_indirect_dma source(%arg10 : memref<128x128xf32, #tpu.memory_space<vmem>>) target(%dma_start3A_220 : memref<10240x128xf32, #tpu.memory_space<vmem_shared>>) offsets(%dma_start3A_217 : memref<128xi32, #tpu.memory_space<vmem>>) semaphore(%arg14 : memref<!tpu.dma_semaphore, #tpu.memory_space<semaphore_mem>>) {add = true}
        %dma_wait3A_221 = arith.constant 7 : i32
        %dma_wait3A_222 = arith.constant 0 : i32
        %dma_wait3A_223 = tpu.memref_slice %arg9[%dma_wait3A_221, %dma_wait3A_222] : memref<16x128xi32, #tpu.memory_space<vmem>> -> memref<1x128xi32, #tpu.memory_space<vmem>>
        %dma_wait3A_224 = tpu.memref_squeeze %dma_wait3A_223 : memref<1x128xi32, #tpu.memory_space<vmem>> -> memref<128xi32, #tpu.memory_space<vmem>>
        %dma_wait3A_225 = arith.constant 0 : i32
        %dma_wait3A_226 = arith.constant 0 : i32
        %dma_wait3A_227 = tpu.memref_slice %arg3[%dma_wait3A_225, %dma_wait3A_226] : memref<10000x128xf32, #tpu.memory_space<hbm>> -> memref<10000x128xf32, #tpu.memory_space<hbm>>
        tpu.wait_indirect_dma semaphore(%arg13 : memref<!tpu.dma_semaphore, #tpu.memory_space<semaphore_mem>>) src(%dma_wait3A_227 : memref<10000x128xf32, #tpu.memory_space<hbm>>) dst(%arg11 : memref<128x128xf32, #tpu.memory_space<vmem>>)
        %dma_start3A_228 = arith.constant 15 : i32
        %dma_start3A_229 = arith.constant 0 : i32
        %dma_start3A_230 = tpu.memref_slice %arg9[%dma_start3A_228, %dma_start3A_229] : memref<16x128xi32, #tpu.memory_space<vmem>> -> memref<1x128xi32, #tpu.memory_space<vmem>>
        %dma_start3A_231 = tpu.memref_squeeze %dma_start3A_230 : memref<1x128xi32, #tpu.memory_space<vmem>> -> memref<128xi32, #tpu.memory_space<vmem>>
        %dma_start3A_232 = arith.constant 0 : i32
        %dma_start3A_233 = arith.constant 0 : i32
        %dma_start3A_234 = tpu.memref_slice %arg8[%dma_start3A_232, %dma_start3A_233] : memref<10240x128xf32, #tpu.memory_space<vmem_shared>> -> memref<10240x128xf32, #tpu.memory_space<vmem_shared>>
        tpu.enqueue_indirect_dma source(%arg11 : memref<128x128xf32, #tpu.memory_space<vmem>>) target(%dma_start3A_234 : memref<10240x128xf32, #tpu.memory_space<vmem_shared>>) offsets(%dma_start3A_231 : memref<128xi32, #tpu.memory_space<vmem>>) semaphore(%arg15 : memref<!tpu.dma_semaphore, #tpu.memory_space<semaphore_mem>>) {add = true}
        %dma_wait3A_235 = arith.constant 14 : i32
        %dma_wait3A_236 = arith.constant 0 : i32
        %dma_wait3A_237 = tpu.memref_slice %arg9[%dma_wait3A_235, %dma_wait3A_236] : memref<16x128xi32, #tpu.memory_space<vmem>> -> memref<1x128xi32, #tpu.memory_space<vmem>>
        %dma_wait3A_238 = tpu.memref_squeeze %dma_wait3A_237 : memref<1x128xi32, #tpu.memory_space<vmem>> -> memref<128xi32, #tpu.memory_space<vmem>>
        %dma_wait3A_239 = arith.constant 0 : i32
        %dma_wait3A_240 = arith.constant 0 : i32
        %dma_wait3A_241 = tpu.memref_slice %arg8[%dma_wait3A_239, %dma_wait3A_240] : memref<10240x128xf32, #tpu.memory_space<vmem_shared>> -> memref<10240x128xf32, #tpu.memory_space<vmem_shared>>
        tpu.wait_indirect_dma semaphore(%arg14 : memref<!tpu.dma_semaphore, #tpu.memory_space<semaphore_mem>>) src(%arg10 : memref<128x128xf32, #tpu.memory_space<vmem>>) dst(%dma_wait3A_241 : memref<10240x128xf32, #tpu.memory_space<vmem_shared>>)
        %dma_wait3A_242 = arith.constant 15 : i32
        %dma_wait3A_243 = arith.constant 0 : i32
        %dma_wait3A_244 = tpu.memref_slice %arg9[%dma_wait3A_242, %dma_wait3A_243] : memref<16x128xi32, #tpu.memory_space<vmem>> -> memref<1x128xi32, #tpu.memory_space<vmem>>
        %dma_wait3A_245 = tpu.memref_squeeze %dma_wait3A_244 : memref<1x128xi32, #tpu.memory_space<vmem>> -> memref<128xi32, #tpu.memory_space<vmem>>
        %dma_wait3A_246 = arith.constant 0 : i32
        %dma_wait3A_247 = arith.constant 0 : i32
        %dma_wait3A_248 = tpu.memref_slice %arg8[%dma_wait3A_246, %dma_wait3A_247] : memref<10240x128xf32, #tpu.memory_space<vmem_shared>> -> memref<10240x128xf32, #tpu.memory_space<vmem_shared>>
        tpu.wait_indirect_dma semaphore(%arg15 : memref<!tpu.dma_semaphore, #tpu.memory_space<semaphore_mem>>) src(%arg11 : memref<128x128xf32, #tpu.memory_space<vmem>>) dst(%dma_wait3A_248 : memref<10240x128xf32, #tpu.memory_space<vmem_shared>>)
      }
      %scan3A_23 = arith.constant 10 : i32
    } else {
    }
    %barrier3A_8 = arith.constant 0 : index
    tpu.barrier barrier_id(%barrier3A_8)
    %eq3A_9 = arith.constant 0 : i32
    %eq3A_10 = arith.cmpi eq, %arg0, %eq3A_9 : i32
    %convert_element_type3A_11 = arith.extui %eq3A_10 : i1 to i32
    %cond3A_12 = arith.constant 0 : i32
    %cond3A_13 = arith.cmpi ne, %convert_element_type3A_11, %cond3A_12 : i32
    scf.if %cond3A_13 {
      "tpu.region"() ({
        %run_scoped3A = tpu.sem_alloc : memref<!tpu.dma_semaphore, #tpu.memory_space<semaphore_mem>>
        %dma_start3A = arith.constant 0 : i32
        %dma_start3A_19 = tpu.memref_slice %arg6[%mul3A_0, %dma_start3A] : memref<10240x128xf32, #tpu.memory_space<hbm>> -> memref<640x128xf32, #tpu.memory_space<hbm>>
        %dma_start3A_20 = arith.constant 0 : i32
        %dma_start3A_21 = tpu.memref_slice %arg8[%mul3A_0, %dma_start3A_20] : memref<10240x128xf32, #tpu.memory_space<vmem_shared>> -> memref<640x128xf32, #tpu.memory_space<vmem_shared>>
        tpu.enqueue_dma source(%dma_start3A_21 : memref<640x128xf32, #tpu.memory_space<vmem_shared>>) target(%dma_start3A_19 : memref<640x128xf32, #tpu.memory_space<hbm>>) target_semaphore(%run_scoped3A : memref<!tpu.dma_semaphore, #tpu.memory_space<semaphore_mem>>)
        %dma_wait3A = arith.constant 0 : i32
        %dma_wait3A_22 = tpu.memref_slice %arg6[%mul3A_0, %dma_wait3A] : memref<10240x128xf32, #tpu.memory_space<hbm>> -> memref<640x128xf32, #tpu.memory_space<hbm>>
        %dma_wait3A_23 = arith.constant 0 : i32
        %dma_wait3A_24 = tpu.memref_slice %arg8[%mul3A_0, %dma_wait3A_23] : memref<10240x128xf32, #tpu.memory_space<vmem_shared>> -> memref<640x128xf32, #tpu.memory_space<vmem_shared>>
        tpu.wait_dma2 semaphore(%run_scoped3A : memref<!tpu.dma_semaphore, #tpu.memory_space<semaphore_mem>>) src(%dma_wait3A_24 : memref<640x128xf32, #tpu.memory_space<vmem_shared>>) dst(%dma_wait3A_22 : memref<640x128xf32, #tpu.memory_space<hbm>>)
        tpu.yield
      }) : () -> ()
    } else {
    }
    %eq3A_14 = arith.constant 1 : i32
    %eq3A_15 = arith.cmpi eq, %arg0, %eq3A_14 : i32
    %convert_element_type3A_16 = arith.extui %eq3A_15 : i1 to i32
    %cond3A_17 = arith.constant 0 : i32
    %cond3A_18 = arith.cmpi ne, %convert_element_type3A_16, %cond3A_17 : i32
    scf.if %cond3A_18 {
      "tpu.region"() ({
        %run_scoped3A = tpu.sem_alloc : memref<!tpu.dma_semaphore, #tpu.memory_space<semaphore_mem>>
        %dma_start3A = arith.constant 0 : i32
        %dma_start3A_19 = tpu.memref_slice %arg7[%mul3A_0, %dma_start3A] : memref<10240x128xf32, #tpu.memory_space<hbm>> -> memref<640x128xf32, #tpu.memory_space<hbm>>
        %dma_start3A_20 = arith.constant 0 : i32
        %dma_start3A_21 = tpu.memref_slice %arg8[%mul3A_0, %dma_start3A_20] : memref<10240x128xf32, #tpu.memory_space<vmem_shared>> -> memref<640x128xf32, #tpu.memory_space<vmem_shared>>
        tpu.enqueue_dma source(%dma_start3A_21 : memref<640x128xf32, #tpu.memory_space<vmem_shared>>) target(%dma_start3A_19 : memref<640x128xf32, #tpu.memory_space<hbm>>) target_semaphore(%run_scoped3A : memref<!tpu.dma_semaphore, #tpu.memory_space<semaphore_mem>>)
        %dma_wait3A = arith.constant 0 : i32
        %dma_wait3A_22 = tpu.memref_slice %arg7[%mul3A_0, %dma_wait3A] : memref<10240x128xf32, #tpu.memory_space<hbm>> -> memref<640x128xf32, #tpu.memory_space<hbm>>
        %dma_wait3A_23 = arith.constant 0 : i32
        %dma_wait3A_24 = tpu.memref_slice %arg8[%mul3A_0, %dma_wait3A_23] : memref<10240x128xf32, #tpu.memory_space<vmem_shared>> -> memref<640x128xf32, #tpu.memory_space<vmem_shared>>
        tpu.wait_dma2 semaphore(%run_scoped3A : memref<!tpu.dma_semaphore, #tpu.memory_space<semaphore_mem>>) src(%dma_wait3A_24 : memref<640x128xf32, #tpu.memory_space<vmem_shared>>) dst(%dma_wait3A_22 : memref<640x128xf32, #tpu.memory_space<hbm>>)
        tpu.yield
      }) : () -> ()
    } else {
    }
    return
  }
}

#map = affine_map<(d0, d1) -> (0, 0)>
#map1 = affine_map<(d0, d1) -> (0, 0, 0)>
module attributes {stable_mosaic.version = 14 : i64} {
  func.func @k(%arg0: i32, %arg1: i32, %arg2: memref<10000x128xf32, #tpu.memory_space<hbm>>, %arg3: memref<10000x128xf32, #tpu.memory_space<hbm>>, %arg4: memref<160x16x128xi32, #tpu.memory_space<hbm>>, %arg5: memref<640x128xf32, #tpu.memory_space<hbm>>, %arg6: memref<10240x128xf32, #tpu.memory_space<hbm>>, %arg7: memref<10240x128xf32, #tpu.memory_space<hbm>>, %arg8: memref<10240x128xf32, #tpu.memory_space<vmem_shared>>, %arg9: memref<16x128xi32, #tpu.memory_space<vmem>>, %arg10: memref<128x128xf32, #tpu.memory_space<vmem>>, %arg11: memref<128x128xf32, #tpu.memory_space<vmem>>, %arg12: memref<!tpu.dma_semaphore, #tpu.memory_space<semaphore_mem>>, %arg13: memref<!tpu.dma_semaphore, #tpu.memory_space<semaphore_mem>>, %arg14: memref<!tpu.dma_semaphore, #tpu.memory_space<semaphore_mem>>, %arg15: memref<!tpu.dma_semaphore, #tpu.memory_space<semaphore_mem>>) attributes {dimension_semantics = [#tpu.dimension_semantics<core_parallel>, #tpu.dimension_semantics<subcore_parallel>], iteration_bounds = array<i64: 2, 16>, scalar_prefetch = 0 : i64, scratch_operands = 8 : i64, tpu.core_type = #tpu.core_type<sc_vector_subcore>, window_params = [{transform_indices = #map}, {transform_indices = #map}, {transform_indices = #map1}, {transform_indices = #map}, {transform_indices = #map}, {transform_indices = #map}]} {
    %mul3A = arith.constant 640 : i32
    %mul3A_0 = arith.muli %arg1, %mul3A : i32
    "tpu.region"() ({
      %run_scoped3A = tpu.sem_alloc : memref<!tpu.dma_semaphore, #tpu.memory_space<semaphore_mem>>
      %dma_start3A = arith.constant 0 : i32
      %dma_start3A_19 = tpu.memref_slice %arg8[%mul3A_0, %dma_start3A] : memref<10240x128xf32, #tpu.memory_space<vmem_shared>> -> memref<640x128xf32, #tpu.memory_space<vmem_shared>>
      tpu.enqueue_dma source(%arg5 : memref<640x128xf32, #tpu.memory_space<hbm>>) target(%dma_start3A_19 : memref<640x128xf32, #tpu.memory_space<vmem_shared>>) target_semaphore(%run_scoped3A : memref<!tpu.dma_semaphore, #tpu.memory_space<semaphore_mem>>)
      %dma_wait3A = arith.constant 0 : i32
      %dma_wait3A_20 = tpu.memref_slice %arg8[%mul3A_0, %dma_wait3A] : memref<10240x128xf32, #tpu.memory_space<vmem_shared>> -> memref<640x128xf32, #tpu.memory_space<vmem_shared>>
      tpu.wait_dma2 semaphore(%run_scoped3A : memref<!tpu.dma_semaphore, #tpu.memory_space<semaphore_mem>>) src(%arg5 : memref<640x128xf32, #tpu.memory_space<hbm>>) dst(%dma_wait3A_20 : memref<640x128xf32, #tpu.memory_space<vmem_shared>>)
      tpu.yield
    }) : () -> ()
    %barrier3A = arith.constant 0 : index
    tpu.barrier barrier_id(%barrier3A)
    %eq3A = arith.constant 0 : i32
    %eq3A_1 = arith.cmpi eq, %arg0, %eq3A : i32
    %convert_element_type3A = arith.extui %eq3A_1 : i1 to i32
    %cond3A = arith.constant 0 : i32
    %cond3A_2 = arith.cmpi ne, %convert_element_type3A, %cond3A : i32
    scf.if %cond3A_2 {
      %scan3A = arith.constant 0 : i32
      %scan3A_19 = arith.constant 0 : i32
      %scan3A_20 = arith.constant 10 : i32
      %scan3A_21 = arith.addi %scan3A_19, %scan3A_20 : i32
      %scan3A_22 = arith.constant 1 : i32
      scf.for %scan3A_24 = %scan3A_19 to %scan3A_21 step %scan3A_22  : i32 {
        %mul3A_25 = arith.constant 10 : i32
        %mul3A_26 = arith.muli %arg1, %mul3A_25 : i32
        %add3A = arith.addi %mul3A_26, %scan3A_24 : i32
        "tpu.region"() ({
          %run_scoped3A = tpu.sem_alloc : memref<!tpu.dma_semaphore, #tpu.memory_space<semaphore_mem>>
          %dma_start3A_249 = arith.constant 0 : i32
          %dma_start3A_250 = arith.constant 0 : i32
          %dma_start3A_251 = tpu.memref_slice %arg4[%add3A, %dma_start3A_249, %dma_start3A_250] : memref<160x16x128xi32, #tpu.memory_space<hbm>> -> memref<1x16x128xi32, #tpu.memory_space<hbm>>
          %dma_start3A_252 = tpu.memref_squeeze %dma_start3A_251 : memref<1x16x128xi32, #tpu.memory_space<hbm>> -> memref<16x128xi32, #tpu.memory_space<hbm>>
          %dma_start3A_253 = arith.constant 0 : i32
          %dma_start3A_254 = arith.constant 0 : i32
          %dma_start3A_255 = tpu.memref_slice %arg4[%add3A, %dma_start3A_253, %dma_start3A_254] : memref<160x16x128xi32, #tpu.memory_space<hbm>> -> memref<1x16x128xi32, #tpu.memory_space<hbm>>
          %dma_start3A_256 = tpu.memref_squeeze %dma_start3A_255 : memref<1x16x128xi32, #tpu.memory_space<hbm>> -> memref<16x128xi32, #tpu.memory_space<hbm>>
          tpu.enqueue_dma source(%dma_start3A_256 : memref<16x128xi32, #tpu.memory_space<hbm>>) target(%arg9 : memref<16x128xi32, #tpu.memory_space<vmem>>) target_semaphore(%run_scoped3A : memref<!tpu.dma_semaphore, #tpu.memory_space<semaphore_mem>>)
          %dma_wait3A_257 = arith.constant 0 : i32
          %dma_wait3A_258 = arith.constant 0 : i32
          %dma_wait3A_259 = tpu.memref_slice %arg4[%add3A, %dma_wait3A_257, %dma_wait3A_258] : memref<160x16x128xi32, #tpu.memory_space<hbm>> -> memref<1x16x128xi32, #tpu.memory_space<hbm>>
          %dma_wait3A_260 = tpu.memref_squeeze %dma_wait3A_259 : memref<1x16x128xi32, #tpu.memory_space<hbm>> -> memref<16x128xi32, #tpu.memory_space<hbm>>
          %dma_wait3A_261 = arith.constant 0 : i32
          %dma_wait3A_262 = arith.constant 0 : i32
          %dma_wait3A_263 = tpu.memref_slice %arg4[%add3A, %dma_wait3A_261, %dma_wait3A_262] : memref<160x16x128xi32, #tpu.memory_space<hbm>> -> memref<1x16x128xi32, #tpu.memory_space<hbm>>
          %dma_wait3A_264 = tpu.memref_squeeze %dma_wait3A_263 : memref<1x16x128xi32, #tpu.memory_space<hbm>> -> memref<16x128xi32, #tpu.memory_space<hbm>>
          tpu.wait_dma2 semaphore(%run_scoped3A : memref<!tpu.dma_semaphore, #tpu.memory_space<semaphore_mem>>) src(%dma_wait3A_264 : memref<16x128xi32, #tpu.memory_space<hbm>>) dst(%arg9 : memref<16x128xi32, #tpu.memory_space<vmem>>)
          tpu.yield
        }) : () -> ()
        %dma_start3A = arith.constant 0 : i32
        %dma_start3A_27 = arith.constant 0 : i32
        %dma_start3A_28 = tpu.memref_slice %arg9[%dma_start3A, %dma_start3A_27] : memref<16x128xi32, #tpu.memory_space<vmem>> -> memref<1x128xi32, #tpu.memory_space<vmem>>
        %dma_start3A_29 = tpu.memref_squeeze %dma_start3A_28 : memref<1x128xi32, #tpu.memory_space<vmem>> -> memref<128xi32, #tpu.memory_space<vmem>>
        %dma_start3A_30 = arith.constant 0 : i32
        %dma_start3A_31 = arith.constant 0 : i32
        %dma_start3A_32 = tpu.memref_slice %arg2[%dma_start3A_30, %dma_start3A_31] : memref<10000x128xf32, #tpu.memory_space<hbm>> -> memref<10000x128xf32, #tpu.memory_space<hbm>>
        tpu.enqueue_indirect_dma source(%dma_start3A_32 : memref<10000x128xf32, #tpu.memory_space<hbm>>) target(%arg10 : memref<128x128xf32, #tpu.memory_space<vmem>>) offsets(%dma_start3A_29 : memref<128xi32, #tpu.memory_space<vmem>>) semaphore(%arg12 : memref<!tpu.dma_semaphore, #tpu.memory_space<semaphore_mem>>)
        %dma_wait3A = arith.constant 0 : i32
        %dma_wait3A_33 = arith.constant 0 : i32
        %dma_wait3A_34 = tpu.memref_slice %arg9[%dma_wait3A, %dma_wait3A_33] : memref<16x128xi32, #tpu.memory_space<vmem>> -> memref<1x128xi32, #tpu.memory_space<vmem>>
        %dma_wait3A_35 = tpu.memref_squeeze %dma_wait3A_34 : memref<1x128xi32, #tpu.memory_space<vmem>> -> memref<128xi32, #tpu.memory_space<vmem>>
        %dma_wait3A_36 = arith.constant 0 : i32
        %dma_wait3A_37 = arith.constant 0 : i32
        %dma_wait3A_38 = tpu.memref_slice %arg2[%dma_wait3A_36, %dma_wait3A_37] : memref<10000x128xf32, #tpu.memory_space<hbm>> -> memref<10000x128xf32, #tpu.memory_space<hbm>>
        tpu.wait_indirect_dma semaphore(%arg12 : memref<!tpu.dma_semaphore, #tpu.memory_space<semaphore_mem>>) src(%dma_wait3A_38 : memref<10000x128xf32, #tpu.memory_space<hbm>>) dst(%arg10 : memref<128x128xf32, #tpu.memory_space<vmem>>)
        %dma_start3A_39 = arith.constant 1 : i32
        %dma_start3A_40 = arith.constant 0 : i32
        %dma_start3A_41 = tpu.memref_slice %arg9[%dma_start3A_39, %dma_start3A_40] : memref<16x128xi32, #tpu.memory_space<vmem>> -> memref<1x128xi32, #tpu.memory_space<vmem>>
        %dma_start3A_42 = tpu.memref_squeeze %dma_start3A_41 : memref<1x128xi32, #tpu.memory_space<vmem>> -> memref<128xi32, #tpu.memory_space<vmem>>
        %dma_start3A_43 = arith.constant 0 : i32
        %dma_start3A_44 = arith.constant 0 : i32
        %dma_start3A_45 = tpu.memref_slice %arg2[%dma_start3A_43, %dma_start3A_44] : memref<10000x128xf32, #tpu.memory_space<hbm>> -> memref<10000x128xf32, #tpu.memory_space<hbm>>
        tpu.enqueue_indirect_dma source(%dma_start3A_45 : memref<10000x128xf32, #tpu.memory_space<hbm>>) target(%arg11 : memref<128x128xf32, #tpu.memory_space<vmem>>) offsets(%dma_start3A_42 : memref<128xi32, #tpu.memory_space<vmem>>) semaphore(%arg13 : memref<!tpu.dma_semaphore, #tpu.memory_space<semaphore_mem>>)
        %dma_start3A_46 = arith.constant 8 : i32
        %dma_start3A_47 = arith.constant 0 : i32
        %dma_start3A_48 = tpu.memref_slice %arg9[%dma_start3A_46, %dma_start3A_47] : memref<16x128xi32, #tpu.memory_space<vmem>> -> memref<1x128xi32, #tpu.memory_space<vmem>>
        %dma_start3A_49 = tpu.memref_squeeze %dma_start3A_48 : memref<1x128xi32, #tpu.memory_space<vmem>> -> memref<128xi32, #tpu.memory_space<vmem>>
        %dma_start3A_50 = arith.constant 0 : i32
        %dma_start3A_51 = arith.constant 0 : i32
        %dma_start3A_52 = tpu.memref_slice %arg8[%dma_start3A_50, %dma_start3A_51] : memref<10240x128xf32, #tpu.memory_space<vmem_shared>> -> memref<10240x128xf32, #tpu.memory_space<vmem_shared>>
        tpu.enqueue_indirect_dma source(%arg10 : memref<128x128xf32, #tpu.memory_space<vmem>>) target(%dma_start3A_52 : memref<10240x128xf32, #tpu.memory_space<vmem_shared>>) offsets(%dma_start3A_49 : memref<128xi32, #tpu.memory_space<vmem>>) semaphore(%arg14 : memref<!tpu.dma_semaphore, #tpu.memory_space<semaphore_mem>>) {add = true}
        %dma_wait3A_53 = arith.constant 1 : i32
        %dma_wait3A_54 = arith.constant 0 : i32
        %dma_wait3A_55 = tpu.memref_slice %arg9[%dma_wait3A_53, %dma_wait3A_54] : memref<16x128xi32, #tpu.memory_space<vmem>> -> memref<1x128xi32, #tpu.memory_space<vmem>>
        %dma_wait3A_56 = tpu.memref_squeeze %dma_wait3A_55 : memref<1x128xi32, #tpu.memory_space<vmem>> -> memref<128xi32, #tpu.memory_space<vmem>>
        %dma_wait3A_57 = arith.constant 0 : i32
        %dma_wait3A_58 = arith.constant 0 : i32
        %dma_wait3A_59 = tpu.memref_slice %arg2[%dma_wait3A_57, %dma_wait3A_58] : memref<10000x128xf32, #tpu.memory_space<hbm>> -> memref<10000x128xf32, #tpu.memory_space<hbm>>
        tpu.wait_indirect_dma semaphore(%arg13 : memref<!tpu.dma_semaphore, #tpu.memory_space<semaphore_mem>>) src(%dma_wait3A_59 : memref<10000x128xf32, #tpu.memory_space<hbm>>) dst(%arg11 : memref<128x128xf32, #tpu.memory_space<vmem>>)
        %dma_wait3A_60 = arith.constant 8 : i32
        %dma_wait3A_61 = arith.constant 0 : i32
        %dma_wait3A_62 = tpu.memref_slice %arg9[%dma_wait3A_60, %dma_wait3A_61] : memref<16x128xi32, #tpu.memory_space<vmem>> -> memref<1x128xi32, #tpu.memory_space<vmem>>
        %dma_wait3A_63 = tpu.memref_squeeze %dma_wait3A_62 : memref<1x128xi32, #tpu.memory_space<vmem>> -> memref<128xi32, #tpu.memory_space<vmem>>
        %dma_wait3A_64 = arith.constant 0 : i32
        %dma_wait3A_65 = arith.constant 0 : i32
        %dma_wait3A_66 = tpu.memref_slice %arg8[%dma_wait3A_64, %dma_wait3A_65] : memref<10240x128xf32, #tpu.memory_space<vmem_shared>> -> memref<10240x128xf32, #tpu.memory_space<vmem_shared>>
        tpu.wait_indirect_dma semaphore(%arg14 : memref<!tpu.dma_semaphore, #tpu.memory_space<semaphore_mem>>) src(%arg10 : memref<128x128xf32, #tpu.memory_space<vmem>>) dst(%dma_wait3A_66 : memref<10240x128xf32, #tpu.memory_space<vmem_shared>>)
        %dma_start3A_67 = arith.constant 2 : i32
        %dma_start3A_68 = arith.constant 0 : i32
        %dma_start3A_69 = tpu.memref_slice %arg9[%dma_start3A_67, %dma_start3A_68] : memref<16x128xi32, #tpu.memory_space<vmem>> -> memref<1x128xi32, #tpu.memory_space<vmem>>
        %dma_start3A_70 = tpu.memref_squeeze %dma_start3A_69 : memref<1x128xi32, #tpu.memory_space<vmem>> -> memref<128xi32, #tpu.memory_space<vmem>>
        %dma_start3A_71 = arith.constant 0 : i32
        %dma_start3A_72 = arith.constant 0 : i32
        %dma_start3A_73 = tpu.memref_slice %arg2[%dma_start3A_71, %dma_start3A_72] : memref<10000x128xf32, #tpu.memory_space<hbm>> -> memref<10000x128xf32, #tpu.memory_space<hbm>>
        tpu.enqueue_indirect_dma source(%dma_start3A_73 : memref<10000x128xf32, #tpu.memory_space<hbm>>) target(%arg10 : memref<128x128xf32, #tpu.memory_space<vmem>>) offsets(%dma_start3A_70 : memref<128xi32, #tpu.memory_space<vmem>>) semaphore(%arg12 : memref<!tpu.dma_semaphore, #tpu.memory_space<semaphore_mem>>)
        %dma_start3A_74 = arith.constant 9 : i32
        %dma_start3A_75 = arith.constant 0 : i32
        %dma_start3A_76 = tpu.memref_slice %arg9[%dma_start3A_74, %dma_start3A_75] : memref<16x128xi32, #tpu.memory_space<vmem>> -> memref<1x128xi32, #tpu.memory_space<vmem>>
        %dma_start3A_77 = tpu.memref_squeeze %dma_start3A_76 : memref<1x128xi32, #tpu.memory_space<vmem>> -> memref<128xi32, #tpu.memory_space<vmem>>
        %dma_start3A_78 = arith.constant 0 : i32
        %dma_start3A_79 = arith.constant 0 : i32
        %dma_start3A_80 = tpu.memref_slice %arg8[%dma_start3A_78, %dma_start3A_79] : memref<10240x128xf32, #tpu.memory_space<vmem_shared>> -> memref<10240x128xf32, #tpu.memory_space<vmem_shared>>
        tpu.enqueue_indirect_dma source(%arg11 : memref<128x128xf32, #tpu.memory_space<vmem>>) target(%dma_start3A_80 : memref<10240x128xf32, #tpu.memory_space<vmem_shared>>) offsets(%dma_start3A_77 : memref<128xi32, #tpu.memory_space<vmem>>) semaphore(%arg15 : memref<!tpu.dma_semaphore, #tpu.memory_space<semaphore_mem>>) {add = true}
        %dma_wait3A_81 = arith.constant 2 : i32
        %dma_wait3A_82 = arith.constant 0 : i32
        %dma_wait3A_83 = tpu.memref_slice %arg9[%dma_wait3A_81, %dma_wait3A_82] : memref<16x128xi32, #tpu.memory_space<vmem>> -> memref<1x128xi32, #tpu.memory_space<vmem>>
        %dma_wait3A_84 = tpu.memref_squeeze %dma_wait3A_83 : memref<1x128xi32, #tpu.memory_space<vmem>> -> memref<128xi32, #tpu.memory_space<vmem>>
        %dma_wait3A_85 = arith.constant 0 : i32
        %dma_wait3A_86 = arith.constant 0 : i32
        %dma_wait3A_87 = tpu.memref_slice %arg2[%dma_wait3A_85, %dma_wait3A_86] : memref<10000x128xf32, #tpu.memory_space<hbm>> -> memref<10000x128xf32, #tpu.memory_space<hbm>>
        tpu.wait_indirect_dma semaphore(%arg12 : memref<!tpu.dma_semaphore, #tpu.memory_space<semaphore_mem>>) src(%dma_wait3A_87 : memref<10000x128xf32, #tpu.memory_space<hbm>>) dst(%arg10 : memref<128x128xf32, #tpu.memory_space<vmem>>)
        %dma_wait3A_88 = arith.constant 9 : i32
        %dma_wait3A_89 = arith.constant 0 : i32
        %dma_wait3A_90 = tpu.memref_slice %arg9[%dma_wait3A_88, %dma_wait3A_89] : memref<16x128xi32, #tpu.memory_space<vmem>> -> memref<1x128xi32, #tpu.memory_space<vmem>>
        %dma_wait3A_91 = tpu.memref_squeeze %dma_wait3A_90 : memref<1x128xi32, #tpu.memory_space<vmem>> -> memref<128xi32, #tpu.memory_space<vmem>>
        %dma_wait3A_92 = arith.constant 0 : i32
        %dma_wait3A_93 = arith.constant 0 : i32
        %dma_wait3A_94 = tpu.memref_slice %arg8[%dma_wait3A_92, %dma_wait3A_93] : memref<10240x128xf32, #tpu.memory_space<vmem_shared>> -> memref<10240x128xf32, #tpu.memory_space<vmem_shared>>
        tpu.wait_indirect_dma semaphore(%arg15 : memref<!tpu.dma_semaphore, #tpu.memory_space<semaphore_mem>>) src(%arg11 : memref<128x128xf32, #tpu.memory_space<vmem>>) dst(%dma_wait3A_94 : memref<10240x128xf32, #tpu.memory_space<vmem_shared>>)
        %dma_start3A_95 = arith.constant 3 : i32
        %dma_start3A_96 = arith.constant 0 : i32
        %dma_start3A_97 = tpu.memref_slice %arg9[%dma_start3A_95, %dma_start3A_96] : memref<16x128xi32, #tpu.memory_space<vmem>> -> memref<1x128xi32, #tpu.memory_space<vmem>>
        %dma_start3A_98 = tpu.memref_squeeze %dma_start3A_97 : memref<1x128xi32, #tpu.memory_space<vmem>> -> memref<128xi32, #tpu.memory_space<vmem>>
        %dma_start3A_99 = arith.constant 0 : i32
        %dma_start3A_100 = arith.constant 0 : i32
        %dma_start3A_101 = tpu.memref_slice %arg2[%dma_start3A_99, %dma_start3A_100] : memref<10000x128xf32, #tpu.memory_space<hbm>> -> memref<10000x128xf32, #tpu.memory_space<hbm>>
        tpu.enqueue_indirect_dma source(%dma_start3A_101 : memref<10000x128xf32, #tpu.memory_space<hbm>>) target(%arg11 : memref<128x128xf32, #tpu.memory_space<vmem>>) offsets(%dma_start3A_98 : memref<128xi32, #tpu.memory_space<vmem>>) semaphore(%arg13 : memref<!tpu.dma_semaphore, #tpu.memory_space<semaphore_mem>>)
        %dma_start3A_102 = arith.constant 10 : i32
        %dma_start3A_103 = arith.constant 0 : i32
        %dma_start3A_104 = tpu.memref_slice %arg9[%dma_start3A_102, %dma_start3A_103] : memref<16x128xi32, #tpu.memory_space<vmem>> -> memref<1x128xi32, #tpu.memory_space<vmem>>
        %dma_start3A_105 = tpu.memref_squeeze %dma_start3A_104 : memref<1x128xi32, #tpu.memory_space<vmem>> -> memref<128xi32, #tpu.memory_space<vmem>>
        %dma_start3A_106 = arith.constant 0 : i32
        %dma_start3A_107 = arith.constant 0 : i32
        %dma_start3A_108 = tpu.memref_slice %arg8[%dma_start3A_106, %dma_start3A_107] : memref<10240x128xf32, #tpu.memory_space<vmem_shared>> -> memref<10240x128xf32, #tpu.memory_space<vmem_shared>>
        tpu.enqueue_indirect_dma source(%arg10 : memref<128x128xf32, #tpu.memory_space<vmem>>) target(%dma_start3A_108 : memref<10240x128xf32, #tpu.memory_space<vmem_shared>>) offsets(%dma_start3A_105 : memref<128xi32, #tpu.memory_space<vmem>>) semaphore(%arg14 : memref<!tpu.dma_semaphore, #tpu.memory_space<semaphore_mem>>) {add = true}
        %dma_wait3A_109 = arith.constant 3 : i32
        %dma_wait3A_110 = arith.constant 0 : i32
        %dma_wait3A_111 = tpu.memref_slice %arg9[%dma_wait3A_109, %dma_wait3A_110] : memref<16x128xi32, #tpu.memory_space<vmem>> -> memref<1x128xi32, #tpu.memory_space<vmem>>
        %dma_wait3A_112 = tpu.memref_squeeze %dma_wait3A_111 : memref<1x128xi32, #tpu.memory_space<vmem>> -> memref<128xi32, #tpu.memory_space<vmem>>
        %dma_wait3A_113 = arith.constant 0 : i32
        %dma_wait3A_114 = arith.constant 0 : i32
        %dma_wait3A_115 = tpu.memref_slice %arg2[%dma_wait3A_113, %dma_wait3A_114] : memref<10000x128xf32, #tpu.memory_space<hbm>> -> memref<10000x128xf32, #tpu.memory_space<hbm>>
        tpu.wait_indirect_dma semaphore(%arg13 : memref<!tpu.dma_semaphore, #tpu.memory_space<semaphore_mem>>) src(%dma_wait3A_115 : memref<10000x128xf32, #tpu.memory_space<hbm>>) dst(%arg11 : memref<128x128xf32, #tpu.memory_space<vmem>>)
        %dma_wait3A_116 = arith.constant 10 : i32
        %dma_wait3A_117 = arith.constant 0 : i32
        %dma_wait3A_118 = tpu.memref_slice %arg9[%dma_wait3A_116, %dma_wait3A_117] : memref<16x128xi32, #tpu.memory_space<vmem>> -> memref<1x128xi32, #tpu.memory_space<vmem>>
        %dma_wait3A_119 = tpu.memref_squeeze %dma_wait3A_118 : memref<1x128xi32, #tpu.memory_space<vmem>> -> memref<128xi32, #tpu.memory_space<vmem>>
        %dma_wait3A_120 = arith.constant 0 : i32
        %dma_wait3A_121 = arith.constant 0 : i32
        %dma_wait3A_122 = tpu.memref_slice %arg8[%dma_wait3A_120, %dma_wait3A_121] : memref<10240x128xf32, #tpu.memory_space<vmem_shared>> -> memref<10240x128xf32, #tpu.memory_space<vmem_shared>>
        tpu.wait_indirect_dma semaphore(%arg14 : memref<!tpu.dma_semaphore, #tpu.memory_space<semaphore_mem>>) src(%arg10 : memref<128x128xf32, #tpu.memory_space<vmem>>) dst(%dma_wait3A_122 : memref<10240x128xf32, #tpu.memory_space<vmem_shared>>)
        %dma_start3A_123 = arith.constant 4 : i32
        %dma_start3A_124 = arith.constant 0 : i32
        %dma_start3A_125 = tpu.memref_slice %arg9[%dma_start3A_123, %dma_start3A_124] : memref<16x128xi32, #tpu.memory_space<vmem>> -> memref<1x128xi32, #tpu.memory_space<vmem>>
        %dma_start3A_126 = tpu.memref_squeeze %dma_start3A_125 : memref<1x128xi32, #tpu.memory_space<vmem>> -> memref<128xi32, #tpu.memory_space<vmem>>
        %dma_start3A_127 = arith.constant 0 : i32
        %dma_start3A_128 = arith.constant 0 : i32
        %dma_start3A_129 = tpu.memref_slice %arg2[%dma_start3A_127, %dma_start3A_128] : memref<10000x128xf32, #tpu.memory_space<hbm>> -> memref<10000x128xf32, #tpu.memory_space<hbm>>
        tpu.enqueue_indirect_dma source(%dma_start3A_129 : memref<10000x128xf32, #tpu.memory_space<hbm>>) target(%arg10 : memref<128x128xf32, #tpu.memory_space<vmem>>) offsets(%dma_start3A_126 : memref<128xi32, #tpu.memory_space<vmem>>) semaphore(%arg12 : memref<!tpu.dma_semaphore, #tpu.memory_space<semaphore_mem>>)
        %dma_start3A_130 = arith.constant 11 : i32
        %dma_start3A_131 = arith.constant 0 : i32
        %dma_start3A_132 = tpu.memref_slice %arg9[%dma_start3A_130, %dma_start3A_131] : memref<16x128xi32, #tpu.memory_space<vmem>> -> memref<1x128xi32, #tpu.memory_space<vmem>>
        %dma_start3A_133 = tpu.memref_squeeze %dma_start3A_132 : memref<1x128xi32, #tpu.memory_space<vmem>> -> memref<128xi32, #tpu.memory_space<vmem>>
        %dma_start3A_134 = arith.constant 0 : i32
        %dma_start3A_135 = arith.constant 0 : i32
        %dma_start3A_136 = tpu.memref_slice %arg8[%dma_start3A_134, %dma_start3A_135] : memref<10240x128xf32, #tpu.memory_space<vmem_shared>> -> memref<10240x128xf32, #tpu.memory_space<vmem_shared>>
        tpu.enqueue_indirect_dma source(%arg11 : memref<128x128xf32, #tpu.memory_space<vmem>>) target(%dma_start3A_136 : memref<10240x128xf32, #tpu.memory_space<vmem_shared>>) offsets(%dma_start3A_133 : memref<128xi32, #tpu.memory_space<vmem>>) semaphore(%arg15 : memref<!tpu.dma_semaphore, #tpu.memory_space<semaphore_mem>>) {add = true}
        %dma_wait3A_137 = arith.constant 4 : i32
        %dma_wait3A_138 = arith.constant 0 : i32
        %dma_wait3A_139 = tpu.memref_slice %arg9[%dma_wait3A_137, %dma_wait3A_138] : memref<16x128xi32, #tpu.memory_space<vmem>> -> memref<1x128xi32, #tpu.memory_space<vmem>>
        %dma_wait3A_140 = tpu.memref_squeeze %dma_wait3A_139 : memref<1x128xi32, #tpu.memory_space<vmem>> -> memref<128xi32, #tpu.memory_space<vmem>>
        %dma_wait3A_141 = arith.constant 0 : i32
        %dma_wait3A_142 = arith.constant 0 : i32
        %dma_wait3A_143 = tpu.memref_slice %arg2[%dma_wait3A_141, %dma_wait3A_142] : memref<10000x128xf32, #tpu.memory_space<hbm>> -> memref<10000x128xf32, #tpu.memory_space<hbm>>
        tpu.wait_indirect_dma semaphore(%arg12 : memref<!tpu.dma_semaphore, #tpu.memory_space<semaphore_mem>>) src(%dma_wait3A_143 : memref<10000x128xf32, #tpu.memory_space<hbm>>) dst(%arg10 : memref<128x128xf32, #tpu.memory_space<vmem>>)
        %dma_wait3A_144 = arith.constant 11 : i32
        %dma_wait3A_145 = arith.constant 0 : i32
        %dma_wait3A_146 = tpu.memref_slice %arg9[%dma_wait3A_144, %dma_wait3A_145] : memref<16x128xi32, #tpu.memory_space<vmem>> -> memref<1x128xi32, #tpu.memory_space<vmem>>
        %dma_wait3A_147 = tpu.memref_squeeze %dma_wait3A_146 : memref<1x128xi32, #tpu.memory_space<vmem>> -> memref<128xi32, #tpu.memory_space<vmem>>
        %dma_wait3A_148 = arith.constant 0 : i32
        %dma_wait3A_149 = arith.constant 0 : i32
        %dma_wait3A_150 = tpu.memref_slice %arg8[%dma_wait3A_148, %dma_wait3A_149] : memref<10240x128xf32, #tpu.memory_space<vmem_shared>> -> memref<10240x128xf32, #tpu.memory_space<vmem_shared>>
        tpu.wait_indirect_dma semaphore(%arg15 : memref<!tpu.dma_semaphore, #tpu.memory_space<semaphore_mem>>) src(%arg11 : memref<128x128xf32, #tpu.memory_space<vmem>>) dst(%dma_wait3A_150 : memref<10240x128xf32, #tpu.memory_space<vmem_shared>>)
        %dma_start3A_151 = arith.constant 5 : i32
        %dma_start3A_152 = arith.constant 0 : i32
        %dma_start3A_153 = tpu.memref_slice %arg9[%dma_start3A_151, %dma_start3A_152] : memref<16x128xi32, #tpu.memory_space<vmem>> -> memref<1x128xi32, #tpu.memory_space<vmem>>
        %dma_start3A_154 = tpu.memref_squeeze %dma_start3A_153 : memref<1x128xi32, #tpu.memory_space<vmem>> -> memref<128xi32, #tpu.memory_space<vmem>>
        %dma_start3A_155 = arith.constant 0 : i32
        %dma_start3A_156 = arith.constant 0 : i32
        %dma_start3A_157 = tpu.memref_slice %arg2[%dma_start3A_155, %dma_start3A_156] : memref<10000x128xf32, #tpu.memory_space<hbm>> -> memref<10000x128xf32, #tpu.memory_space<hbm>>
        tpu.enqueue_indirect_dma source(%dma_start3A_157 : memref<10000x128xf32, #tpu.memory_space<hbm>>) target(%arg11 : memref<128x128xf32, #tpu.memory_space<vmem>>) offsets(%dma_start3A_154 : memref<128xi32, #tpu.memory_space<vmem>>) semaphore(%arg13 : memref<!tpu.dma_semaphore, #tpu.memory_space<semaphore_mem>>)
        %dma_start3A_158 = arith.constant 12 : i32
        %dma_start3A_159 = arith.constant 0 : i32
        %dma_start3A_160 = tpu.memref_slice %arg9[%dma_start3A_158, %dma_start3A_159] : memref<16x128xi32, #tpu.memory_space<vmem>> -> memref<1x128xi32, #tpu.memory_space<vmem>>
        %dma_start3A_161 = tpu.memref_squeeze %dma_start3A_160 : memref<1x128xi32, #tpu.memory_space<vmem>> -> memref<128xi32, #tpu.memory_space<vmem>>
        %dma_start3A_162 = arith.constant 0 : i32
        %dma_start3A_163 = arith.constant 0 : i32
        %dma_start3A_164 = tpu.memref_slice %arg8[%dma_start3A_162, %dma_start3A_163] : memref<10240x128xf32, #tpu.memory_space<vmem_shared>> -> memref<10240x128xf32, #tpu.memory_space<vmem_shared>>
        tpu.enqueue_indirect_dma source(%arg10 : memref<128x128xf32, #tpu.memory_space<vmem>>) target(%dma_start3A_164 : memref<10240x128xf32, #tpu.memory_space<vmem_shared>>) offsets(%dma_start3A_161 : memref<128xi32, #tpu.memory_space<vmem>>) semaphore(%arg14 : memref<!tpu.dma_semaphore, #tpu.memory_space<semaphore_mem>>) {add = true}
        %dma_wait3A_165 = arith.constant 5 : i32
        %dma_wait3A_166 = arith.constant 0 : i32
        %dma_wait3A_167 = tpu.memref_slice %arg9[%dma_wait3A_165, %dma_wait3A_166] : memref<16x128xi32, #tpu.memory_space<vmem>> -> memref<1x128xi32, #tpu.memory_space<vmem>>
        %dma_wait3A_168 = tpu.memref_squeeze %dma_wait3A_167 : memref<1x128xi32, #tpu.memory_space<vmem>> -> memref<128xi32, #tpu.memory_space<vmem>>
        %dma_wait3A_169 = arith.constant 0 : i32
        %dma_wait3A_170 = arith.constant 0 : i32
        %dma_wait3A_171 = tpu.memref_slice %arg2[%dma_wait3A_169, %dma_wait3A_170] : memref<10000x128xf32, #tpu.memory_space<hbm>> -> memref<10000x128xf32, #tpu.memory_space<hbm>>
        tpu.wait_indirect_dma semaphore(%arg13 : memref<!tpu.dma_semaphore, #tpu.memory_space<semaphore_mem>>) src(%dma_wait3A_171 : memref<10000x128xf32, #tpu.memory_space<hbm>>) dst(%arg11 : memref<128x128xf32, #tpu.memory_space<vmem>>)
        %dma_wait3A_172 = arith.constant 12 : i32
        %dma_wait3A_173 = arith.constant 0 : i32
        %dma_wait3A_174 = tpu.memref_slice %arg9[%dma_wait3A_172, %dma_wait3A_173] : memref<16x128xi32, #tpu.memory_space<vmem>> -> memref<1x128xi32, #tpu.memory_space<vmem>>
        %dma_wait3A_175 = tpu.memref_squeeze %dma_wait3A_174 : memref<1x128xi32, #tpu.memory_space<vmem>> -> memref<128xi32, #tpu.memory_space<vmem>>
        %dma_wait3A_176 = arith.constant 0 : i32
        %dma_wait3A_177 = arith.constant 0 : i32
        %dma_wait3A_178 = tpu.memref_slice %arg8[%dma_wait3A_176, %dma_wait3A_177] : memref<10240x128xf32, #tpu.memory_space<vmem_shared>> -> memref<10240x128xf32, #tpu.memory_space<vmem_shared>>
        tpu.wait_indirect_dma semaphore(%arg14 : memref<!tpu.dma_semaphore, #tpu.memory_space<semaphore_mem>>) src(%arg10 : memref<128x128xf32, #tpu.memory_space<vmem>>) dst(%dma_wait3A_178 : memref<10240x128xf32, #tpu.memory_space<vmem_shared>>)
        %dma_start3A_179 = arith.constant 6 : i32
        %dma_start3A_180 = arith.constant 0 : i32
        %dma_start3A_181 = tpu.memref_slice %arg9[%dma_start3A_179, %dma_start3A_180] : memref<16x128xi32, #tpu.memory_space<vmem>> -> memref<1x128xi32, #tpu.memory_space<vmem>>
        %dma_start3A_182 = tpu.memref_squeeze %dma_start3A_181 : memref<1x128xi32, #tpu.memory_space<vmem>> -> memref<128xi32, #tpu.memory_space<vmem>>
        %dma_start3A_183 = arith.constant 0 : i32
        %dma_start3A_184 = arith.constant 0 : i32
        %dma_start3A_185 = tpu.memref_slice %arg2[%dma_start3A_183, %dma_start3A_184] : memref<10000x128xf32, #tpu.memory_space<hbm>> -> memref<10000x128xf32, #tpu.memory_space<hbm>>
        tpu.enqueue_indirect_dma source(%dma_start3A_185 : memref<10000x128xf32, #tpu.memory_space<hbm>>) target(%arg10 : memref<128x128xf32, #tpu.memory_space<vmem>>) offsets(%dma_start3A_182 : memref<128xi32, #tpu.memory_space<vmem>>) semaphore(%arg12 : memref<!tpu.dma_semaphore, #tpu.memory_space<semaphore_mem>>)
        %dma_start3A_186 = arith.constant 13 : i32
        %dma_start3A_187 = arith.constant 0 : i32
        %dma_start3A_188 = tpu.memref_slice %arg9[%dma_start3A_186, %dma_start3A_187] : memref<16x128xi32, #tpu.memory_space<vmem>> -> memref<1x128xi32, #tpu.memory_space<vmem>>
        %dma_start3A_189 = tpu.memref_squeeze %dma_start3A_188 : memref<1x128xi32, #tpu.memory_space<vmem>> -> memref<128xi32, #tpu.memory_space<vmem>>
        %dma_start3A_190 = arith.constant 0 : i32
        %dma_start3A_191 = arith.constant 0 : i32
        %dma_start3A_192 = tpu.memref_slice %arg8[%dma_start3A_190, %dma_start3A_191] : memref<10240x128xf32, #tpu.memory_space<vmem_shared>> -> memref<10240x128xf32, #tpu.memory_space<vmem_shared>>
        tpu.enqueue_indirect_dma source(%arg11 : memref<128x128xf32, #tpu.memory_space<vmem>>) target(%dma_start3A_192 : memref<10240x128xf32, #tpu.memory_space<vmem_shared>>) offsets(%dma_start3A_189 : memref<128xi32, #tpu.memory_space<vmem>>) semaphore(%arg15 : memref<!tpu.dma_semaphore, #tpu.memory_space<semaphore_mem>>) {add = true}
        %dma_wait3A_193 = arith.constant 6 : i32
        %dma_wait3A_194 = arith.constant 0 : i32
        %dma_wait3A_195 = tpu.memref_slice %arg9[%dma_wait3A_193, %dma_wait3A_194] : memref<16x128xi32, #tpu.memory_space<vmem>> -> memref<1x128xi32, #tpu.memory_space<vmem>>
        %dma_wait3A_196 = tpu.memref_squeeze %dma_wait3A_195 : memref<1x128xi32, #tpu.memory_space<vmem>> -> memref<128xi32, #tpu.memory_space<vmem>>
        %dma_wait3A_197 = arith.constant 0 : i32
        %dma_wait3A_198 = arith.constant 0 : i32
        %dma_wait3A_199 = tpu.memref_slice %arg2[%dma_wait3A_197, %dma_wait3A_198] : memref<10000x128xf32, #tpu.memory_space<hbm>> -> memref<10000x128xf32, #tpu.memory_space<hbm>>
        tpu.wait_indirect_dma semaphore(%arg12 : memref<!tpu.dma_semaphore, #tpu.memory_space<semaphore_mem>>) src(%dma_wait3A_199 : memref<10000x128xf32, #tpu.memory_space<hbm>>) dst(%arg10 : memref<128x128xf32, #tpu.memory_space<vmem>>)
        %dma_wait3A_200 = arith.constant 13 : i32
        %dma_wait3A_201 = arith.constant 0 : i32
        %dma_wait3A_202 = tpu.memref_slice %arg9[%dma_wait3A_200, %dma_wait3A_201] : memref<16x128xi32, #tpu.memory_space<vmem>> -> memref<1x128xi32, #tpu.memory_space<vmem>>
        %dma_wait3A_203 = tpu.memref_squeeze %dma_wait3A_202 : memref<1x128xi32, #tpu.memory_space<vmem>> -> memref<128xi32, #tpu.memory_space<vmem>>
        %dma_wait3A_204 = arith.constant 0 : i32
        %dma_wait3A_205 = arith.constant 0 : i32
        %dma_wait3A_206 = tpu.memref_slice %arg8[%dma_wait3A_204, %dma_wait3A_205] : memref<10240x128xf32, #tpu.memory_space<vmem_shared>> -> memref<10240x128xf32, #tpu.memory_space<vmem_shared>>
        tpu.wait_indirect_dma semaphore(%arg15 : memref<!tpu.dma_semaphore, #tpu.memory_space<semaphore_mem>>) src(%arg11 : memref<128x128xf32, #tpu.memory_space<vmem>>) dst(%dma_wait3A_206 : memref<10240x128xf32, #tpu.memory_space<vmem_shared>>)
        %dma_start3A_207 = arith.constant 7 : i32
        %dma_start3A_208 = arith.constant 0 : i32
        %dma_start3A_209 = tpu.memref_slice %arg9[%dma_start3A_207, %dma_start3A_208] : memref<16x128xi32, #tpu.memory_space<vmem>> -> memref<1x128xi32, #tpu.memory_space<vmem>>
        %dma_start3A_210 = tpu.memref_squeeze %dma_start3A_209 : memref<1x128xi32, #tpu.memory_space<vmem>> -> memref<128xi32, #tpu.memory_space<vmem>>
        %dma_start3A_211 = arith.constant 0 : i32
        %dma_start3A_212 = arith.constant 0 : i32
        %dma_start3A_213 = tpu.memref_slice %arg2[%dma_start3A_211, %dma_start3A_212] : memref<10000x128xf32, #tpu.memory_space<hbm>> -> memref<10000x128xf32, #tpu.memory_space<hbm>>
        tpu.enqueue_indirect_dma source(%dma_start3A_213 : memref<10000x128xf32, #tpu.memory_space<hbm>>) target(%arg11 : memref<128x128xf32, #tpu.memory_space<vmem>>) offsets(%dma_start3A_210 : memref<128xi32, #tpu.memory_space<vmem>>) semaphore(%arg13 : memref<!tpu.dma_semaphore, #tpu.memory_space<semaphore_mem>>)
        %dma_start3A_214 = arith.constant 14 : i32
        %dma_start3A_215 = arith.constant 0 : i32
        %dma_start3A_216 = tpu.memref_slice %arg9[%dma_start3A_214, %dma_start3A_215] : memref<16x128xi32, #tpu.memory_space<vmem>> -> memref<1x128xi32, #tpu.memory_space<vmem>>
        %dma_start3A_217 = tpu.memref_squeeze %dma_start3A_216 : memref<1x128xi32, #tpu.memory_space<vmem>> -> memref<128xi32, #tpu.memory_space<vmem>>
        %dma_start3A_218 = arith.constant 0 : i32
        %dma_start3A_219 = arith.constant 0 : i32
        %dma_start3A_220 = tpu.memref_slice %arg8[%dma_start3A_218, %dma_start3A_219] : memref<10240x128xf32, #tpu.memory_space<vmem_shared>> -> memref<10240x128xf32, #tpu.memory_space<vmem_shared>>
        tpu.enqueue_indirect_dma source(%arg10 : memref<128x128xf32, #tpu.memory_space<vmem>>) target(%dma_start3A_220 : memref<10240x128xf32, #tpu.memory_space<vmem_shared>>) offsets(%dma_start3A_217 : memref<128xi32, #tpu.memory_space<vmem>>) semaphore(%arg14 : memref<!tpu.dma_semaphore, #tpu.memory_space<semaphore_mem>>) {add = true}
        %dma_wait3A_221 = arith.constant 7 : i32
        %dma_wait3A_222 = arith.constant 0 : i32
        %dma_wait3A_223 = tpu.memref_slice %arg9[%dma_wait3A_221, %dma_wait3A_222] : memref<16x128xi32, #tpu.memory_space<vmem>> -> memref<1x128xi32, #tpu.memory_space<vmem>>
        %dma_wait3A_224 = tpu.memref_squeeze %dma_wait3A_223 : memref<1x128xi32, #tpu.memory_space<vmem>> -> memref<128xi32, #tpu.memory_space<vmem>>
        %dma_wait3A_225 = arith.constant 0 : i32
        %dma_wait3A_226 = arith.constant 0 : i32
        %dma_wait3A_227 = tpu.memref_slice %arg2[%dma_wait3A_225, %dma_wait3A_226] : memref<10000x128xf32, #tpu.memory_space<hbm>> -> memref<10000x128xf32, #tpu.memory_space<hbm>>
        tpu.wait_indirect_dma semaphore(%arg13 : memref<!tpu.dma_semaphore, #tpu.memory_space<semaphore_mem>>) src(%dma_wait3A_227 : memref<10000x128xf32, #tpu.memory_space<hbm>>) dst(%arg11 : memref<128x128xf32, #tpu.memory_space<vmem>>)
        %dma_start3A_228 = arith.constant 15 : i32
        %dma_start3A_229 = arith.constant 0 : i32
        %dma_start3A_230 = tpu.memref_slice %arg9[%dma_start3A_228, %dma_start3A_229] : memref<16x128xi32, #tpu.memory_space<vmem>> -> memref<1x128xi32, #tpu.memory_space<vmem>>
        %dma_start3A_231 = tpu.memref_squeeze %dma_start3A_230 : memref<1x128xi32, #tpu.memory_space<vmem>> -> memref<128xi32, #tpu.memory_space<vmem>>
        %dma_start3A_232 = arith.constant 0 : i32
        %dma_start3A_233 = arith.constant 0 : i32
        %dma_start3A_234 = tpu.memref_slice %arg8[%dma_start3A_232, %dma_start3A_233] : memref<10240x128xf32, #tpu.memory_space<vmem_shared>> -> memref<10240x128xf32, #tpu.memory_space<vmem_shared>>
        tpu.enqueue_indirect_dma source(%arg11 : memref<128x128xf32, #tpu.memory_space<vmem>>) target(%dma_start3A_234 : memref<10240x128xf32, #tpu.memory_space<vmem_shared>>) offsets(%dma_start3A_231 : memref<128xi32, #tpu.memory_space<vmem>>) semaphore(%arg15 : memref<!tpu.dma_semaphore, #tpu.memory_space<semaphore_mem>>) {add = true}
        %dma_wait3A_235 = arith.constant 14 : i32
        %dma_wait3A_236 = arith.constant 0 : i32
        %dma_wait3A_237 = tpu.memref_slice %arg9[%dma_wait3A_235, %dma_wait3A_236] : memref<16x128xi32, #tpu.memory_space<vmem>> -> memref<1x128xi32, #tpu.memory_space<vmem>>
        %dma_wait3A_238 = tpu.memref_squeeze %dma_wait3A_237 : memref<1x128xi32, #tpu.memory_space<vmem>> -> memref<128xi32, #tpu.memory_space<vmem>>
        %dma_wait3A_239 = arith.constant 0 : i32
        %dma_wait3A_240 = arith.constant 0 : i32
        %dma_wait3A_241 = tpu.memref_slice %arg8[%dma_wait3A_239, %dma_wait3A_240] : memref<10240x128xf32, #tpu.memory_space<vmem_shared>> -> memref<10240x128xf32, #tpu.memory_space<vmem_shared>>
        tpu.wait_indirect_dma semaphore(%arg14 : memref<!tpu.dma_semaphore, #tpu.memory_space<semaphore_mem>>) src(%arg10 : memref<128x128xf32, #tpu.memory_space<vmem>>) dst(%dma_wait3A_241 : memref<10240x128xf32, #tpu.memory_space<vmem_shared>>)
        %dma_wait3A_242 = arith.constant 15 : i32
        %dma_wait3A_243 = arith.constant 0 : i32
        %dma_wait3A_244 = tpu.memref_slice %arg9[%dma_wait3A_242, %dma_wait3A_243] : memref<16x128xi32, #tpu.memory_space<vmem>> -> memref<1x128xi32, #tpu.memory_space<vmem>>
        %dma_wait3A_245 = tpu.memref_squeeze %dma_wait3A_244 : memref<1x128xi32, #tpu.memory_space<vmem>> -> memref<128xi32, #tpu.memory_space<vmem>>
        %dma_wait3A_246 = arith.constant 0 : i32
        %dma_wait3A_247 = arith.constant 0 : i32
        %dma_wait3A_248 = tpu.memref_slice %arg8[%dma_wait3A_246, %dma_wait3A_247] : memref<10240x128xf32, #tpu.memory_space<vmem_shared>> -> memref<10240x128xf32, #tpu.memory_space<vmem_shared>>
        tpu.wait_indirect_dma semaphore(%arg15 : memref<!tpu.dma_semaphore, #tpu.memory_space<semaphore_mem>>) src(%arg11 : memref<128x128xf32, #tpu.memory_space<vmem>>) dst(%dma_wait3A_248 : memref<10240x128xf32, #tpu.memory_space<vmem_shared>>)
      }
      %scan3A_23 = arith.constant 10 : i32
    } else {
    }
    %eq3A_3 = arith.constant 1 : i32
    %eq3A_4 = arith.cmpi eq, %arg0, %eq3A_3 : i32
    %convert_element_type3A_5 = arith.extui %eq3A_4 : i1 to i32
    %cond3A_6 = arith.constant 0 : i32
    %cond3A_7 = arith.cmpi ne, %convert_element_type3A_5, %cond3A_6 : i32
    scf.if %cond3A_7 {
      %scan3A = arith.constant 0 : i32
      %scan3A_19 = arith.constant 0 : i32
      %scan3A_20 = arith.constant 10 : i32
      %scan3A_21 = arith.addi %scan3A_19, %scan3A_20 : i32
      %scan3A_22 = arith.constant 1 : i32
      scf.for %scan3A_24 = %scan3A_19 to %scan3A_21 step %scan3A_22  : i32 {
        %mul3A_25 = arith.constant 10 : i32
        %mul3A_26 = arith.muli %arg1, %mul3A_25 : i32
        %add3A = arith.addi %mul3A_26, %scan3A_24 : i32
        "tpu.region"() ({
          %run_scoped3A = tpu.sem_alloc : memref<!tpu.dma_semaphore, #tpu.memory_space<semaphore_mem>>
          %dma_start3A_249 = arith.constant 0 : i32
          %dma_start3A_250 = arith.constant 0 : i32
          %dma_start3A_251 = tpu.memref_slice %arg4[%add3A, %dma_start3A_249, %dma_start3A_250] : memref<160x16x128xi32, #tpu.memory_space<hbm>> -> memref<1x16x128xi32, #tpu.memory_space<hbm>>
          %dma_start3A_252 = tpu.memref_squeeze %dma_start3A_251 : memref<1x16x128xi32, #tpu.memory_space<hbm>> -> memref<16x128xi32, #tpu.memory_space<hbm>>
          %dma_start3A_253 = arith.constant 0 : i32
          %dma_start3A_254 = arith.constant 0 : i32
          %dma_start3A_255 = tpu.memref_slice %arg4[%add3A, %dma_start3A_253, %dma_start3A_254] : memref<160x16x128xi32, #tpu.memory_space<hbm>> -> memref<1x16x128xi32, #tpu.memory_space<hbm>>
          %dma_start3A_256 = tpu.memref_squeeze %dma_start3A_255 : memref<1x16x128xi32, #tpu.memory_space<hbm>> -> memref<16x128xi32, #tpu.memory_space<hbm>>
          tpu.enqueue_dma source(%dma_start3A_256 : memref<16x128xi32, #tpu.memory_space<hbm>>) target(%arg9 : memref<16x128xi32, #tpu.memory_space<vmem>>) target_semaphore(%run_scoped3A : memref<!tpu.dma_semaphore, #tpu.memory_space<semaphore_mem>>)
          %dma_wait3A_257 = arith.constant 0 : i32
          %dma_wait3A_258 = arith.constant 0 : i32
          %dma_wait3A_259 = tpu.memref_slice %arg4[%add3A, %dma_wait3A_257, %dma_wait3A_258] : memref<160x16x128xi32, #tpu.memory_space<hbm>> -> memref<1x16x128xi32, #tpu.memory_space<hbm>>
          %dma_wait3A_260 = tpu.memref_squeeze %dma_wait3A_259 : memref<1x16x128xi32, #tpu.memory_space<hbm>> -> memref<16x128xi32, #tpu.memory_space<hbm>>
          %dma_wait3A_261 = arith.constant 0 : i32
          %dma_wait3A_262 = arith.constant 0 : i32
          %dma_wait3A_263 = tpu.memref_slice %arg4[%add3A, %dma_wait3A_261, %dma_wait3A_262] : memref<160x16x128xi32, #tpu.memory_space<hbm>> -> memref<1x16x128xi32, #tpu.memory_space<hbm>>
          %dma_wait3A_264 = tpu.memref_squeeze %dma_wait3A_263 : memref<1x16x128xi32, #tpu.memory_space<hbm>> -> memref<16x128xi32, #tpu.memory_space<hbm>>
          tpu.wait_dma2 semaphore(%run_scoped3A : memref<!tpu.dma_semaphore, #tpu.memory_space<semaphore_mem>>) src(%dma_wait3A_264 : memref<16x128xi32, #tpu.memory_space<hbm>>) dst(%arg9 : memref<16x128xi32, #tpu.memory_space<vmem>>)
          tpu.yield
        }) : () -> ()
        %dma_start3A = arith.constant 0 : i32
        %dma_start3A_27 = arith.constant 0 : i32
        %dma_start3A_28 = tpu.memref_slice %arg9[%dma_start3A, %dma_start3A_27] : memref<16x128xi32, #tpu.memory_space<vmem>> -> memref<1x128xi32, #tpu.memory_space<vmem>>
        %dma_start3A_29 = tpu.memref_squeeze %dma_start3A_28 : memref<1x128xi32, #tpu.memory_space<vmem>> -> memref<128xi32, #tpu.memory_space<vmem>>
        %dma_start3A_30 = arith.constant 0 : i32
        %dma_start3A_31 = arith.constant 0 : i32
        %dma_start3A_32 = tpu.memref_slice %arg3[%dma_start3A_30, %dma_start3A_31] : memref<10000x128xf32, #tpu.memory_space<hbm>> -> memref<10000x128xf32, #tpu.memory_space<hbm>>
        tpu.enqueue_indirect_dma source(%dma_start3A_32 : memref<10000x128xf32, #tpu.memory_space<hbm>>) target(%arg10 : memref<128x128xf32, #tpu.memory_space<vmem>>) offsets(%dma_start3A_29 : memref<128xi32, #tpu.memory_space<vmem>>) semaphore(%arg12 : memref<!tpu.dma_semaphore, #tpu.memory_space<semaphore_mem>>)
        %dma_wait3A = arith.constant 0 : i32
        %dma_wait3A_33 = arith.constant 0 : i32
        %dma_wait3A_34 = tpu.memref_slice %arg9[%dma_wait3A, %dma_wait3A_33] : memref<16x128xi32, #tpu.memory_space<vmem>> -> memref<1x128xi32, #tpu.memory_space<vmem>>
        %dma_wait3A_35 = tpu.memref_squeeze %dma_wait3A_34 : memref<1x128xi32, #tpu.memory_space<vmem>> -> memref<128xi32, #tpu.memory_space<vmem>>
        %dma_wait3A_36 = arith.constant 0 : i32
        %dma_wait3A_37 = arith.constant 0 : i32
        %dma_wait3A_38 = tpu.memref_slice %arg3[%dma_wait3A_36, %dma_wait3A_37] : memref<10000x128xf32, #tpu.memory_space<hbm>> -> memref<10000x128xf32, #tpu.memory_space<hbm>>
        tpu.wait_indirect_dma semaphore(%arg12 : memref<!tpu.dma_semaphore, #tpu.memory_space<semaphore_mem>>) src(%dma_wait3A_38 : memref<10000x128xf32, #tpu.memory_space<hbm>>) dst(%arg10 : memref<128x128xf32, #tpu.memory_space<vmem>>)
        %dma_start3A_39 = arith.constant 1 : i32
        %dma_start3A_40 = arith.constant 0 : i32
        %dma_start3A_41 = tpu.memref_slice %arg9[%dma_start3A_39, %dma_start3A_40] : memref<16x128xi32, #tpu.memory_space<vmem>> -> memref<1x128xi32, #tpu.memory_space<vmem>>
        %dma_start3A_42 = tpu.memref_squeeze %dma_start3A_41 : memref<1x128xi32, #tpu.memory_space<vmem>> -> memref<128xi32, #tpu.memory_space<vmem>>
        %dma_start3A_43 = arith.constant 0 : i32
        %dma_start3A_44 = arith.constant 0 : i32
        %dma_start3A_45 = tpu.memref_slice %arg3[%dma_start3A_43, %dma_start3A_44] : memref<10000x128xf32, #tpu.memory_space<hbm>> -> memref<10000x128xf32, #tpu.memory_space<hbm>>
        tpu.enqueue_indirect_dma source(%dma_start3A_45 : memref<10000x128xf32, #tpu.memory_space<hbm>>) target(%arg11 : memref<128x128xf32, #tpu.memory_space<vmem>>) offsets(%dma_start3A_42 : memref<128xi32, #tpu.memory_space<vmem>>) semaphore(%arg13 : memref<!tpu.dma_semaphore, #tpu.memory_space<semaphore_mem>>)
        %dma_start3A_46 = arith.constant 8 : i32
        %dma_start3A_47 = arith.constant 0 : i32
        %dma_start3A_48 = tpu.memref_slice %arg9[%dma_start3A_46, %dma_start3A_47] : memref<16x128xi32, #tpu.memory_space<vmem>> -> memref<1x128xi32, #tpu.memory_space<vmem>>
        %dma_start3A_49 = tpu.memref_squeeze %dma_start3A_48 : memref<1x128xi32, #tpu.memory_space<vmem>> -> memref<128xi32, #tpu.memory_space<vmem>>
        %dma_start3A_50 = arith.constant 0 : i32
        %dma_start3A_51 = arith.constant 0 : i32
        %dma_start3A_52 = tpu.memref_slice %arg8[%dma_start3A_50, %dma_start3A_51] : memref<10240x128xf32, #tpu.memory_space<vmem_shared>> -> memref<10240x128xf32, #tpu.memory_space<vmem_shared>>
        tpu.enqueue_indirect_dma source(%arg10 : memref<128x128xf32, #tpu.memory_space<vmem>>) target(%dma_start3A_52 : memref<10240x128xf32, #tpu.memory_space<vmem_shared>>) offsets(%dma_start3A_49 : memref<128xi32, #tpu.memory_space<vmem>>) semaphore(%arg14 : memref<!tpu.dma_semaphore, #tpu.memory_space<semaphore_mem>>) {add = true}
        %dma_wait3A_53 = arith.constant 1 : i32
        %dma_wait3A_54 = arith.constant 0 : i32
        %dma_wait3A_55 = tpu.memref_slice %arg9[%dma_wait3A_53, %dma_wait3A_54] : memref<16x128xi32, #tpu.memory_space<vmem>> -> memref<1x128xi32, #tpu.memory_space<vmem>>
        %dma_wait3A_56 = tpu.memref_squeeze %dma_wait3A_55 : memref<1x128xi32, #tpu.memory_space<vmem>> -> memref<128xi32, #tpu.memory_space<vmem>>
        %dma_wait3A_57 = arith.constant 0 : i32
        %dma_wait3A_58 = arith.constant 0 : i32
        %dma_wait3A_59 = tpu.memref_slice %arg3[%dma_wait3A_57, %dma_wait3A_58] : memref<10000x128xf32, #tpu.memory_space<hbm>> -> memref<10000x128xf32, #tpu.memory_space<hbm>>
        tpu.wait_indirect_dma semaphore(%arg13 : memref<!tpu.dma_semaphore, #tpu.memory_space<semaphore_mem>>) src(%dma_wait3A_59 : memref<10000x128xf32, #tpu.memory_space<hbm>>) dst(%arg11 : memref<128x128xf32, #tpu.memory_space<vmem>>)
        %dma_wait3A_60 = arith.constant 8 : i32
        %dma_wait3A_61 = arith.constant 0 : i32
        %dma_wait3A_62 = tpu.memref_slice %arg9[%dma_wait3A_60, %dma_wait3A_61] : memref<16x128xi32, #tpu.memory_space<vmem>> -> memref<1x128xi32, #tpu.memory_space<vmem>>
        %dma_wait3A_63 = tpu.memref_squeeze %dma_wait3A_62 : memref<1x128xi32, #tpu.memory_space<vmem>> -> memref<128xi32, #tpu.memory_space<vmem>>
        %dma_wait3A_64 = arith.constant 0 : i32
        %dma_wait3A_65 = arith.constant 0 : i32
        %dma_wait3A_66 = tpu.memref_slice %arg8[%dma_wait3A_64, %dma_wait3A_65] : memref<10240x128xf32, #tpu.memory_space<vmem_shared>> -> memref<10240x128xf32, #tpu.memory_space<vmem_shared>>
        tpu.wait_indirect_dma semaphore(%arg14 : memref<!tpu.dma_semaphore, #tpu.memory_space<semaphore_mem>>) src(%arg10 : memref<128x128xf32, #tpu.memory_space<vmem>>) dst(%dma_wait3A_66 : memref<10240x128xf32, #tpu.memory_space<vmem_shared>>)
        %dma_start3A_67 = arith.constant 2 : i32
        %dma_start3A_68 = arith.constant 0 : i32
        %dma_start3A_69 = tpu.memref_slice %arg9[%dma_start3A_67, %dma_start3A_68] : memref<16x128xi32, #tpu.memory_space<vmem>> -> memref<1x128xi32, #tpu.memory_space<vmem>>
        %dma_start3A_70 = tpu.memref_squeeze %dma_start3A_69 : memref<1x128xi32, #tpu.memory_space<vmem>> -> memref<128xi32, #tpu.memory_space<vmem>>
        %dma_start3A_71 = arith.constant 0 : i32
        %dma_start3A_72 = arith.constant 0 : i32
        %dma_start3A_73 = tpu.memref_slice %arg3[%dma_start3A_71, %dma_start3A_72] : memref<10000x128xf32, #tpu.memory_space<hbm>> -> memref<10000x128xf32, #tpu.memory_space<hbm>>
        tpu.enqueue_indirect_dma source(%dma_start3A_73 : memref<10000x128xf32, #tpu.memory_space<hbm>>) target(%arg10 : memref<128x128xf32, #tpu.memory_space<vmem>>) offsets(%dma_start3A_70 : memref<128xi32, #tpu.memory_space<vmem>>) semaphore(%arg12 : memref<!tpu.dma_semaphore, #tpu.memory_space<semaphore_mem>>)
        %dma_start3A_74 = arith.constant 9 : i32
        %dma_start3A_75 = arith.constant 0 : i32
        %dma_start3A_76 = tpu.memref_slice %arg9[%dma_start3A_74, %dma_start3A_75] : memref<16x128xi32, #tpu.memory_space<vmem>> -> memref<1x128xi32, #tpu.memory_space<vmem>>
        %dma_start3A_77 = tpu.memref_squeeze %dma_start3A_76 : memref<1x128xi32, #tpu.memory_space<vmem>> -> memref<128xi32, #tpu.memory_space<vmem>>
        %dma_start3A_78 = arith.constant 0 : i32
        %dma_start3A_79 = arith.constant 0 : i32
        %dma_start3A_80 = tpu.memref_slice %arg8[%dma_start3A_78, %dma_start3A_79] : memref<10240x128xf32, #tpu.memory_space<vmem_shared>> -> memref<10240x128xf32, #tpu.memory_space<vmem_shared>>
        tpu.enqueue_indirect_dma source(%arg11 : memref<128x128xf32, #tpu.memory_space<vmem>>) target(%dma_start3A_80 : memref<10240x128xf32, #tpu.memory_space<vmem_shared>>) offsets(%dma_start3A_77 : memref<128xi32, #tpu.memory_space<vmem>>) semaphore(%arg15 : memref<!tpu.dma_semaphore, #tpu.memory_space<semaphore_mem>>) {add = true}
        %dma_wait3A_81 = arith.constant 2 : i32
        %dma_wait3A_82 = arith.constant 0 : i32
        %dma_wait3A_83 = tpu.memref_slice %arg9[%dma_wait3A_81, %dma_wait3A_82] : memref<16x128xi32, #tpu.memory_space<vmem>> -> memref<1x128xi32, #tpu.memory_space<vmem>>
        %dma_wait3A_84 = tpu.memref_squeeze %dma_wait3A_83 : memref<1x128xi32, #tpu.memory_space<vmem>> -> memref<128xi32, #tpu.memory_space<vmem>>
        %dma_wait3A_85 = arith.constant 0 : i32
        %dma_wait3A_86 = arith.constant 0 : i32
        %dma_wait3A_87 = tpu.memref_slice %arg3[%dma_wait3A_85, %dma_wait3A_86] : memref<10000x128xf32, #tpu.memory_space<hbm>> -> memref<10000x128xf32, #tpu.memory_space<hbm>>
        tpu.wait_indirect_dma semaphore(%arg12 : memref<!tpu.dma_semaphore, #tpu.memory_space<semaphore_mem>>) src(%dma_wait3A_87 : memref<10000x128xf32, #tpu.memory_space<hbm>>) dst(%arg10 : memref<128x128xf32, #tpu.memory_space<vmem>>)
        %dma_wait3A_88 = arith.constant 9 : i32
        %dma_wait3A_89 = arith.constant 0 : i32
        %dma_wait3A_90 = tpu.memref_slice %arg9[%dma_wait3A_88, %dma_wait3A_89] : memref<16x128xi32, #tpu.memory_space<vmem>> -> memref<1x128xi32, #tpu.memory_space<vmem>>
        %dma_wait3A_91 = tpu.memref_squeeze %dma_wait3A_90 : memref<1x128xi32, #tpu.memory_space<vmem>> -> memref<128xi32, #tpu.memory_space<vmem>>
        %dma_wait3A_92 = arith.constant 0 : i32
        %dma_wait3A_93 = arith.constant 0 : i32
        %dma_wait3A_94 = tpu.memref_slice %arg8[%dma_wait3A_92, %dma_wait3A_93] : memref<10240x128xf32, #tpu.memory_space<vmem_shared>> -> memref<10240x128xf32, #tpu.memory_space<vmem_shared>>
        tpu.wait_indirect_dma semaphore(%arg15 : memref<!tpu.dma_semaphore, #tpu.memory_space<semaphore_mem>>) src(%arg11 : memref<128x128xf32, #tpu.memory_space<vmem>>) dst(%dma_wait3A_94 : memref<10240x128xf32, #tpu.memory_space<vmem_shared>>)
        %dma_start3A_95 = arith.constant 3 : i32
        %dma_start3A_96 = arith.constant 0 : i32
        %dma_start3A_97 = tpu.memref_slice %arg9[%dma_start3A_95, %dma_start3A_96] : memref<16x128xi32, #tpu.memory_space<vmem>> -> memref<1x128xi32, #tpu.memory_space<vmem>>
        %dma_start3A_98 = tpu.memref_squeeze %dma_start3A_97 : memref<1x128xi32, #tpu.memory_space<vmem>> -> memref<128xi32, #tpu.memory_space<vmem>>
        %dma_start3A_99 = arith.constant 0 : i32
        %dma_start3A_100 = arith.constant 0 : i32
        %dma_start3A_101 = tpu.memref_slice %arg3[%dma_start3A_99, %dma_start3A_100] : memref<10000x128xf32, #tpu.memory_space<hbm>> -> memref<10000x128xf32, #tpu.memory_space<hbm>>
        tpu.enqueue_indirect_dma source(%dma_start3A_101 : memref<10000x128xf32, #tpu.memory_space<hbm>>) target(%arg11 : memref<128x128xf32, #tpu.memory_space<vmem>>) offsets(%dma_start3A_98 : memref<128xi32, #tpu.memory_space<vmem>>) semaphore(%arg13 : memref<!tpu.dma_semaphore, #tpu.memory_space<semaphore_mem>>)
        %dma_start3A_102 = arith.constant 10 : i32
        %dma_start3A_103 = arith.constant 0 : i32
        %dma_start3A_104 = tpu.memref_slice %arg9[%dma_start3A_102, %dma_start3A_103] : memref<16x128xi32, #tpu.memory_space<vmem>> -> memref<1x128xi32, #tpu.memory_space<vmem>>
        %dma_start3A_105 = tpu.memref_squeeze %dma_start3A_104 : memref<1x128xi32, #tpu.memory_space<vmem>> -> memref<128xi32, #tpu.memory_space<vmem>>
        %dma_start3A_106 = arith.constant 0 : i32
        %dma_start3A_107 = arith.constant 0 : i32
        %dma_start3A_108 = tpu.memref_slice %arg8[%dma_start3A_106, %dma_start3A_107] : memref<10240x128xf32, #tpu.memory_space<vmem_shared>> -> memref<10240x128xf32, #tpu.memory_space<vmem_shared>>
        tpu.enqueue_indirect_dma source(%arg10 : memref<128x128xf32, #tpu.memory_space<vmem>>) target(%dma_start3A_108 : memref<10240x128xf32, #tpu.memory_space<vmem_shared>>) offsets(%dma_start3A_105 : memref<128xi32, #tpu.memory_space<vmem>>) semaphore(%arg14 : memref<!tpu.dma_semaphore, #tpu.memory_space<semaphore_mem>>) {add = true}
        %dma_wait3A_109 = arith.constant 3 : i32
        %dma_wait3A_110 = arith.constant 0 : i32
        %dma_wait3A_111 = tpu.memref_slice %arg9[%dma_wait3A_109, %dma_wait3A_110] : memref<16x128xi32, #tpu.memory_space<vmem>> -> memref<1x128xi32, #tpu.memory_space<vmem>>
        %dma_wait3A_112 = tpu.memref_squeeze %dma_wait3A_111 : memref<1x128xi32, #tpu.memory_space<vmem>> -> memref<128xi32, #tpu.memory_space<vmem>>
        %dma_wait3A_113 = arith.constant 0 : i32
        %dma_wait3A_114 = arith.constant 0 : i32
        %dma_wait3A_115 = tpu.memref_slice %arg3[%dma_wait3A_113, %dma_wait3A_114] : memref<10000x128xf32, #tpu.memory_space<hbm>> -> memref<10000x128xf32, #tpu.memory_space<hbm>>
        tpu.wait_indirect_dma semaphore(%arg13 : memref<!tpu.dma_semaphore, #tpu.memory_space<semaphore_mem>>) src(%dma_wait3A_115 : memref<10000x128xf32, #tpu.memory_space<hbm>>) dst(%arg11 : memref<128x128xf32, #tpu.memory_space<vmem>>)
        %dma_wait3A_116 = arith.constant 10 : i32
        %dma_wait3A_117 = arith.constant 0 : i32
        %dma_wait3A_118 = tpu.memref_slice %arg9[%dma_wait3A_116, %dma_wait3A_117] : memref<16x128xi32, #tpu.memory_space<vmem>> -> memref<1x128xi32, #tpu.memory_space<vmem>>
        %dma_wait3A_119 = tpu.memref_squeeze %dma_wait3A_118 : memref<1x128xi32, #tpu.memory_space<vmem>> -> memref<128xi32, #tpu.memory_space<vmem>>
        %dma_wait3A_120 = arith.constant 0 : i32
        %dma_wait3A_121 = arith.constant 0 : i32
        %dma_wait3A_122 = tpu.memref_slice %arg8[%dma_wait3A_120, %dma_wait3A_121] : memref<10240x128xf32, #tpu.memory_space<vmem_shared>> -> memref<10240x128xf32, #tpu.memory_space<vmem_shared>>
        tpu.wait_indirect_dma semaphore(%arg14 : memref<!tpu.dma_semaphore, #tpu.memory_space<semaphore_mem>>) src(%arg10 : memref<128x128xf32, #tpu.memory_space<vmem>>) dst(%dma_wait3A_122 : memref<10240x128xf32, #tpu.memory_space<vmem_shared>>)
        %dma_start3A_123 = arith.constant 4 : i32
        %dma_start3A_124 = arith.constant 0 : i32
        %dma_start3A_125 = tpu.memref_slice %arg9[%dma_start3A_123, %dma_start3A_124] : memref<16x128xi32, #tpu.memory_space<vmem>> -> memref<1x128xi32, #tpu.memory_space<vmem>>
        %dma_start3A_126 = tpu.memref_squeeze %dma_start3A_125 : memref<1x128xi32, #tpu.memory_space<vmem>> -> memref<128xi32, #tpu.memory_space<vmem>>
        %dma_start3A_127 = arith.constant 0 : i32
        %dma_start3A_128 = arith.constant 0 : i32
        %dma_start3A_129 = tpu.memref_slice %arg3[%dma_start3A_127, %dma_start3A_128] : memref<10000x128xf32, #tpu.memory_space<hbm>> -> memref<10000x128xf32, #tpu.memory_space<hbm>>
        tpu.enqueue_indirect_dma source(%dma_start3A_129 : memref<10000x128xf32, #tpu.memory_space<hbm>>) target(%arg10 : memref<128x128xf32, #tpu.memory_space<vmem>>) offsets(%dma_start3A_126 : memref<128xi32, #tpu.memory_space<vmem>>) semaphore(%arg12 : memref<!tpu.dma_semaphore, #tpu.memory_space<semaphore_mem>>)
        %dma_start3A_130 = arith.constant 11 : i32
        %dma_start3A_131 = arith.constant 0 : i32
        %dma_start3A_132 = tpu.memref_slice %arg9[%dma_start3A_130, %dma_start3A_131] : memref<16x128xi32, #tpu.memory_space<vmem>> -> memref<1x128xi32, #tpu.memory_space<vmem>>
        %dma_start3A_133 = tpu.memref_squeeze %dma_start3A_132 : memref<1x128xi32, #tpu.memory_space<vmem>> -> memref<128xi32, #tpu.memory_space<vmem>>
        %dma_start3A_134 = arith.constant 0 : i32
        %dma_start3A_135 = arith.constant 0 : i32
        %dma_start3A_136 = tpu.memref_slice %arg8[%dma_start3A_134, %dma_start3A_135] : memref<10240x128xf32, #tpu.memory_space<vmem_shared>> -> memref<10240x128xf32, #tpu.memory_space<vmem_shared>>
        tpu.enqueue_indirect_dma source(%arg11 : memref<128x128xf32, #tpu.memory_space<vmem>>) target(%dma_start3A_136 : memref<10240x128xf32, #tpu.memory_space<vmem_shared>>) offsets(%dma_start3A_133 : memref<128xi32, #tpu.memory_space<vmem>>) semaphore(%arg15 : memref<!tpu.dma_semaphore, #tpu.memory_space<semaphore_mem>>) {add = true}
        %dma_wait3A_137 = arith.constant 4 : i32
        %dma_wait3A_138 = arith.constant 0 : i32
        %dma_wait3A_139 = tpu.memref_slice %arg9[%dma_wait3A_137, %dma_wait3A_138] : memref<16x128xi32, #tpu.memory_space<vmem>> -> memref<1x128xi32, #tpu.memory_space<vmem>>
        %dma_wait3A_140 = tpu.memref_squeeze %dma_wait3A_139 : memref<1x128xi32, #tpu.memory_space<vmem>> -> memref<128xi32, #tpu.memory_space<vmem>>
        %dma_wait3A_141 = arith.constant 0 : i32
        %dma_wait3A_142 = arith.constant 0 : i32
        %dma_wait3A_143 = tpu.memref_slice %arg3[%dma_wait3A_141, %dma_wait3A_142] : memref<10000x128xf32, #tpu.memory_space<hbm>> -> memref<10000x128xf32, #tpu.memory_space<hbm>>
        tpu.wait_indirect_dma semaphore(%arg12 : memref<!tpu.dma_semaphore, #tpu.memory_space<semaphore_mem>>) src(%dma_wait3A_143 : memref<10000x128xf32, #tpu.memory_space<hbm>>) dst(%arg10 : memref<128x128xf32, #tpu.memory_space<vmem>>)
        %dma_wait3A_144 = arith.constant 11 : i32
        %dma_wait3A_145 = arith.constant 0 : i32
        %dma_wait3A_146 = tpu.memref_slice %arg9[%dma_wait3A_144, %dma_wait3A_145] : memref<16x128xi32, #tpu.memory_space<vmem>> -> memref<1x128xi32, #tpu.memory_space<vmem>>
        %dma_wait3A_147 = tpu.memref_squeeze %dma_wait3A_146 : memref<1x128xi32, #tpu.memory_space<vmem>> -> memref<128xi32, #tpu.memory_space<vmem>>
        %dma_wait3A_148 = arith.constant 0 : i32
        %dma_wait3A_149 = arith.constant 0 : i32
        %dma_wait3A_150 = tpu.memref_slice %arg8[%dma_wait3A_148, %dma_wait3A_149] : memref<10240x128xf32, #tpu.memory_space<vmem_shared>> -> memref<10240x128xf32, #tpu.memory_space<vmem_shared>>
        tpu.wait_indirect_dma semaphore(%arg15 : memref<!tpu.dma_semaphore, #tpu.memory_space<semaphore_mem>>) src(%arg11 : memref<128x128xf32, #tpu.memory_space<vmem>>) dst(%dma_wait3A_150 : memref<10240x128xf32, #tpu.memory_space<vmem_shared>>)
        %dma_start3A_151 = arith.constant 5 : i32
        %dma_start3A_152 = arith.constant 0 : i32
        %dma_start3A_153 = tpu.memref_slice %arg9[%dma_start3A_151, %dma_start3A_152] : memref<16x128xi32, #tpu.memory_space<vmem>> -> memref<1x128xi32, #tpu.memory_space<vmem>>
        %dma_start3A_154 = tpu.memref_squeeze %dma_start3A_153 : memref<1x128xi32, #tpu.memory_space<vmem>> -> memref<128xi32, #tpu.memory_space<vmem>>
        %dma_start3A_155 = arith.constant 0 : i32
        %dma_start3A_156 = arith.constant 0 : i32
        %dma_start3A_157 = tpu.memref_slice %arg3[%dma_start3A_155, %dma_start3A_156] : memref<10000x128xf32, #tpu.memory_space<hbm>> -> memref<10000x128xf32, #tpu.memory_space<hbm>>
        tpu.enqueue_indirect_dma source(%dma_start3A_157 : memref<10000x128xf32, #tpu.memory_space<hbm>>) target(%arg11 : memref<128x128xf32, #tpu.memory_space<vmem>>) offsets(%dma_start3A_154 : memref<128xi32, #tpu.memory_space<vmem>>) semaphore(%arg13 : memref<!tpu.dma_semaphore, #tpu.memory_space<semaphore_mem>>)
        %dma_start3A_158 = arith.constant 12 : i32
        %dma_start3A_159 = arith.constant 0 : i32
        %dma_start3A_160 = tpu.memref_slice %arg9[%dma_start3A_158, %dma_start3A_159] : memref<16x128xi32, #tpu.memory_space<vmem>> -> memref<1x128xi32, #tpu.memory_space<vmem>>
        %dma_start3A_161 = tpu.memref_squeeze %dma_start3A_160 : memref<1x128xi32, #tpu.memory_space<vmem>> -> memref<128xi32, #tpu.memory_space<vmem>>
        %dma_start3A_162 = arith.constant 0 : i32
        %dma_start3A_163 = arith.constant 0 : i32
        %dma_start3A_164 = tpu.memref_slice %arg8[%dma_start3A_162, %dma_start3A_163] : memref<10240x128xf32, #tpu.memory_space<vmem_shared>> -> memref<10240x128xf32, #tpu.memory_space<vmem_shared>>
        tpu.enqueue_indirect_dma source(%arg10 : memref<128x128xf32, #tpu.memory_space<vmem>>) target(%dma_start3A_164 : memref<10240x128xf32, #tpu.memory_space<vmem_shared>>) offsets(%dma_start3A_161 : memref<128xi32, #tpu.memory_space<vmem>>) semaphore(%arg14 : memref<!tpu.dma_semaphore, #tpu.memory_space<semaphore_mem>>) {add = true}
        %dma_wait3A_165 = arith.constant 5 : i32
        %dma_wait3A_166 = arith.constant 0 : i32
        %dma_wait3A_167 = tpu.memref_slice %arg9[%dma_wait3A_165, %dma_wait3A_166] : memref<16x128xi32, #tpu.memory_space<vmem>> -> memref<1x128xi32, #tpu.memory_space<vmem>>
        %dma_wait3A_168 = tpu.memref_squeeze %dma_wait3A_167 : memref<1x128xi32, #tpu.memory_space<vmem>> -> memref<128xi32, #tpu.memory_space<vmem>>
        %dma_wait3A_169 = arith.constant 0 : i32
        %dma_wait3A_170 = arith.constant 0 : i32
        %dma_wait3A_171 = tpu.memref_slice %arg3[%dma_wait3A_169, %dma_wait3A_170] : memref<10000x128xf32, #tpu.memory_space<hbm>> -> memref<10000x128xf32, #tpu.memory_space<hbm>>
        tpu.wait_indirect_dma semaphore(%arg13 : memref<!tpu.dma_semaphore, #tpu.memory_space<semaphore_mem>>) src(%dma_wait3A_171 : memref<10000x128xf32, #tpu.memory_space<hbm>>) dst(%arg11 : memref<128x128xf32, #tpu.memory_space<vmem>>)
        %dma_wait3A_172 = arith.constant 12 : i32
        %dma_wait3A_173 = arith.constant 0 : i32
        %dma_wait3A_174 = tpu.memref_slice %arg9[%dma_wait3A_172, %dma_wait3A_173] : memref<16x128xi32, #tpu.memory_space<vmem>> -> memref<1x128xi32, #tpu.memory_space<vmem>>
        %dma_wait3A_175 = tpu.memref_squeeze %dma_wait3A_174 : memref<1x128xi32, #tpu.memory_space<vmem>> -> memref<128xi32, #tpu.memory_space<vmem>>
        %dma_wait3A_176 = arith.constant 0 : i32
        %dma_wait3A_177 = arith.constant 0 : i32
        %dma_wait3A_178 = tpu.memref_slice %arg8[%dma_wait3A_176, %dma_wait3A_177] : memref<10240x128xf32, #tpu.memory_space<vmem_shared>> -> memref<10240x128xf32, #tpu.memory_space<vmem_shared>>
        tpu.wait_indirect_dma semaphore(%arg14 : memref<!tpu.dma_semaphore, #tpu.memory_space<semaphore_mem>>) src(%arg10 : memref<128x128xf32, #tpu.memory_space<vmem>>) dst(%dma_wait3A_178 : memref<10240x128xf32, #tpu.memory_space<vmem_shared>>)
        %dma_start3A_179 = arith.constant 6 : i32
        %dma_start3A_180 = arith.constant 0 : i32
        %dma_start3A_181 = tpu.memref_slice %arg9[%dma_start3A_179, %dma_start3A_180] : memref<16x128xi32, #tpu.memory_space<vmem>> -> memref<1x128xi32, #tpu.memory_space<vmem>>
        %dma_start3A_182 = tpu.memref_squeeze %dma_start3A_181 : memref<1x128xi32, #tpu.memory_space<vmem>> -> memref<128xi32, #tpu.memory_space<vmem>>
        %dma_start3A_183 = arith.constant 0 : i32
        %dma_start3A_184 = arith.constant 0 : i32
        %dma_start3A_185 = tpu.memref_slice %arg3[%dma_start3A_183, %dma_start3A_184] : memref<10000x128xf32, #tpu.memory_space<hbm>> -> memref<10000x128xf32, #tpu.memory_space<hbm>>
        tpu.enqueue_indirect_dma source(%dma_start3A_185 : memref<10000x128xf32, #tpu.memory_space<hbm>>) target(%arg10 : memref<128x128xf32, #tpu.memory_space<vmem>>) offsets(%dma_start3A_182 : memref<128xi32, #tpu.memory_space<vmem>>) semaphore(%arg12 : memref<!tpu.dma_semaphore, #tpu.memory_space<semaphore_mem>>)
        %dma_start3A_186 = arith.constant 13 : i32
        %dma_start3A_187 = arith.constant 0 : i32
        %dma_start3A_188 = tpu.memref_slice %arg9[%dma_start3A_186, %dma_start3A_187] : memref<16x128xi32, #tpu.memory_space<vmem>> -> memref<1x128xi32, #tpu.memory_space<vmem>>
        %dma_start3A_189 = tpu.memref_squeeze %dma_start3A_188 : memref<1x128xi32, #tpu.memory_space<vmem>> -> memref<128xi32, #tpu.memory_space<vmem>>
        %dma_start3A_190 = arith.constant 0 : i32
        %dma_start3A_191 = arith.constant 0 : i32
        %dma_start3A_192 = tpu.memref_slice %arg8[%dma_start3A_190, %dma_start3A_191] : memref<10240x128xf32, #tpu.memory_space<vmem_shared>> -> memref<10240x128xf32, #tpu.memory_space<vmem_shared>>
        tpu.enqueue_indirect_dma source(%arg11 : memref<128x128xf32, #tpu.memory_space<vmem>>) target(%dma_start3A_192 : memref<10240x128xf32, #tpu.memory_space<vmem_shared>>) offsets(%dma_start3A_189 : memref<128xi32, #tpu.memory_space<vmem>>) semaphore(%arg15 : memref<!tpu.dma_semaphore, #tpu.memory_space<semaphore_mem>>) {add = true}
        %dma_wait3A_193 = arith.constant 6 : i32
        %dma_wait3A_194 = arith.constant 0 : i32
        %dma_wait3A_195 = tpu.memref_slice %arg9[%dma_wait3A_193, %dma_wait3A_194] : memref<16x128xi32, #tpu.memory_space<vmem>> -> memref<1x128xi32, #tpu.memory_space<vmem>>
        %dma_wait3A_196 = tpu.memref_squeeze %dma_wait3A_195 : memref<1x128xi32, #tpu.memory_space<vmem>> -> memref<128xi32, #tpu.memory_space<vmem>>
        %dma_wait3A_197 = arith.constant 0 : i32
        %dma_wait3A_198 = arith.constant 0 : i32
        %dma_wait3A_199 = tpu.memref_slice %arg3[%dma_wait3A_197, %dma_wait3A_198] : memref<10000x128xf32, #tpu.memory_space<hbm>> -> memref<10000x128xf32, #tpu.memory_space<hbm>>
        tpu.wait_indirect_dma semaphore(%arg12 : memref<!tpu.dma_semaphore, #tpu.memory_space<semaphore_mem>>) src(%dma_wait3A_199 : memref<10000x128xf32, #tpu.memory_space<hbm>>) dst(%arg10 : memref<128x128xf32, #tpu.memory_space<vmem>>)
        %dma_wait3A_200 = arith.constant 13 : i32
        %dma_wait3A_201 = arith.constant 0 : i32
        %dma_wait3A_202 = tpu.memref_slice %arg9[%dma_wait3A_200, %dma_wait3A_201] : memref<16x128xi32, #tpu.memory_space<vmem>> -> memref<1x128xi32, #tpu.memory_space<vmem>>
        %dma_wait3A_203 = tpu.memref_squeeze %dma_wait3A_202 : memref<1x128xi32, #tpu.memory_space<vmem>> -> memref<128xi32, #tpu.memory_space<vmem>>
        %dma_wait3A_204 = arith.constant 0 : i32
        %dma_wait3A_205 = arith.constant 0 : i32
        %dma_wait3A_206 = tpu.memref_slice %arg8[%dma_wait3A_204, %dma_wait3A_205] : memref<10240x128xf32, #tpu.memory_space<vmem_shared>> -> memref<10240x128xf32, #tpu.memory_space<vmem_shared>>
        tpu.wait_indirect_dma semaphore(%arg15 : memref<!tpu.dma_semaphore, #tpu.memory_space<semaphore_mem>>) src(%arg11 : memref<128x128xf32, #tpu.memory_space<vmem>>) dst(%dma_wait3A_206 : memref<10240x128xf32, #tpu.memory_space<vmem_shared>>)
        %dma_start3A_207 = arith.constant 7 : i32
        %dma_start3A_208 = arith.constant 0 : i32
        %dma_start3A_209 = tpu.memref_slice %arg9[%dma_start3A_207, %dma_start3A_208] : memref<16x128xi32, #tpu.memory_space<vmem>> -> memref<1x128xi32, #tpu.memory_space<vmem>>
        %dma_start3A_210 = tpu.memref_squeeze %dma_start3A_209 : memref<1x128xi32, #tpu.memory_space<vmem>> -> memref<128xi32, #tpu.memory_space<vmem>>
        %dma_start3A_211 = arith.constant 0 : i32
        %dma_start3A_212 = arith.constant 0 : i32
        %dma_start3A_213 = tpu.memref_slice %arg3[%dma_start3A_211, %dma_start3A_212] : memref<10000x128xf32, #tpu.memory_space<hbm>> -> memref<10000x128xf32, #tpu.memory_space<hbm>>
        tpu.enqueue_indirect_dma source(%dma_start3A_213 : memref<10000x128xf32, #tpu.memory_space<hbm>>) target(%arg11 : memref<128x128xf32, #tpu.memory_space<vmem>>) offsets(%dma_start3A_210 : memref<128xi32, #tpu.memory_space<vmem>>) semaphore(%arg13 : memref<!tpu.dma_semaphore, #tpu.memory_space<semaphore_mem>>)
        %dma_start3A_214 = arith.constant 14 : i32
        %dma_start3A_215 = arith.constant 0 : i32
        %dma_start3A_216 = tpu.memref_slice %arg9[%dma_start3A_214, %dma_start3A_215] : memref<16x128xi32, #tpu.memory_space<vmem>> -> memref<1x128xi32, #tpu.memory_space<vmem>>
        %dma_start3A_217 = tpu.memref_squeeze %dma_start3A_216 : memref<1x128xi32, #tpu.memory_space<vmem>> -> memref<128xi32, #tpu.memory_space<vmem>>
        %dma_start3A_218 = arith.constant 0 : i32
        %dma_start3A_219 = arith.constant 0 : i32
        %dma_start3A_220 = tpu.memref_slice %arg8[%dma_start3A_218, %dma_start3A_219] : memref<10240x128xf32, #tpu.memory_space<vmem_shared>> -> memref<10240x128xf32, #tpu.memory_space<vmem_shared>>
        tpu.enqueue_indirect_dma source(%arg10 : memref<128x128xf32, #tpu.memory_space<vmem>>) target(%dma_start3A_220 : memref<10240x128xf32, #tpu.memory_space<vmem_shared>>) offsets(%dma_start3A_217 : memref<128xi32, #tpu.memory_space<vmem>>) semaphore(%arg14 : memref<!tpu.dma_semaphore, #tpu.memory_space<semaphore_mem>>) {add = true}
        %dma_wait3A_221 = arith.constant 7 : i32
        %dma_wait3A_222 = arith.constant 0 : i32
        %dma_wait3A_223 = tpu.memref_slice %arg9[%dma_wait3A_221, %dma_wait3A_222] : memref<16x128xi32, #tpu.memory_space<vmem>> -> memref<1x128xi32, #tpu.memory_space<vmem>>
        %dma_wait3A_224 = tpu.memref_squeeze %dma_wait3A_223 : memref<1x128xi32, #tpu.memory_space<vmem>> -> memref<128xi32, #tpu.memory_space<vmem>>
        %dma_wait3A_225 = arith.constant 0 : i32
        %dma_wait3A_226 = arith.constant 0 : i32
        %dma_wait3A_227 = tpu.memref_slice %arg3[%dma_wait3A_225, %dma_wait3A_226] : memref<10000x128xf32, #tpu.memory_space<hbm>> -> memref<10000x128xf32, #tpu.memory_space<hbm>>
        tpu.wait_indirect_dma semaphore(%arg13 : memref<!tpu.dma_semaphore, #tpu.memory_space<semaphore_mem>>) src(%dma_wait3A_227 : memref<10000x128xf32, #tpu.memory_space<hbm>>) dst(%arg11 : memref<128x128xf32, #tpu.memory_space<vmem>>)
        %dma_start3A_228 = arith.constant 15 : i32
        %dma_start3A_229 = arith.constant 0 : i32
        %dma_start3A_230 = tpu.memref_slice %arg9[%dma_start3A_228, %dma_start3A_229] : memref<16x128xi32, #tpu.memory_space<vmem>> -> memref<1x128xi32, #tpu.memory_space<vmem>>
        %dma_start3A_231 = tpu.memref_squeeze %dma_start3A_230 : memref<1x128xi32, #tpu.memory_space<vmem>> -> memref<128xi32, #tpu.memory_space<vmem>>
        %dma_start3A_232 = arith.constant 0 : i32
        %dma_start3A_233 = arith.constant 0 : i32
        %dma_start3A_234 = tpu.memref_slice %arg8[%dma_start3A_232, %dma_start3A_233] : memref<10240x128xf32, #tpu.memory_space<vmem_shared>> -> memref<10240x128xf32, #tpu.memory_space<vmem_shared>>
        tpu.enqueue_indirect_dma source(%arg11 : memref<128x128xf32, #tpu.memory_space<vmem>>) target(%dma_start3A_234 : memref<10240x128xf32, #tpu.memory_space<vmem_shared>>) offsets(%dma_start3A_231 : memref<128xi32, #tpu.memory_space<vmem>>) semaphore(%arg15 : memref<!tpu.dma_semaphore, #tpu.memory_space<semaphore_mem>>) {add = true}
        %dma_wait3A_235 = arith.constant 14 : i32
        %dma_wait3A_236 = arith.constant 0 : i32
        %dma_wait3A_237 = tpu.memref_slice %arg9[%dma_wait3A_235, %dma_wait3A_236] : memref<16x128xi32, #tpu.memory_space<vmem>> -> memref<1x128xi32, #tpu.memory_space<vmem>>
        %dma_wait3A_238 = tpu.memref_squeeze %dma_wait3A_237 : memref<1x128xi32, #tpu.memory_space<vmem>> -> memref<128xi32, #tpu.memory_space<vmem>>
        %dma_wait3A_239 = arith.constant 0 : i32
        %dma_wait3A_240 = arith.constant 0 : i32
        %dma_wait3A_241 = tpu.memref_slice %arg8[%dma_wait3A_239, %dma_wait3A_240] : memref<10240x128xf32, #tpu.memory_space<vmem_shared>> -> memref<10240x128xf32, #tpu.memory_space<vmem_shared>>
        tpu.wait_indirect_dma semaphore(%arg14 : memref<!tpu.dma_semaphore, #tpu.memory_space<semaphore_mem>>) src(%arg10 : memref<128x128xf32, #tpu.memory_space<vmem>>) dst(%dma_wait3A_241 : memref<10240x128xf32, #tpu.memory_space<vmem_shared>>)
        %dma_wait3A_242 = arith.constant 15 : i32
        %dma_wait3A_243 = arith.constant 0 : i32
        %dma_wait3A_244 = tpu.memref_slice %arg9[%dma_wait3A_242, %dma_wait3A_243] : memref<16x128xi32, #tpu.memory_space<vmem>> -> memref<1x128xi32, #tpu.memory_space<vmem>>
        %dma_wait3A_245 = tpu.memref_squeeze %dma_wait3A_244 : memref<1x128xi32, #tpu.memory_space<vmem>> -> memref<128xi32, #tpu.memory_space<vmem>>
        %dma_wait3A_246 = arith.constant 0 : i32
        %dma_wait3A_247 = arith.constant 0 : i32
        %dma_wait3A_248 = tpu.memref_slice %arg8[%dma_wait3A_246, %dma_wait3A_247] : memref<10240x128xf32, #tpu.memory_space<vmem_shared>> -> memref<10240x128xf32, #tpu.memory_space<vmem_shared>>
        tpu.wait_indirect_dma semaphore(%arg15 : memref<!tpu.dma_semaphore, #tpu.memory_space<semaphore_mem>>) src(%arg11 : memref<128x128xf32, #tpu.memory_space<vmem>>) dst(%dma_wait3A_248 : memref<10240x128xf32, #tpu.memory_space<vmem_shared>>)
      }
      %scan3A_23 = arith.constant 10 : i32
    } else {
    }
    %barrier3A_8 = arith.constant 0 : index
    tpu.barrier barrier_id(%barrier3A_8)
    %eq3A_9 = arith.constant 0 : i32
    %eq3A_10 = arith.cmpi eq, %arg0, %eq3A_9 : i32
    %convert_element_type3A_11 = arith.extui %eq3A_10 : i1 to i32
    %cond3A_12 = arith.constant 0 : i32
    %cond3A_13 = arith.cmpi ne, %convert_element_type3A_11, %cond3A_12 : i32
    scf.if %cond3A_13 {
      "tpu.region"() ({
        %run_scoped3A = tpu.sem_alloc : memref<!tpu.dma_semaphore, #tpu.memory_space<semaphore_mem>>
        %dma_start3A = arith.constant 0 : i32
        %dma_start3A_19 = tpu.memref_slice %arg6[%mul3A_0, %dma_start3A] : memref<10240x128xf32, #tpu.memory_space<hbm>> -> memref<640x128xf32, #tpu.memory_space<hbm>>
        %dma_start3A_20 = arith.constant 0 : i32
        %dma_start3A_21 = tpu.memref_slice %arg8[%mul3A_0, %dma_start3A_20] : memref<10240x128xf32, #tpu.memory_space<vmem_shared>> -> memref<640x128xf32, #tpu.memory_space<vmem_shared>>
        tpu.enqueue_dma source(%dma_start3A_21 : memref<640x128xf32, #tpu.memory_space<vmem_shared>>) target(%dma_start3A_19 : memref<640x128xf32, #tpu.memory_space<hbm>>) target_semaphore(%run_scoped3A : memref<!tpu.dma_semaphore, #tpu.memory_space<semaphore_mem>>)
        %dma_wait3A = arith.constant 0 : i32
        %dma_wait3A_22 = tpu.memref_slice %arg6[%mul3A_0, %dma_wait3A] : memref<10240x128xf32, #tpu.memory_space<hbm>> -> memref<640x128xf32, #tpu.memory_space<hbm>>
        %dma_wait3A_23 = arith.constant 0 : i32
        %dma_wait3A_24 = tpu.memref_slice %arg8[%mul3A_0, %dma_wait3A_23] : memref<10240x128xf32, #tpu.memory_space<vmem_shared>> -> memref<640x128xf32, #tpu.memory_space<vmem_shared>>
        tpu.wait_dma2 semaphore(%run_scoped3A : memref<!tpu.dma_semaphore, #tpu.memory_space<semaphore_mem>>) src(%dma_wait3A_24 : memref<640x128xf32, #tpu.memory_space<vmem_shared>>) dst(%dma_wait3A_22 : memref<640x128xf32, #tpu.memory_space<hbm>>)
        tpu.yield
      }) : () -> ()
    } else {
    }
    %eq3A_14 = arith.constant 1 : i32
    %eq3A_15 = arith.cmpi eq, %arg0, %eq3A_14 : i32
    %convert_element_type3A_16 = arith.extui %eq3A_15 : i1 to i32
    %cond3A_17 = arith.constant 0 : i32
    %cond3A_18 = arith.cmpi ne, %convert_element_type3A_16, %cond3A_17 : i32
    scf.if %cond3A_18 {
      "tpu.region"() ({
        %run_scoped3A = tpu.sem_alloc : memref<!tpu.dma_semaphore, #tpu.memory_space<semaphore_mem>>
        %dma_start3A = arith.constant 0 : i32
        %dma_start3A_19 = tpu.memref_slice %arg7[%mul3A_0, %dma_start3A] : memref<10240x128xf32, #tpu.memory_space<hbm>> -> memref<640x128xf32, #tpu.memory_space<hbm>>
        %dma_start3A_20 = arith.constant 0 : i32
        %dma_start3A_21 = tpu.memref_slice %arg8[%mul3A_0, %dma_start3A_20] : memref<10240x128xf32, #tpu.memory_space<vmem_shared>> -> memref<640x128xf32, #tpu.memory_space<vmem_shared>>
        tpu.enqueue_dma source(%dma_start3A_21 : memref<640x128xf32, #tpu.memory_space<vmem_shared>>) target(%dma_start3A_19 : memref<640x128xf32, #tpu.memory_space<hbm>>) target_semaphore(%run_scoped3A : memref<!tpu.dma_semaphore, #tpu.memory_space<semaphore_mem>>)
        %dma_wait3A = arith.constant 0 : i32
        %dma_wait3A_22 = tpu.memref_slice %arg7[%mul3A_0, %dma_wait3A] : memref<10240x128xf32, #tpu.memory_space<hbm>> -> memref<640x128xf32, #tpu.memory_space<hbm>>
        %dma_wait3A_23 = arith.constant 0 : i32
        %dma_wait3A_24 = tpu.memref_slice %arg8[%mul3A_0, %dma_wait3A_23] : memref<10240x128xf32, #tpu.memory_space<vmem_shared>> -> memref<640x128xf32, #tpu.memory_space<vmem_shared>>
        tpu.wait_dma2 semaphore(%run_scoped3A : memref<!tpu.dma_semaphore, #tpu.memory_space<semaphore_mem>>) src(%dma_wait3A_24 : memref<640x128xf32, #tpu.memory_space<vmem_shared>>) dst(%dma_wait3A_22 : memref<640x128xf32, #tpu.memory_space<hbm>>)
        tpu.yield
      }) : () -> ()
    } else {
    }
    return
  }
}

module attributes {stable_mosaic.version = 14 : i64} {
  func.func @body(%arg0: i32, %arg1: memref<1024x128xf32, #tpu.memory_space<vmem>>, %arg2: memref<1024x128xf32, #tpu.memory_space<vmem>>, %arg3: memref<1024x128xf32, #tpu.memory_space<vmem>>, %arg4: memref<1024x128xf32, #tpu.memory_space<vmem>>, %arg5: memref<1024x128xf32, #tpu.memory_space<vmem>>, %arg6: memref<1024x128xf32, #tpu.memory_space<vmem>>, %arg7: memref<1024x512xf32, #tpu.memory_space<vmem>>, %arg8: memref<512x256xf32, #tpu.memory_space<vmem>>, %arg9: memref<1x256xf32, #tpu.memory_space<vmem>>, %arg10: memref<512x256xf32, #tpu.memory_space<vmem>>, %arg11: memref<256x128xf32, #tpu.memory_space<vmem>>, %arg12: memref<1x128xf32, #tpu.memory_space<vmem>>, %arg13: memref<128x64xf32, #tpu.memory_space<vmem>>, %arg14: memref<1x64xf32, #tpu.memory_space<vmem>>, %arg15: memref<64x32xf32, #tpu.memory_space<vmem>>, %arg16: memref<1x32xf32, #tpu.memory_space<vmem>>, %arg17: memref<32x8xf32, #tpu.memory_space<vmem>>, %arg18: memref<1x8xf32, #tpu.memory_space<vmem>>, %arg19: memref<1024x8xf32, #tpu.memory_space<vmem>>, %arg20: memref<8x1024xf32, #tpu.memory_space<vmem>>) attributes {dimension_semantics = [#tpu.dimension_semantics<arbitrary>], iteration_bounds = array<i64: 10>, scalar_prefetch = 0 : i64, scratch_operands = 0 : i64, tpu.core_type = #tpu.core_type<tc>, window_params = [{transform_indices = @transform_0, window_bounds = array<i64: 1024, 128>}, {transform_indices = @transform_1, window_bounds = array<i64: 1024, 128>}, {transform_indices = @transform_2, window_bounds = array<i64: 1024, 128>}, {transform_indices = @transform_3, window_bounds = array<i64: 1024, 128>}, {transform_indices = @transform_4, window_bounds = array<i64: 1024, 128>}, {transform_indices = @transform_5, window_bounds = array<i64: 1024, 128>}, {transform_indices = @transform_6, window_bounds = array<i64: 1024, 512>}, {pipeline_mode = #tpu.pipeline_mode<synchronous>, transform_indices = @transform_7, window_bounds = array<i64: 512, 256>}, {pipeline_mode = #tpu.pipeline_mode<synchronous>, transform_indices = @transform_8, window_bounds = array<i64: 1, 256>}, {pipeline_mode = #tpu.pipeline_mode<synchronous>, transform_indices = @transform_9, window_bounds = array<i64: 512, 256>}, {pipeline_mode = #tpu.pipeline_mode<synchronous>, transform_indices = @transform_10, window_bounds = array<i64: 256, 128>}, {pipeline_mode = #tpu.pipeline_mode<synchronous>, transform_indices = @transform_11, window_bounds = array<i64: 1, 128>}, {pipeline_mode = #tpu.pipeline_mode<synchronous>, transform_indices = @transform_12, window_bounds = array<i64: 128, 64>}, {pipeline_mode = #tpu.pipeline_mode<synchronous>, transform_indices = @transform_13, window_bounds = array<i64: 1, 64>}, {pipeline_mode = #tpu.pipeline_mode<synchronous>, transform_indices = @transform_14, window_bounds = array<i64: 64, 32>}, {pipeline_mode = #tpu.pipeline_mode<synchronous>, transform_indices = @transform_15, window_bounds = array<i64: 1, 32>}, {pipeline_mode = #tpu.pipeline_mode<synchronous>, transform_indices = @transform_16, window_bounds = array<i64: 32, 8>}, {pipeline_mode = #tpu.pipeline_mode<synchronous>, transform_indices = @transform_17, window_bounds = array<i64: 1, 8>}, {transform_indices = @transform_18, window_bounds = array<i64: 1024, 8>}, {transform_indices = @transform_19, window_bounds = array<i64: 8, 1024>}]} {
    %get3A = arith.constant 0 : index
    %get3A_0 = arith.constant 0 : index
    %get3A_1 = vector.load %arg5[%get3A, %get3A_0] : memref<1024x128xf32, #tpu.memory_space<vmem>>, vector<1024x1xf32>
    %get3A_2 = arith.constant 0 : index
    %get3A_3 = arith.constant 0 : index
    %get3A_4 = vector.load %arg6[%get3A_2, %get3A_3] : memref<1024x128xf32, #tpu.memory_space<vmem>>, vector<1024x1xf32>
    %add3A = arith.addf %get3A_1, %get3A_4 : vector<1024x1xf32>
    %max3A = arith.constant 1.000000e+00 : f32
    %max3A_5 = vector.broadcast %max3A : f32 to vector<1024x1xf32>
    %max3A_6 = arith.maximumf %add3A, %max3A_5 : vector<1024x1xf32>
    %get3A_7 = arith.constant 0 : index
    %get3A_8 = arith.constant 0 : index
    %get3A_9 = vector.load %arg1[%get3A_7, %get3A_8] : memref<1024x128xf32, #tpu.memory_space<vmem>>, vector<1024x128xf32>
    %get3A_10 = arith.constant 0 : index
    %get3A_11 = arith.constant 0 : index
    %get3A_12 = vector.load %arg2[%get3A_10, %get3A_11] : memref<1024x128xf32, #tpu.memory_space<vmem>>, vector<1024x128xf32>
    %get3A_13 = arith.constant 0 : index
    %get3A_14 = arith.constant 0 : index
    %get3A_15 = vector.load %arg3[%get3A_13, %get3A_14] : memref<1024x128xf32, #tpu.memory_space<vmem>>, vector<1024x128xf32>
    %get3A_16 = arith.constant 0 : index
    %get3A_17 = arith.constant 0 : index
    %get3A_18 = vector.load %arg4[%get3A_16, %get3A_17] : memref<1024x128xf32, #tpu.memory_space<vmem>>, vector<1024x128xf32>
    %concatenate3A = tpu.concatenate %get3A_9, %get3A_12, %get3A_15, %get3A_18 in 1 : vector<1024x128xf32>, vector<1024x128xf32>, vector<1024x128xf32>, vector<1024x128xf32> -> vector<1024x512xf32>
    %div3A = vector.broadcast %max3A_6 : vector<1024x1xf32> to vector<1024x512xf32>
    %div3A_19 = arith.divf %concatenate3A, %div3A : vector<1024x512xf32>
    %get3A_20 = arith.constant 0 : index
    %get3A_21 = arith.constant 0 : index
    %get3A_22 = vector.load %arg8[%get3A_20, %get3A_21] : memref<512x256xf32, #tpu.memory_space<vmem>>, vector<512x256xf32>
    %dot_general3A = arith.constant dense<0.000000e+00> : vector<1024x256xf32>
    %dot_general3A_23 = tpu.matmul %div3A_19, %get3A_22, %dot_general3A {dimension_numbers = #tpu.dot_dimension_numbers<[1], [0], [0], [1], [0, 0, 1, 1], [], []>, transpose_lhs_hint = false} : vector<1024x512xf32>, vector<512x256xf32>, vector<1024x256xf32> -> vector<1024x256xf32>
    %get3A_24 = arith.constant 0 : index
    %get3A_25 = arith.constant 0 : index
    %get3A_26 = vector.load %arg9[%get3A_24, %get3A_25] : memref<1x256xf32, #tpu.memory_space<vmem>>, vector<1x256xf32>
    %add3A_27 = vector.broadcast %get3A_26 : vector<1x256xf32> to vector<1024x256xf32>
    %add3A_28 = arith.addf %dot_general3A_23, %add3A_27 : vector<1024x256xf32>
    %get3A_29 = arith.constant 0 : index
    %get3A_30 = arith.constant 0 : index
    %get3A_31 = vector.load %arg7[%get3A_29, %get3A_30] : memref<1024x512xf32, #tpu.memory_space<vmem>>, vector<1024x512xf32>
    %get3A_32 = arith.constant 0 : index
    %get3A_33 = arith.constant 0 : index
    %get3A_34 = vector.load %arg10[%get3A_32, %get3A_33] : memref<512x256xf32, #tpu.memory_space<vmem>>, vector<512x256xf32>
    %dot_general3A_35 = arith.constant dense<0.000000e+00> : vector<1024x256xf32>
    %dot_general3A_36 = tpu.matmul %get3A_31, %get3A_34, %dot_general3A_35 {dimension_numbers = #tpu.dot_dimension_numbers<[1], [0], [0], [1], [0, 0, 1, 1], [], []>, transpose_lhs_hint = false} : vector<1024x512xf32>, vector<512x256xf32>, vector<1024x256xf32> -> vector<1024x256xf32>
    %add3A_37 = arith.addf %add3A_28, %dot_general3A_36 : vector<1024x256xf32>
    %max3A_38 = arith.constant 0.000000e+00 : f32
    %max3A_39 = vector.broadcast %max3A_38 : f32 to vector<1024x256xf32>
    %max3A_40 = arith.maximumf %add3A_37, %max3A_39 : vector<1024x256xf32>
    %get3A_41 = arith.constant 0 : index
    %get3A_42 = arith.constant 0 : index
    %get3A_43 = vector.load %arg11[%get3A_41, %get3A_42] : memref<256x128xf32, #tpu.memory_space<vmem>>, vector<256x128xf32>
    %dot_general3A_44 = arith.constant dense<0.000000e+00> : vector<1024x128xf32>
    %dot_general3A_45 = tpu.matmul %max3A_40, %get3A_43, %dot_general3A_44 {dimension_numbers = #tpu.dot_dimension_numbers<[1], [0], [0], [1], [0, 0, 1, 1], [], []>, transpose_lhs_hint = false} : vector<1024x256xf32>, vector<256x128xf32>, vector<1024x128xf32> -> vector<1024x128xf32>
    %get3A_46 = arith.constant 0 : index
    %get3A_47 = arith.constant 0 : index
    %get3A_48 = vector.load %arg12[%get3A_46, %get3A_47] : memref<1x128xf32, #tpu.memory_space<vmem>>, vector<1x128xf32>
    %add3A_49 = vector.broadcast %get3A_48 : vector<1x128xf32> to vector<1024x128xf32>
    %add3A_50 = arith.addf %dot_general3A_45, %add3A_49 : vector<1024x128xf32>
    %max3A_51 = arith.constant 0.000000e+00 : f32
    %max3A_52 = vector.broadcast %max3A_51 : f32 to vector<1024x128xf32>
    %max3A_53 = arith.maximumf %add3A_50, %max3A_52 : vector<1024x128xf32>
    %get3A_54 = arith.constant 0 : index
    %get3A_55 = arith.constant 0 : index
    %get3A_56 = vector.load %arg13[%get3A_54, %get3A_55] : memref<128x64xf32, #tpu.memory_space<vmem>>, vector<128x64xf32>
    %dot_general3A_57 = arith.constant dense<0.000000e+00> : vector<1024x64xf32>
    %dot_general3A_58 = tpu.matmul %max3A_53, %get3A_56, %dot_general3A_57 {dimension_numbers = #tpu.dot_dimension_numbers<[1], [0], [0], [1], [0, 0, 1, 1], [], []>, transpose_lhs_hint = false} : vector<1024x128xf32>, vector<128x64xf32>, vector<1024x64xf32> -> vector<1024x64xf32>
    %get3A_59 = arith.constant 0 : index
    %get3A_60 = arith.constant 0 : index
    %get3A_61 = vector.load %arg14[%get3A_59, %get3A_60] : memref<1x64xf32, #tpu.memory_space<vmem>>, vector<1x64xf32>
    %add3A_62 = vector.broadcast %get3A_61 : vector<1x64xf32> to vector<1024x64xf32>
    %add3A_63 = arith.addf %dot_general3A_58, %add3A_62 : vector<1024x64xf32>
    %max3A_64 = arith.constant 0.000000e+00 : f32
    %max3A_65 = vector.broadcast %max3A_64 : f32 to vector<1024x64xf32>
    %max3A_66 = arith.maximumf %add3A_63, %max3A_65 : vector<1024x64xf32>
    %get3A_67 = arith.constant 0 : index
    %get3A_68 = arith.constant 0 : index
    %get3A_69 = vector.load %arg15[%get3A_67, %get3A_68] : memref<64x32xf32, #tpu.memory_space<vmem>>, vector<64x32xf32>
    %dot_general3A_70 = arith.constant dense<0.000000e+00> : vector<1024x32xf32>
    %dot_general3A_71 = tpu.matmul %max3A_66, %get3A_69, %dot_general3A_70 {dimension_numbers = #tpu.dot_dimension_numbers<[1], [0], [0], [1], [0, 0, 1, 1], [], []>, transpose_lhs_hint = false} : vector<1024x64xf32>, vector<64x32xf32>, vector<1024x32xf32> -> vector<1024x32xf32>
    %get3A_72 = arith.constant 0 : index
    %get3A_73 = arith.constant 0 : index
    %get3A_74 = vector.load %arg16[%get3A_72, %get3A_73] : memref<1x32xf32, #tpu.memory_space<vmem>>, vector<1x32xf32>
    %add3A_75 = vector.broadcast %get3A_74 : vector<1x32xf32> to vector<1024x32xf32>
    %add3A_76 = arith.addf %dot_general3A_71, %add3A_75 : vector<1024x32xf32>
    %max3A_77 = arith.constant 0.000000e+00 : f32
    %max3A_78 = vector.broadcast %max3A_77 : f32 to vector<1024x32xf32>
    %max3A_79 = arith.maximumf %add3A_76, %max3A_78 : vector<1024x32xf32>
    %get3A_80 = arith.constant 0 : index
    %get3A_81 = arith.constant 0 : index
    %get3A_82 = vector.load %arg17[%get3A_80, %get3A_81] : memref<32x8xf32, #tpu.memory_space<vmem>>, vector<32x8xf32>
    %dot_general3A_83 = arith.constant dense<0.000000e+00> : vector<1024x8xf32>
    %dot_general3A_84 = tpu.matmul %max3A_79, %get3A_82, %dot_general3A_83 {dimension_numbers = #tpu.dot_dimension_numbers<[1], [0], [0], [1], [0, 0, 1, 1], [], []>, transpose_lhs_hint = false} : vector<1024x32xf32>, vector<32x8xf32>, vector<1024x8xf32> -> vector<1024x8xf32>
    %get3A_85 = arith.constant 0 : index
    %get3A_86 = arith.constant 0 : index
    %get3A_87 = vector.load %arg18[%get3A_85, %get3A_86] : memref<1x8xf32, #tpu.memory_space<vmem>>, vector<1x8xf32>
    %add3A_88 = vector.broadcast %get3A_87 : vector<1x8xf32> to vector<1024x8xf32>
    %add3A_89 = arith.addf %dot_general3A_84, %add3A_88 : vector<1024x8xf32>
    %mul3A = arith.mulf %add3A_89, %add3A_89 : vector<1024x8xf32>
    %reduce_sum3A = arith.constant dense<0.000000e+00> : vector<1024xf32>
    %reduce_sum3A_90 = vector.multi_reduction <add>, %mul3A, %reduce_sum3A [1] : vector<1024x8xf32> to vector<1024xf32>
    %broadcast_in_dim3A = vector.shape_cast %reduce_sum3A_90 : vector<1024xf32> to vector<1024x1xf32>
    %iota3A = tpu.iota {dimensions = array<i32: 1>} : vector<1024x8xi32>
    %lt3A = arith.constant 3 : i32
    %lt3A_91 = vector.broadcast %lt3A : i32 to vector<1024x8xi32>
    %lt3A_92 = arith.cmpi slt, %iota3A, %lt3A_91 : vector<1024x8xi32>
    %eq3A = arith.constant 3 : i32
    %eq3A_93 = vector.broadcast %eq3A : i32 to vector<1024x8xi32>
    %eq3A_94 = arith.cmpi eq, %iota3A, %eq3A_93 : vector<1024x8xi32>
    %jit3A = arith.constant 0.000000e+00 : f32
    %broadcast_in_dim3A_95 = vector.shape_cast %broadcast_in_dim3A : vector<1024x1xf32> to vector<1024x1xf32>
    %broadcast_in_dim3A_96 = vector.broadcast %broadcast_in_dim3A_95 : vector<1024x1xf32> to vector<1024x8xf32>
    %broadcast_in_dim3A_97 = vector.broadcast %jit3A : f32 to vector<1024x8xf32>
    %select_n3A = arith.select %eq3A_94, %broadcast_in_dim3A_96, %broadcast_in_dim3A_97 : vector<1024x8xi1>, vector<1024x8xf32>
    %select_n3A_98 = arith.select %lt3A_92, %add3A_89, %select_n3A : vector<1024x8xi1>, vector<1024x8xf32>
    %swap3A = arith.constant 0 : index
    %swap3A_99 = arith.constant 0 : index
    %swap3A_100 = vector.load %arg19[%swap3A, %swap3A_99] : memref<1024x8xf32, #tpu.memory_space<vmem>>, vector<1024x8xf32>
    tpu.vector_store %arg19[%swap3A, %swap3A_99], %select_n3A_98 {strides = array<i32>} : memref<1024x8xf32, #tpu.memory_space<vmem>>, vector<1024x8xf32>,
    %transpose3A = tpu.transpose %select_n3A_98, [1, 0] : vector<1024x8xf32> -> vector<8x1024xf32>
    %swap3A_101 = arith.constant 0 : index
    %swap3A_102 = arith.constant 0 : index
    %swap3A_103 = vector.load %arg20[%swap3A_101, %swap3A_102] : memref<8x1024xf32, #tpu.memory_space<vmem>>, vector<8x1024xf32>
    tpu.vector_store %arg20[%swap3A_101, %swap3A_102], %transpose3A {strides = array<i32>} : memref<8x1024xf32, #tpu.memory_space<vmem>>, vector<8x1024xf32>,
    return
  }
  func.func @transform_0(%arg0: i32) -> (i32, i32) {
    %c0_i32 = arith.constant 0 : i32
    %c0_i32_0 = arith.constant 0 : i32
    return %arg0, %c0_i32 : i32, i32
  }
  func.func @transform_1(%arg0: i32) -> (i32, i32) {
    %c0_i32 = arith.constant 0 : i32
    %c0_i32_0 = arith.constant 0 : i32
    return %arg0, %c0_i32 : i32, i32
  }
  func.func @transform_2(%arg0: i32) -> (i32, i32) {
    %c0_i32 = arith.constant 0 : i32
    %c0_i32_0 = arith.constant 0 : i32
    return %arg0, %c0_i32 : i32, i32
  }
  func.func @transform_3(%arg0: i32) -> (i32, i32) {
    %c0_i32 = arith.constant 0 : i32
    %c0_i32_0 = arith.constant 0 : i32
    return %arg0, %c0_i32 : i32, i32
  }
  func.func @transform_4(%arg0: i32) -> (i32, i32) {
    %c0_i32 = arith.constant 0 : i32
    %c0_i32_0 = arith.constant 0 : i32
    return %arg0, %c0_i32 : i32, i32
  }
  func.func @transform_5(%arg0: i32) -> (i32, i32) {
    %c0_i32 = arith.constant 0 : i32
    %c0_i32_0 = arith.constant 0 : i32
    return %arg0, %c0_i32 : i32, i32
  }
  func.func @transform_6(%arg0: i32) -> (i32, i32) {
    %c0_i32 = arith.constant 0 : i32
    %c0_i32_0 = arith.constant 0 : i32
    return %arg0, %c0_i32 : i32, i32
  }
  func.func @transform_7(%arg0: i32) -> (i32, i32) {
    %c0_i32 = arith.constant 0 : i32
    %c0_i32_0 = arith.constant 0 : i32
    %c0_i32_1 = arith.constant 0 : i32
    return %c0_i32, %c0_i32_0 : i32, i32
  }
  func.func @transform_8(%arg0: i32) -> (i32, i32) {
    %c0_i32 = arith.constant 0 : i32
    %c0_i32_0 = arith.constant 0 : i32
    %c0_i32_1 = arith.constant 0 : i32
    return %c0_i32, %c0_i32_0 : i32, i32
  }
  func.func @transform_9(%arg0: i32) -> (i32, i32) {
    %c0_i32 = arith.constant 0 : i32
    %c0_i32_0 = arith.constant 0 : i32
    %c0_i32_1 = arith.constant 0 : i32
    return %c0_i32, %c0_i32_0 : i32, i32
  }
  func.func @transform_10(%arg0: i32) -> (i32, i32) {
    %c0_i32 = arith.constant 0 : i32
    %c0_i32_0 = arith.constant 0 : i32
    %c0_i32_1 = arith.constant 0 : i32
    return %c0_i32, %c0_i32_0 : i32, i32
  }
  func.func @transform_11(%arg0: i32) -> (i32, i32) {
    %c0_i32 = arith.constant 0 : i32
    %c0_i32_0 = arith.constant 0 : i32
    %c0_i32_1 = arith.constant 0 : i32
    return %c0_i32, %c0_i32_0 : i32, i32
  }
  func.func @transform_12(%arg0: i32) -> (i32, i32) {
    %c0_i32 = arith.constant 0 : i32
    %c0_i32_0 = arith.constant 0 : i32
    %c0_i32_1 = arith.constant 0 : i32
    return %c0_i32, %c0_i32_0 : i32, i32
  }
  func.func @transform_13(%arg0: i32) -> (i32, i32) {
    %c0_i32 = arith.constant 0 : i32
    %c0_i32_0 = arith.constant 0 : i32
    %c0_i32_1 = arith.constant 0 : i32
    return %c0_i32, %c0_i32_0 : i32, i32
  }
  func.func @transform_14(%arg0: i32) -> (i32, i32) {
    %c0_i32 = arith.constant 0 : i32
    %c0_i32_0 = arith.constant 0 : i32
    %c0_i32_1 = arith.constant 0 : i32
    return %c0_i32, %c0_i32_0 : i32, i32
  }
  func.func @transform_15(%arg0: i32) -> (i32, i32) {
    %c0_i32 = arith.constant 0 : i32
    %c0_i32_0 = arith.constant 0 : i32
    %c0_i32_1 = arith.constant 0 : i32
    return %c0_i32, %c0_i32_0 : i32, i32
  }
  func.func @transform_16(%arg0: i32) -> (i32, i32) {
    %c0_i32 = arith.constant 0 : i32
    %c0_i32_0 = arith.constant 0 : i32
    %c0_i32_1 = arith.constant 0 : i32
    return %c0_i32, %c0_i32_0 : i32, i32
  }
  func.func @transform_17(%arg0: i32) -> (i32, i32) {
    %c0_i32 = arith.constant 0 : i32
    %c0_i32_0 = arith.constant 0 : i32
    %c0_i32_1 = arith.constant 0 : i32
    return %c0_i32, %c0_i32_0 : i32, i32
  }
  func.func @transform_18(%arg0: i32) -> (i32, i32) {
    %c0_i32 = arith.constant 0 : i32
    %c0_i32_0 = arith.constant 0 : i32
    return %arg0, %c0_i32 : i32, i32
  }
  func.func @transform_19(%arg0: i32) -> (i32, i32) {
    %c0_i32 = arith.constant 0 : i32
    %c0_i32_0 = arith.constant 0 : i32
    return %c0_i32, %arg0 : i32, i32
  }
}

module attributes {stable_mosaic.version = 14 : i64} {
  func.func @body(%arg0: i32, %arg1: i32, %arg2: memref<512x8xf32, #tpu.memory_space<vmem>>, %arg3: memref<8x2048xf32, #tpu.memory_space<vmem>>, %arg4: memref<512x2048xf32, #tpu.memory_space<vmem>>) attributes {dimension_semantics = [#tpu.dimension_semantics<arbitrary>, #tpu.dimension_semantics<arbitrary>], iteration_bounds = array<i64: 20, 5>, scalar_prefetch = 0 : i64, scratch_operands = 0 : i64, tpu.core_type = #tpu.core_type<tc>, window_params = [{transform_indices = @transform_0, window_bounds = array<i64: 512, 8>}, {transform_indices = @transform_1, window_bounds = array<i64: 8, 2048>}, {transform_indices = @transform_2, window_bounds = array<i64: 512, 2048>}]} {
    %get3A = arith.constant 0 : index
    %get3A_0 = arith.constant 0 : index
    %get3A_1 = vector.load %arg2[%get3A, %get3A_0] : memref<512x8xf32, #tpu.memory_space<vmem>>, vector<512x8xf32>
    %get3A_2 = arith.constant 0 : index
    %get3A_3 = arith.constant 0 : index
    %get3A_4 = vector.load %arg3[%get3A_2, %get3A_3] : memref<8x2048xf32, #tpu.memory_space<vmem>>, vector<8x2048xf32>
    %iota3A = tpu.iota {dimensions = array<i32: 1>} : vector<512x8xi32>
    %iota3A_5 = tpu.iota {dimensions = array<i32: 0>} : vector<8x2048xi32>
    %lt3A = arith.constant 3 : i32
    %lt3A_6 = vector.broadcast %lt3A : i32 to vector<512x8xi32>
    %lt3A_7 = arith.cmpi slt, %iota3A, %lt3A_6 : vector<512x8xi32>
    %jit3A = arith.constant 0.000000e+00 : f32
    %broadcast_in_dim3A = vector.broadcast %jit3A : f32 to vector<512x8xf32>
    %select_n3A = arith.select %lt3A_7, %get3A_1, %broadcast_in_dim3A : vector<512x8xi1>, vector<512x8xf32>
    %lt3A_8 = arith.constant 3 : i32
    %lt3A_9 = vector.broadcast %lt3A_8 : i32 to vector<8x2048xi32>
    %lt3A_10 = arith.cmpi slt, %iota3A_5, %lt3A_9 : vector<8x2048xi32>
    %mul3A = arith.constant -2.000000e+00 : f32
    %mul3A_11 = vector.broadcast %mul3A : f32 to vector<8x2048xf32>
    %mul3A_12 = arith.mulf %mul3A_11, %get3A_4 : vector<8x2048xf32>
    %jit3A_13 = arith.constant 0.000000e+00 : f32
    %broadcast_in_dim3A_14 = vector.broadcast %jit3A_13 : f32 to vector<8x2048xf32>
    %select_n3A_15 = arith.select %lt3A_10, %mul3A_12, %broadcast_in_dim3A_14 : vector<8x2048xi1>, vector<8x2048xf32>
    %dot_general3A = arith.constant dense<0.000000e+00> : vector<512x2048xf32>
    %dot_general3A_16 = tpu.matmul %select_n3A, %select_n3A_15, %dot_general3A {dimension_numbers = #tpu.dot_dimension_numbers<[1], [0], [0], [1], [0, 0, 1, 1], [], []>, transpose_lhs_hint = false} : vector<512x8xf32>, vector<8x2048xf32>, vector<512x2048xf32> -> vector<512x2048xf32>
    %slice3A = vector.extract_strided_slice %get3A_1 {offsets = [0, 3], sizes = [512, 1], strides = [1, 1]} : vector<512x8xf32> to vector<512x1xf32>
    %slice3A_17 = vector.extract_strided_slice %get3A_4 {offsets = [3, 0], sizes = [1, 2048], strides = [1, 1]} : vector<8x2048xf32> to vector<1x2048xf32>
    %add3A = vector.broadcast %slice3A : vector<512x1xf32> to vector<512x2048xf32>
    %add3A_18 = vector.broadcast %slice3A_17 : vector<1x2048xf32> to vector<512x2048xf32>
    %add3A_19 = arith.addf %add3A, %add3A_18 : vector<512x2048xf32>
    %add3A_20 = arith.addf %add3A_19, %dot_general3A_16 : vector<512x2048xf32>
    %max3A = arith.constant 1.000000e-24 : f32
    %max3A_21 = vector.broadcast %max3A : f32 to vector<512x2048xf32>
    %max3A_22 = arith.maximumf %add3A_20, %max3A_21 : vector<512x2048xf32>
    %rsqrt3A = math.rsqrt %max3A_22 : vector<512x2048xf32>
    %mul3A_23 = arith.mulf %max3A_22, %rsqrt3A : vector<512x2048xf32>
    %swap3A = arith.constant 0 : index
    %swap3A_24 = arith.constant 0 : index
    %swap3A_25 = vector.load %arg4[%swap3A, %swap3A_24] : memref<512x2048xf32, #tpu.memory_space<vmem>>, vector<512x2048xf32>
    tpu.vector_store %arg4[%swap3A, %swap3A_24], %mul3A_23 {strides = array<i32>} : memref<512x2048xf32, #tpu.memory_space<vmem>>, vector<512x2048xf32>,
    return
  }
  func.func @transform_0(%arg0: i32, %arg1: i32) -> (i32, i32) {
    %c0_i32 = arith.constant 0 : i32
    %c0_i32_0 = arith.constant 0 : i32
    return %arg0, %c0_i32 : i32, i32
  }
  func.func @transform_1(%arg0: i32, %arg1: i32) -> (i32, i32) {
    %c0_i32 = arith.constant 0 : i32
    %c0_i32_0 = arith.constant 0 : i32
    return %c0_i32, %arg1 : i32, i32
  }
  func.func @transform_2(%arg0: i32, %arg1: i32) -> (i32, i32) {
    %c0_i32 = arith.constant 0 : i32
    return %arg0, %arg1 : i32, i32
  }
}

</mosaic_0001>

<sc_bundles>
// kernel: kernel.10.cloned.1.call-start
scs
__scs_entry_jumppad:
0x0: {  	(pc) =	sbr.rel $0x88, $3  }
0x1: {  	(tag) =	ssettag $0x0;
	lr =	simm.s32 $0x1  }
0x2: {  	[smem:$0x3F94] =	sst lr;
	_ =	strace $0xD0000000  }
0x3: {  	_ = 	snop  }
0x4: {  	_ = 	snop  }
0x5: {  	_ = 	snop  }
0x6: {  	_ = 	snop  }
0x7: {  	_ = 	snop  }
__scs_overlays_trampoline_lowered:
0x8: {  	[smem:$0x3FA3] =	sst s0  }
0x9: {  	[smem:$0x3FA4] =	sst s1  }
0xa: {  	[smem:$0x3FA5] =	sst s2  }
0xb: {  	[smem:$0x3FA6] =	sst s3  }
0xc: {  	[smem:$0x3FA7] =	sst s4  }
0xd: {  	[smem:$0x3FA8] =	sst s5  }
0xe: {  	[smem:$0x3FA9] =	sst s6  }
0xf: {  	[smem:$0x3FAA] =	sst s7  }
0x10: {  	[smem:$0x3FAB] =	sst s8  }
0x11: {  	[smem:$0x3FAC] =	sst s9;
	s0 =	simm.s32 @!p0 $0x0  }
0x12: {  	s1 =	sld [smem:$0x3F92];
	s0 =	simm.s32 @p0 $0x1  }
0x13: {  	[smem:$0x3FAD] =	sst s0;
	s0 =	simm.s32 @!p1 $0x0  }
0x14: {  	s2 =	sld [smem:$0x3F91];
	s0 =	simm.s32 @p1 $0x1  }
0x15: {  	[smem:$0x3FAE] =	sst s0;
	s0 =	simm.s32 @!p2 $0x0  }
0x16: {  	s3 =	sld [smem:$0x3FDB];
	s0 =	simm.s32 @p2 $0x1  }
0x17: {  	s4 =	simm.s32 $0x1BF5;
	[smem:$0x3FB0] =	sst s0  }
0x18: {  	s0 =	sld [smem:$0x3F93];
	_ =	swait.ge [sflag:s4], $0x0  }
0x19: {  	s7 =	sld [smem:$0x3F94]  }
0x1a: {  	s8 =	sadd.s32 $0xFFFFE003, lr  }
0x1b: {  	s9 =	sadd.s32 $0xFFFFFEF7, lr;
	s5 =	simm.s32 $0xFFFFFFFF;
	p2 =	slt.u32 s8, $0xFFFFF086  }
0x1c: {  	p1 =	slt.u32 s9, $0xF7A;
	s5 =	simm.s32 @!p2 $0x0  }
0x1d: {  	s5 =	simm.s32 @p1 $0x1;
	p0 =	seq.s32 s7, s2  }
0x1e: {  	s7 =	smul.u32 @!p0 $0xF7A, s2;
	p2 =	seq.s32 @!p0 s5, $0x0  }
0x1f: {  	s9 =	smul.u32 $0xF7A, s1;
	s8 =	simm.s32 @!p0 $0x1BF5;
	p2 =	por !p2, p0  }
0x20: {  	[sflag:s8] =	ssyncset.s32 @!p0 $0xFFFFF086;
	s6 =	sadd.s32 @!p0 s3, s7;
	s7 =	simm.s32 @!p0 $0x108  }
0x21: {  	s3 =	sadd.s32 s3, s9;
	s6 =	sadd.s32 @!p0 $0x88, s6;
	s7 =	simm.s32 @p2 $0x1082  }
0x22: {  	[simem:s7], [sflag:s8] =	dma.local @!p0 [hbm:s6], $0xF7A  }
0x23: {  	s9 =	sor.u32 $0xD0000000, s2;
	s6 =	simm.s32 $0x108;
	_ =	swait.ge @!p0 [sflag:s8], $0x0  }
0x24: {  	s3 =	sadd.s32 $0x88, s3;
	s6 =	simm.s32 @!p1 $0x1082;
	[sflag:s4] =	ssyncset.s32 $0xFFFFF086  }
0x25: {  	[simem:s6], [sflag:s4] =	dma.local [hbm:s3], $0xF7A  }
0x26: {  	[smem:$0x3F94] =	sst s1;
	(tag) =	ssettag s2;
	_ =	strace s9  }
0x27: {  	s1 =	sld [smem:$0x3FA4]  }
0x28: {  	s2 =	sld [smem:$0x3FA5]  }
0x29: {  	s4 =	sld [smem:$0x3FA7]  }
0x2a: {  	p0 =	seq.s32 s5, $0x0;
	s5 =	sld [smem:$0x3FA8]  }
0x2b: {  	s6 =	sld [smem:$0x3FA9]  }
0x2c: {  	s7 =	sld [smem:$0x3FAA]  }
0x2d: {  	s3 =	simm.s32 $0x108;
	s8 =	sld [smem:$0x3FAB]  }
0x2e: {  	s3 =	simm.s32 @!p0 $0x1082;
	s9 =	sld [smem:$0x3FAC]  }
0x2f: {  	lr =	sadd.s32 s0, s3;
	s0 =	sld [smem:$0x3FA3]  }
0x30: {  	s3 =	sld [smem:$0x3FA6]  }
0x31: {  	[smem:$0x3FAF] =	sst s10  }
0x32: {  	s10 =	sld [smem:$0x3FAD];
	_ =	sdelay $0x3  }
0x33: {  	p0 =	seq.s32 s10, $0x1;
	s10 =	sld [smem:$0x3FAF];
	_ =	sdelay $0x3  }
0x34: {  	[smem:$0x3FAF] =	sst s10  }
0x35: {  	s10 =	sld [smem:$0x3FAE];
	_ =	sdelay $0x3  }
0x36: {  	p1 =	seq.s32 s10, $0x1;
	s10 =	sld [smem:$0x3FAF];
	_ =	sdelay $0x3  }
0x37: {  	[smem:$0x3FAF] =	sst s10  }
0x38: {  	s10 =	sld [smem:$0x3FB0]  }
0x39: {  	_ = 	snop;
	(pc) =	sbr.ind lr, $3  }
0x3a: {  	_ = 	snop  }
0x3b: {  	_ = 	snop  }
0x3c: {  	p2 =	seq.s32 s10, $0x1;
	s10 =	sld [smem:$0x3FAF]  }
0x3d: {  	_ =	shalt  }
0x3e: {  	_ =	shalt  }
0x3f: {  	_ =	shalt  }
0x40: {  	_ =	shalt  }
0x41: {  	_ =	shalt  }
0x42: {  	_ =	shalt  }
0x43: {  	_ =	shalt  }
0x44: {  	_ =	shalt  }
0x45: {  	_ =	shalt  }
0x46: {  	_ =	shalt  }
0x47: {  	_ =	shalt  }
0x48: {  	_ =	shalt  }
0x49: {  	_ =	shalt  }
0x4a: {  	_ =	shalt  }
0x4b: {  	_ =	shalt  }
0x4c: {  	_ =	shalt  }
0x4d: {  	_ =	shalt  }
0x4e: {  	_ =	shalt  }
0x4f: {  	_ =	shalt  }
0x50: {  	_ =	shalt  }
0x51: {  	_ =	shalt  }
0x52: {  	_ =	shalt  }
0x53: {  	_ =	shalt  }
0x54: {  	_ =	shalt  }
0x55: {  	_ =	shalt  }
0x56: {  	_ =	shalt  }
0x57: {  	_ =	shalt  }
0x58: {  	_ =	shalt  }
0x59: {  	_ =	shalt  }
0x5a: {  	_ =	shalt  }
0x5b: {  	_ =	shalt  }
0x5c: {  	_ =	shalt  }
0x5d: {  	_ =	shalt  }
0x5e: {  	_ =	shalt  }
0x5f: {  	_ =	shalt  }
0x60: {  	_ =	shalt  }
0x61: {  	_ =	shalt  }
0x62: {  	_ =	shalt  }
0x63: {  	_ =	shalt  }
0x64: {  	_ =	shalt  }
0x65: {  	_ =	shalt  }
0x66: {  	_ =	shalt  }
0x67: {  	_ =	shalt  }
0x68: {  	_ =	shalt  }
0x69: {  	_ =	shalt  }
0x6a: {  	_ =	shalt  }
0x6b: {  	_ =	shalt  }
0x6c: {  	_ =	shalt  }
0x6d: {  	_ =	shalt  }
0x6e: {  	_ =	shalt  }
0x6f: {  	_ =	shalt  }
0x70: {  	_ =	shalt  }
0x71: {  	_ =	shalt  }
0x72: {  	_ =	shalt  }
0x73: {  	_ =	shalt  }
0x74: {  	_ =	shalt  }
0x75: {  	_ =	shalt  }
0x76: {  	_ =	shalt  }
0x77: {  	_ =	shalt  }
0x78: {  	_ =	shalt  }
0x79: {  	_ =	shalt  }
0x7a: {  	_ =	shalt  }
0x7b: {  	_ =	shalt  }
0x7c: {  	_ =	shalt  }
0x7d: {  	_ =	shalt  }
0x7e: {  	_ =	shalt  }
0x7f: {  	_ =	shalt  }
0x80: {  	_ =	shalt  }
0x81: {  	_ =	shalt  }
0x82: {  	_ =	shalt  }
0x83: {  	_ =	shalt  }
0x84: {  	_ =	shalt  }
0x85: {  	_ =	shalt  }
0x86: {  	_ =	shalt  }
0x87: {  	_ =	shalt  }
.Lfunc_end0:
.L_simem_size_0:
called_computation.1_lowered:
.L_overlay_start_0:
0x88: {  	s2 =	sld [smem:$0x3FD9]  }
0x89: {  	s3 =	sld [smem:$0x3FFE];
	_ =	sdelay $0x1  }
0x8a: {  	s1 =	srdreg.scid  }
0x8b: {  	s0 =	sand.u32 $0x1, s1  }
0x8c: {  	s17 =	sshll.u32 s0, $0xA;
	s2 =	sadd.s32 s3, s2  }
0x8d: {  	s2 =	sadd.s32 s2, s17  }
0x8e: {  	[smem:$0x3FBB] =	sst s2  }
0x8f: {  	_ = 	snop  }
0x90: {  	(tm) =	ssettm $0x1  }
0x91: {  	s18 =	sld [smem:$0x3FFB];
	_ =	sdelay $0x3  }
0x92: {  	_ =	strace s18  }
0x93: {  	s2 =	sld [smem:$0x3FFC];
	_ =	sdelay $0x3  }
0x94: {  	_ =	strace s2  }
0x95: {  	s2 =	sld [smem:$0x3FFD];
	_ =	sdelay $0x3  }
0x96: {  	_ =	strace s2  }
0x97: {  	_ =	strace $0x8FFFFFFF  }
0x98: {  	s19 =	sld [smem:$0x3FDB];
	_ =	sdelay $0x1  }
0x99: {  	s20 =	simm.s32 $_scs_section_size  }
0x9a: {  	s4 =	simm.s32 $_size__tile_overlayer_lowered;
	s5 =	simm.s32 $_tile_overlayer_lowered  }
0x9b: {  	s6 =	simm.s32 $0x1BFF;
	s21 =	sshll.u32 s5, $0x1;
	s3 =	sadd.s32 s20, s19  }
0x9c: {  	s22 =	simm.s32 $0x0;
	s4 =	sshll.u32 s4, $0x1;
	s5 =	sadd.s32 s21, s3  }
0x9d: {  	[timem:s22], [sflag:s6] =	dma.local [hbm:s5], s4  }
0x9e: {  	_ =	swait.ge [sflag:s6], s4  }
0x9f: {  	s4 =	ssub.s32 $0x0, s4;
	[sflag:s6] =	ssyncset.done $0x0  }
0xa0: {  	[sflag:s6] =	ssyncadd.s32 s4;
	_ =	sdelay $0x1  }
0xa1: {  	s23 =	simm.s32 $0x1B8B  }
0xa2: {  	_ =	swait.ge [sflag:s23], $0x1  }
0xa3: {  	[sflag:s23] =	ssyncset.done $0x0  }
0xa4: {  	[sflag:s23] =	ssyncadd.s32 $0xFFFFFFFF  }
0xa5: {  	s4 =	sld [smem:$0x0]  }
0xa6: {  	s5 =	sand.u32 $0xFFFFFFFE, s1  }
0xa7: {  	p0 =	sne.s32 s1, s5  }
0xa8: {  	s5 =	sshll.u32 @p0 s5, $0xE  }
0xa9: {  	s5 =	sadd.s32 @p0 $0x11B8D, s5;
	s6 =	sshll.u32 @p0 s4, $0x11  }
0xaa: {  	s5 =	sor.u32 @p0 s6, s5  }
0xab: {  	[sflag:s5] =	ssyncadd.remote.s32 @p0 $0x1;
	_ =	sdelay $0x1  }
0xac: {  	s5 =	simm.s32 @p0 $0x1B8D  }
0xad: {  	_ =	swait.eq @p0 [sflag:s5], $0x1  }
0xae: {  	[sflag:s5] =	ssyncadd.s32 @p0 $0xFFFFFFFF  }
0xaf: {  	s6 =	sshll.u32 @!p0 s1, $0xE  }
0xb0: {  	s6 =	sor.u32 @!p0 $0x4000, s6;
	s5 =	simm.s32 @!p0 $0x1B8D  }
0xb1: {  	s4 =	sshll.u32 @!p0 s4, $0x11;
	s6 =	sadd.s32 @!p0 $0x11B8D, s6;
	_ =	swait.eq @!p0 [sflag:s5], $0x1  }
0xb2: {  	s4 =	sor.u32 @!p0 s4, s6;
	[sflag:s5] =	ssyncadd.s32 @!p0 $0xFFFFFFFF  }
0xb3: {  	s25 =	simm.s32 $0x1B8E;
	s24 =	sld [smem:$0x3FFE];
	[sflag:s4] =	ssyncadd.remote.s32 @!p0 $0x1  }
0xb4: {  	s26 =	simm.s32 $execute0_lowered;
	[smem:$0x3FD2] =	sst s25  }
0xb5: {  	s5 =	sshll.u32 s26, $0x1;
	_ =	strace $0x80000049;
	[dreg:$0x1] =	wrdreg $0xFFFFFFFF  }
0xb6: {  	s28 =	simm.s32 $_size_execute0_lowered;
	s3 =	sadd.s32 s3, s5;
	[dreg:$0x0] =	wrdreg $0x0  }
0xb7: {  	s5 =	sshll.u32 s28, $0x1;
	[dreg:$0x2] =	wrdreg s3  }
0xb8: {  	[dreg:$0x3] =	wrdreg s5  }
0xb9: {  	[dreg:$0x4] =	wrdreg $0xC0  }
0xba: {  	_ =	task [dreg:s22], $0x5FFFF  }
0xbb: {  	[dreg:$0x1] =	wrdreg $0xFFFFFFFF  }
0xbc: {  	[dreg:$0x0] =	wrdreg $0x60  }
0xbd: {  	[dreg:$0x2] =	wrdreg s24  }
0xbe: {  	[dreg:$0x3] =	wrdreg $0x0  }
0xbf: {  	[dreg:$0x4] =	wrdreg $0xA  }
0xc0: {  	_ =	task.clear_ibuf [dreg:s22], $0x5FFFF;
	_ =	strace $0x90000049  }
0xc1: {  	s29 =	simm.s32 $0xA;
	_ =	strace $0x8000004B  }
0xc2: {  	_ =	swait.ge [sflag:s29], $0x1  }
0xc3: {  	[sflag:s29] =	ssyncadd.s32 $0xFFFFFFFF  }
0xc4: {  	_ =	strace $0x9000004B  }
0xc5: {  	_ =	sfence  }
0xc6: {  	s30 =	sld [smem:$0x0];
	_ =	sdelay $0x2  }
0xc7: {  	s31 =	sshll.u32 s1, $0xD;
	s1 =	sshrl.u32 s1, $0x2  }
0xc8: {  	s4 =	sand.u32 $0x4000, s31;
	s1 =	sadd.s32 s1, s30  }
0xc9: {  	s0 =	sor.u32 s4, s0;
	s1 =	sshll.u32 s1, $0x11  }
0xca: {  	s0 =	sor.u32 s1, s0  }
0xcb: {  	s0 =	sadd.s32 $0x8F2B, s0  }
0xcc: {  	[sflag:s0] =	ssyncadd.remote.s32 $0x1  }
0xcd: {  	_ =	sfence.sel $0xFFFF  }
0xce: {  	[dreg:$0x0] =	wrdreg $0xFFFFFFFF;
	(pc) =	sbr.abs _section_cstart, $3  }
0xcf: {  	[dreg:$0x1] =	wrdreg $0xFFFFFFFF  }
0xd0: {  	_ =	task.clear_ibuf [dreg:s22], $0x2FFFF;
	_ =	strace $0x9FFFFFFF  }
0xd1: {  	(tm) =	ssettm $0x7FFFFFFF  }
tec
execute0_lowered:
.L_overlay_start_1:
0x0: {  	(tag) =	ssettag $0x1  }
0x1: {  	s0 =	rddreg [dreg:$0x0]  }
0x2: {  	s2 =	rddreg [dreg:$0x1]  }
0x3: {  	s19 =	simm.s32 $0x0;
	s9 =	stileid.u32;
	s3 =	srdreg.scid  }
0x4: {  	s14 =	simm.s32 $0x5;
	s15 =	simm.s32 $0x14000;
	s16 =	simm.s32 $0x80  }
0x5: {  	s17 =	simm.s32 $0x14800;
	s18 =	simm.s32 $0x1;
	s21 =	simm.s32 $0x14080  }
0x6: {  	s20 =	simm.s32 $0x18800;
	s22 =	simm.s32 $0x2;
	s23 =	simm.s32 $0x3  }
0x7: {  	s26 =	simm.s32 $0x4;
	[smem:$0x7FF] =	sst s19;
	s1 =	smul.u32 $0xA00, s9  }
0x8: {  	s4 =	sadd.s32 $0x87400, s0;
	s5 =	sadd.s32 $0x60200, s0;
	s6 =	sadd.s32 $0xDA00, s0  }
0x9: {  	s3 =	sand.u32 $0x1, s3;
	s28 =	smul.u32 $0x50000, s9;
	s7 =	sadd.s32 $0xFCA00, s0  }
0xa: {  	s8 =	sshll.u32 s9, $0x6;
	_ =	strace $0x8000004A;
	[dreg:$0x3] =	wrdreg s6  }
0xb: {  	s31 =	smul.u32 $0x2800, s9;
	[dreg:$0x4] =	wrdreg s7;
	s29 =	ssub.s32 $0x2, s3  }
0xc: {  	s13 =	sor.u32 $0x1C05, s8;
	s1 =	sadd.s32 s1, s0;
	s0 =	sadd.s32 $0x124A00, s0  }
.Ltmp0:
0xd: {  	s30 =	sshrl.u32 s29, $0x1;
	[dreg:$0x7] =	wrdreg s31;
	(pc) =	sbr.rel .LBB2_1-.Ltmp0, $4  }
0xe: {  	s6 =	sshrl.u32 s28, $0x2;
	[dreg:$0x5] =	wrdreg s0;
	s0 =	ssub.s32 s29, s30  }
0xf: {  	[dreg:$0x6] =	wrdreg s13;
	s6 =	sadd.s32 s6, s2;
	s0 =	smax.u32 s0, $0x1  }
0x10: {  	p0 =	sne.s32 s3, $0x0;
	s9 =	sshrl.u32 s6, $0x3;
	[dreg:$0x8] =	wrdreg s0  }
0x11: {  	s12 =	sadd.s32 $0x3200, s1;
	s0 =	simm.s32 $0x0;
	[dreg:$0x9] =	wrdreg s9  }
.LBB2_7:
0x12: {  	s3 =	sadd.s32 s13, s12;
	[sflag:s26] =	ssyncadd.s32 $0xFFFFC000  }
0x13: {  	[tilespmem:s15], [sflag:$0x5] =	stream.linear.gather [hbm4b:s3+s19], $0x800, $0x38;
	[tilespmem:$0x1C800] =	vst v63  }
0x14: {  	_ =	swait.ge [sflag:s14], $0x800  }
0x15: {  	[sflag:s14] =	ssyncset.done $0x0  }
0x16: {  	[sflag:s14] =	ssyncadd.s32 $0xFFFFF800  }
0x17: {  	[tilespmem:s17], [sflag:$0x1] =	stream.indirect.gather [hbm4b:s5+s16], $0x80, s15, s16, $0xb8;
	[tilespmem:$0x1C800] =	vst v63  }
0x18: {  	_ =	swait.ge [sflag:s18], $0x4000  }
0x19: {  	[sflag:s18] =	ssyncset.done $0x0  }
0x1a: {  	[sflag:s18] =	ssyncadd.s32 $0xFFFFC000  }
0x1b: {  	[tilespmem:s20], [sflag:$0x2] =	stream.indirect.gather [hbm4b:s5+s16], $0x80, s21, s16, $0xb8;
	[tilespmem:$0x1C800] =	vst v63  }
0x1c: {  	_ = 	snop  }
0x1d: {  	[spmem:s2] =	stream.indirect.scatter.add.f32 [tilespmem:s17], [sflag:$0x3], $0x80, s25, s16, $0xb8;
	[tilespmem:$0x1C800] =	vst v63  }
0x1e: {  	_ =	swait.ge [sflag:s22], $0x4000  }
0x1f: {  	[sflag:s22] =	ssyncset.done $0x0  }
0x20: {  	[sflag:s22] =	ssyncadd.s32 $0xFFFFC000  }
0x21: {  	_ =	swait.ge [sflag:s23], $0x4000  }
0x22: {  	[sflag:s23] =	ssyncset.done $0x0  }
0x23: {  	[sflag:s23] =	ssyncadd.s32 $0xFFFFC000  }
0x24: {  	[tilespmem:s17], [sflag:$0x1] =	stream.indirect.gather [hbm4b:s5+s16], $0x80, s28, s16, $0xb8;
	[tilespmem:$0x1C800] =	vst v63  }
0x25: {  	_ = 	snop  }
0x26: {  	[spmem:s2] =	stream.indirect.scatter.add.f32 [tilespmem:s20], [sflag:$0x4], $0x80, s29, s16, $0xb8;
	[tilespmem:$0x1C800] =	vst v63  }
0x27: {  	_ =	swait.ge [sflag:s18], $0x4000  }
0x28: {  	[sflag:s18] =	ssyncset.done $0x0  }
0x29: {  	[sflag:s18] =	ssyncadd.s32 $0xFFFFC000  }
0x2a: {  	_ =	swait.ge [sflag:s26], $0x4000  }
0x2b: {  	[sflag:s26] =	ssyncset.done $0x0  }
0x2c: {  	[sflag:s26] =	ssyncadd.s32 $0xFFFFC000  }
0x2d: {  	[tilespmem:s20], [sflag:$0x2] =	stream.indirect.gather [hbm4b:s5+s16], $0x80, s30, s16, $0xb8;
	[tilespmem:$0x1C800] =	vst v63  }
0x2e: {  	_ = 	snop  }
0x2f: {  	[spmem:s2] =	stream.indirect.scatter.add.f32 [tilespmem:s17], [sflag:$0x3], $0x80, s31, s16, $0xb8;
	[tilespmem:$0x1C800] =	vst v63  }
0x30: {  	_ =	swait.ge [sflag:s22], $0x4000  }
0x31: {  	[sflag:s22] =	ssyncset.done $0x0  }
0x32: {  	[sflag:s22] =	ssyncadd.s32 $0xFFFFC000  }
0x33: {  	_ =	swait.ge [sflag:s23], $0x4000  }
0x34: {  	[sflag:s23] =	ssyncset.done $0x0  }
0x35: {  	s31 =	simm.s32 $0x14200;
	[sflag:s23] =	ssyncadd.s32 $0xFFFFC000  }
0x36: {  	[tilespmem:s17], [sflag:$0x1] =	stream.indirect.gather [hbm4b:s5+s16], $0x80, s31, s16, $0xb8;
	[tilespmem:$0x1C800] =	vst v63  }
0x37: {  	_ = 	snop  }
0x38: {  	[spmem:s2] =	stream.indirect.scatter.add.f32 [tilespmem:s20], [sflag:$0x4], $0x80, s1, s16, $0xb8;
	[tilespmem:$0x1C800] =	vst v63  }
0x39: {  	_ =	swait.ge [sflag:s18], $0x4000  }
0x3a: {  	[sflag:s18] =	ssyncset.done $0x0  }
0x3b: {  	[sflag:s18] =	ssyncadd.s32 $0xFFFFC000  }
0x3c: {  	_ =	swait.ge [sflag:s26], $0x4000  }
0x3d: {  	[sflag:s26] =	ssyncset.done $0x0  }
0x3e: {  	[sflag:s26] =	ssyncadd.s32 $0xFFFFC000  }
0x3f: {  	[tilespmem:s20], [sflag:$0x2] =	stream.indirect.gather [hbm4b:s5+s16], $0x80, s6, s16, $0xb8;
	[tilespmem:$0x1C800] =	vst v63  }
0x40: {  	_ = 	snop  }
0x41: {  	[spmem:s2] =	stream.indirect.scatter.add.f32 [tilespmem:s17], [sflag:$0x3], $0x80, s8, s16, $0xb8;
	[tilespmem:$0x1C800] =	vst v63  }
0x42: {  	_ =	swait.ge [sflag:s22], $0x4000  }
0x43: {  	[sflag:s22] =	ssyncset.done $0x0  }
0x44: {  	[sflag:s22] =	ssyncadd.s32 $0xFFFFC000  }
0x45: {  	_ =	swait.ge [sflag:s23], $0x4000  }
0x46: {  	[sflag:s23] =	ssyncset.done $0x0  }
0x47: {  	[sflag:s23] =	ssyncadd.s32 $0xFFFFC000  }
0x48: {  	[tilespmem:s17], [sflag:$0x1] =	stream.indirect.gather [hbm4b:s5+s16], $0x80, s10, s16, $0xb8;
	[tilespmem:$0x1C800] =	vst v63  }
0x49: {  	_ = 	snop  }
0x4a: {  	[spmem:s2] =	stream.indirect.scatter.add.f32 [tilespmem:s20], [sflag:$0x4], $0x80, s7, s16, $0xb8;
	[tilespmem:$0x1C800] =	vst v63  }
0x4b: {  	_ =	swait.ge [sflag:s18], $0x4000  }
0x4c: {  	[sflag:s18] =	ssyncset.done $0x0  }
0x4d: {  	[sflag:s18] =	ssyncadd.s32 $0xFFFFC000  }
0x4e: {  	_ =	swait.ge [sflag:s26], $0x4000  }
0x4f: {  	[sflag:s26] =	ssyncset.done $0x0  }
0x50: {  	[sflag:s26] =	ssyncadd.s32 $0xFFFFC000  }
0x51: {  	[tilespmem:s20], [sflag:$0x2] =	stream.indirect.gather [hbm4b:s5+s16], $0x80, s11, s16, $0xb8;
	[tilespmem:$0x1C800] =	vst v63  }
0x52: {  	_ = 	snop  }
0x53: {  	[spmem:s2] =	stream.indirect.scatter.add.f32 [tilespmem:s17], [sflag:$0x3], $0x80, s24, s16, $0xb8;
	[tilespmem:$0x1C800] =	vst v63  }
0x54: {  	_ =	swait.ge [sflag:s22], $0x4000  }
0x55: {  	[sflag:s22] =	ssyncset.done $0x0  }
0x56: {  	[sflag:s22] =	ssyncadd.s32 $0xFFFFC000  }
0x57: {  	[spmem:s2] =	stream.indirect.scatter.add.f32 [tilespmem:s20], [sflag:$0x4], $0x80, s0, s16, $0xb8;
	[tilespmem:$0x1C800] =	vst v63  }
0x58: {  	_ =	swait.ge [sflag:s23], $0x4000  }
0x59: {  	[sflag:s23] =	ssyncset.done $0x0  }
0x5a: {  	[sflag:s23] =	ssyncadd.s32 $0xFFFFC000  }
0x5b: {  	_ =	swait.ge [sflag:s26], $0x4000  }
0x5c: {  	[sflag:s26] =	ssyncset.done $0x0;
	s3 =	rddreg [dreg:$0x5]  }
0x5d: {  	s0 =	rddreg [dreg:$0xa];
	[sflag:s26] =	ssyncadd.s32 $0xFFFFC000  }
.LBB2_8:
0x5e: {  	s9 =	rddreg [dreg:$0x7];
	[bflag:$0x0] =	sbarrier.arrive $0xFFFF  }
0x5f: {  	s13 =	rddreg [dreg:$0x6]  }
0x60: {  	s3 =	sadd.s32 s3, s9;
	s9 =	rddreg [dreg:$0x9]  }
0x61: {  	[hbm:s3], [sflag:s13] =	dma.local [spmem:s9], $0x2800  }
0x62: {  	_ =	swait.ge [sflag:s14], $0x2800  }
0x63: {  	s0 =	sadd.s32 $0x1, s0;
	s31 =	rddreg [dreg:$0x8]  }
0x64: {  	p1 =	sne.s32 s0, s31  }
.Ltmp1:
0x65: {  	_ = 	snop;
	(pc) =	sbr.rel @!p1 .LBB2_9-.Ltmp1, $3  }
0x66: {  	_ =	sdelay $0x1  }
0x67: {  	[sflag:s14] =	ssyncset.done $0x0  }
0x68: {  	[sflag:s14] =	ssyncadd.s32 $0xFFFFD800  }
.LBB2_1:
0x69: {  	[dreg:$0xa] =	wrdreg s0  }
0x6a: {  	s3 =	rddreg [dreg:$0x3]  }
0x6b: {  	[spmem:s9], [sflag:s13] =	dma.local [hbm:s3], $0x2800  }
.Ltmp2:
0x6c: {  	_ =	swait.ge [sflag:s14], $0x2800;
	(pc) =	sbr.rel @p0 .LBB2_5-.Ltmp2, $4  }
0x6d: {  	[sflag:s14] =	ssyncset.done $0x0  }
0x6e: {  	[sflag:s14] =	ssyncadd.s32 $0xFFFFD800  }
0x6f: {  	[bflag:$0x0] =	sbarrier.arrive $0xFFFF  }
0x70: {  	s3 =	sadd.s32 $0x0, s12  }
0x71: {  	[tilespmem:s15], [sflag:$0x5] =	stream.linear.gather [hbm4b:s3+s19], $0x800, $0x38;
	[tilespmem:$0x1C800] =	vst v63  }
0x72: {  	_ =	swait.ge [sflag:s14], $0x800  }
0x73: {  	[sflag:s14] =	ssyncset.done $0x0  }
0x74: {  	[sflag:s14] =	ssyncadd.s32 $0xFFFFF800  }
0x75: {  	[tilespmem:s17], [sflag:$0x1] =	stream.indirect.gather [hbm4b:s4+s16], $0x80, s15, s16, $0xb8;
	[tilespmem:$0x1C800] =	vst v63  }
0x76: {  	_ =	swait.ge [sflag:s18], $0x4000  }
0x77: {  	[sflag:s18] =	ssyncset.done $0x0  }
0x78: {  	[sflag:s18] =	ssyncadd.s32 $0xFFFFC000  }
0x79: {  	[tilespmem:s20], [sflag:$0x2] =	stream.indirect.gather [hbm4b:s4+s16], $0x80, s21, s16, $0xb8;
	[tilespmem:$0x1C800] =	vst v63  }
0x7a: {  	s0 =	simm.s32 $0x14400  }
0x7b: {  	[spmem:s2] =	stream.indirect.scatter.add.f32 [tilespmem:s17], [sflag:$0x3], $0x80, s0, s16, $0xb8;
	[tilespmem:$0x1C800] =	vst v63  }
0x7c: {  	_ =	swait.ge [sflag:s22], $0x4000  }
0x7d: {  	[sflag:s22] =	ssyncset.done $0x0  }
0x7e: {  	[sflag:s22] =	ssyncadd.s32 $0xFFFFC000  }
0x7f: {  	_ =	swait.ge [sflag:s23], $0x4000  }
0x80: {  	[sflag:s23] =	ssyncset.done $0x0  }
0x81: {  	s10 =	simm.s32 $0x14100;
	[sflag:s23] =	ssyncadd.s32 $0xFFFFC000  }
0x82: {  	[tilespmem:s17], [sflag:$0x1] =	stream.indirect.gather [hbm4b:s4+s16], $0x80, s10, s16, $0xb8;
	[tilespmem:$0x1C800] =	vst v63  }
0x83: {  	s11 =	simm.s32 $0x14480  }
0x84: {  	[spmem:s2] =	stream.indirect.scatter.add.f32 [tilespmem:s20], [sflag:$0x4], $0x80, s11, s16, $0xb8;
	[tilespmem:$0x1C800] =	vst v63  }
0x85: {  	_ =	swait.ge [sflag:s18], $0x4000  }
0x86: {  	[sflag:s18] =	ssyncset.done $0x0  }
0x87: {  	[sflag:s18] =	ssyncadd.s32 $0xFFFFC000  }
0x88: {  	_ =	swait.ge [sflag:s26], $0x4000  }
0x89: {  	[sflag:s26] =	ssyncset.done $0x0  }
0x8a: {  	s13 =	simm.s32 $0x14180;
	[sflag:s26] =	ssyncadd.s32 $0xFFFFC000  }
0x8b: {  	[tilespmem:s20], [sflag:$0x2] =	stream.indirect.gather [hbm4b:s4+s16], $0x80, s13, s16, $0xb8;
	[tilespmem:$0x1C800] =	vst v63  }
0x8c: {  	s19 =	simm.s32 $0x14500  }
0x8d: {  	[spmem:s2] =	stream.indirect.scatter.add.f32 [tilespmem:s17], [sflag:$0x3], $0x80, s19, s16, $0xb8;
	[tilespmem:$0x1C800] =	vst v63  }
0x8e: {  	_ =	swait.ge [sflag:s22], $0x4000  }
0x8f: {  	[sflag:s22] =	ssyncset.done $0x0  }
0x90: {  	[sflag:s22] =	ssyncadd.s32 $0xFFFFC000  }
0x91: {  	_ =	swait.ge [sflag:s23], $0x4000  }
0x92: {  	[sflag:s23] =	ssyncset.done $0x0  }
0x93: {  	s21 =	simm.s32 $0x14200;
	[sflag:s23] =	ssyncadd.s32 $0xFFFFC000  }
0x94: {  	[tilespmem:s17], [sflag:$0x1] =	stream.indirect.gather [hbm4b:s4+s16], $0x80, s21, s16, $0xb8;
	[tilespmem:$0x1C800] =	vst v63  }
0x95: {  	s24 =	simm.s32 $0x14580  }
0x96: {  	[spmem:s2] =	stream.indirect.scatter.add.f32 [tilespmem:s20], [sflag:$0x4], $0x80, s24, s16, $0xb8;
	[tilespmem:$0x1C800] =	vst v63  }
0x97: {  	_ =	swait.ge [sflag:s18], $0x4000  }
0x98: {  	[sflag:s18] =	ssyncset.done $0x0  }
0x99: {  	[sflag:s18] =	ssyncadd.s32 $0xFFFFC000  }
0x9a: {  	_ =	swait.ge [sflag:s26], $0x4000  }
0x9b: {  	[sflag:s26] =	ssyncset.done $0x0  }
0x9c: {  	s3 =	simm.s32 $0x14280;
	[sflag:s26] =	ssyncadd.s32 $0xFFFFC000  }
0x9d: {  	[tilespmem:s20], [sflag:$0x2] =	stream.indirect.gather [hbm4b:s4+s16], $0x80, s3, s16, $0xb8;
	[tilespmem:$0x1C800] =	vst v63  }
0x9e: {  	s7 =	simm.s32 $0x14600  }
0x9f: {  	[spmem:s2] =	stream.indirect.scatter.add.f32 [tilespmem:s17], [sflag:$0x3], $0x80, s7, s16, $0xb8;
	[tilespmem:$0x1C800] =	vst v63  }
0xa0: {  	_ =	swait.ge [sflag:s22], $0x4000  }
0xa1: {  	[sflag:s22] =	ssyncset.done $0x0  }
0xa2: {  	[sflag:s22] =	ssyncadd.s32 $0xFFFFC000  }
0xa3: {  	_ =	swait.ge [sflag:s23], $0x4000  }
0xa4: {  	[sflag:s23] =	ssyncset.done $0x0  }
0xa5: {  	s9 =	simm.s32 $0x14300;
	[sflag:s23] =	ssyncadd.s32 $0xFFFFC000  }
0xa6: {  	[tilespmem:s17], [sflag:$0x1] =	stream.indirect.gather [hbm4b:s4+s16], $0x80, s9, s16, $0xb8;
	[tilespmem:$0x1C800] =	vst v63  }
0xa7: {  	s11 =	simm.s32 $0x14680  }
0xa8: {  	[spmem:s2] =	stream.indirect.scatter.add.f32 [tilespmem:s20], [sflag:$0x4], $0x80, s11, s16, $0xb8;
	[tilespmem:$0x1C800] =	vst v63  }
0xa9: {  	_ =	swait.ge [sflag:s18], $0x4000  }
0xaa: {  	[sflag:s18] =	ssyncset.done $0x0  }
0xab: {  	[sflag:s18] =	ssyncadd.s32 $0xFFFFC000  }
0xac: {  	_ =	swait.ge [sflag:s26], $0x4000  }
0xad: {  	[sflag:s26] =	ssyncset.done $0x0  }
0xae: {  	s13 =	simm.s32 $0x14380;
	[sflag:s26] =	ssyncadd.s32 $0xFFFFC000  }
0xaf: {  	[tilespmem:s20], [sflag:$0x2] =	stream.indirect.gather [hbm4b:s4+s16], $0x80, s13, s16, $0xb8;
	[tilespmem:$0x1C800] =	vst v63  }
0xb0: {  	s19 =	simm.s32 $0x14700  }
0xb1: {  	[spmem:s2] =	stream.indirect.scatter.add.f32 [tilespmem:s17], [sflag:$0x3], $0x80, s19, s16, $0xb8;
	[tilespmem:$0x1C800] =	vst v63  }
0xb2: {  	s25 =	simm.s32 $0x14400;
	s28 =	simm.s32 $0x14100;
	_ =	swait.ge [sflag:s22], $0x4000  }
0xb3: {  	s29 =	simm.s32 $0x14480;
	s30 =	simm.s32 $0x14180;
	[sflag:s22] =	ssyncset.done $0x0  }
0xb4: {  	s31 =	simm.s32 $0x14500;
	s21 =	simm.s32 $0x14780;
	[sflag:s22] =	ssyncadd.s32 $0xFFFFC000  }
0xb5: {  	[spmem:s2] =	stream.indirect.scatter.add.f32 [tilespmem:s20], [sflag:$0x4], $0x80, s21, s16, $0xb8;
	[tilespmem:$0x1C800] =	vst v63  }
0xb6: {  	s1 =	simm.s32 $0x14580;
	s6 =	simm.s32 $0x14280;
	_ =	swait.ge [sflag:s23], $0x4000  }
0xb7: {  	s8 =	simm.s32 $0x14600;
	s0 =	simm.s32 $0x14780;
	[sflag:s23] =	ssyncset.done $0x0  }
0xb8: {  	s10 =	simm.s32 $0x14300;
	s24 =	simm.s32 $0x14700;
	[sflag:s23] =	ssyncadd.s32 $0xFFFFC000  }
0xb9: {  	s7 =	simm.s32 $0x14680;
	s9 =	simm.s32 $0x200;
	_ =	swait.ge [sflag:s26], $0x4000  }
0xba: {  	s11 =	simm.s32 $0x14380;
	s13 =	simm.s32 $0x100;
	[sflag:s26] =	ssyncset.done $0x0  }
.LBB2_3:
0xbb: {  	s21 =	simm.s32 $0x0;
	s19 =	sadd.s32 s13, s12  }
0xbc: {  	[sflag:s26] =	ssyncadd.s32 $0xFFFFC000;
	s13 =	smov.u32 s9;
	s3 =	sadd.s32 $0x100, s9  }
0xbd: {  	[tilespmem:s15], [sflag:$0x5] =	stream.linear.gather [hbm4b:s19+s21], $0x800, $0x38;
	[tilespmem:$0x1C800] =	vst v63  }
0xbe: {  	s21 =	simm.s32 $0x14080;
	s19 =	simm.s32 $0x0  }
0xbf: {  	p1 =	seq.s32 s9, $0x900;
	_ =	swait.ge [sflag:s14], $0x800  }
0xc0: {  	[sflag:s14] =	ssyncset.done $0x0  }
0xc1: {  	[sflag:s14] =	ssyncadd.s32 $0xFFFFF800  }
0xc2: {  	[tilespmem:s17], [sflag:$0x1] =	stream.indirect.gather [hbm4b:s4+s16], $0x80, s15, s16, $0xb8;
	[tilespmem:$0x1C800] =	vst v63  }
0xc3: {  	_ =	swait.ge [sflag:s18], $0x4000  }
0xc4: {  	[sflag:s18] =	ssyncset.done $0x0  }
0xc5: {  	[sflag:s18] =	ssyncadd.s32 $0xFFFFC000  }
0xc6: {  	[tilespmem:s20], [sflag:$0x2] =	stream.indirect.gather [hbm4b:s4+s16], $0x80, s21, s16, $0xb8;
	[tilespmem:$0x1C800] =	vst v63  }
0xc7: {  	_ = 	snop  }
0xc8: {  	[spmem:s2] =	stream.indirect.scatter.add.f32 [tilespmem:s17], [sflag:$0x3], $0x80, s25, s16, $0xb8;
	[tilespmem:$0x1C800] =	vst v63  }
0xc9: {  	_ =	swait.ge [sflag:s22], $0x4000  }
0xca: {  	[sflag:s22] =	ssyncset.done $0x0  }
0xcb: {  	[sflag:s22] =	ssyncadd.s32 $0xFFFFC000  }
0xcc: {  	_ =	swait.ge [sflag:s23], $0x4000  }
0xcd: {  	[sflag:s23] =	ssyncset.done $0x0  }
0xce: {  	[sflag:s23] =	ssyncadd.s32 $0xFFFFC000  }
0xcf: {  	[tilespmem:s17], [sflag:$0x1] =	stream.indirect.gather [hbm4b:s4+s16], $0x80, s28, s16, $0xb8;
	[tilespmem:$0x1C800] =	vst v63  }
0xd0: {  	_ = 	snop  }
0xd1: {  	[spmem:s2] =	stream.indirect.scatter.add.f32 [tilespmem:s20], [sflag:$0x4], $0x80, s29, s16, $0xb8;
	[tilespmem:$0x1C800] =	vst v63  }
0xd2: {  	_ =	swait.ge [sflag:s18], $0x4000  }
0xd3: {  	[sflag:s18] =	ssyncset.done $0x0  }
0xd4: {  	[sflag:s18] =	ssyncadd.s32 $0xFFFFC000  }
0xd5: {  	_ =	swait.ge [sflag:s26], $0x4000  }
0xd6: {  	[sflag:s26] =	ssyncset.done $0x0  }
0xd7: {  	[sflag:s26] =	ssyncadd.s32 $0xFFFFC000  }
0xd8: {  	[tilespmem:s20], [sflag:$0x2] =	stream.indirect.gather [hbm4b:s4+s16], $0x80, s30, s16, $0xb8;
	[tilespmem:$0x1C800] =	vst v63  }
0xd9: {  	_ = 	snop  }
0xda: {  	[spmem:s2] =	stream.indirect.scatter.add.f32 [tilespmem:s17], [sflag:$0x3], $0x80, s31, s16, $0xb8;
	[tilespmem:$0x1C800] =	vst v63  }
0xdb: {  	_ =	swait.ge [sflag:s22], $0x4000  }
0xdc: {  	[sflag:s22] =	ssyncset.done $0x0  }
0xdd: {  	[sflag:s22] =	ssyncadd.s32 $0xFFFFC000  }
0xde: {  	_ =	swait.ge [sflag:s23], $0x4000  }
0xdf: {  	[sflag:s23] =	ssyncset.done $0x0  }
0xe0: {  	s9 =	simm.s32 $0x14200;
	[sflag:s23] =	ssyncadd.s32 $0xFFFFC000  }
0xe1: {  	[tilespmem:s17], [sflag:$0x1] =	stream.indirect.gather [hbm4b:s4+s16], $0x80, s9, s16, $0xb8;
	[tilespmem:$0x1C800] =	vst v63  }
0xe2: {  	_ = 	snop  }
0xe3: {  	[spmem:s2] =	stream.indirect.scatter.add.f32 [tilespmem:s20], [sflag:$0x4], $0x80, s1, s16, $0xb8;
	[tilespmem:$0x1C800] =	vst v63  }
0xe4: {  	_ =	swait.ge [sflag:s18], $0x4000  }
0xe5: {  	[sflag:s18] =	ssyncset.done $0x0  }
0xe6: {  	[sflag:s18] =	ssyncadd.s32 $0xFFFFC000  }
0xe7: {  	_ =	swait.ge [sflag:s26], $0x4000  }
0xe8: {  	[sflag:s26] =	ssyncset.done $0x0  }
0xe9: {  	[sflag:s26] =	ssyncadd.s32 $0xFFFFC000  }
0xea: {  	[tilespmem:s20], [sflag:$0x2] =	stream.indirect.gather [hbm4b:s4+s16], $0x80, s6, s16, $0xb8;
	[tilespmem:$0x1C800] =	vst v63  }
0xeb: {  	_ = 	snop  }
0xec: {  	[spmem:s2] =	stream.indirect.scatter.add.f32 [tilespmem:s17], [sflag:$0x3], $0x80, s8, s16, $0xb8;
	[tilespmem:$0x1C800] =	vst v63  }
0xed: {  	_ =	swait.ge [sflag:s22], $0x4000  }
0xee: {  	[sflag:s22] =	ssyncset.done $0x0  }
0xef: {  	[sflag:s22] =	ssyncadd.s32 $0xFFFFC000  }
0xf0: {  	_ =	swait.ge [sflag:s23], $0x4000  }
0xf1: {  	[sflag:s23] =	ssyncset.done $0x0  }
0xf2: {  	[sflag:s23] =	ssyncadd.s32 $0xFFFFC000  }
0xf3: {  	[tilespmem:s17], [sflag:$0x1] =	stream.indirect.gather [hbm4b:s4+s16], $0x80, s10, s16, $0xb8;
	[tilespmem:$0x1C800] =	vst v63  }
0xf4: {  	_ = 	snop  }
0xf5: {  	[spmem:s2] =	stream.indirect.scatter.add.f32 [tilespmem:s20], [sflag:$0x4], $0x80, s7, s16, $0xb8;
	[tilespmem:$0x1C800] =	vst v63  }
0xf6: {  	_ =	swait.ge [sflag:s18], $0x4000  }
0xf7: {  	[sflag:s18] =	ssyncset.done $0x0  }
0xf8: {  	[sflag:s18] =	ssyncadd.s32 $0xFFFFC000  }
0xf9: {  	_ =	swait.ge [sflag:s26], $0x4000  }
0xfa: {  	[sflag:s26] =	ssyncset.done $0x0  }
0xfb: {  	[sflag:s26] =	ssyncadd.s32 $0xFFFFC000  }
0xfc: {  	[tilespmem:s20], [sflag:$0x2] =	stream.indirect.gather [hbm4b:s4+s16], $0x80, s11, s16, $0xb8;
	[tilespmem:$0x1C800] =	vst v63  }
0xfd: {  	_ = 	snop  }
0xfe: {  	[spmem:s2] =	stream.indirect.scatter.add.f32 [tilespmem:s17], [sflag:$0x3], $0x80, s24, s16, $0xb8;
	[tilespmem:$0x1C800] =	vst v63  }
0xff: {  	_ =	swait.ge [sflag:s22], $0x4000  }
0x100: {  	[sflag:s22] =	ssyncset.done $0x0  }
0x101: {  	[sflag:s22] =	ssyncadd.s32 $0xFFFFC000  }
0x102: {  	[spmem:s2] =	stream.indirect.scatter.add.f32 [tilespmem:s20], [sflag:$0x4], $0x80, s0, s16, $0xb8;
	[tilespmem:$0x1C800] =	vst v63  }
.Ltmp3:
0x103: {  	_ =	swait.ge [sflag:s23], $0x4000;
	(pc) =	sbr.rel @!p1 .LBB2_3-.Ltmp3, $4  }
0x104: {  	[sflag:s23] =	ssyncset.done $0x0  }
0x105: {  	[sflag:s23] =	ssyncadd.s32 $0xFFFFC000  }
0x106: {  	_ =	swait.ge [sflag:s26], $0x4000  }
0x107: {  	s9 =	smov.u32 s3;
	[sflag:s26] =	ssyncset.done $0x0  }
0x108: {  	s3 =	sadd.s32 s13, s12;
	[sflag:s26] =	ssyncadd.s32 $0xFFFFC000  }
0x109: {  	[tilespmem:s15], [sflag:$0x5] =	stream.linear.gather [hbm4b:s3+s19], $0x800, $0x38;
	[tilespmem:$0x1C800] =	vst v63  }
0x10a: {  	_ =	swait.ge [sflag:s14], $0x800  }
0x10b: {  	[sflag:s14] =	ssyncset.done $0x0  }
0x10c: {  	[sflag:s14] =	ssyncadd.s32 $0xFFFFF800  }
0x10d: {  	[tilespmem:s17], [sflag:$0x1] =	stream.indirect.gather [hbm4b:s4+s16], $0x80, s15, s16, $0xb8;
	[tilespmem:$0x1C800] =	vst v63  }
0x10e: {  	_ =	swait.ge [sflag:s18], $0x4000  }
0x10f: {  	[sflag:s18] =	ssyncset.done $0x0  }
0x110: {  	[sflag:s18] =	ssyncadd.s32 $0xFFFFC000  }
0x111: {  	[tilespmem:s20], [sflag:$0x2] =	stream.indirect.gather [hbm4b:s4+s16], $0x80, s21, s16, $0xb8;
	[tilespmem:$0x1C800] =	vst v63  }
0x112: {  	_ = 	snop  }
0x113: {  	[spmem:s2] =	stream.indirect.scatter.add.f32 [tilespmem:s17], [sflag:$0x3], $0x80, s25, s16, $0xb8;
	[tilespmem:$0x1C800] =	vst v63  }
0x114: {  	_ =	swait.ge [sflag:s22], $0x4000  }
0x115: {  	[sflag:s22] =	ssyncset.done $0x0  }
0x116: {  	[sflag:s22] =	ssyncadd.s32 $0xFFFFC000  }
0x117: {  	_ =	swait.ge [sflag:s23], $0x4000  }
0x118: {  	[sflag:s23] =	ssyncset.done $0x0  }
0x119: {  	[sflag:s23] =	ssyncadd.s32 $0xFFFFC000  }
0x11a: {  	[tilespmem:s17], [sflag:$0x1] =	stream.indirect.gather [hbm4b:s4+s16], $0x80, s28, s16, $0xb8;
	[tilespmem:$0x1C800] =	vst v63  }
0x11b: {  	_ = 	snop  }
0x11c: {  	[spmem:s2] =	stream.indirect.scatter.add.f32 [tilespmem:s20], [sflag:$0x4], $0x80, s29, s16, $0xb8;
	[tilespmem:$0x1C800] =	vst v63  }
0x11d: {  	_ =	swait.ge [sflag:s18], $0x4000  }
0x11e: {  	[sflag:s18] =	ssyncset.done $0x0  }
0x11f: {  	[sflag:s18] =	ssyncadd.s32 $0xFFFFC000  }
0x120: {  	_ =	swait.ge [sflag:s26], $0x4000  }
0x121: {  	[sflag:s26] =	ssyncset.done $0x0  }
0x122: {  	[sflag:s26] =	ssyncadd.s32 $0xFFFFC000  }
0x123: {  	[tilespmem:s20], [sflag:$0x2] =	stream.indirect.gather [hbm4b:s4+s16], $0x80, s30, s16, $0xb8;
	[tilespmem:$0x1C800] =	vst v63  }
0x124: {  	_ = 	snop  }
0x125: {  	[spmem:s2] =	stream.indirect.scatter.add.f32 [tilespmem:s17], [sflag:$0x3], $0x80, s31, s16, $0xb8;
	[tilespmem:$0x1C800] =	vst v63  }
0x126: {  	_ =	swait.ge [sflag:s22], $0x4000  }
0x127: {  	[sflag:s22] =	ssyncset.done $0x0  }
0x128: {  	[sflag:s22] =	ssyncadd.s32 $0xFFFFC000  }
0x129: {  	_ =	swait.ge [sflag:s23], $0x4000  }
0x12a: {  	[sflag:s23] =	ssyncset.done $0x0  }
0x12b: {  	s31 =	simm.s32 $0x14200;
	[sflag:s23] =	ssyncadd.s32 $0xFFFFC000  }
0x12c: {  	[tilespmem:s17], [sflag:$0x1] =	stream.indirect.gather [hbm4b:s4+s16], $0x80, s31, s16, $0xb8;
	[tilespmem:$0x1C800] =	vst v63  }
0x12d: {  	_ = 	snop  }
0x12e: {  	[spmem:s2] =	stream.indirect.scatter.add.f32 [tilespmem:s20], [sflag:$0x4], $0x80, s1, s16, $0xb8;
	[tilespmem:$0x1C800] =	vst v63  }
0x12f: {  	_ =	swait.ge [sflag:s18], $0x4000  }
0x130: {  	[sflag:s18] =	ssyncset.done $0x0  }
0x131: {  	[sflag:s18] =	ssyncadd.s32 $0xFFFFC000  }
0x132: {  	_ =	swait.ge [sflag:s26], $0x4000  }
0x133: {  	[sflag:s26] =	ssyncset.done $0x0  }
0x134: {  	[sflag:s26] =	ssyncadd.s32 $0xFFFFC000  }
0x135: {  	[tilespmem:s20], [sflag:$0x2] =	stream.indirect.gather [hbm4b:s4+s16], $0x80, s6, s16, $0xb8;
	[tilespmem:$0x1C800] =	vst v63  }
0x136: {  	_ = 	snop  }
0x137: {  	[spmem:s2] =	stream.indirect.scatter.add.f32 [tilespmem:s17], [sflag:$0x3], $0x80, s8, s16, $0xb8;
	[tilespmem:$0x1C800] =	vst v63  }
0x138: {  	_ =	swait.ge [sflag:s22], $0x4000  }
0x139: {  	[sflag:s22] =	ssyncset.done $0x0  }
0x13a: {  	[sflag:s22] =	ssyncadd.s32 $0xFFFFC000  }
0x13b: {  	_ =	swait.ge [sflag:s23], $0x4000  }
0x13c: {  	[sflag:s23] =	ssyncset.done $0x0  }
0x13d: {  	[sflag:s23] =	ssyncadd.s32 $0xFFFFC000  }
0x13e: {  	[tilespmem:s17], [sflag:$0x1] =	stream.indirect.gather [hbm4b:s4+s16], $0x80, s10, s16, $0xb8;
	[tilespmem:$0x1C800] =	vst v63  }
0x13f: {  	_ = 	snop  }
0x140: {  	[spmem:s2] =	stream.indirect.scatter.add.f32 [tilespmem:s20], [sflag:$0x4], $0x80, s7, s16, $0xb8;
	[tilespmem:$0x1C800] =	vst v63  }
0x141: {  	_ =	swait.ge [sflag:s18], $0x4000  }
0x142: {  	[sflag:s18] =	ssyncset.done $0x0  }
0x143: {  	[sflag:s18] =	ssyncadd.s32 $0xFFFFC000  }
0x144: {  	_ =	swait.ge [sflag:s26], $0x4000  }
0x145: {  	[sflag:s26] =	ssyncset.done $0x0  }
0x146: {  	[sflag:s26] =	ssyncadd.s32 $0xFFFFC000  }
0x147: {  	[tilespmem:s20], [sflag:$0x2] =	stream.indirect.gather [hbm4b:s4+s16], $0x80, s11, s16, $0xb8;
	[tilespmem:$0x1C800] =	vst v63  }
0x148: {  	_ = 	snop  }
0x149: {  	[spmem:s2] =	stream.indirect.scatter.add.f32 [tilespmem:s17], [sflag:$0x3], $0x80, s24, s16, $0xb8;
	[tilespmem:$0x1C800] =	vst v63  }
0x14a: {  	_ =	swait.ge [sflag:s22], $0x4000  }
0x14b: {  	[sflag:s22] =	ssyncset.done $0x0  }
0x14c: {  	[sflag:s22] =	ssyncadd.s32 $0xFFFFC000  }
0x14d: {  	[spmem:s2] =	stream.indirect.scatter.add.f32 [tilespmem:s20], [sflag:$0x4], $0x80, s0, s16, $0xb8;
	[tilespmem:$0x1C800] =	vst v63  }
0x14e: {  	_ =	swait.ge [sflag:s23], $0x4000  }
.Ltmp4:
0x14f: {  	[sflag:s23] =	ssyncset.done $0x0;
	(pc) =	sbr.rel .LBB2_8-.Ltmp4, $4  }
0x150: {  	[sflag:s23] =	ssyncadd.s32 $0xFFFFC000  }
0x151: {  	_ =	swait.ge [sflag:s26], $0x4000  }
0x152: {  	[sflag:s26] =	ssyncset.done $0x0;
	s3 =	rddreg [dreg:$0x4]  }
0x153: {  	s0 =	rddreg [dreg:$0xa];
	[sflag:s26] =	ssyncadd.s32 $0xFFFFC000  }
.LBB2_5:
0x154: {  	[tilespmem:s15], [sflag:$0x5] =	stream.linear.gather [hbm4b:s3+s19], $0x800, $0x38;
	[tilespmem:$0x1C800] =	vst v63  }
0x155: {  	_ =	swait.ge [sflag:s14], $0x800  }
0x156: {  	[sflag:s14] =	ssyncset.done $0x0  }
0x157: {  	[sflag:s14] =	ssyncadd.s32 $0xFFFFF800  }
0x158: {  	[tilespmem:s17], [sflag:$0x1] =	stream.indirect.gather [hbm4b:s5+s16], $0x80, s15, s16, $0xb8;
	[tilespmem:$0x1C800] =	vst v63  }
0x159: {  	_ =	swait.ge [sflag:s18], $0x4000  }
0x15a: {  	[sflag:s18] =	ssyncset.done $0x0  }
0x15b: {  	[sflag:s18] =	ssyncadd.s32 $0xFFFFC000  }
0x15c: {  	[tilespmem:s20], [sflag:$0x2] =	stream.indirect.gather [hbm4b:s5+s16], $0x80, s21, s16, $0xb8;
	[tilespmem:$0x1C800] =	vst v63  }
0x15d: {  	s0 =	simm.s32 $0x14400  }
0x15e: {  	[spmem:s2] =	stream.indirect.scatter.add.f32 [tilespmem:s17], [sflag:$0x3], $0x80, s0, s16, $0xb8;
	[tilespmem:$0x1C800] =	vst v63  }
0x15f: {  	_ =	swait.ge [sflag:s22], $0x4000  }
0x160: {  	[sflag:s22] =	ssyncset.done $0x0  }
0x161: {  	[sflag:s22] =	ssyncadd.s32 $0xFFFFC000  }
0x162: {  	_ =	swait.ge [sflag:s23], $0x4000  }
0x163: {  	[sflag:s23] =	ssyncset.done $0x0  }
0x164: {  	s10 =	simm.s32 $0x14100;
	[sflag:s23] =	ssyncadd.s32 $0xFFFFC000  }
0x165: {  	[tilespmem:s17], [sflag:$0x1] =	stream.indirect.gather [hbm4b:s5+s16], $0x80, s10, s16, $0xb8;
	[tilespmem:$0x1C800] =	vst v63  }
0x166: {  	s11 =	simm.s32 $0x14480  }
0x167: {  	[spmem:s2] =	stream.indirect.scatter.add.f32 [tilespmem:s20], [sflag:$0x4], $0x80, s11, s16, $0xb8;
	[tilespmem:$0x1C800] =	vst v63  }
0x168: {  	_ =	swait.ge [sflag:s18], $0x4000  }
0x169: {  	[sflag:s18] =	ssyncset.done $0x0  }
0x16a: {  	[sflag:s18] =	ssyncadd.s32 $0xFFFFC000  }
0x16b: {  	_ =	swait.ge [sflag:s26], $0x4000  }
0x16c: {  	[sflag:s26] =	ssyncset.done $0x0  }
0x16d: {  	s13 =	simm.s32 $0x14180;
	[sflag:s26] =	ssyncadd.s32 $0xFFFFC000  }
0x16e: {  	[tilespmem:s20], [sflag:$0x2] =	stream.indirect.gather [hbm4b:s5+s16], $0x80, s13, s16, $0xb8;
	[tilespmem:$0x1C800] =	vst v63  }
0x16f: {  	s19 =	simm.s32 $0x14500  }
0x170: {  	[spmem:s2] =	stream.indirect.scatter.add.f32 [tilespmem:s17], [sflag:$0x3], $0x80, s19, s16, $0xb8;
	[tilespmem:$0x1C800] =	vst v63  }
0x171: {  	_ =	swait.ge [sflag:s22], $0x4000  }
0x172: {  	[sflag:s22] =	ssyncset.done $0x0  }
0x173: {  	[sflag:s22] =	ssyncadd.s32 $0xFFFFC000  }
0x174: {  	_ =	swait.ge [sflag:s23], $0x4000  }
0x175: {  	[sflag:s23] =	ssyncset.done $0x0  }
0x176: {  	s21 =	simm.s32 $0x14200;
	[sflag:s23] =	ssyncadd.s32 $0xFFFFC000  }
0x177: {  	[tilespmem:s17], [sflag:$0x1] =	stream.indirect.gather [hbm4b:s5+s16], $0x80, s21, s16, $0xb8;
	[tilespmem:$0x1C800] =	vst v63  }
0x178: {  	s24 =	simm.s32 $0x14580  }
0x179: {  	[spmem:s2] =	stream.indirect.scatter.add.f32 [tilespmem:s20], [sflag:$0x4], $0x80, s24, s16, $0xb8;
	[tilespmem:$0x1C800] =	vst v63  }
0x17a: {  	_ =	swait.ge [sflag:s18], $0x4000  }
0x17b: {  	[sflag:s18] =	ssyncset.done $0x0  }
0x17c: {  	[sflag:s18] =	ssyncadd.s32 $0xFFFFC000  }
0x17d: {  	_ =	swait.ge [sflag:s26], $0x4000  }
0x17e: {  	[sflag:s26] =	ssyncset.done $0x0  }
0x17f: {  	s3 =	simm.s32 $0x14280;
	[sflag:s26] =	ssyncadd.s32 $0xFFFFC000  }
0x180: {  	[tilespmem:s20], [sflag:$0x2] =	stream.indirect.gather [hbm4b:s5+s16], $0x80, s3, s16, $0xb8;
	[tilespmem:$0x1C800] =	vst v63  }
0x181: {  	s7 =	simm.s32 $0x14600  }
0x182: {  	[spmem:s2] =	stream.indirect.scatter.add.f32 [tilespmem:s17], [sflag:$0x3], $0x80, s7, s16, $0xb8;
	[tilespmem:$0x1C800] =	vst v63  }
0x183: {  	_ =	swait.ge [sflag:s22], $0x4000  }
0x184: {  	[sflag:s22] =	ssyncset.done $0x0  }
0x185: {  	[sflag:s22] =	ssyncadd.s32 $0xFFFFC000  }
0x186: {  	_ =	swait.ge [sflag:s23], $0x4000  }
0x187: {  	[sflag:s23] =	ssyncset.done $0x0  }
0x188: {  	s9 =	simm.s32 $0x14300;
	[sflag:s23] =	ssyncadd.s32 $0xFFFFC000  }
0x189: {  	[tilespmem:s17], [sflag:$0x1] =	stream.indirect.gather [hbm4b:s5+s16], $0x80, s9, s16, $0xb8;
	[tilespmem:$0x1C800] =	vst v63  }
0x18a: {  	s11 =	simm.s32 $0x14680  }
0x18b: {  	[spmem:s2] =	stream.indirect.scatter.add.f32 [tilespmem:s20], [sflag:$0x4], $0x80, s11, s16, $0xb8;
	[tilespmem:$0x1C800] =	vst v63  }
0x18c: {  	_ =	swait.ge [sflag:s18], $0x4000  }
0x18d: {  	[sflag:s18] =	ssyncset.done $0x0  }
0x18e: {  	[sflag:s18] =	ssyncadd.s32 $0xFFFFC000  }
0x18f: {  	_ =	swait.ge [sflag:s26], $0x4000  }
0x190: {  	[sflag:s26] =	ssyncset.done $0x0  }
0x191: {  	s13 =	simm.s32 $0x14380;
	[sflag:s26] =	ssyncadd.s32 $0xFFFFC000  }
0x192: {  	[tilespmem:s20], [sflag:$0x2] =	stream.indirect.gather [hbm4b:s5+s16], $0x80, s13, s16, $0xb8;
	[tilespmem:$0x1C800] =	vst v63  }
0x193: {  	s19 =	simm.s32 $0x14700  }
0x194: {  	[spmem:s2] =	stream.indirect.scatter.add.f32 [tilespmem:s17], [sflag:$0x3], $0x80, s19, s16, $0xb8;
	[tilespmem:$0x1C800] =	vst v63  }
0x195: {  	s25 =	simm.s32 $0x14400;
	s28 =	simm.s32 $0x14100;
	_ =	swait.ge [sflag:s22], $0x4000  }
0x196: {  	s29 =	simm.s32 $0x14480;
	s30 =	simm.s32 $0x14180;
	[sflag:s22] =	ssyncset.done $0x0  }
0x197: {  	s31 =	simm.s32 $0x14500;
	s21 =	simm.s32 $0x14780;
	[sflag:s22] =	ssyncadd.s32 $0xFFFFC000  }
0x198: {  	[spmem:s2] =	stream.indirect.scatter.add.f32 [tilespmem:s20], [sflag:$0x4], $0x80, s21, s16, $0xb8;
	[tilespmem:$0x1C800] =	vst v63  }
0x199: {  	s1 =	simm.s32 $0x14580;
	s6 =	simm.s32 $0x14280;
	_ =	swait.ge [sflag:s23], $0x4000  }
0x19a: {  	s8 =	simm.s32 $0x14600;
	s0 =	simm.s32 $0x14780;
	[sflag:s23] =	ssyncset.done $0x0  }
0x19b: {  	s10 =	simm.s32 $0x14300;
	s24 =	simm.s32 $0x14700;
	[sflag:s23] =	ssyncadd.s32 $0xFFFFC000  }
0x19c: {  	s3 =	simm.s32 $0x200;
	s7 =	simm.s32 $0x14680;
	_ =	swait.ge [sflag:s26], $0x4000  }
0x19d: {  	s11 =	simm.s32 $0x14380;
	s13 =	simm.s32 $0x100;
	[sflag:s26] =	ssyncset.done $0x0  }
.LBB2_6:
0x19e: {  	s21 =	simm.s32 $0x0;
	s19 =	sadd.s32 s13, s12  }
0x19f: {  	[sflag:s26] =	ssyncadd.s32 $0xFFFFC000;
	s13 =	smov.u32 s3;
	s9 =	sadd.s32 $0x100, s3  }
0x1a0: {  	[tilespmem:s15], [sflag:$0x5] =	stream.linear.gather [hbm4b:s19+s21], $0x800, $0x38;
	[tilespmem:$0x1C800] =	vst v63  }
0x1a1: {  	s21 =	simm.s32 $0x14080;
	s19 =	simm.s32 $0x0  }
0x1a2: {  	p1 =	sne.s32 s3, $0x900;
	_ =	swait.ge [sflag:s14], $0x800  }
0x1a3: {  	[sflag:s14] =	ssyncset.done $0x0  }
0x1a4: {  	[sflag:s14] =	ssyncadd.s32 $0xFFFFF800  }
0x1a5: {  	[tilespmem:s17], [sflag:$0x1] =	stream.indirect.gather [hbm4b:s5+s16], $0x80, s15, s16, $0xb8;
	[tilespmem:$0x1C800] =	vst v63  }
0x1a6: {  	_ =	swait.ge [sflag:s18], $0x4000  }
0x1a7: {  	[sflag:s18] =	ssyncset.done $0x0  }
0x1a8: {  	[sflag:s18] =	ssyncadd.s32 $0xFFFFC000  }
0x1a9: {  	[tilespmem:s20], [sflag:$0x2] =	stream.indirect.gather [hbm4b:s5+s16], $0x80, s21, s16, $0xb8;
	[tilespmem:$0x1C800] =	vst v63  }
0x1aa: {  	_ = 	snop  }
0x1ab: {  	[spmem:s2] =	stream.indirect.scatter.add.f32 [tilespmem:s17], [sflag:$0x3], $0x80, s25, s16, $0xb8;
	[tilespmem:$0x1C800] =	vst v63  }
0x1ac: {  	_ =	swait.ge [sflag:s22], $0x4000  }
0x1ad: {  	[sflag:s22] =	ssyncset.done $0x0  }
0x1ae: {  	[sflag:s22] =	ssyncadd.s32 $0xFFFFC000  }
0x1af: {  	_ =	swait.ge [sflag:s23], $0x4000  }
0x1b0: {  	[sflag:s23] =	ssyncset.done $0x0  }
0x1b1: {  	[sflag:s23] =	ssyncadd.s32 $0xFFFFC000  }
0x1b2: {  	[tilespmem:s17], [sflag:$0x1] =	stream.indirect.gather [hbm4b:s5+s16], $0x80, s28, s16, $0xb8;
	[tilespmem:$0x1C800] =	vst v63  }
0x1b3: {  	_ = 	snop  }
0x1b4: {  	[spmem:s2] =	stream.indirect.scatter.add.f32 [tilespmem:s20], [sflag:$0x4], $0x80, s29, s16, $0xb8;
	[tilespmem:$0x1C800] =	vst v63  }
0x1b5: {  	_ =	swait.ge [sflag:s18], $0x4000  }
0x1b6: {  	[sflag:s18] =	ssyncset.done $0x0  }
0x1b7: {  	[sflag:s18] =	ssyncadd.s32 $0xFFFFC000  }
0x1b8: {  	_ =	swait.ge [sflag:s26], $0x4000  }
0x1b9: {  	[sflag:s26] =	ssyncset.done $0x0  }
0x1ba: {  	[sflag:s26] =	ssyncadd.s32 $0xFFFFC000  }
0x1bb: {  	[tilespmem:s20], [sflag:$0x2] =	stream.indirect.gather [hbm4b:s5+s16], $0x80, s30, s16, $0xb8;
	[tilespmem:$0x1C800] =	vst v63  }
0x1bc: {  	_ = 	snop  }
0x1bd: {  	[spmem:s2] =	stream.indirect.scatter.add.f32 [tilespmem:s17], [sflag:$0x3], $0x80, s31, s16, $0xb8;
	[tilespmem:$0x1C800] =	vst v63  }
0x1be: {  	_ =	swait.ge [sflag:s22], $0x4000  }
0x1bf: {  	[sflag:s22] =	ssyncset.done $0x0  }
0x1c0: {  	[sflag:s22] =	ssyncadd.s32 $0xFFFFC000  }
0x1c1: {  	_ =	swait.ge [sflag:s23], $0x4000  }
0x1c2: {  	[sflag:s23] =	ssyncset.done $0x0  }
0x1c3: {  	s3 =	simm.s32 $0x14200;
	[sflag:s23] =	ssyncadd.s32 $0xFFFFC000  }
0x1c4: {  	[tilespmem:s17], [sflag:$0x1] =	stream.indirect.gather [hbm4b:s5+s16], $0x80, s3, s16, $0xb8;
	[tilespmem:$0x1C800] =	vst v63  }
0x1c5: {  	_ = 	snop  }
0x1c6: {  	[spmem:s2] =	stream.indirect.scatter.add.f32 [tilespmem:s20], [sflag:$0x4], $0x80, s1, s16, $0xb8;
	[tilespmem:$0x1C800] =	vst v63  }
0x1c7: {  	_ =	swait.ge [sflag:s18], $0x4000  }
0x1c8: {  	[sflag:s18] =	ssyncset.done $0x0  }
0x1c9: {  	[sflag:s18] =	ssyncadd.s32 $0xFFFFC000  }
0x1ca: {  	_ =	swait.ge [sflag:s26], $0x4000  }
0x1cb: {  	[sflag:s26] =	ssyncset.done $0x0  }
0x1cc: {  	[sflag:s26] =	ssyncadd.s32 $0xFFFFC000  }
0x1cd: {  	[tilespmem:s20], [sflag:$0x2] =	stream.indirect.gather [hbm4b:s5+s16], $0x80, s6, s16, $0xb8;
	[tilespmem:$0x1C800] =	vst v63  }
0x1ce: {  	_ = 	snop  }
0x1cf: {  	[spmem:s2] =	stream.indirect.scatter.add.f32 [tilespmem:s17], [sflag:$0x3], $0x80, s8, s16, $0xb8;
	[tilespmem:$0x1C800] =	vst v63  }
0x1d0: {  	_ =	swait.ge [sflag:s22], $0x4000  }
0x1d1: {  	[sflag:s22] =	ssyncset.done $0x0  }
0x1d2: {  	[sflag:s22] =	ssyncadd.s32 $0xFFFFC000  }
0x1d3: {  	_ =	swait.ge [sflag:s23], $0x4000  }
0x1d4: {  	[sflag:s23] =	ssyncset.done $0x0  }
0x1d5: {  	[sflag:s23] =	ssyncadd.s32 $0xFFFFC000  }
0x1d6: {  	[tilespmem:s17], [sflag:$0x1] =	stream.indirect.gather [hbm4b:s5+s16], $0x80, s10, s16, $0xb8;
	[tilespmem:$0x1C800] =	vst v63  }
0x1d7: {  	_ = 	snop  }
0x1d8: {  	[spmem:s2] =	stream.indirect.scatter.add.f32 [tilespmem:s20], [sflag:$0x4], $0x80, s7, s16, $0xb8;
	[tilespmem:$0x1C800] =	vst v63  }
0x1d9: {  	_ =	swait.ge [sflag:s18], $0x4000  }
0x1da: {  	[sflag:s18] =	ssyncset.done $0x0  }
0x1db: {  	[sflag:s18] =	ssyncadd.s32 $0xFFFFC000  }
0x1dc: {  	_ =	swait.ge [sflag:s26], $0x4000  }
0x1dd: {  	[sflag:s26] =	ssyncset.done $0x0  }
0x1de: {  	[sflag:s26] =	ssyncadd.s32 $0xFFFFC000  }
0x1df: {  	[tilespmem:s20], [sflag:$0x2] =	stream.indirect.gather [hbm4b:s5+s16], $0x80, s11, s16, $0xb8;
	[tilespmem:$0x1C800] =	vst v63  }
0x1e0: {  	_ = 	snop  }
0x1e1: {  	[spmem:s2] =	stream.indirect.scatter.add.f32 [tilespmem:s17], [sflag:$0x3], $0x80, s24, s16, $0xb8;
	[tilespmem:$0x1C800] =	vst v63  }
0x1e2: {  	_ =	swait.ge [sflag:s22], $0x4000  }
0x1e3: {  	[sflag:s22] =	ssyncset.done $0x0  }
0x1e4: {  	[sflag:s22] =	ssyncadd.s32 $0xFFFFC000  }
0x1e5: {  	[spmem:s2] =	stream.indirect.scatter.add.f32 [tilespmem:s20], [sflag:$0x4], $0x80, s0, s16, $0xb8;
	[tilespmem:$0x1C800] =	vst v63  }
.Ltmp5:
0x1e6: {  	_ =	swait.ge [sflag:s23], $0x4000;
	(pc) =	sbr.rel @p1 .LBB2_6-.Ltmp5, $4  }
0x1e7: {  	[sflag:s23] =	ssyncset.done $0x0  }
0x1e8: {  	[sflag:s23] =	ssyncadd.s32 $0xFFFFC000  }
0x1e9: {  	_ =	swait.ge [sflag:s26], $0x4000  }
0x1ea: {  	s3 =	smov.u32 s9;
	[sflag:s26] =	ssyncset.done $0x0  }
.Ltmp6:
0x1eb: {  	_ = 	snop;
	(pc) =	sbr.rel .LBB2_7-.Ltmp6, $1  }
0x1ec: {  	_ =	sdelay $0x3  }
.LBB2_9:
0x1ed: {  	_ =	sfence.sel $0x180000  }
0x1ee: {  	[bflag:$0x0] =	sbarrier.arrive $0xFFFF  }
0x1ef: {  	_ =	strace $0x9000004A  }
0x1f0: {  	s0 =	stileid.u32;
	[bflag:$0x2] =	sbarrier.arrive $0xFFFF  }
0x1f1: {  	p0 =	sne.s32 s0, $0x0;
	s0 =	rddreg [dreg:$0x2]  }
0x1f2: {  	s0 =	sadd.s32 @!p0 $0x100000, s0  }
0x1f3: {  	[sflag:s0] =	ssyncadd.tile.s32 @!p0 $0x1;
	_ =	shalt  }
.Lfunc_end2:
_tile_overlayer_lowered:
.L_overlay_start_2:
0x1f4: {  	(tag) =	ssettag $0x2  }
0x1f5: {  	s0 =	rddreg [dreg:$0x0];
	s2 =	stileid.u32  }
0x1f6: {  	s1 =	rddreg [dreg:$0x1];
	p0 =	sne.s32 s2, $0x0  }
0x1f7: {  	s3 =	rddreg [dreg:$0x2];
	[bflag:$0x3] =	sbarrier.arrive $0xFFFF;
	s2 =	simm.s32 @!p0 $0x1C05  }
0x1f8: {  	[timem:s3], [sflag:s2] =	dma.local @!p0 [hbm:s0], s1  }
0x1f9: {  	s0 =	simm.s32 @!p0 $0x5  }
0x1fa: {  	_ =	swait.ge @!p0 [sflag:s0], s1  }
0x1fb: {  	s1 =	ssub.s32 @!p0 $0x0, s1;
	[sflag:s0] =	ssyncset.done @!p0 $0x0  }
0x1fc: {  	[sflag:s0] =	ssyncadd.s32 @!p0 s1  }
0x1fd: {  	[bflag:$0x3] =	sbarrier.arrive $0xFFFF  }
0x1fe: {  	_ =	shalt  }

// kernel: kernel.13.cloned.1.call-start
scs
__scs_entry_jumppad:
0x0: {  	(pc) =	sbr.rel $0x88, $3  }
0x1: {  	(tag) =	ssettag $0x0;
	lr =	simm.s32 $0x1  }
0x2: {  	[smem:$0x3F94] =	sst lr;
	_ =	strace $0xD0000000  }
0x3: {  	_ = 	snop  }
0x4: {  	_ = 	snop  }
0x5: {  	_ = 	snop  }
0x6: {  	_ = 	snop  }
0x7: {  	_ = 	snop  }
__scs_overlays_trampoline_lowered:
0x8: {  	[smem:$0x3FA3] =	sst s0  }
0x9: {  	[smem:$0x3FA4] =	sst s1  }
0xa: {  	[smem:$0x3FA5] =	sst s2  }
0xb: {  	[smem:$0x3FA6] =	sst s3  }
0xc: {  	[smem:$0x3FA7] =	sst s4  }
0xd: {  	[smem:$0x3FA8] =	sst s5  }
0xe: {  	[smem:$0x3FA9] =	sst s6  }
0xf: {  	[smem:$0x3FAA] =	sst s7  }
0x10: {  	[smem:$0x3FAB] =	sst s8  }
0x11: {  	[smem:$0x3FAC] =	sst s9;
	s0 =	simm.s32 @!p0 $0x0  }
0x12: {  	s1 =	sld [smem:$0x3F92];
	s0 =	simm.s32 @p0 $0x1  }
0x13: {  	[smem:$0x3FAD] =	sst s0;
	s0 =	simm.s32 @!p1 $0x0  }
0x14: {  	s2 =	sld [smem:$0x3F91];
	s0 =	simm.s32 @p1 $0x1  }
0x15: {  	[smem:$0x3FAE] =	sst s0;
	s0 =	simm.s32 @!p2 $0x0  }
0x16: {  	s3 =	sld [smem:$0x3FDB];
	s0 =	simm.s32 @p2 $0x1  }
0x17: {  	s4 =	simm.s32 $0x1BF5;
	[smem:$0x3FB0] =	sst s0  }
0x18: {  	s0 =	sld [smem:$0x3F93];
	_ =	swait.ge [sflag:s4], $0x0  }
0x19: {  	s7 =	sld [smem:$0x3F94]  }
0x1a: {  	s8 =	sadd.s32 $0xFFFFE003, lr  }
0x1b: {  	s9 =	sadd.s32 $0xFFFFFEF7, lr;
	s5 =	simm.s32 $0xFFFFFFFF;
	p2 =	slt.u32 s8, $0xFFFFF086  }
0x1c: {  	p1 =	slt.u32 s9, $0xF7A;
	s5 =	simm.s32 @!p2 $0x0  }
0x1d: {  	s5 =	simm.s32 @p1 $0x1;
	p0 =	seq.s32 s7, s2  }
0x1e: {  	s7 =	smul.u32 @!p0 $0xF7A, s2;
	p2 =	seq.s32 @!p0 s5, $0x0  }
0x1f: {  	s9 =	smul.u32 $0xF7A, s1;
	s8 =	simm.s32 @!p0 $0x1BF5;
	p2 =	por !p2, p0  }
0x20: {  	[sflag:s8] =	ssyncset.s32 @!p0 $0xFFFFF086;
	s6 =	sadd.s32 @!p0 s3, s7;
	s7 =	simm.s32 @!p0 $0x108  }
0x21: {  	s3 =	sadd.s32 s3, s9;
	s6 =	sadd.s32 @!p0 $0x88, s6;
	s7 =	simm.s32 @p2 $0x1082  }
0x22: {  	[simem:s7], [sflag:s8] =	dma.local @!p0 [hbm:s6], $0xF7A  }
0x23: {  	s9 =	sor.u32 $0xD0000000, s2;
	s6 =	simm.s32 $0x108;
	_ =	swait.ge @!p0 [sflag:s8], $0x0  }
0x24: {  	s3 =	sadd.s32 $0x88, s3;
	s6 =	simm.s32 @!p1 $0x1082;
	[sflag:s4] =	ssyncset.s32 $0xFFFFF086  }
0x25: {  	[simem:s6], [sflag:s4] =	dma.local [hbm:s3], $0xF7A  }
0x26: {  	[smem:$0x3F94] =	sst s1;
	(tag) =	ssettag s2;
	_ =	strace s9  }
0x27: {  	s1 =	sld [smem:$0x3FA4]  }
0x28: {  	s2 =	sld [smem:$0x3FA5]  }
0x29: {  	s4 =	sld [smem:$0x3FA7]  }
0x2a: {  	p0 =	seq.s32 s5, $0x0;
	s5 =	sld [smem:$0x3FA8]  }
0x2b: {  	s6 =	sld [smem:$0x3FA9]  }
0x2c: {  	s7 =	sld [smem:$0x3FAA]  }
0x2d: {  	s3 =	simm.s32 $0x108;
	s8 =	sld [smem:$0x3FAB]  }
0x2e: {  	s3 =	simm.s32 @!p0 $0x1082;
	s9 =	sld [smem:$0x3FAC]  }
0x2f: {  	lr =	sadd.s32 s0, s3;
	s0 =	sld [smem:$0x3FA3]  }
0x30: {  	s3 =	sld [smem:$0x3FA6]  }
0x31: {  	[smem:$0x3FAF] =	sst s10  }
0x32: {  	s10 =	sld [smem:$0x3FAD];
	_ =	sdelay $0x3  }
0x33: {  	p0 =	seq.s32 s10, $0x1;
	s10 =	sld [smem:$0x3FAF];
	_ =	sdelay $0x3  }
0x34: {  	[smem:$0x3FAF] =	sst s10  }
0x35: {  	s10 =	sld [smem:$0x3FAE];
	_ =	sdelay $0x3  }
0x36: {  	p1 =	seq.s32 s10, $0x1;
	s10 =	sld [smem:$0x3FAF];
	_ =	sdelay $0x3  }
0x37: {  	[smem:$0x3FAF] =	sst s10  }
0x38: {  	s10 =	sld [smem:$0x3FB0]  }
0x39: {  	_ = 	snop;
	(pc) =	sbr.ind lr, $3  }
0x3a: {  	_ = 	snop  }
0x3b: {  	_ = 	snop  }
0x3c: {  	p2 =	seq.s32 s10, $0x1;
	s10 =	sld [smem:$0x3FAF]  }
0x3d: {  	_ =	shalt  }
0x3e: {  	_ =	shalt  }
0x3f: {  	_ =	shalt  }
0x40: {  	_ =	shalt  }
0x41: {  	_ =	shalt  }
0x42: {  	_ =	shalt  }
0x43: {  	_ =	shalt  }
0x44: {  	_ =	shalt  }
0x45: {  	_ =	shalt  }
0x46: {  	_ =	shalt  }
0x47: {  	_ =	shalt  }
0x48: {  	_ =	shalt  }
0x49: {  	_ =	shalt  }
0x4a: {  	_ =	shalt  }
0x4b: {  	_ =	shalt  }
0x4c: {  	_ =	shalt  }
0x4d: {  	_ =	shalt  }
0x4e: {  	_ =	shalt  }
0x4f: {  	_ =	shalt  }
0x50: {  	_ =	shalt  }
0x51: {  	_ =	shalt  }
0x52: {  	_ =	shalt  }
0x53: {  	_ =	shalt  }
0x54: {  	_ =	shalt  }
0x55: {  	_ =	shalt  }
0x56: {  	_ =	shalt  }
0x57: {  	_ =	shalt  }
0x58: {  	_ =	shalt  }
0x59: {  	_ =	shalt  }
0x5a: {  	_ =	shalt  }
0x5b: {  	_ =	shalt  }
0x5c: {  	_ =	shalt  }
0x5d: {  	_ =	shalt  }
0x5e: {  	_ =	shalt  }
0x5f: {  	_ =	shalt  }
0x60: {  	_ =	shalt  }
0x61: {  	_ =	shalt  }
0x62: {  	_ =	shalt  }
0x63: {  	_ =	shalt  }
0x64: {  	_ =	shalt  }
0x65: {  	_ =	shalt  }
0x66: {  	_ =	shalt  }
0x67: {  	_ =	shalt  }
0x68: {  	_ =	shalt  }
0x69: {  	_ =	shalt  }
0x6a: {  	_ =	shalt  }
0x6b: {  	_ =	shalt  }
0x6c: {  	_ =	shalt  }
0x6d: {  	_ =	shalt  }
0x6e: {  	_ =	shalt  }
0x6f: {  	_ =	shalt  }
0x70: {  	_ =	shalt  }
0x71: {  	_ =	shalt  }
0x72: {  	_ =	shalt  }
0x73: {  	_ =	shalt  }
0x74: {  	_ =	shalt  }
0x75: {  	_ =	shalt  }
0x76: {  	_ =	shalt  }
0x77: {  	_ =	shalt  }
0x78: {  	_ =	shalt  }
0x79: {  	_ =	shalt  }
0x7a: {  	_ =	shalt  }
0x7b: {  	_ =	shalt  }
0x7c: {  	_ =	shalt  }
0x7d: {  	_ =	shalt  }
0x7e: {  	_ =	shalt  }
0x7f: {  	_ =	shalt  }
0x80: {  	_ =	shalt  }
0x81: {  	_ =	shalt  }
0x82: {  	_ =	shalt  }
0x83: {  	_ =	shalt  }
0x84: {  	_ =	shalt  }
0x85: {  	_ =	shalt  }
0x86: {  	_ =	shalt  }
0x87: {  	_ =	shalt  }
.Lfunc_end0:
.L_simem_size_0:
called_computation.2_lowered:
.L_overlay_start_0:
0x88: {  	s2 =	sld [smem:$0x3FD9]  }
0x89: {  	s3 =	sld [smem:$0x3FFE];
	_ =	sdelay $0x1  }
0x8a: {  	s1 =	srdreg.scid  }
0x8b: {  	s0 =	sand.u32 $0x1, s1  }
0x8c: {  	s16 =	sshll.u32 s0, $0xA;
	s2 =	sadd.s32 s3, s2  }
0x8d: {  	s2 =	sadd.s32 s2, s16  }
0x8e: {  	[smem:$0x3FBB] =	sst s2  }
0x8f: {  	_ = 	snop  }
0x90: {  	(tm) =	ssettm $0x1  }
0x91: {  	s17 =	sld [smem:$0x3FFB];
	_ =	sdelay $0x3  }
0x92: {  	_ =	strace s17  }
0x93: {  	s2 =	sld [smem:$0x3FFC];
	_ =	sdelay $0x3  }
0x94: {  	_ =	strace s2  }
0x95: {  	s2 =	sld [smem:$0x3FFD];
	_ =	sdelay $0x3  }
0x96: {  	_ =	strace s2  }
0x97: {  	_ =	strace $0x8FFFFFFF  }
0x98: {  	s18 =	sld [smem:$0x3FDB];
	_ =	sdelay $0x1  }
0x99: {  	s19 =	simm.s32 $_scs_section_size  }
0x9a: {  	s4 =	simm.s32 $_size__tile_overlayer_lowered;
	s5 =	simm.s32 $_tile_overlayer_lowered  }
0x9b: {  	s22 =	simm.s32 $0x1BFF;
	s21 =	sshll.u32 s5, $0x1;
	s2 =	sadd.s32 s19, s18  }
0x9c: {  	s6 =	simm.s32 $0x0;
	s20 =	sshll.u32 s4, $0x1;
	s4 =	sadd.s32 s21, s2  }
0x9d: {  	[timem:s6], [sflag:s22] =	dma.local [hbm:s4], s20  }
0x9e: {  	_ =	swait.ge [sflag:s22], s20  }
0x9f: {  	s3 =	ssub.s32 $0x0, s20;
	[sflag:s22] =	ssyncset.done $0x0  }
0xa0: {  	[sflag:s22] =	ssyncadd.s32 s3;
	_ =	sdelay $0x1  }
0xa1: {  	s23 =	simm.s32 $0x1B8B  }
0xa2: {  	_ =	swait.ge [sflag:s23], $0x1  }
0xa3: {  	[sflag:s23] =	ssyncset.done $0x0  }
0xa4: {  	s25 =	simm.s32 $0x1B8E;
	s24 =	sld [smem:$0x3FFE];
	[sflag:s23] =	ssyncadd.s32 $0xFFFFFFFF  }
0xa5: {  	s26 =	simm.s32 $execute0_lowered;
	[smem:$0x3FD2] =	sst s25  }
0xa6: {  	s4 =	sshll.u32 s26, $0x1;
	_ =	strace $0x80000046;
	[dreg:$0x1] =	wrdreg $0xFFFFFFFF  }
0xa7: {  	s28 =	simm.s32 $_size_execute0_lowered;
	s2 =	sadd.s32 s2, s4;
	[dreg:$0x0] =	wrdreg $0x0  }
0xa8: {  	s4 =	sshll.u32 s28, $0x1;
	[dreg:$0x2] =	wrdreg s2  }
0xa9: {  	[dreg:$0x3] =	wrdreg s4  }
0xaa: {  	[dreg:$0x4] =	wrdreg $0xC0  }
0xab: {  	_ =	task [dreg:s6], $0x5FFFF  }
0xac: {  	[dreg:$0x1] =	wrdreg $0xFFFFFFFF  }
0xad: {  	[dreg:$0x0] =	wrdreg $0x60  }
0xae: {  	[dreg:$0x2] =	wrdreg s24  }
0xaf: {  	[dreg:$0x3] =	wrdreg $0x0  }
0xb0: {  	[dreg:$0x4] =	wrdreg $0xB  }
0xb1: {  	_ =	task.clear_ibuf [dreg:s6], $0x5FFFF;
	_ =	strace $0x90000046  }
0xb2: {  	s29 =	simm.s32 $0xB;
	_ =	strace $0x80000048  }
0xb3: {  	_ =	swait.ge [sflag:s29], $0x1  }
0xb4: {  	[sflag:s29] =	ssyncadd.s32 $0xFFFFFFFF  }
0xb5: {  	_ =	strace $0x90000048  }
0xb6: {  	_ =	sfence  }
0xb7: {  	s30 =	sld [smem:$0x0];
	_ =	sdelay $0x2  }
0xb8: {  	s31 =	sshll.u32 s1, $0xD;
	s1 =	sshrl.u32 s1, $0x2  }
0xb9: {  	s3 =	sand.u32 $0x4000, s31;
	s1 =	sadd.s32 s1, s30  }
0xba: {  	s0 =	sor.u32 s3, s0;
	s1 =	sshll.u32 s1, $0x11  }
0xbb: {  	s0 =	sor.u32 s1, s0  }
0xbc: {  	s0 =	sadd.s32 $0x8F2B, s0  }
0xbd: {  	[sflag:s0] =	ssyncadd.remote.s32 $0x1  }
0xbe: {  	_ =	sfence.sel $0xFFFF  }
0xbf: {  	[dreg:$0x0] =	wrdreg $0xFFFFFFFF;
	(pc) =	sbr.abs _section_cstart, $3  }
0xc0: {  	[dreg:$0x1] =	wrdreg $0xFFFFFFFF  }
0xc1: {  	_ =	task.clear_ibuf [dreg:s6], $0x2FFFF;
	_ =	strace $0x9FFFFFFF  }
0xc2: {  	(tm) =	ssettm $0x7FFFFFFF  }
0xc3: {  	_ =	shalt  }
tec
execute0_lowered:
.L_overlay_start_1:
0x0: {  	(tag) =	ssettag $0x1  }
0x1: {  	s7 =	rddreg [dreg:$0x0]  }
0x2: {  	s1 =	rddreg [dreg:$0x1]  }
0x3: {  	s2 =	srdreg.scid;
	s0 =	rddreg [dreg:$0x2]  }
0x4: {  	s3 =	simm.s32 $0x0;
	s14 =	simm.s32 $0x80;
	s15 =	simm.s32 $0x14400  }
0x5: {  	s16 =	simm.s32 $0x14480;
	s17 =	simm.s32 $0x14500;
	s18 =	simm.s32 $0x14580  }
0x6: {  	s19 =	simm.s32 $0x14600;
	s20 =	simm.s32 $0x14680;
	s21 =	simm.s32 $0x14700  }
0x7: {  	s22 =	simm.s32 $0x14780;
	s6 =	sand.u32 $0x1, s2;
	s2 =	stileid.u32  }
0x8: {  	s23 =	simm.s32 $0x1;
	[smem:$0x7FF] =	sst s3;
	s4 =	smul.u32 $0x5000, s6  }
0x9: {  	s24 =	simm.s32 $0x0;
	s5 =	smul.u32 $0x50000, s2;
	_ =	strace $0x80000047  }
0xa: {  	s9 =	ssub.s32 $0x2, s6;
	p0 =	seq.s32 s6, $0x1;
	s12 =	smul.u32 $0x500, s2  }
0xb: {  	s31 =	sshll.u32 s2, $0x6;
	s13 =	smul.u32 $0x2800, s2;
	s10 =	sshrl.u32 s9, $0x1  }
0xc: {  	s6 =	sor.u32 $0x1C02, s31;
	s8 =	sadd.s32 s4, s7;
	s11 =	sshrl.u32 s5, $0x2  }
0xd: {  	s4 =	sadd.s32 $0xDA00, s7;
	s30 =	sadd.s32 s11, s1;
	s11 =	simm.s32 $0x38200  }
0xe: {  	s5 =	sadd.s32 $0xD200, s7;
	s9 =	ssub.s32 s9, s10;
	s11 =	simm.s32 @!p0 $0x10200  }
0xf: {  	s12 =	sadd.s32 s12, s8;
	s10 =	sshrl.u32 s30, $0x3;
	s11 =	sadd.s32 s11, s7  }
0x10: {  	s7 =	smax.u32 s9, $0x1;
	s9 =	sadd.s32 $0x3200, s12;
	s12 =	simm.s32 $0x14800  }
0x11: {  	s8 =	sadd.s32 s11, s13;
	s11 =	simm.s32 $0x2;
	s13 =	simm.s32 $0x14000  }
.LBB2_1:
0x12: {  	[spmem:s10], [sflag:s6] =	dma.local [hbm:s4], $0x2800  }
0x13: {  	_ =	swait.ge [sflag:s11], $0x2800  }
0x14: {  	[sflag:s11] =	ssyncset.done $0x0  }
0x15: {  	[sflag:s11] =	ssyncadd.s32 $0xFFFFD800  }
0x16: {  	[tilespmem:s12], [sflag:$0x2] =	stream.linear.gather [hbm4b:s5+s3], $0x4000, $0x38;
	[tilespmem:$0x18800] =	vst v63  }
0x17: {  	_ =	swait.ge [sflag:s11], $0x4000  }
0x18: {  	[sflag:s11] =	ssyncset.done $0x0  }
0x19: {  	[sflag:s11] =	ssyncadd.s32 $0xFFFFC000  }
0x1a: {  	s25 =	sadd.s32 $0x0, s9;
	[bflag:$0x0] =	sbarrier.arrive $0xFFFF  }
0x1b: {  	[tilespmem:s13], [sflag:$0x2] =	stream.linear.gather [hbm4b:s25+s3], $0x800, $0x38;
	[tilespmem:$0x18800] =	vst v63  }
0x1c: {  	_ =	swait.ge [sflag:s11], $0x800  }
0x1d: {  	[sflag:s11] =	ssyncset.done $0x0  }
0x1e: {  	[sflag:s11] =	ssyncadd.s32 $0xFFFFF800  }
0x1f: {  	[spmem:s1] =	stream.indirect.scatter.add.f32 [tilespmem:s12], [sflag:$0x1], $0x80, s15, s14, $0xb8;
	[tilespmem:$0x18800] =	vst v63  }
0x20: {  	_ = 	snop  }
0x21: {  	[spmem:s1] =	stream.indirect.scatter.add.f32 [tilespmem:s12], [sflag:$0x1], $0x80, s16, s14, $0xb8;
	[tilespmem:$0x18800] =	vst v63  }
0x22: {  	_ = 	snop  }
0x23: {  	[spmem:s1] =	stream.indirect.scatter.add.f32 [tilespmem:s12], [sflag:$0x1], $0x80, s17, s14, $0xb8;
	[tilespmem:$0x18800] =	vst v63  }
0x24: {  	_ = 	snop  }
0x25: {  	[spmem:s1] =	stream.indirect.scatter.add.f32 [tilespmem:s12], [sflag:$0x1], $0x80, s18, s14, $0xb8;
	[tilespmem:$0x18800] =	vst v63  }
0x26: {  	_ = 	snop  }
0x27: {  	[spmem:s1] =	stream.indirect.scatter.add.f32 [tilespmem:s12], [sflag:$0x1], $0x80, s19, s14, $0xb8;
	[tilespmem:$0x18800] =	vst v63  }
0x28: {  	_ = 	snop  }
0x29: {  	[spmem:s1] =	stream.indirect.scatter.add.f32 [tilespmem:s12], [sflag:$0x1], $0x80, s20, s14, $0xb8;
	[tilespmem:$0x18800] =	vst v63  }
0x2a: {  	_ = 	snop  }
0x2b: {  	[spmem:s1] =	stream.indirect.scatter.add.f32 [tilespmem:s12], [sflag:$0x1], $0x80, s21, s14, $0xb8;
	[tilespmem:$0x18800] =	vst v63  }
0x2c: {  	_ = 	snop  }
0x2d: {  	[spmem:s1] =	stream.indirect.scatter.add.f32 [tilespmem:s12], [sflag:$0x1], $0x80, s22, s14, $0xb8;
	[tilespmem:$0x18800] =	vst v63  }
0x2e: {  	_ =	swait.ge [sflag:s23], $0x4000  }
0x2f: {  	[sflag:s23] =	ssyncset.done $0x0  }
0x30: {  	[sflag:s23] =	ssyncadd.s32 $0xFFFFC000  }
0x31: {  	_ =	swait.ge [sflag:s23], $0x4000  }
0x32: {  	[sflag:s23] =	ssyncset.done $0x0  }
0x33: {  	[sflag:s23] =	ssyncadd.s32 $0xFFFFC000  }
0x34: {  	_ =	swait.ge [sflag:s23], $0x4000  }
0x35: {  	[sflag:s23] =	ssyncset.done $0x0  }
0x36: {  	[sflag:s23] =	ssyncadd.s32 $0xFFFFC000  }
0x37: {  	_ =	swait.ge [sflag:s23], $0x4000  }
0x38: {  	[sflag:s23] =	ssyncset.done $0x0  }
0x39: {  	[sflag:s23] =	ssyncadd.s32 $0xFFFFC000  }
0x3a: {  	_ =	swait.ge [sflag:s23], $0x4000  }
0x3b: {  	[sflag:s23] =	ssyncset.done $0x0  }
0x3c: {  	[sflag:s23] =	ssyncadd.s32 $0xFFFFC000  }
0x3d: {  	_ =	swait.ge [sflag:s23], $0x4000  }
0x3e: {  	[sflag:s23] =	ssyncset.done $0x0  }
0x3f: {  	[sflag:s23] =	ssyncadd.s32 $0xFFFFC000  }
0x40: {  	_ =	swait.ge [sflag:s23], $0x4000  }
0x41: {  	[sflag:s23] =	ssyncset.done $0x0  }
0x42: {  	[sflag:s23] =	ssyncadd.s32 $0xFFFFC000  }
0x43: {  	_ =	swait.ge [sflag:s23], $0x4000  }
0x44: {  	s28 =	simm.s32 $0x200;
	s25 =	simm.s32 $0x100;
	[sflag:s23] =	ssyncset.done $0x0  }
.LBB2_2:
0x45: {  	s29 =	sadd.s32 s25, s9  }
0x46: {  	[sflag:s23] =	ssyncadd.s32 $0xFFFFC000;
	s25 =	smov.u32 s28;
	s26 =	sadd.s32 $0x100, s28  }
0x47: {  	[tilespmem:s13], [sflag:$0x2] =	stream.linear.gather [hbm4b:s29+s3], $0x800, $0x38;
	[tilespmem:$0x18800] =	vst v63  }
0x48: {  	p0 =	sne.s32 s28, $0x400;
	_ =	swait.ge [sflag:s11], $0x800  }
0x49: {  	[sflag:s11] =	ssyncset.done $0x0  }
0x4a: {  	[sflag:s11] =	ssyncadd.s32 $0xFFFFF800  }
0x4b: {  	[spmem:s1] =	stream.indirect.scatter.add.f32 [tilespmem:s12], [sflag:$0x1], $0x80, s15, s14, $0xb8;
	[tilespmem:$0x18800] =	vst v63  }
0x4c: {  	_ = 	snop  }
0x4d: {  	[spmem:s1] =	stream.indirect.scatter.add.f32 [tilespmem:s12], [sflag:$0x1], $0x80, s16, s14, $0xb8;
	[tilespmem:$0x18800] =	vst v63  }
0x4e: {  	_ = 	snop  }
0x4f: {  	[spmem:s1] =	stream.indirect.scatter.add.f32 [tilespmem:s12], [sflag:$0x1], $0x80, s17, s14, $0xb8;
	[tilespmem:$0x18800] =	vst v63  }
0x50: {  	_ = 	snop  }
0x51: {  	[spmem:s1] =	stream.indirect.scatter.add.f32 [tilespmem:s12], [sflag:$0x1], $0x80, s18, s14, $0xb8;
	[tilespmem:$0x18800] =	vst v63  }
0x52: {  	_ = 	snop  }
0x53: {  	[spmem:s1] =	stream.indirect.scatter.add.f32 [tilespmem:s12], [sflag:$0x1], $0x80, s19, s14, $0xb8;
	[tilespmem:$0x18800] =	vst v63  }
0x54: {  	_ = 	snop  }
0x55: {  	[spmem:s1] =	stream.indirect.scatter.add.f32 [tilespmem:s12], [sflag:$0x1], $0x80, s20, s14, $0xb8;
	[tilespmem:$0x18800] =	vst v63  }
0x56: {  	_ = 	snop  }
0x57: {  	[spmem:s1] =	stream.indirect.scatter.add.f32 [tilespmem:s12], [sflag:$0x1], $0x80, s21, s14, $0xb8;
	[tilespmem:$0x18800] =	vst v63  }
0x58: {  	_ = 	snop  }
0x59: {  	[spmem:s1] =	stream.indirect.scatter.add.f32 [tilespmem:s12], [sflag:$0x1], $0x80, s22, s14, $0xb8;
	[tilespmem:$0x18800] =	vst v63  }
0x5a: {  	_ =	swait.ge [sflag:s23], $0x4000  }
0x5b: {  	[sflag:s23] =	ssyncset.done $0x0  }
0x5c: {  	[sflag:s23] =	ssyncadd.s32 $0xFFFFC000  }
0x5d: {  	_ =	swait.ge [sflag:s23], $0x4000  }
0x5e: {  	[sflag:s23] =	ssyncset.done $0x0  }
0x5f: {  	[sflag:s23] =	ssyncadd.s32 $0xFFFFC000  }
0x60: {  	_ =	swait.ge [sflag:s23], $0x4000  }
0x61: {  	[sflag:s23] =	ssyncset.done $0x0  }
0x62: {  	[sflag:s23] =	ssyncadd.s32 $0xFFFFC000  }
0x63: {  	_ =	swait.ge [sflag:s23], $0x4000  }
0x64: {  	[sflag:s23] =	ssyncset.done $0x0  }
0x65: {  	[sflag:s23] =	ssyncadd.s32 $0xFFFFC000  }
0x66: {  	_ =	swait.ge [sflag:s23], $0x4000  }
0x67: {  	[sflag:s23] =	ssyncset.done $0x0  }
0x68: {  	[sflag:s23] =	ssyncadd.s32 $0xFFFFC000  }
0x69: {  	_ =	swait.ge [sflag:s23], $0x4000  }
0x6a: {  	[sflag:s23] =	ssyncset.done $0x0  }
0x6b: {  	[sflag:s23] =	ssyncadd.s32 $0xFFFFC000  }
.Ltmp0:
0x6c: {  	_ =	swait.ge [sflag:s23], $0x4000;
	(pc) =	sbr.rel @p0 .LBB2_2-.Ltmp0, $4  }
0x6d: {  	[sflag:s23] =	ssyncset.done $0x0  }
0x6e: {  	[sflag:s23] =	ssyncadd.s32 $0xFFFFC000  }
0x6f: {  	_ =	swait.ge [sflag:s23], $0x4000  }
0x70: {  	s28 =	smov.u32 s26;
	[sflag:s23] =	ssyncset.done $0x0  }
0x71: {  	s25 =	sadd.s32 s25, s9;
	[sflag:s23] =	ssyncadd.s32 $0xFFFFC000  }
0x72: {  	[tilespmem:s13], [sflag:$0x2] =	stream.linear.gather [hbm4b:s25+s3], $0x800, $0x38;
	[tilespmem:$0x18800] =	vst v63  }
0x73: {  	_ =	swait.ge [sflag:s11], $0x800  }
0x74: {  	[sflag:s11] =	ssyncset.done $0x0  }
0x75: {  	[sflag:s11] =	ssyncadd.s32 $0xFFFFF800  }
0x76: {  	[spmem:s1] =	stream.indirect.scatter.add.f32 [tilespmem:s12], [sflag:$0x1], $0x80, s15, s14, $0xb8;
	[tilespmem:$0x18800] =	vst v63  }
0x77: {  	_ = 	snop  }
0x78: {  	[spmem:s1] =	stream.indirect.scatter.add.f32 [tilespmem:s12], [sflag:$0x1], $0x80, s16, s14, $0xb8;
	[tilespmem:$0x18800] =	vst v63  }
0x79: {  	_ = 	snop  }
0x7a: {  	[spmem:s1] =	stream.indirect.scatter.add.f32 [tilespmem:s12], [sflag:$0x1], $0x80, s17, s14, $0xb8;
	[tilespmem:$0x18800] =	vst v63  }
0x7b: {  	_ = 	snop  }
0x7c: {  	[spmem:s1] =	stream.indirect.scatter.add.f32 [tilespmem:s12], [sflag:$0x1], $0x80, s18, s14, $0xb8;
	[tilespmem:$0x18800] =	vst v63  }
0x7d: {  	_ = 	snop  }
0x7e: {  	[spmem:s1] =	stream.indirect.scatter.add.f32 [tilespmem:s12], [sflag:$0x1], $0x80, s19, s14, $0xb8;
	[tilespmem:$0x18800] =	vst v63  }
0x7f: {  	_ = 	snop  }
0x80: {  	[spmem:s1] =	stream.indirect.scatter.add.f32 [tilespmem:s12], [sflag:$0x1], $0x80, s20, s14, $0xb8;
	[tilespmem:$0x18800] =	vst v63  }
0x81: {  	_ = 	snop  }
0x82: {  	[spmem:s1] =	stream.indirect.scatter.add.f32 [tilespmem:s12], [sflag:$0x1], $0x80, s21, s14, $0xb8;
	[tilespmem:$0x18800] =	vst v63  }
0x83: {  	_ = 	snop  }
0x84: {  	[spmem:s1] =	stream.indirect.scatter.add.f32 [tilespmem:s12], [sflag:$0x1], $0x80, s22, s14, $0xb8;
	[tilespmem:$0x18800] =	vst v63  }
0x85: {  	_ =	swait.ge [sflag:s23], $0x4000  }
0x86: {  	[sflag:s23] =	ssyncset.done $0x0  }
0x87: {  	[sflag:s23] =	ssyncadd.s32 $0xFFFFC000  }
0x88: {  	_ =	swait.ge [sflag:s23], $0x4000  }
0x89: {  	[sflag:s23] =	ssyncset.done $0x0  }
0x8a: {  	[sflag:s23] =	ssyncadd.s32 $0xFFFFC000  }
0x8b: {  	_ =	swait.ge [sflag:s23], $0x4000  }
0x8c: {  	[sflag:s23] =	ssyncset.done $0x0  }
0x8d: {  	[sflag:s23] =	ssyncadd.s32 $0xFFFFC000  }
0x8e: {  	_ =	swait.ge [sflag:s23], $0x4000  }
0x8f: {  	[sflag:s23] =	ssyncset.done $0x0  }
0x90: {  	[sflag:s23] =	ssyncadd.s32 $0xFFFFC000  }
0x91: {  	_ =	swait.ge [sflag:s23], $0x4000  }
0x92: {  	[sflag:s23] =	ssyncset.done $0x0  }
0x93: {  	[sflag:s23] =	ssyncadd.s32 $0xFFFFC000  }
0x94: {  	_ =	swait.ge [sflag:s23], $0x4000  }
0x95: {  	[sflag:s23] =	ssyncset.done $0x0  }
0x96: {  	[sflag:s23] =	ssyncadd.s32 $0xFFFFC000  }
0x97: {  	_ =	swait.ge [sflag:s23], $0x4000  }
0x98: {  	[sflag:s23] =	ssyncset.done $0x0  }
0x99: {  	[sflag:s23] =	ssyncadd.s32 $0xFFFFC000  }
0x9a: {  	_ =	swait.ge [sflag:s23], $0x4000  }
0x9b: {  	s24 =	sadd.s32 $0x1, s24;
	[sflag:s23] =	ssyncset.done $0x0  }
0x9c: {  	p0 =	sne.s32 s24, s7;
	[sflag:s23] =	ssyncadd.s32 $0xFFFFC000  }
.Ltmp1:
0x9d: {  	[bflag:$0x0] =	sbarrier.arrive $0xFFFF;
	(pc) =	sbr.rel @p0 .LBB2_1-.Ltmp1, $4  }
0x9e: {  	[hbm:s8], [sflag:s6] =	dma.local [spmem:s10], $0x2800  }
0x9f: {  	_ =	swait.ge [sflag:s11], $0x2800  }
0xa0: {  	[sflag:s11] =	ssyncset.done $0x0  }
0xa1: {  	[sflag:s11] =	ssyncadd.s32 $0xFFFFD800  }
0xa2: {  	_ =	sfence.sel $0x180000  }
0xa3: {  	[bflag:$0x0] =	sbarrier.arrive $0xFFFF  }
0xa4: {  	p0 =	sne.s32 s2, $0x0;
	_ =	strace $0x90000047  }
0xa5: {  	s0 =	sadd.s32 @!p0 $0x100000, s0;
	[bflag:$0x2] =	sbarrier.arrive $0xFFFF  }
0xa6: {  	[sflag:s0] =	ssyncadd.tile.s32 @!p0 $0x1;
	_ =	shalt  }
.Lfunc_end2:
_tile_overlayer_lowered:
.L_overlay_start_2:
0xa7: {  	(tag) =	ssettag $0x2  }
0xa8: {  	s0 =	rddreg [dreg:$0x0];
	s2 =	stileid.u32  }
0xa9: {  	s1 =	rddreg [dreg:$0x1];
	p0 =	sne.s32 s2, $0x0  }
0xaa: {  	s3 =	rddreg [dreg:$0x2];
	[bflag:$0x3] =	sbarrier.arrive $0xFFFF;
	s2 =	simm.s32 @!p0 $0x1C02  }
0xab: {  	[timem:s3], [sflag:s2] =	dma.local @!p0 [hbm:s0], s1  }
0xac: {  	s0 =	simm.s32 @!p0 $0x2  }
0xad: {  	_ =	swait.ge @!p0 [sflag:s0], s1  }
0xae: {  	s1 =	ssub.s32 @!p0 $0x0, s1;
	[sflag:s0] =	ssyncset.done @!p0 $0x0  }
0xaf: {  	[sflag:s0] =	ssyncadd.s32 @!p0 s1  }
0xb0: {  	[bflag:$0x3] =	sbarrier.arrive $0xFFFF  }
0xb1: {  	_ =	shalt  }

// kernel: kernel.7.cloned.1.call-start
scs
__scs_entry_jumppad:
0x0: {  	(pc) =	sbr.rel $0x88, $3  }
0x1: {  	(tag) =	ssettag $0x0;
	lr =	simm.s32 $0x1  }
0x2: {  	[smem:$0x3F94] =	sst lr;
	_ =	strace $0xD0000000  }
0x3: {  	_ = 	snop  }
0x4: {  	_ = 	snop  }
0x5: {  	_ = 	snop  }
0x6: {  	_ = 	snop  }
0x7: {  	_ = 	snop  }
__scs_overlays_trampoline_lowered:
0x8: {  	[smem:$0x3FA3] =	sst s0  }
0x9: {  	[smem:$0x3FA4] =	sst s1  }
0xa: {  	[smem:$0x3FA5] =	sst s2  }
0xb: {  	[smem:$0x3FA6] =	sst s3  }
0xc: {  	[smem:$0x3FA7] =	sst s4  }
0xd: {  	[smem:$0x3FA8] =	sst s5  }
0xe: {  	[smem:$0x3FA9] =	sst s6  }
0xf: {  	[smem:$0x3FAA] =	sst s7  }
0x10: {  	[smem:$0x3FAB] =	sst s8  }
0x11: {  	[smem:$0x3FAC] =	sst s9;
	s0 =	simm.s32 @!p0 $0x0  }
0x12: {  	s1 =	sld [smem:$0x3F92];
	s0 =	simm.s32 @p0 $0x1  }
0x13: {  	[smem:$0x3FAD] =	sst s0;
	s0 =	simm.s32 @!p1 $0x0  }
0x14: {  	s2 =	sld [smem:$0x3F91];
	s0 =	simm.s32 @p1 $0x1  }
0x15: {  	[smem:$0x3FAE] =	sst s0;
	s0 =	simm.s32 @!p2 $0x0  }
0x16: {  	s3 =	sld [smem:$0x3FDB];
	s0 =	simm.s32 @p2 $0x1  }
0x17: {  	s4 =	simm.s32 $0x1BF5;
	[smem:$0x3FB0] =	sst s0  }
0x18: {  	s0 =	sld [smem:$0x3F93];
	_ =	swait.ge [sflag:s4], $0x0  }
0x19: {  	s7 =	sld [smem:$0x3F94]  }
0x1a: {  	s8 =	sadd.s32 $0xFFFFE003, lr  }
0x1b: {  	s9 =	sadd.s32 $0xFFFFFEF7, lr;
	s5 =	simm.s32 $0xFFFFFFFF;
	p2 =	slt.u32 s8, $0xFFFFF086  }
0x1c: {  	p1 =	slt.u32 s9, $0xF7A;
	s5 =	simm.s32 @!p2 $0x0  }
0x1d: {  	s5 =	simm.s32 @p1 $0x1;
	p0 =	seq.s32 s7, s2  }
0x1e: {  	s7 =	smul.u32 @!p0 $0xF7A, s2;
	p2 =	seq.s32 @!p0 s5, $0x0  }
0x1f: {  	s9 =	smul.u32 $0xF7A, s1;
	s8 =	simm.s32 @!p0 $0x1BF5;
	p2 =	por !p2, p0  }
0x20: {  	[sflag:s8] =	ssyncset.s32 @!p0 $0xFFFFF086;
	s6 =	sadd.s32 @!p0 s3, s7;
	s7 =	simm.s32 @!p0 $0x108  }
0x21: {  	s3 =	sadd.s32 s3, s9;
	s6 =	sadd.s32 @!p0 $0x88, s6;
	s7 =	simm.s32 @p2 $0x1082  }
0x22: {  	[simem:s7], [sflag:s8] =	dma.local @!p0 [hbm:s6], $0xF7A  }
0x23: {  	s9 =	sor.u32 $0xD0000000, s2;
	s6 =	simm.s32 $0x108;
	_ =	swait.ge @!p0 [sflag:s8], $0x0  }
0x24: {  	s3 =	sadd.s32 $0x88, s3;
	s6 =	simm.s32 @!p1 $0x1082;
	[sflag:s4] =	ssyncset.s32 $0xFFFFF086  }
0x25: {  	[simem:s6], [sflag:s4] =	dma.local [hbm:s3], $0xF7A  }
0x26: {  	[smem:$0x3F94] =	sst s1;
	(tag) =	ssettag s2;
	_ =	strace s9  }
0x27: {  	s1 =	sld [smem:$0x3FA4]  }
0x28: {  	s2 =	sld [smem:$0x3FA5]  }
0x29: {  	s4 =	sld [smem:$0x3FA7]  }
0x2a: {  	p0 =	seq.s32 s5, $0x0;
	s5 =	sld [smem:$0x3FA8]  }
0x2b: {  	s6 =	sld [smem:$0x3FA9]  }
0x2c: {  	s7 =	sld [smem:$0x3FAA]  }
0x2d: {  	s3 =	simm.s32 $0x108;
	s8 =	sld [smem:$0x3FAB]  }
0x2e: {  	s3 =	simm.s32 @!p0 $0x1082;
	s9 =	sld [smem:$0x3FAC]  }
0x2f: {  	lr =	sadd.s32 s0, s3;
	s0 =	sld [smem:$0x3FA3]  }
0x30: {  	s3 =	sld [smem:$0x3FA6]  }
0x31: {  	[smem:$0x3FAF] =	sst s10  }
0x32: {  	s10 =	sld [smem:$0x3FAD];
	_ =	sdelay $0x3  }
0x33: {  	p0 =	seq.s32 s10, $0x1;
	s10 =	sld [smem:$0x3FAF];
	_ =	sdelay $0x3  }
0x34: {  	[smem:$0x3FAF] =	sst s10  }
0x35: {  	s10 =	sld [smem:$0x3FAE];
	_ =	sdelay $0x3  }
0x36: {  	p1 =	seq.s32 s10, $0x1;
	s10 =	sld [smem:$0x3FAF];
	_ =	sdelay $0x3  }
0x37: {  	[smem:$0x3FAF] =	sst s10  }
0x38: {  	s10 =	sld [smem:$0x3FB0]  }
0x39: {  	_ = 	snop;
	(pc) =	sbr.ind lr, $3  }
0x3a: {  	_ = 	snop  }
0x3b: {  	_ = 	snop  }
0x3c: {  	p2 =	seq.s32 s10, $0x1;
	s10 =	sld [smem:$0x3FAF]  }
0x3d: {  	_ =	shalt  }
0x3e: {  	_ =	shalt  }
0x3f: {  	_ =	shalt  }
0x40: {  	_ =	shalt  }
0x41: {  	_ =	shalt  }
0x42: {  	_ =	shalt  }
0x43: {  	_ =	shalt  }
0x44: {  	_ =	shalt  }
0x45: {  	_ =	shalt  }
0x46: {  	_ =	shalt  }
0x47: {  	_ =	shalt  }
0x48: {  	_ =	shalt  }
0x49: {  	_ =	shalt  }
0x4a: {  	_ =	shalt  }
0x4b: {  	_ =	shalt  }
0x4c: {  	_ =	shalt  }
0x4d: {  	_ =	shalt  }
0x4e: {  	_ =	shalt  }
0x4f: {  	_ =	shalt  }
0x50: {  	_ =	shalt  }
0x51: {  	_ =	shalt  }
0x52: {  	_ =	shalt  }
0x53: {  	_ =	shalt  }
0x54: {  	_ =	shalt  }
0x55: {  	_ =	shalt  }
0x56: {  	_ =	shalt  }
0x57: {  	_ =	shalt  }
0x58: {  	_ =	shalt  }
0x59: {  	_ =	shalt  }
0x5a: {  	_ =	shalt  }
0x5b: {  	_ =	shalt  }
0x5c: {  	_ =	shalt  }
0x5d: {  	_ =	shalt  }
0x5e: {  	_ =	shalt  }
0x5f: {  	_ =	shalt  }
0x60: {  	_ =	shalt  }
0x61: {  	_ =	shalt  }
0x62: {  	_ =	shalt  }
0x63: {  	_ =	shalt  }
0x64: {  	_ =	shalt  }
0x65: {  	_ =	shalt  }
0x66: {  	_ =	shalt  }
0x67: {  	_ =	shalt  }
0x68: {  	_ =	shalt  }
0x69: {  	_ =	shalt  }
0x6a: {  	_ =	shalt  }
0x6b: {  	_ =	shalt  }
0x6c: {  	_ =	shalt  }
0x6d: {  	_ =	shalt  }
0x6e: {  	_ =	shalt  }
0x6f: {  	_ =	shalt  }
0x70: {  	_ =	shalt  }
0x71: {  	_ =	shalt  }
0x72: {  	_ =	shalt  }
0x73: {  	_ =	shalt  }
0x74: {  	_ =	shalt  }
0x75: {  	_ =	shalt  }
0x76: {  	_ =	shalt  }
0x77: {  	_ =	shalt  }
0x78: {  	_ =	shalt  }
0x79: {  	_ =	shalt  }
0x7a: {  	_ =	shalt  }
0x7b: {  	_ =	shalt  }
0x7c: {  	_ =	shalt  }
0x7d: {  	_ =	shalt  }
0x7e: {  	_ =	shalt  }
0x7f: {  	_ =	shalt  }
0x80: {  	_ =	shalt  }
0x81: {  	_ =	shalt  }
0x82: {  	_ =	shalt  }
0x83: {  	_ =	shalt  }
0x84: {  	_ =	shalt  }
0x85: {  	_ =	shalt  }
0x86: {  	_ =	shalt  }
0x87: {  	_ =	shalt  }
.Lfunc_end0:
.L_simem_size_0:
called_computation_lowered:
.L_overlay_start_0:
0x88: {  	s2 =	sld [smem:$0x3FD9]  }
0x89: {  	s3 =	sld [smem:$0x3FFE];
	_ =	sdelay $0x1  }
0x8a: {  	s1 =	srdreg.scid  }
0x8b: {  	s0 =	sand.u32 $0x1, s1  }
0x8c: {  	s17 =	sshll.u32 s0, $0xA;
	s2 =	sadd.s32 s3, s2  }
0x8d: {  	s2 =	sadd.s32 s2, s17  }
0x8e: {  	[smem:$0x3FBB] =	sst s2  }
0x8f: {  	_ = 	snop  }
0x90: {  	s18 =	sld [smem:$0x3FD0];
	(tm) =	ssettm $0x1  }
0x91: {  	s19 =	sld [smem:$0x3FFB];
	_ =	sdelay $0x3  }
0x92: {  	_ =	strace s19  }
0x93: {  	s2 =	sld [smem:$0x3FFC];
	_ =	sdelay $0x3  }
0x94: {  	_ =	strace s2  }
0x95: {  	s2 =	sld [smem:$0x3FFD];
	_ =	sdelay $0x3  }
0x96: {  	_ =	strace s2  }
0x97: {  	_ =	strace $0x8FFFFFFF  }
0x98: {  	s20 =	sld [smem:$0x3FDB];
	_ =	sdelay $0x1  }
0x99: {  	s4 =	simm.s32 $_scs_section_size  }
0x9a: {  	s5 =	simm.s32 $_size__tile_overlayer_lowered;
	s6 =	simm.s32 $_tile_overlayer_lowered  }
0x9b: {  	s7 =	simm.s32 $0x1BFF;
	s21 =	sshll.u32 s6, $0x1;
	s4 =	sadd.s32 s4, s20  }
0x9c: {  	s22 =	simm.s32 $0x0;
	s5 =	sshll.u32 s5, $0x1;
	s6 =	sadd.s32 s21, s4  }
0x9d: {  	[timem:s22], [sflag:s7] =	dma.local [hbm:s6], s5  }
0x9e: {  	_ =	swait.ge [sflag:s7], s5  }
0x9f: {  	s5 =	ssub.s32 $0x0, s5;
	[sflag:s7] =	ssyncset.done $0x0  }
0xa0: {  	[sflag:s7] =	ssyncadd.s32 s5;
	_ =	sdelay $0x1  }
0xa1: {  	s23 =	simm.s32 $0x1B8B  }
0xa2: {  	_ =	swait.ge [sflag:s23], $0x1  }
0xa3: {  	[sflag:s23] =	ssyncset.done $0x0  }
0xa4: {  	[sflag:s23] =	ssyncadd.s32 $0xFFFFFFFF  }
0xa5: {  	s5 =	sld [smem:$0x0]  }
0xa6: {  	s6 =	sand.u32 $0xFFFFFFFE, s1  }
0xa7: {  	p0 =	sne.s32 s1, s6  }
0xa8: {  	s6 =	sshll.u32 @p0 s6, $0xE  }
0xa9: {  	s6 =	sadd.s32 @p0 $0x11B8D, s6;
	s7 =	sshll.u32 @p0 s5, $0x11  }
0xaa: {  	s6 =	sor.u32 @p0 s7, s6  }
0xab: {  	[sflag:s6] =	ssyncadd.remote.s32 @p0 $0x1;
	_ =	sdelay $0x1  }
0xac: {  	s6 =	simm.s32 @p0 $0x1B8D  }
0xad: {  	_ =	swait.eq @p0 [sflag:s6], $0x1  }
0xae: {  	[sflag:s6] =	ssyncadd.s32 @p0 $0xFFFFFFFF  }
0xaf: {  	s7 =	sshll.u32 @!p0 s1, $0xE  }
0xb0: {  	s7 =	sor.u32 @!p0 $0x4000, s7;
	s6 =	simm.s32 @!p0 $0x1B8D  }
0xb1: {  	s5 =	sshll.u32 @!p0 s5, $0x11;
	s7 =	sadd.s32 @!p0 $0x11B8D, s7;
	_ =	swait.eq @!p0 [sflag:s6], $0x1  }
0xb2: {  	s5 =	sor.u32 @!p0 s5, s7;
	[sflag:s6] =	ssyncadd.s32 @!p0 $0xFFFFFFFF  }
0xb3: {  	s25 =	simm.s32 $0x1B8E;
	s24 =	sld [smem:$0x3FFE];
	[sflag:s5] =	ssyncadd.remote.s32 @!p0 $0x1  }
0xb4: {  	s26 =	simm.s32 $execute0_lowered;
	[smem:$0x3FD2] =	sst s25  }
0xb5: {  	s6 =	sshll.u32 s26, $0x1;
	_ =	strace $0x8000004C;
	[dreg:$0x1] =	wrdreg $0xFFFFFFFF  }
0xb6: {  	s28 =	simm.s32 $_size_execute0_lowered;
	s4 =	sadd.s32 s4, s6;
	[dreg:$0x0] =	wrdreg $0x0  }
0xb7: {  	s6 =	sshll.u32 s28, $0x1;
	[dreg:$0x2] =	wrdreg s4  }
0xb8: {  	[dreg:$0x3] =	wrdreg s6  }
0xb9: {  	[dreg:$0x4] =	wrdreg $0xC0  }
0xba: {  	_ =	task [dreg:s22], $0x5FFFF  }
0xbb: {  	[dreg:$0x1] =	wrdreg $0xFFFFFFFF  }
0xbc: {  	[dreg:$0x0] =	wrdreg $0x60  }
0xbd: {  	[dreg:$0x2] =	wrdreg s24  }
0xbe: {  	[dreg:$0x3] =	wrdreg s18  }
0xbf: {  	[dreg:$0x4] =	wrdreg $0x0  }
0xc0: {  	[dreg:$0x5] =	wrdreg $0x9  }
0xc1: {  	_ =	task.clear_ibuf [dreg:s22], $0x6FFFF;
	_ =	strace $0x9000004C  }
0xc2: {  	s29 =	simm.s32 $0x9;
	_ =	strace $0x8000004E  }
0xc3: {  	_ =	swait.ge [sflag:s29], $0x1  }
0xc4: {  	[sflag:s29] =	ssyncadd.s32 $0xFFFFFFFF  }
0xc5: {  	_ =	strace $0x9000004E  }
0xc6: {  	_ =	sfence  }
0xc7: {  	s30 =	sld [smem:$0x0];
	_ =	sdelay $0x2  }
0xc8: {  	s31 =	sshll.u32 s1, $0xD;
	s1 =	sshrl.u32 s1, $0x2  }
0xc9: {  	s4 =	sand.u32 $0x4000, s31;
	s1 =	sadd.s32 s1, s30  }
0xca: {  	s0 =	sor.u32 s4, s0;
	s1 =	sshll.u32 s1, $0x11  }
0xcb: {  	s0 =	sor.u32 s1, s0  }
0xcc: {  	s0 =	sadd.s32 $0x8F2B, s0  }
0xcd: {  	[sflag:s0] =	ssyncadd.remote.s32 $0x1  }
0xce: {  	_ =	sfence.sel $0xFFFF  }
0xcf: {  	[dreg:$0x0] =	wrdreg $0xFFFFFFFF;
	(pc) =	sbr.abs _section_cstart, $3  }
0xd0: {  	[dreg:$0x1] =	wrdreg $0xFFFFFFFF  }
0xd1: {  	_ =	task.clear_ibuf [dreg:s22], $0x2FFFF;
	_ =	strace $0x9FFFFFFF  }
0xd2: {  	(tm) =	ssettm $0x7FFFFFFF  }
0xd3: {  	_ =	shalt  }
tec
execute0_lowered:
.L_overlay_start_1:
0x0: {  	(tag) =	ssettag $0x1  }
0x1: {  	s0 =	rddreg [dreg:$0x0]  }
0x2: {  	s3 =	rddreg [dreg:$0x2];
	s19 =	simm.s32 $0x0  }
0x3: {  	s9 =	stileid.u32;
	s2 =	srdreg.scid;
	s14 =	simm.s32 $0x5  }
0x4: {  	s15 =	simm.s32 $0x14000;
	s16 =	simm.s32 $0x80;
	s17 =	simm.s32 $0x14800  }
0x5: {  	s18 =	simm.s32 $0x1;
	s21 =	simm.s32 $0x14080;
	s20 =	simm.s32 $0x18800  }
0x6: {  	s22 =	simm.s32 $0x2;
	s23 =	simm.s32 $0x3;
	s26 =	simm.s32 $0x4  }
0x7: {  	[smem:$0x7FF] =	sst s19;
	s1 =	smul.u32 $0xA00, s9;
	s5 =	sadd.s32 $0xD5800, s0  }
0x8: {  	s6 =	sadd.s32 $0xAE600, s0;
	s2 =	sand.u32 $0x1, s2;
	s4 =	smul.u32 $0x50000, s9  }
0x9: {  	s7 =	sadd.s32 $0xDA00, s0;
	s8 =	sshll.u32 s9, $0x6;
	s31 =	smul.u32 $0x2800, s9  }
0xa: {  	_ =	strace $0x8000004D;
	[dreg:$0x4] =	wrdreg s7;
	s29 =	ssub.s32 $0x2, s2  }
0xb: {  	s13 =	sor.u32 $0x1C05, s8;
	s1 =	sadd.s32 s1, s0;
	s0 =	sadd.s32 $0x14CA00, s0  }
.Ltmp0:
0xc: {  	s30 =	sshrl.u32 s29, $0x1;
	[dreg:$0x7] =	wrdreg s31;
	(pc) =	sbr.rel .LBB2_1-.Ltmp0, $4  }
0xd: {  	s4 =	sshrl.u32 s4, $0x2;
	[dreg:$0x5] =	wrdreg s0;
	s0 =	ssub.s32 s29, s30  }
0xe: {  	[dreg:$0x6] =	wrdreg s13;
	s4 =	sadd.s32 s4, s3;
	s0 =	smax.u32 s0, $0x1  }
0xf: {  	p0 =	sne.s32 s2, $0x0;
	s9 =	sshrl.u32 s4, $0x3;
	[dreg:$0x8] =	wrdreg s0  }
0x10: {  	s12 =	sadd.s32 $0x3200, s1;
	s0 =	simm.s32 $0x0;
	[dreg:$0x9] =	wrdreg s9  }
.LBB2_7:
0x11: {  	s4 =	sadd.s32 s13, s12;
	[sflag:s26] =	ssyncadd.s32 $0xFFFFC000  }
0x12: {  	[tilespmem:s15], [sflag:$0x5] =	stream.linear.gather [hbm4b:s4+s19], $0x800, $0x38;
	[tilespmem:$0x1C800] =	vst v63  }
0x13: {  	_ =	swait.ge [sflag:s14], $0x800  }
0x14: {  	[sflag:s14] =	ssyncset.done $0x0  }
0x15: {  	[sflag:s14] =	ssyncadd.s32 $0xFFFFF800  }
0x16: {  	[tilespmem:s17], [sflag:$0x1] =	stream.indirect.gather [hbm4b:s6+s16], $0x80, s15, s16, $0xb8;
	[tilespmem:$0x1C800] =	vst v63  }
0x17: {  	_ =	swait.ge [sflag:s18], $0x4000  }
0x18: {  	[sflag:s18] =	ssyncset.done $0x0  }
0x19: {  	[sflag:s18] =	ssyncadd.s32 $0xFFFFC000  }
0x1a: {  	[tilespmem:s20], [sflag:$0x2] =	stream.indirect.gather [hbm4b:s6+s16], $0x80, s21, s16, $0xb8;
	[tilespmem:$0x1C800] =	vst v63  }
0x1b: {  	_ = 	snop  }
0x1c: {  	[spmem:s3] =	stream.indirect.scatter.add.f32 [tilespmem:s17], [sflag:$0x3], $0x80, s25, s16, $0xb8;
	[tilespmem:$0x1C800] =	vst v63  }
0x1d: {  	_ =	swait.ge [sflag:s22], $0x4000  }
0x1e: {  	[sflag:s22] =	ssyncset.done $0x0  }
0x1f: {  	[sflag:s22] =	ssyncadd.s32 $0xFFFFC000  }
0x20: {  	_ =	swait.ge [sflag:s23], $0x4000  }
0x21: {  	[sflag:s23] =	ssyncset.done $0x0  }
0x22: {  	[sflag:s23] =	ssyncadd.s32 $0xFFFFC000  }
0x23: {  	[tilespmem:s17], [sflag:$0x1] =	stream.indirect.gather [hbm4b:s6+s16], $0x80, s28, s16, $0xb8;
	[tilespmem:$0x1C800] =	vst v63  }
0x24: {  	_ = 	snop  }
0x25: {  	[spmem:s3] =	stream.indirect.scatter.add.f32 [tilespmem:s20], [sflag:$0x4], $0x80, s29, s16, $0xb8;
	[tilespmem:$0x1C800] =	vst v63  }
0x26: {  	_ =	swait.ge [sflag:s18], $0x4000  }
0x27: {  	[sflag:s18] =	ssyncset.done $0x0  }
0x28: {  	[sflag:s18] =	ssyncadd.s32 $0xFFFFC000  }
0x29: {  	_ =	swait.ge [sflag:s26], $0x4000  }
0x2a: {  	[sflag:s26] =	ssyncset.done $0x0  }
0x2b: {  	[sflag:s26] =	ssyncadd.s32 $0xFFFFC000  }
0x2c: {  	[tilespmem:s20], [sflag:$0x2] =	stream.indirect.gather [hbm4b:s6+s16], $0x80, s30, s16, $0xb8;
	[tilespmem:$0x1C800] =	vst v63  }
0x2d: {  	_ = 	snop  }
0x2e: {  	[spmem:s3] =	stream.indirect.scatter.add.f32 [tilespmem:s17], [sflag:$0x3], $0x80, s31, s16, $0xb8;
	[tilespmem:$0x1C800] =	vst v63  }
0x2f: {  	_ =	swait.ge [sflag:s22], $0x4000  }
0x30: {  	[sflag:s22] =	ssyncset.done $0x0  }
0x31: {  	[sflag:s22] =	ssyncadd.s32 $0xFFFFC000  }
0x32: {  	_ =	swait.ge [sflag:s23], $0x4000  }
0x33: {  	[sflag:s23] =	ssyncset.done $0x0  }
0x34: {  	s31 =	simm.s32 $0x14200;
	[sflag:s23] =	ssyncadd.s32 $0xFFFFC000  }
0x35: {  	[tilespmem:s17], [sflag:$0x1] =	stream.indirect.gather [hbm4b:s6+s16], $0x80, s31, s16, $0xb8;
	[tilespmem:$0x1C800] =	vst v63  }
0x36: {  	_ = 	snop  }
0x37: {  	[spmem:s3] =	stream.indirect.scatter.add.f32 [tilespmem:s20], [sflag:$0x4], $0x80, s1, s16, $0xb8;
	[tilespmem:$0x1C800] =	vst v63  }
0x38: {  	_ =	swait.ge [sflag:s18], $0x4000  }
0x39: {  	[sflag:s18] =	ssyncset.done $0x0  }
0x3a: {  	[sflag:s18] =	ssyncadd.s32 $0xFFFFC000  }
0x3b: {  	_ =	swait.ge [sflag:s26], $0x4000  }
0x3c: {  	[sflag:s26] =	ssyncset.done $0x0  }
0x3d: {  	[sflag:s26] =	ssyncadd.s32 $0xFFFFC000  }
0x3e: {  	[tilespmem:s20], [sflag:$0x2] =	stream.indirect.gather [hbm4b:s6+s16], $0x80, s7, s16, $0xb8;
	[tilespmem:$0x1C800] =	vst v63  }
0x3f: {  	_ = 	snop  }
0x40: {  	[spmem:s3] =	stream.indirect.scatter.add.f32 [tilespmem:s17], [sflag:$0x3], $0x80, s2, s16, $0xb8;
	[tilespmem:$0x1C800] =	vst v63  }
0x41: {  	_ =	swait.ge [sflag:s22], $0x4000  }
0x42: {  	[sflag:s22] =	ssyncset.done $0x0  }
0x43: {  	[sflag:s22] =	ssyncadd.s32 $0xFFFFC000  }
0x44: {  	_ =	swait.ge [sflag:s23], $0x4000  }
0x45: {  	[sflag:s23] =	ssyncset.done $0x0  }
0x46: {  	[sflag:s23] =	ssyncadd.s32 $0xFFFFC000  }
0x47: {  	[tilespmem:s17], [sflag:$0x1] =	stream.indirect.gather [hbm4b:s6+s16], $0x80, s10, s16, $0xb8;
	[tilespmem:$0x1C800] =	vst v63  }
0x48: {  	_ = 	snop  }
0x49: {  	[spmem:s3] =	stream.indirect.scatter.add.f32 [tilespmem:s20], [sflag:$0x4], $0x80, s8, s16, $0xb8;
	[tilespmem:$0x1C800] =	vst v63  }
0x4a: {  	_ =	swait.ge [sflag:s18], $0x4000  }
0x4b: {  	[sflag:s18] =	ssyncset.done $0x0  }
0x4c: {  	[sflag:s18] =	ssyncadd.s32 $0xFFFFC000  }
0x4d: {  	_ =	swait.ge [sflag:s26], $0x4000  }
0x4e: {  	[sflag:s26] =	ssyncset.done $0x0  }
0x4f: {  	[sflag:s26] =	ssyncadd.s32 $0xFFFFC000  }
0x50: {  	[tilespmem:s20], [sflag:$0x2] =	stream.indirect.gather [hbm4b:s6+s16], $0x80, s11, s16, $0xb8;
	[tilespmem:$0x1C800] =	vst v63  }
0x51: {  	_ = 	snop  }
0x52: {  	[spmem:s3] =	stream.indirect.scatter.add.f32 [tilespmem:s17], [sflag:$0x3], $0x80, s24, s16, $0xb8;
	[tilespmem:$0x1C800] =	vst v63  }
0x53: {  	_ =	swait.ge [sflag:s22], $0x4000  }
0x54: {  	[sflag:s22] =	ssyncset.done $0x0  }
0x55: {  	[sflag:s22] =	ssyncadd.s32 $0xFFFFC000  }
0x56: {  	[spmem:s3] =	stream.indirect.scatter.add.f32 [tilespmem:s20], [sflag:$0x4], $0x80, s0, s16, $0xb8;
	[tilespmem:$0x1C800] =	vst v63  }
0x57: {  	_ =	swait.ge [sflag:s23], $0x4000  }
0x58: {  	[sflag:s23] =	ssyncset.done $0x0  }
0x59: {  	[sflag:s23] =	ssyncadd.s32 $0xFFFFC000  }
0x5a: {  	_ =	swait.ge [sflag:s26], $0x4000  }
0x5b: {  	[sflag:s26] =	ssyncset.done $0x0;
	s4 =	rddreg [dreg:$0x5]  }
0x5c: {  	s0 =	rddreg [dreg:$0xa];
	[sflag:s26] =	ssyncadd.s32 $0xFFFFC000  }
.LBB2_8:
0x5d: {  	s9 =	rddreg [dreg:$0x7];
	[bflag:$0x0] =	sbarrier.arrive $0xFFFF  }
0x5e: {  	s13 =	rddreg [dreg:$0x6]  }
0x5f: {  	s4 =	sadd.s32 s4, s9;
	s9 =	rddreg [dreg:$0x9]  }
0x60: {  	[hbm:s4], [sflag:s13] =	dma.local [spmem:s9], $0x2800  }
0x61: {  	_ =	swait.ge [sflag:s14], $0x2800  }
0x62: {  	s0 =	sadd.s32 $0x1, s0;
	s31 =	rddreg [dreg:$0x8]  }
0x63: {  	p1 =	sne.s32 s0, s31  }
.Ltmp1:
0x64: {  	_ = 	snop;
	(pc) =	sbr.rel @!p1 .LBB2_9-.Ltmp1, $3  }
0x65: {  	_ =	sdelay $0x1  }
0x66: {  	[sflag:s14] =	ssyncset.done $0x0  }
0x67: {  	[sflag:s14] =	ssyncadd.s32 $0xFFFFD800  }
.LBB2_1:
0x68: {  	[dreg:$0xa] =	wrdreg s0  }
0x69: {  	s4 =	rddreg [dreg:$0x4]  }
0x6a: {  	[spmem:s9], [sflag:s13] =	dma.local [hbm:s4], $0x2800  }
.Ltmp2:
0x6b: {  	_ =	swait.ge [sflag:s14], $0x2800;
	(pc) =	sbr.rel @p0 .LBB2_5-.Ltmp2, $4  }
0x6c: {  	[sflag:s14] =	ssyncset.done $0x0  }
0x6d: {  	[sflag:s14] =	ssyncadd.s32 $0xFFFFD800  }
0x6e: {  	[bflag:$0x0] =	sbarrier.arrive $0xFFFF  }
0x6f: {  	s4 =	sadd.s32 $0x0, s12  }
0x70: {  	[tilespmem:s15], [sflag:$0x5] =	stream.linear.gather [hbm4b:s4+s19], $0x800, $0x38;
	[tilespmem:$0x1C800] =	vst v63  }
0x71: {  	_ =	swait.ge [sflag:s14], $0x800  }
0x72: {  	[sflag:s14] =	ssyncset.done $0x0  }
0x73: {  	[sflag:s14] =	ssyncadd.s32 $0xFFFFF800  }
0x74: {  	[tilespmem:s17], [sflag:$0x1] =	stream.indirect.gather [hbm4b:s5+s16], $0x80, s15, s16, $0xb8;
	[tilespmem:$0x1C800] =	vst v63  }
0x75: {  	_ =	swait.ge [sflag:s18], $0x4000  }
0x76: {  	[sflag:s18] =	ssyncset.done $0x0  }
0x77: {  	[sflag:s18] =	ssyncadd.s32 $0xFFFFC000  }
0x78: {  	[tilespmem:s20], [sflag:$0x2] =	stream.indirect.gather [hbm4b:s5+s16], $0x80, s21, s16, $0xb8;
	[tilespmem:$0x1C800] =	vst v63  }
0x79: {  	s0 =	simm.s32 $0x14400  }
0x7a: {  	[spmem:s3] =	stream.indirect.scatter.add.f32 [tilespmem:s17], [sflag:$0x3], $0x80, s0, s16, $0xb8;
	[tilespmem:$0x1C800] =	vst v63  }
0x7b: {  	_ =	swait.ge [sflag:s22], $0x4000  }
0x7c: {  	[sflag:s22] =	ssyncset.done $0x0  }
0x7d: {  	[sflag:s22] =	ssyncadd.s32 $0xFFFFC000  }
0x7e: {  	_ =	swait.ge [sflag:s23], $0x4000  }
0x7f: {  	[sflag:s23] =	ssyncset.done $0x0  }
0x80: {  	s13 =	simm.s32 $0x14100;
	[sflag:s23] =	ssyncadd.s32 $0xFFFFC000  }
0x81: {  	[tilespmem:s17], [sflag:$0x1] =	stream.indirect.gather [hbm4b:s5+s16], $0x80, s13, s16, $0xb8;
	[tilespmem:$0x1C800] =	vst v63  }
0x82: {  	s19 =	simm.s32 $0x14480  }
0x83: {  	[spmem:s3] =	stream.indirect.scatter.add.f32 [tilespmem:s20], [sflag:$0x4], $0x80, s19, s16, $0xb8;
	[tilespmem:$0x1C800] =	vst v63  }
0x84: {  	_ =	swait.ge [sflag:s18], $0x4000  }
0x85: {  	[sflag:s18] =	ssyncset.done $0x0  }
0x86: {  	[sflag:s18] =	ssyncadd.s32 $0xFFFFC000  }
0x87: {  	_ =	swait.ge [sflag:s26], $0x4000  }
0x88: {  	[sflag:s26] =	ssyncset.done $0x0  }
0x89: {  	s21 =	simm.s32 $0x14180;
	[sflag:s26] =	ssyncadd.s32 $0xFFFFC000  }
0x8a: {  	[tilespmem:s20], [sflag:$0x2] =	stream.indirect.gather [hbm4b:s5+s16], $0x80, s21, s16, $0xb8;
	[tilespmem:$0x1C800] =	vst v63  }
0x8b: {  	s24 =	simm.s32 $0x14500  }
0x8c: {  	[spmem:s3] =	stream.indirect.scatter.add.f32 [tilespmem:s17], [sflag:$0x3], $0x80, s24, s16, $0xb8;
	[tilespmem:$0x1C800] =	vst v63  }
0x8d: {  	_ =	swait.ge [sflag:s22], $0x4000  }
0x8e: {  	[sflag:s22] =	ssyncset.done $0x0  }
0x8f: {  	[sflag:s22] =	ssyncadd.s32 $0xFFFFC000  }
0x90: {  	_ =	swait.ge [sflag:s23], $0x4000  }
0x91: {  	[sflag:s23] =	ssyncset.done $0x0  }
0x92: {  	s1 =	simm.s32 $0x14200;
	[sflag:s23] =	ssyncadd.s32 $0xFFFFC000  }
0x93: {  	[tilespmem:s17], [sflag:$0x1] =	stream.indirect.gather [hbm4b:s5+s16], $0x80, s1, s16, $0xb8;
	[tilespmem:$0x1C800] =	vst v63  }
0x94: {  	s2 =	simm.s32 $0x14580  }
0x95: {  	[spmem:s3] =	stream.indirect.scatter.add.f32 [tilespmem:s20], [sflag:$0x4], $0x80, s2, s16, $0xb8;
	[tilespmem:$0x1C800] =	vst v63  }
0x96: {  	_ =	swait.ge [sflag:s18], $0x4000  }
0x97: {  	[sflag:s18] =	ssyncset.done $0x0  }
0x98: {  	[sflag:s18] =	ssyncadd.s32 $0xFFFFC000  }
0x99: {  	_ =	swait.ge [sflag:s26], $0x4000  }
0x9a: {  	[sflag:s26] =	ssyncset.done $0x0  }
0x9b: {  	s4 =	simm.s32 $0x14280;
	[sflag:s26] =	ssyncadd.s32 $0xFFFFC000  }
0x9c: {  	[tilespmem:s20], [sflag:$0x2] =	stream.indirect.gather [hbm4b:s5+s16], $0x80, s4, s16, $0xb8;
	[tilespmem:$0x1C800] =	vst v63  }
0x9d: {  	s8 =	simm.s32 $0x14600  }
0x9e: {  	[spmem:s3] =	stream.indirect.scatter.add.f32 [tilespmem:s17], [sflag:$0x3], $0x80, s8, s16, $0xb8;
	[tilespmem:$0x1C800] =	vst v63  }
0x9f: {  	_ =	swait.ge [sflag:s22], $0x4000  }
0xa0: {  	[sflag:s22] =	ssyncset.done $0x0  }
0xa1: {  	[sflag:s22] =	ssyncadd.s32 $0xFFFFC000  }
0xa2: {  	_ =	swait.ge [sflag:s23], $0x4000  }
0xa3: {  	[sflag:s23] =	ssyncset.done $0x0  }
0xa4: {  	s9 =	simm.s32 $0x14300;
	[sflag:s23] =	ssyncadd.s32 $0xFFFFC000  }
0xa5: {  	[tilespmem:s17], [sflag:$0x1] =	stream.indirect.gather [hbm4b:s5+s16], $0x80, s9, s16, $0xb8;
	[tilespmem:$0x1C800] =	vst v63  }
0xa6: {  	s11 =	simm.s32 $0x14680  }
0xa7: {  	[spmem:s3] =	stream.indirect.scatter.add.f32 [tilespmem:s20], [sflag:$0x4], $0x80, s11, s16, $0xb8;
	[tilespmem:$0x1C800] =	vst v63  }
0xa8: {  	_ =	swait.ge [sflag:s18], $0x4000  }
0xa9: {  	[sflag:s18] =	ssyncset.done $0x0  }
0xaa: {  	[sflag:s18] =	ssyncadd.s32 $0xFFFFC000  }
0xab: {  	_ =	swait.ge [sflag:s26], $0x4000  }
0xac: {  	[sflag:s26] =	ssyncset.done $0x0  }
0xad: {  	s13 =	simm.s32 $0x14380;
	[sflag:s26] =	ssyncadd.s32 $0xFFFFC000  }
0xae: {  	[tilespmem:s20], [sflag:$0x2] =	stream.indirect.gather [hbm4b:s5+s16], $0x80, s13, s16, $0xb8;
	[tilespmem:$0x1C800] =	vst v63  }
0xaf: {  	s19 =	simm.s32 $0x14700  }
0xb0: {  	[spmem:s3] =	stream.indirect.scatter.add.f32 [tilespmem:s17], [sflag:$0x3], $0x80, s19, s16, $0xb8;
	[tilespmem:$0x1C800] =	vst v63  }
0xb1: {  	s25 =	simm.s32 $0x14400;
	s28 =	simm.s32 $0x14100;
	_ =	swait.ge [sflag:s22], $0x4000  }
0xb2: {  	s29 =	simm.s32 $0x14480;
	s30 =	simm.s32 $0x14180;
	[sflag:s22] =	ssyncset.done $0x0  }
0xb3: {  	s31 =	simm.s32 $0x14500;
	s21 =	simm.s32 $0x14780;
	[sflag:s22] =	ssyncadd.s32 $0xFFFFC000  }
0xb4: {  	[spmem:s3] =	stream.indirect.scatter.add.f32 [tilespmem:s20], [sflag:$0x4], $0x80, s21, s16, $0xb8;
	[tilespmem:$0x1C800] =	vst v63  }
0xb5: {  	s7 =	simm.s32 $0x14280;
	s10 =	simm.s32 $0x14300;
	_ =	swait.ge [sflag:s23], $0x4000  }
0xb6: {  	s0 =	simm.s32 $0x14780;
	s24 =	simm.s32 $0x14700;
	[sflag:s23] =	ssyncset.done $0x0  }
0xb7: {  	s1 =	simm.s32 $0x14580;
	s2 =	simm.s32 $0x14600;
	[sflag:s23] =	ssyncadd.s32 $0xFFFFC000  }
0xb8: {  	s8 =	simm.s32 $0x14680;
	s9 =	simm.s32 $0x200;
	_ =	swait.ge [sflag:s26], $0x4000  }
0xb9: {  	s11 =	simm.s32 $0x14380;
	s13 =	simm.s32 $0x100;
	[sflag:s26] =	ssyncset.done $0x0  }
.LBB2_3:
0xba: {  	s21 =	simm.s32 $0x0;
	s19 =	sadd.s32 s13, s12  }
0xbb: {  	[sflag:s26] =	ssyncadd.s32 $0xFFFFC000;
	s13 =	smov.u32 s9;
	s4 =	sadd.s32 $0x100, s9  }
0xbc: {  	[tilespmem:s15], [sflag:$0x5] =	stream.linear.gather [hbm4b:s19+s21], $0x800, $0x38;
	[tilespmem:$0x1C800] =	vst v63  }
0xbd: {  	s21 =	simm.s32 $0x14080;
	s19 =	simm.s32 $0x0  }
0xbe: {  	p1 =	seq.s32 s9, $0x900;
	_ =	swait.ge [sflag:s14], $0x800  }
0xbf: {  	[sflag:s14] =	ssyncset.done $0x0  }
0xc0: {  	[sflag:s14] =	ssyncadd.s32 $0xFFFFF800  }
0xc1: {  	[tilespmem:s17], [sflag:$0x1] =	stream.indirect.gather [hbm4b:s5+s16], $0x80, s15, s16, $0xb8;
	[tilespmem:$0x1C800] =	vst v63  }
0xc2: {  	_ =	swait.ge [sflag:s18], $0x4000  }
0xc3: {  	[sflag:s18] =	ssyncset.done $0x0  }
0xc4: {  	[sflag:s18] =	ssyncadd.s32 $0xFFFFC000  }
0xc5: {  	[tilespmem:s20], [sflag:$0x2] =	stream.indirect.gather [hbm4b:s5+s16], $0x80, s21, s16, $0xb8;
	[tilespmem:$0x1C800] =	vst v63  }
0xc6: {  	_ = 	snop  }
0xc7: {  	[spmem:s3] =	stream.indirect.scatter.add.f32 [tilespmem:s17], [sflag:$0x3], $0x80, s25, s16, $0xb8;
	[tilespmem:$0x1C800] =	vst v63  }
0xc8: {  	_ =	swait.ge [sflag:s22], $0x4000  }
0xc9: {  	[sflag:s22] =	ssyncset.done $0x0  }
0xca: {  	[sflag:s22] =	ssyncadd.s32 $0xFFFFC000  }
0xcb: {  	_ =	swait.ge [sflag:s23], $0x4000  }
0xcc: {  	[sflag:s23] =	ssyncset.done $0x0  }
0xcd: {  	[sflag:s23] =	ssyncadd.s32 $0xFFFFC000  }
0xce: {  	[tilespmem:s17], [sflag:$0x1] =	stream.indirect.gather [hbm4b:s5+s16], $0x80, s28, s16, $0xb8;
	[tilespmem:$0x1C800] =	vst v63  }
0xcf: {  	_ = 	snop  }
0xd0: {  	[spmem:s3] =	stream.indirect.scatter.add.f32 [tilespmem:s20], [sflag:$0x4], $0x80, s29, s16, $0xb8;
	[tilespmem:$0x1C800] =	vst v63  }
0xd1: {  	_ =	swait.ge [sflag:s18], $0x4000  }
0xd2: {  	[sflag:s18] =	ssyncset.done $0x0  }
0xd3: {  	[sflag:s18] =	ssyncadd.s32 $0xFFFFC000  }
0xd4: {  	_ =	swait.ge [sflag:s26], $0x4000  }
0xd5: {  	[sflag:s26] =	ssyncset.done $0x0  }
0xd6: {  	[sflag:s26] =	ssyncadd.s32 $0xFFFFC000  }
0xd7: {  	[tilespmem:s20], [sflag:$0x2] =	stream.indirect.gather [hbm4b:s5+s16], $0x80, s30, s16, $0xb8;
	[tilespmem:$0x1C800] =	vst v63  }
0xd8: {  	_ = 	snop  }
0xd9: {  	[spmem:s3] =	stream.indirect.scatter.add.f32 [tilespmem:s17], [sflag:$0x3], $0x80, s31, s16, $0xb8;
	[tilespmem:$0x1C800] =	vst v63  }
0xda: {  	_ =	swait.ge [sflag:s22], $0x4000  }
0xdb: {  	[sflag:s22] =	ssyncset.done $0x0  }
0xdc: {  	[sflag:s22] =	ssyncadd.s32 $0xFFFFC000  }
0xdd: {  	_ =	swait.ge [sflag:s23], $0x4000  }
0xde: {  	[sflag:s23] =	ssyncset.done $0x0  }
0xdf: {  	s9 =	simm.s32 $0x14200;
	[sflag:s23] =	ssyncadd.s32 $0xFFFFC000  }
0xe0: {  	[tilespmem:s17], [sflag:$0x1] =	stream.indirect.gather [hbm4b:s5+s16], $0x80, s9, s16, $0xb8;
	[tilespmem:$0x1C800] =	vst v63  }
0xe1: {  	_ = 	snop  }
0xe2: {  	[spmem:s3] =	stream.indirect.scatter.add.f32 [tilespmem:s20], [sflag:$0x4], $0x80, s1, s16, $0xb8;
	[tilespmem:$0x1C800] =	vst v63  }
0xe3: {  	_ =	swait.ge [sflag:s18], $0x4000  }
0xe4: {  	[sflag:s18] =	ssyncset.done $0x0  }
0xe5: {  	[sflag:s18] =	ssyncadd.s32 $0xFFFFC000  }
0xe6: {  	_ =	swait.ge [sflag:s26], $0x4000  }
0xe7: {  	[sflag:s26] =	ssyncset.done $0x0  }
0xe8: {  	[sflag:s26] =	ssyncadd.s32 $0xFFFFC000  }
0xe9: {  	[tilespmem:s20], [sflag:$0x2] =	stream.indirect.gather [hbm4b:s5+s16], $0x80, s7, s16, $0xb8;
	[tilespmem:$0x1C800] =	vst v63  }
0xea: {  	_ = 	snop  }
0xeb: {  	[spmem:s3] =	stream.indirect.scatter.add.f32 [tilespmem:s17], [sflag:$0x3], $0x80, s2, s16, $0xb8;
	[tilespmem:$0x1C800] =	vst v63  }
0xec: {  	_ =	swait.ge [sflag:s22], $0x4000  }
0xed: {  	[sflag:s22] =	ssyncset.done $0x0  }
0xee: {  	[sflag:s22] =	ssyncadd.s32 $0xFFFFC000  }
0xef: {  	_ =	swait.ge [sflag:s23], $0x4000  }
0xf0: {  	[sflag:s23] =	ssyncset.done $0x0  }
0xf1: {  	[sflag:s23] =	ssyncadd.s32 $0xFFFFC000  }
0xf2: {  	[tilespmem:s17], [sflag:$0x1] =	stream.indirect.gather [hbm4b:s5+s16], $0x80, s10, s16, $0xb8;
	[tilespmem:$0x1C800] =	vst v63  }
0xf3: {  	_ = 	snop  }
0xf4: {  	[spmem:s3] =	stream.indirect.scatter.add.f32 [tilespmem:s20], [sflag:$0x4], $0x80, s8, s16, $0xb8;
	[tilespmem:$0x1C800] =	vst v63  }
0xf5: {  	_ =	swait.ge [sflag:s18], $0x4000  }
0xf6: {  	[sflag:s18] =	ssyncset.done $0x0  }
0xf7: {  	[sflag:s18] =	ssyncadd.s32 $0xFFFFC000  }
0xf8: {  	_ =	swait.ge [sflag:s26], $0x4000  }
0xf9: {  	[sflag:s26] =	ssyncset.done $0x0  }
0xfa: {  	[sflag:s26] =	ssyncadd.s32 $0xFFFFC000  }
0xfb: {  	[tilespmem:s20], [sflag:$0x2] =	stream.indirect.gather [hbm4b:s5+s16], $0x80, s11, s16, $0xb8;
	[tilespmem:$0x1C800] =	vst v63  }
0xfc: {  	_ = 	snop  }
0xfd: {  	[spmem:s3] =	stream.indirect.scatter.add.f32 [tilespmem:s17], [sflag:$0x3], $0x80, s24, s16, $0xb8;
	[tilespmem:$0x1C800] =	vst v63  }
0xfe: {  	_ =	swait.ge [sflag:s22], $0x4000  }
0xff: {  	[sflag:s22] =	ssyncset.done $0x0  }
0x100: {  	[sflag:s22] =	ssyncadd.s32 $0xFFFFC000  }
0x101: {  	[spmem:s3] =	stream.indirect.scatter.add.f32 [tilespmem:s20], [sflag:$0x4], $0x80, s0, s16, $0xb8;
	[tilespmem:$0x1C800] =	vst v63  }
.Ltmp3:
0x102: {  	_ =	swait.ge [sflag:s23], $0x4000;
	(pc) =	sbr.rel @!p1 .LBB2_3-.Ltmp3, $4  }
0x103: {  	[sflag:s23] =	ssyncset.done $0x0  }
0x104: {  	[sflag:s23] =	ssyncadd.s32 $0xFFFFC000  }
0x105: {  	_ =	swait.ge [sflag:s26], $0x4000  }
0x106: {  	s9 =	smov.u32 s4;
	[sflag:s26] =	ssyncset.done $0x0  }
0x107: {  	s4 =	sadd.s32 s13, s12;
	[sflag:s26] =	ssyncadd.s32 $0xFFFFC000  }
0x108: {  	[tilespmem:s15], [sflag:$0x5] =	stream.linear.gather [hbm4b:s4+s19], $0x800, $0x38;
	[tilespmem:$0x1C800] =	vst v63  }
0x109: {  	_ =	swait.ge [sflag:s14], $0x800  }
0x10a: {  	[sflag:s14] =	ssyncset.done $0x0  }
0x10b: {  	[sflag:s14] =	ssyncadd.s32 $0xFFFFF800  }
0x10c: {  	[tilespmem:s17], [sflag:$0x1] =	stream.indirect.gather [hbm4b:s5+s16], $0x80, s15, s16, $0xb8;
	[tilespmem:$0x1C800] =	vst v63  }
0x10d: {  	_ =	swait.ge [sflag:s18], $0x4000  }
0x10e: {  	[sflag:s18] =	ssyncset.done $0x0  }
0x10f: {  	[sflag:s18] =	ssyncadd.s32 $0xFFFFC000  }
0x110: {  	[tilespmem:s20], [sflag:$0x2] =	stream.indirect.gather [hbm4b:s5+s16], $0x80, s21, s16, $0xb8;
	[tilespmem:$0x1C800] =	vst v63  }
0x111: {  	_ = 	snop  }
0x112: {  	[spmem:s3] =	stream.indirect.scatter.add.f32 [tilespmem:s17], [sflag:$0x3], $0x80, s25, s16, $0xb8;
	[tilespmem:$0x1C800] =	vst v63  }
0x113: {  	_ =	swait.ge [sflag:s22], $0x4000  }
0x114: {  	[sflag:s22] =	ssyncset.done $0x0  }
0x115: {  	[sflag:s22] =	ssyncadd.s32 $0xFFFFC000  }
0x116: {  	_ =	swait.ge [sflag:s23], $0x4000  }
0x117: {  	[sflag:s23] =	ssyncset.done $0x0  }
0x118: {  	[sflag:s23] =	ssyncadd.s32 $0xFFFFC000  }
0x119: {  	[tilespmem:s17], [sflag:$0x1] =	stream.indirect.gather [hbm4b:s5+s16], $0x80, s28, s16, $0xb8;
	[tilespmem:$0x1C800] =	vst v63  }
0x11a: {  	_ = 	snop  }
0x11b: {  	[spmem:s3] =	stream.indirect.scatter.add.f32 [tilespmem:s20], [sflag:$0x4], $0x80, s29, s16, $0xb8;
	[tilespmem:$0x1C800] =	vst v63  }
0x11c: {  	_ =	swait.ge [sflag:s18], $0x4000  }
0x11d: {  	[sflag:s18] =	ssyncset.done $0x0  }
0x11e: {  	[sflag:s18] =	ssyncadd.s32 $0xFFFFC000  }
0x11f: {  	_ =	swait.ge [sflag:s26], $0x4000  }
0x120: {  	[sflag:s26] =	ssyncset.done $0x0  }
0x121: {  	[sflag:s26] =	ssyncadd.s32 $0xFFFFC000  }
0x122: {  	[tilespmem:s20], [sflag:$0x2] =	stream.indirect.gather [hbm4b:s5+s16], $0x80, s30, s16, $0xb8;
	[tilespmem:$0x1C800] =	vst v63  }
0x123: {  	_ = 	snop  }
0x124: {  	[spmem:s3] =	stream.indirect.scatter.add.f32 [tilespmem:s17], [sflag:$0x3], $0x80, s31, s16, $0xb8;
	[tilespmem:$0x1C800] =	vst v63  }
0x125: {  	_ =	swait.ge [sflag:s22], $0x4000  }
0x126: {  	[sflag:s22] =	ssyncset.done $0x0  }
0x127: {  	[sflag:s22] =	ssyncadd.s32 $0xFFFFC000  }
0x128: {  	_ =	swait.ge [sflag:s23], $0x4000  }
0x129: {  	[sflag:s23] =	ssyncset.done $0x0  }
0x12a: {  	s31 =	simm.s32 $0x14200;
	[sflag:s23] =	ssyncadd.s32 $0xFFFFC000  }
0x12b: {  	[tilespmem:s17], [sflag:$0x1] =	stream.indirect.gather [hbm4b:s5+s16], $0x80, s31, s16, $0xb8;
	[tilespmem:$0x1C800] =	vst v63  }
0x12c: {  	_ = 	snop  }
0x12d: {  	[spmem:s3] =	stream.indirect.scatter.add.f32 [tilespmem:s20], [sflag:$0x4], $0x80, s1, s16, $0xb8;
	[tilespmem:$0x1C800] =	vst v63  }
0x12e: {  	_ =	swait.ge [sflag:s18], $0x4000  }
0x12f: {  	[sflag:s18] =	ssyncset.done $0x0  }
0x130: {  	[sflag:s18] =	ssyncadd.s32 $0xFFFFC000  }
0x131: {  	_ =	swait.ge [sflag:s26], $0x4000  }
0x132: {  	[sflag:s26] =	ssyncset.done $0x0  }
0x133: {  	[sflag:s26] =	ssyncadd.s32 $0xFFFFC000  }
0x134: {  	[tilespmem:s20], [sflag:$0x2] =	stream.indirect.gather [hbm4b:s5+s16], $0x80, s7, s16, $0xb8;
	[tilespmem:$0x1C800] =	vst v63  }
0x135: {  	_ = 	snop  }
0x136: {  	[spmem:s3] =	stream.indirect.scatter.add.f32 [tilespmem:s17], [sflag:$0x3], $0x80, s2, s16, $0xb8;
	[tilespmem:$0x1C800] =	vst v63  }
0x137: {  	_ =	swait.ge [sflag:s22], $0x4000  }
0x138: {  	[sflag:s22] =	ssyncset.done $0x0  }
0x139: {  	[sflag:s22] =	ssyncadd.s32 $0xFFFFC000  }
0x13a: {  	_ =	swait.ge [sflag:s23], $0x4000  }
0x13b: {  	[sflag:s23] =	ssyncset.done $0x0  }
0x13c: {  	[sflag:s23] =	ssyncadd.s32 $0xFFFFC000  }
0x13d: {  	[tilespmem:s17], [sflag:$0x1] =	stream.indirect.gather [hbm4b:s5+s16], $0x80, s10, s16, $0xb8;
	[tilespmem:$0x1C800] =	vst v63  }
0x13e: {  	_ = 	snop  }
0x13f: {  	[spmem:s3] =	stream.indirect.scatter.add.f32 [tilespmem:s20], [sflag:$0x4], $0x80, s8, s16, $0xb8;
	[tilespmem:$0x1C800] =	vst v63  }
0x140: {  	_ =	swait.ge [sflag:s18], $0x4000  }
0x141: {  	[sflag:s18] =	ssyncset.done $0x0  }
0x142: {  	[sflag:s18] =	ssyncadd.s32 $0xFFFFC000  }
0x143: {  	_ =	swait.ge [sflag:s26], $0x4000  }
0x144: {  	[sflag:s26] =	ssyncset.done $0x0  }
0x145: {  	[sflag:s26] =	ssyncadd.s32 $0xFFFFC000  }
0x146: {  	[tilespmem:s20], [sflag:$0x2] =	stream.indirect.gather [hbm4b:s5+s16], $0x80, s11, s16, $0xb8;
	[tilespmem:$0x1C800] =	vst v63  }
0x147: {  	_ = 	snop  }
0x148: {  	[spmem:s3] =	stream.indirect.scatter.add.f32 [tilespmem:s17], [sflag:$0x3], $0x80, s24, s16, $0xb8;
	[tilespmem:$0x1C800] =	vst v63  }
0x149: {  	_ =	swait.ge [sflag:s22], $0x4000  }
0x14a: {  	[sflag:s22] =	ssyncset.done $0x0  }
0x14b: {  	[sflag:s22] =	ssyncadd.s32 $0xFFFFC000  }
0x14c: {  	[spmem:s3] =	stream.indirect.scatter.add.f32 [tilespmem:s20], [sflag:$0x4], $0x80, s0, s16, $0xb8;
	[tilespmem:$0x1C800] =	vst v63  }
0x14d: {  	_ =	swait.ge [sflag:s23], $0x4000  }
0x14e: {  	[sflag:s23] =	ssyncset.done $0x0  }
.Ltmp4:
0x14f: {  	[sflag:s23] =	ssyncadd.s32 $0xFFFFC000;
	(pc) =	sbr.rel .LBB2_8-.Ltmp4, $4  }
0x150: {  	_ =	swait.ge [sflag:s26], $0x4000  }
0x151: {  	[sflag:s26] =	ssyncset.done $0x0  }
0x152: {  	s0 =	rddreg [dreg:$0xa];
	[sflag:s26] =	ssyncadd.s32 $0xFFFFC000  }
0x153: {  	s4 =	rddreg [dreg:$0x1]  }
.LBB2_5:
0x154: {  	[tilespmem:s15], [sflag:$0x5] =	stream.linear.gather [hbm4b:s4+s19], $0x800, $0x38;
	[tilespmem:$0x1C800] =	vst v63  }
0x155: {  	_ =	swait.ge [sflag:s14], $0x800  }
0x156: {  	[sflag:s14] =	ssyncset.done $0x0  }
0x157: {  	[sflag:s14] =	ssyncadd.s32 $0xFFFFF800  }
0x158: {  	[tilespmem:s17], [sflag:$0x1] =	stream.indirect.gather [hbm4b:s6+s16], $0x80, s15, s16, $0xb8;
	[tilespmem:$0x1C800] =	vst v63  }
0x159: {  	_ =	swait.ge [sflag:s18], $0x4000  }
0x15a: {  	[sflag:s18] =	ssyncset.done $0x0  }
0x15b: {  	[sflag:s18] =	ssyncadd.s32 $0xFFFFC000  }
0x15c: {  	[tilespmem:s20], [sflag:$0x2] =	stream.indirect.gather [hbm4b:s6+s16], $0x80, s21, s16, $0xb8;
	[tilespmem:$0x1C800] =	vst v63  }
0x15d: {  	s0 =	simm.s32 $0x14400  }
0x15e: {  	[spmem:s3] =	stream.indirect.scatter.add.f32 [tilespmem:s17], [sflag:$0x3], $0x80, s0, s16, $0xb8;
	[tilespmem:$0x1C800] =	vst v63  }
0x15f: {  	_ =	swait.ge [sflag:s22], $0x4000  }
0x160: {  	[sflag:s22] =	ssyncset.done $0x0  }
0x161: {  	[sflag:s22] =	ssyncadd.s32 $0xFFFFC000  }
0x162: {  	_ =	swait.ge [sflag:s23], $0x4000  }
0x163: {  	[sflag:s23] =	ssyncset.done $0x0  }
0x164: {  	s13 =	simm.s32 $0x14100;
	[sflag:s23] =	ssyncadd.s32 $0xFFFFC000  }
0x165: {  	[tilespmem:s17], [sflag:$0x1] =	stream.indirect.gather [hbm4b:s6+s16], $0x80, s13, s16, $0xb8;
	[tilespmem:$0x1C800] =	vst v63  }
0x166: {  	s19 =	simm.s32 $0x14480  }
0x167: {  	[spmem:s3] =	stream.indirect.scatter.add.f32 [tilespmem:s20], [sflag:$0x4], $0x80, s19, s16, $0xb8;
	[tilespmem:$0x1C800] =	vst v63  }
0x168: {  	_ =	swait.ge [sflag:s18], $0x4000  }
0x169: {  	[sflag:s18] =	ssyncset.done $0x0  }
0x16a: {  	[sflag:s18] =	ssyncadd.s32 $0xFFFFC000  }
0x16b: {  	_ =	swait.ge [sflag:s26], $0x4000  }
0x16c: {  	[sflag:s26] =	ssyncset.done $0x0  }
0x16d: {  	s21 =	simm.s32 $0x14180;
	[sflag:s26] =	ssyncadd.s32 $0xFFFFC000  }
0x16e: {  	[tilespmem:s20], [sflag:$0x2] =	stream.indirect.gather [hbm4b:s6+s16], $0x80, s21, s16, $0xb8;
	[tilespmem:$0x1C800] =	vst v63  }
0x16f: {  	s24 =	simm.s32 $0x14500  }
0x170: {  	[spmem:s3] =	stream.indirect.scatter.add.f32 [tilespmem:s17], [sflag:$0x3], $0x80, s24, s16, $0xb8;
	[tilespmem:$0x1C800] =	vst v63  }
0x171: {  	_ =	swait.ge [sflag:s22], $0x4000  }
0x172: {  	[sflag:s22] =	ssyncset.done $0x0  }
0x173: {  	[sflag:s22] =	ssyncadd.s32 $0xFFFFC000  }
0x174: {  	_ =	swait.ge [sflag:s23], $0x4000  }
0x175: {  	[sflag:s23] =	ssyncset.done $0x0  }
0x176: {  	s1 =	simm.s32 $0x14200;
	[sflag:s23] =	ssyncadd.s32 $0xFFFFC000  }
0x177: {  	[tilespmem:s17], [sflag:$0x1] =	stream.indirect.gather [hbm4b:s6+s16], $0x80, s1, s16, $0xb8;
	[tilespmem:$0x1C800] =	vst v63  }
0x178: {  	s2 =	simm.s32 $0x14580  }
0x179: {  	[spmem:s3] =	stream.indirect.scatter.add.f32 [tilespmem:s20], [sflag:$0x4], $0x80, s2, s16, $0xb8;
	[tilespmem:$0x1C800] =	vst v63  }
0x17a: {  	_ =	swait.ge [sflag:s18], $0x4000  }
0x17b: {  	[sflag:s18] =	ssyncset.done $0x0  }
0x17c: {  	[sflag:s18] =	ssyncadd.s32 $0xFFFFC000  }
0x17d: {  	_ =	swait.ge [sflag:s26], $0x4000  }
0x17e: {  	[sflag:s26] =	ssyncset.done $0x0  }
0x17f: {  	s4 =	simm.s32 $0x14280;
	[sflag:s26] =	ssyncadd.s32 $0xFFFFC000  }
0x180: {  	[tilespmem:s20], [sflag:$0x2] =	stream.indirect.gather [hbm4b:s6+s16], $0x80, s4, s16, $0xb8;
	[tilespmem:$0x1C800] =	vst v63  }
0x181: {  	s8 =	simm.s32 $0x14600  }
0x182: {  	[spmem:s3] =	stream.indirect.scatter.add.f32 [tilespmem:s17], [sflag:$0x3], $0x80, s8, s16, $0xb8;
	[tilespmem:$0x1C800] =	vst v63  }
0x183: {  	_ =	swait.ge [sflag:s22], $0x4000  }
0x184: {  	[sflag:s22] =	ssyncset.done $0x0  }
0x185: {  	[sflag:s22] =	ssyncadd.s32 $0xFFFFC000  }
0x186: {  	_ =	swait.ge [sflag:s23], $0x4000  }
0x187: {  	[sflag:s23] =	ssyncset.done $0x0  }
0x188: {  	s9 =	simm.s32 $0x14300;
	[sflag:s23] =	ssyncadd.s32 $0xFFFFC000  }
0x189: {  	[tilespmem:s17], [sflag:$0x1] =	stream.indirect.gather [hbm4b:s6+s16], $0x80, s9, s16, $0xb8;
	[tilespmem:$0x1C800] =	vst v63  }
0x18a: {  	s11 =	simm.s32 $0x14680  }
0x18b: {  	[spmem:s3] =	stream.indirect.scatter.add.f32 [tilespmem:s20], [sflag:$0x4], $0x80, s11, s16, $0xb8;
	[tilespmem:$0x1C800] =	vst v63  }
0x18c: {  	_ =	swait.ge [sflag:s18], $0x4000  }
0x18d: {  	[sflag:s18] =	ssyncset.done $0x0  }
0x18e: {  	[sflag:s18] =	ssyncadd.s32 $0xFFFFC000  }
0x18f: {  	_ =	swait.ge [sflag:s26], $0x4000  }
0x190: {  	[sflag:s26] =	ssyncset.done $0x0  }
0x191: {  	s13 =	simm.s32 $0x14380;
	[sflag:s26] =	ssyncadd.s32 $0xFFFFC000  }
0x192: {  	[tilespmem:s20], [sflag:$0x2] =	stream.indirect.gather [hbm4b:s6+s16], $0x80, s13, s16, $0xb8;
	[tilespmem:$0x1C800] =	vst v63  }
0x193: {  	s19 =	simm.s32 $0x14700  }
0x194: {  	[spmem:s3] =	stream.indirect.scatter.add.f32 [tilespmem:s17], [sflag:$0x3], $0x80, s19, s16, $0xb8;
	[tilespmem:$0x1C800] =	vst v63  }
0x195: {  	s25 =	simm.s32 $0x14400;
	s28 =	simm.s32 $0x14100;
	_ =	swait.ge [sflag:s22], $0x4000  }
0x196: {  	s29 =	simm.s32 $0x14480;
	s30 =	simm.s32 $0x14180;
	[sflag:s22] =	ssyncset.done $0x0  }
0x197: {  	s31 =	simm.s32 $0x14500;
	s21 =	simm.s32 $0x14780;
	[sflag:s22] =	ssyncadd.s32 $0xFFFFC000  }
0x198: {  	[spmem:s3] =	stream.indirect.scatter.add.f32 [tilespmem:s20], [sflag:$0x4], $0x80, s21, s16, $0xb8;
	[tilespmem:$0x1C800] =	vst v63  }
0x199: {  	s7 =	simm.s32 $0x14280;
	s10 =	simm.s32 $0x14300;
	_ =	swait.ge [sflag:s23], $0x4000  }
0x19a: {  	s0 =	simm.s32 $0x14780;
	s24 =	simm.s32 $0x14700;
	[sflag:s23] =	ssyncset.done $0x0  }
0x19b: {  	s1 =	simm.s32 $0x14580;
	s2 =	simm.s32 $0x14600;
	[sflag:s23] =	ssyncadd.s32 $0xFFFFC000  }
0x19c: {  	s4 =	simm.s32 $0x200;
	s8 =	simm.s32 $0x14680;
	_ =	swait.ge [sflag:s26], $0x4000  }
0x19d: {  	s11 =	simm.s32 $0x14380;
	s13 =	simm.s32 $0x100;
	[sflag:s26] =	ssyncset.done $0x0  }
.LBB2_6:
0x19e: {  	s21 =	simm.s32 $0x0;
	s19 =	sadd.s32 s13, s12  }
0x19f: {  	[sflag:s26] =	ssyncadd.s32 $0xFFFFC000;
	s13 =	smov.u32 s4;
	s9 =	sadd.s32 $0x100, s4  }
0x1a0: {  	[tilespmem:s15], [sflag:$0x5] =	stream.linear.gather [hbm4b:s19+s21], $0x800, $0x38;
	[tilespmem:$0x1C800] =	vst v63  }
0x1a1: {  	s21 =	simm.s32 $0x14080;
	s19 =	simm.s32 $0x0  }
0x1a2: {  	p1 =	sne.s32 s4, $0x900;
	_ =	swait.ge [sflag:s14], $0x800  }
0x1a3: {  	[sflag:s14] =	ssyncset.done $0x0  }
0x1a4: {  	[sflag:s14] =	ssyncadd.s32 $0xFFFFF800  }
0x1a5: {  	[tilespmem:s17], [sflag:$0x1] =	stream.indirect.gather [hbm4b:s6+s16], $0x80, s15, s16, $0xb8;
	[tilespmem:$0x1C800] =	vst v63  }
0x1a6: {  	_ =	swait.ge [sflag:s18], $0x4000  }
0x1a7: {  	[sflag:s18] =	ssyncset.done $0x0  }
0x1a8: {  	[sflag:s18] =	ssyncadd.s32 $0xFFFFC000  }
0x1a9: {  	[tilespmem:s20], [sflag:$0x2] =	stream.indirect.gather [hbm4b:s6+s16], $0x80, s21, s16, $0xb8;
	[tilespmem:$0x1C800] =	vst v63  }
0x1aa: {  	_ = 	snop  }
0x1ab: {  	[spmem:s3] =	stream.indirect.scatter.add.f32 [tilespmem:s17], [sflag:$0x3], $0x80, s25, s16, $0xb8;
	[tilespmem:$0x1C800] =	vst v63  }
0x1ac: {  	_ =	swait.ge [sflag:s22], $0x4000  }
0x1ad: {  	[sflag:s22] =	ssyncset.done $0x0  }
0x1ae: {  	[sflag:s22] =	ssyncadd.s32 $0xFFFFC000  }
0x1af: {  	_ =	swait.ge [sflag:s23], $0x4000  }
0x1b0: {  	[sflag:s23] =	ssyncset.done $0x0  }
0x1b1: {  	[sflag:s23] =	ssyncadd.s32 $0xFFFFC000  }
0x1b2: {  	[tilespmem:s17], [sflag:$0x1] =	stream.indirect.gather [hbm4b:s6+s16], $0x80, s28, s16, $0xb8;
	[tilespmem:$0x1C800] =	vst v63  }
0x1b3: {  	_ = 	snop  }
0x1b4: {  	[spmem:s3] =	stream.indirect.scatter.add.f32 [tilespmem:s20], [sflag:$0x4], $0x80, s29, s16, $0xb8;
	[tilespmem:$0x1C800] =	vst v63  }
0x1b5: {  	_ =	swait.ge [sflag:s18], $0x4000  }
0x1b6: {  	[sflag:s18] =	ssyncset.done $0x0  }
0x1b7: {  	[sflag:s18] =	ssyncadd.s32 $0xFFFFC000  }
0x1b8: {  	_ =	swait.ge [sflag:s26], $0x4000  }
0x1b9: {  	[sflag:s26] =	ssyncset.done $0x0  }
0x1ba: {  	[sflag:s26] =	ssyncadd.s32 $0xFFFFC000  }
0x1bb: {  	[tilespmem:s20], [sflag:$0x2] =	stream.indirect.gather [hbm4b:s6+s16], $0x80, s30, s16, $0xb8;
	[tilespmem:$0x1C800] =	vst v63  }
0x1bc: {  	_ = 	snop  }
0x1bd: {  	[spmem:s3] =	stream.indirect.scatter.add.f32 [tilespmem:s17], [sflag:$0x3], $0x80, s31, s16, $0xb8;
	[tilespmem:$0x1C800] =	vst v63  }
0x1be: {  	_ =	swait.ge [sflag:s22], $0x4000  }
0x1bf: {  	[sflag:s22] =	ssyncset.done $0x0  }
0x1c0: {  	[sflag:s22] =	ssyncadd.s32 $0xFFFFC000  }
0x1c1: {  	_ =	swait.ge [sflag:s23], $0x4000  }
0x1c2: {  	[sflag:s23] =	ssyncset.done $0x0  }
0x1c3: {  	s4 =	simm.s32 $0x14200;
	[sflag:s23] =	ssyncadd.s32 $0xFFFFC000  }
0x1c4: {  	[tilespmem:s17], [sflag:$0x1] =	stream.indirect.gather [hbm4b:s6+s16], $0x80, s4, s16, $0xb8;
	[tilespmem:$0x1C800] =	vst v63  }
0x1c5: {  	_ = 	snop  }
0x1c6: {  	[spmem:s3] =	stream.indirect.scatter.add.f32 [tilespmem:s20], [sflag:$0x4], $0x80, s1, s16, $0xb8;
	[tilespmem:$0x1C800] =	vst v63  }
0x1c7: {  	_ =	swait.ge [sflag:s18], $0x4000  }
0x1c8: {  	[sflag:s18] =	ssyncset.done $0x0  }
0x1c9: {  	[sflag:s18] =	ssyncadd.s32 $0xFFFFC000  }
0x1ca: {  	_ =	swait.ge [sflag:s26], $0x4000  }
0x1cb: {  	[sflag:s26] =	ssyncset.done $0x0  }
0x1cc: {  	[sflag:s26] =	ssyncadd.s32 $0xFFFFC000  }
0x1cd: {  	[tilespmem:s20], [sflag:$0x2] =	stream.indirect.gather [hbm4b:s6+s16], $0x80, s7, s16, $0xb8;
	[tilespmem:$0x1C800] =	vst v63  }
0x1ce: {  	_ = 	snop  }
0x1cf: {  	[spmem:s3] =	stream.indirect.scatter.add.f32 [tilespmem:s17], [sflag:$0x3], $0x80, s2, s16, $0xb8;
	[tilespmem:$0x1C800] =	vst v63  }
0x1d0: {  	_ =	swait.ge [sflag:s22], $0x4000  }
0x1d1: {  	[sflag:s22] =	ssyncset.done $0x0  }
0x1d2: {  	[sflag:s22] =	ssyncadd.s32 $0xFFFFC000  }
0x1d3: {  	_ =	swait.ge [sflag:s23], $0x4000  }
0x1d4: {  	[sflag:s23] =	ssyncset.done $0x0  }
0x1d5: {  	[sflag:s23] =	ssyncadd.s32 $0xFFFFC000  }
0x1d6: {  	[tilespmem:s17], [sflag:$0x1] =	stream.indirect.gather [hbm4b:s6+s16], $0x80, s10, s16, $0xb8;
	[tilespmem:$0x1C800] =	vst v63  }
0x1d7: {  	_ = 	snop  }
0x1d8: {  	[spmem:s3] =	stream.indirect.scatter.add.f32 [tilespmem:s20], [sflag:$0x4], $0x80, s8, s16, $0xb8;
	[tilespmem:$0x1C800] =	vst v63  }
0x1d9: {  	_ =	swait.ge [sflag:s18], $0x4000  }
0x1da: {  	[sflag:s18] =	ssyncset.done $0x0  }
0x1db: {  	[sflag:s18] =	ssyncadd.s32 $0xFFFFC000  }
0x1dc: {  	_ =	swait.ge [sflag:s26], $0x4000  }
0x1dd: {  	[sflag:s26] =	ssyncset.done $0x0  }
0x1de: {  	[sflag:s26] =	ssyncadd.s32 $0xFFFFC000  }
0x1df: {  	[tilespmem:s20], [sflag:$0x2] =	stream.indirect.gather [hbm4b:s6+s16], $0x80, s11, s16, $0xb8;
	[tilespmem:$0x1C800] =	vst v63  }
0x1e0: {  	_ = 	snop  }
0x1e1: {  	[spmem:s3] =	stream.indirect.scatter.add.f32 [tilespmem:s17], [sflag:$0x3], $0x80, s24, s16, $0xb8;
	[tilespmem:$0x1C800] =	vst v63  }
0x1e2: {  	_ =	swait.ge [sflag:s22], $0x4000  }
0x1e3: {  	[sflag:s22] =	ssyncset.done $0x0  }
0x1e4: {  	[sflag:s22] =	ssyncadd.s32 $0xFFFFC000  }
0x1e5: {  	[spmem:s3] =	stream.indirect.scatter.add.f32 [tilespmem:s20], [sflag:$0x4], $0x80, s0, s16, $0xb8;
	[tilespmem:$0x1C800] =	vst v63  }
.Ltmp5:
0x1e6: {  	_ =	swait.ge [sflag:s23], $0x4000;
	(pc) =	sbr.rel @p1 .LBB2_6-.Ltmp5, $4  }
0x1e7: {  	[sflag:s23] =	ssyncset.done $0x0  }
0x1e8: {  	[sflag:s23] =	ssyncadd.s32 $0xFFFFC000  }
0x1e9: {  	_ =	swait.ge [sflag:s26], $0x4000  }
0x1ea: {  	s4 =	smov.u32 s9;
	[sflag:s26] =	ssyncset.done $0x0  }
.Ltmp6:
0x1eb: {  	_ = 	snop;
	(pc) =	sbr.rel .LBB2_7-.Ltmp6, $1  }
0x1ec: {  	_ =	sdelay $0x3  }
.LBB2_9:
0x1ed: {  	_ =	sfence.sel $0x180000  }
0x1ee: {  	[bflag:$0x0] =	sbarrier.arrive $0xFFFF  }
0x1ef: {  	_ =	strace $0x9000004D  }
0x1f0: {  	s0 =	stileid.u32;
	[bflag:$0x2] =	sbarrier.arrive $0xFFFF  }
0x1f1: {  	p0 =	sne.s32 s0, $0x0;
	s0 =	rddreg [dreg:$0x3]  }
0x1f2: {  	s0 =	sadd.s32 @!p0 $0x100000, s0  }
0x1f3: {  	[sflag:s0] =	ssyncadd.tile.s32 @!p0 $0x1;
	_ =	shalt  }
.Lfunc_end2:
_tile_overlayer_lowered:
.L_overlay_start_2:
0x1f4: {  	(tag) =	ssettag $0x2  }
0x1f5: {  	s0 =	rddreg [dreg:$0x0];
	s2 =	stileid.u32  }
0x1f6: {  	s1 =	rddreg [dreg:$0x1];
	p0 =	sne.s32 s2, $0x0  }
0x1f7: {  	s3 =	rddreg [dreg:$0x2];
	[bflag:$0x3] =	sbarrier.arrive $0xFFFF;
	s2 =	simm.s32 @!p0 $0x1C05  }
0x1f8: {  	[timem:s3], [sflag:s2] =	dma.local @!p0 [hbm:s0], s1  }
0x1f9: {  	s0 =	simm.s32 @!p0 $0x5  }
0x1fa: {  	_ =	swait.ge @!p0 [sflag:s0], s1  }
0x1fb: {  	s1 =	ssub.s32 @!p0 $0x0, s1;
	[sflag:s0] =	ssyncset.done @!p0 $0x0  }
0x1fc: {  	[sflag:s0] =	ssyncadd.s32 @!p0 s1  }
0x1fd: {  	[bflag:$0x3] =	sbarrier.arrive $0xFFFF  }
0x1fe: {  	_ =	shalt  }

</sc_bundles>
